<compile_context>
chip_gen: v7x
topology: tpu7x:2x2x1
jax: 0.10.2.dev20260603
libtpu: 0.0.44.dev20260713+nightly
codegen_flags: <defaults>
</compile_context>

<pallas_src>
import functools

import jax
import jax.numpy as jnp
from jax import lax
from jax.experimental import pallas as pl
from jax.experimental.pallas import tpu as pltpu
from jax.experimental.pallas import tpu_sc as plsc

N = 50000
D = 64
R = 3
E = 65536

NC = 2
NS = 16
NW = NC * NS
EPW = E // NW
B = 128
NCH = EPW // B

S_AB = 2 * R
C_AB = S_AB * NCH
S_G = R
C_G = S_G * NCH

BLK = 2000


def _combo_body(nemb_ref, rmat_ref, out_ref):
    out_ref[:, 0:D] = jnp.dot(nemb_ref[...], rmat_ref[0],
                              preferred_element_type=jnp.float32)
    out_ref[:, D:2 * D] = nemb_ref[...]


def _compute_combo(node_emb, rel_mat):
    return pl.pallas_call(
        _combo_body,
        grid=(R, N // BLK),
        in_specs=[
            pl.BlockSpec((BLK, D), lambda r, n: (n, 0)),
            pl.BlockSpec((1, D, D), lambda r, n: (r, 0, 0)),
        ],
        out_specs=pl.BlockSpec((BLK, 2 * D), lambda r, n: (r * (N // BLK) + n, 0)),
        out_shape=jax.ShapeDtypeStruct((R * N, 2 * D), jnp.float32),
    )(node_emb, rel_mat)


def _shuffle(a, idx):
    dnums = lax.GatherDimensionNumbers(
        offset_dims=(), collapsed_slice_dims=(0,), start_index_map=(0,))
    return lax.gather(a, idx[:, None], dnums, (1,),
                      mode=lax.GatherScatterMode.PROMISE_IN_BOUNDS)


def _sc_body(c_hbm, gen_hbm, src_ab, dst_ab, sn2, out_ab, out2,
             si_cat, di_cat, a_bufs, b_bufs, g_bufs, sc_buf, sem0, sem1):
    wid = lax.axis_index("s") * NC + lax.axis_index("c")
    lanes = lax.iota(jnp.int32, 16)
    zero16 = jnp.zeros((16,), jnp.float32)
    sems = (sem0, sem1)

    for s in range(S_AB):
        base = (s % R) * E + (s // R) * (R * E) + wid * EPW
        pltpu.sync_copy(src_ab.at[pl.ds(base, EPW)],
                        si_cat.at[pl.ds(s * EPW, EPW)])
        pltpu.sync_copy(dst_ab.at[pl.ds(base, EPW)],
                        di_cat.at[pl.ds(s * EPW, EPW)])

    def adj_ab(i, carry):
        roff = lax.rem(i // (EPW // 16), R) * N
        si_cat[pl.ds(i * 16, 16)] = si_cat[pl.ds(i * 16, 16)] + roff
        di_cat[pl.ds(i * 16, 16)] = di_cat[pl.ds(i * 16, 16)] + roff
        return carry

    lax.fori_loop(0, S_AB * EPW // 16, adj_ab, 0)

    def fire_ab(t, p):
        pltpu.async_copy(c_hbm.at[si_cat.at[pl.ds(t * B, B)]],
                         a_bufs.at[p], sems[p])
        pltpu.async_copy(c_hbm.at[di_cat.at[pl.ds(t * B, B)]],
                         b_bufs.at[p], sems[p])

    def drain_ab(p):
        pltpu.make_async_copy(c_hbm.at[si_cat.at[pl.ds(0, B)]],
                              a_bufs.at[p], sems[p]).wait()
        pltpu.make_async_copy(c_hbm.at[di_cat.at[pl.ds(0, B)]],
                              b_bufs.at[p], sems[p]).wait()

    fire_ab(0, 0)
    fire_ab(1, 1)

    def chunk_ab(t, carry):
        par = lax.rem(t, 2)

        @pl.when(par == 0)
        def _():
            drain_ab(0)

        @pl.when(par == 1)
        def _():
            drain_ab(1)

        coff = lax.rem(t, NCH) * B

        def grp(g, carry2):
            svec = zero16
            for j in range(16):
                e = g * 16 + j
                acc = (a_bufs[par, e, pl.ds(0, 16)]
                       * b_bufs[par, e, pl.ds(D, 16)])
                for k in range(1, 4):
                    acc = acc + (a_bufs[par, e, pl.ds(k * 16, 16)]
                                 * b_bufs[par, e, pl.ds(D + k * 16, 16)])
                for dist in (1, 2, 4, 8):
                    acc = acc + _shuffle(acc, lanes ^ dist)
                svec = svec + jnp.where(lanes == j, acc, zero16)
            sc_buf[pl.ds(coff + g * 16, 16)] = svec
            return carry2

        lax.fori_loop(0, B // 16, grp, 0)

        @pl.when(t + 2 < C_AB)
        def _():
            @pl.when(par == 0)
            def _():
                fire_ab(t + 2, 0)

            @pl.when(par == 1)
            def _():
                fire_ab(t + 2, 1)

        @pl.when(lax.rem(t, NCH) == NCH - 1)
        def _():
            s = t // NCH
            obase = (s % R) * E + (s // R) * (R * E) + wid * EPW
            pltpu.sync_copy(sc_buf, out_ab.at[pl.ds(obase, EPW)])

        return carry

    lax.fori_loop(0, C_AB, chunk_ab, 0)

    for s in range(S_G):
        base = s * E + wid * EPW
        pltpu.sync_copy(sn2.at[pl.ds(base, EPW)],
                        si_cat.at[pl.ds(s * EPW, EPW)])

    def adj_g(i, carry):
        roff = (i // (EPW // 16)) * N
        si_cat[pl.ds(i * 16, 16)] = si_cat[pl.ds(i * 16, 16)] + roff
        return carry

    lax.fori_loop(0, S_G * EPW // 16, adj_g, 0)

    def fire_g(t, p):
        pltpu.async_copy(c_hbm.at[si_cat.at[pl.ds(t * B, B)]],
                         a_bufs.at[p], sems[p])
        goff = pl.multiple_of((t // NCH) * E + wid * EPW + lax.rem(t, NCH) * B,
                              8)
        pltpu.async_copy(gen_hbm.at[pl.ds(goff, B), :], g_bufs.at[p], sems[p])

    def drain_g(p):
        pltpu.make_async_copy(c_hbm.at[si_cat.at[pl.ds(0, B)]],
                              a_bufs.at[p], sems[p]).wait()
        pltpu.make_async_copy(gen_hbm.at[pl.ds(0, B), :],
                              g_bufs.at[p], sems[p]).wait()

    fire_g(0, 0)
    fire_g(1, 1)

    def chunk_g(t, carry):
        par = lax.rem(t, 2)

        @pl.when(par == 0)
        def _():
            drain_g(0)

        @pl.when(par == 1)
        def _():
            drain_g(1)

        coff = lax.rem(t, NCH) * B

        def grp(g, carry2):
            svec = zero16
            for j in range(16):
                e = g * 16 + j
                acc = (a_bufs[par, e, pl.ds(0, 16)]
                       * g_bufs[par, e, pl.ds(0, 16)])
                for k in range(1, 4):
                    acc = acc + (a_bufs[par, e, pl.ds(k * 16, 16)]
                                 * g_bufs[par, e, pl.ds(k * 16, 16)])
                for dist in (1, 2, 4, 8):
                    acc = acc + _shuffle(acc, lanes ^ dist)
                svec = svec + jnp.where(lanes == j, acc, zero16)
            sc_buf[pl.ds(coff + g * 16, 16)] = svec
            return carry2

        lax.fori_loop(0, B // 16, grp, 0)

        @pl.when(t + 2 < C_G)
        def _():
            @pl.when(par == 0)
            def _():
                fire_g(t + 2, 0)

            @pl.when(par == 1)
            def _():
                fire_g(t + 2, 1)

        @pl.when(lax.rem(t, NCH) == NCH - 1)
        def _():
            obase = (t // NCH) * E + wid * EPW
            pltpu.sync_copy(sc_buf, out2.at[pl.ds(obase, EPW)])

        return carry

    lax.fori_loop(0, C_G, chunk_g, 0)


_sc_kernel = functools.partial(
    pl.kernel,
    out_type=(
        jax.ShapeDtypeStruct((2 * R * E,), jnp.float32),
        jax.ShapeDtypeStruct((R * E,), jnp.float32),
    ),
    mesh=plsc.VectorSubcoreMesh(core_axis_name="c", subcore_axis_name="s"),
    scratch_types=[
        pltpu.VMEM((S_AB * EPW,), jnp.int32),
        pltpu.VMEM((S_AB * EPW,), jnp.int32),
        pltpu.VMEM((2, B, 2 * D), jnp.float32),
        pltpu.VMEM((2, B, 2 * D), jnp.float32),
        pltpu.VMEM((2, B, D), jnp.float32),
        pltpu.VMEM((EPW,), jnp.float32),
        pltpu.SemaphoreType.DMA,
        pltpu.SemaphoreType.DMA,
    ],
)(_sc_body)


def kernel(gen_emb, node_emb, rel_mat, src_pos, dst_pos,
           src_neg1, dst_neg1, src_neg2, dst_neg2):
    combo = _compute_combo(node_emb, rel_mat)
    src_ab = jnp.concatenate([src_pos.reshape(-1), src_neg1.reshape(-1)])
    dst_ab = jnp.concatenate([dst_pos.reshape(-1), dst_neg1.reshape(-1)])
    out_ab, out2 = _sc_kernel(
        combo, gen_emb.reshape(R * E, D),
        src_ab, dst_ab, src_neg2.reshape(-1),
    )
    return (out_ab[:R * E], out_ab[R * E:], out2)

# --- scband reference (transcript-rebuilt; emitter-appended) ---
"""Pipeline reference for scband-discriminator-4629974745850 (READ-ONLY COPY).

The authoritative reference and input builder live on the scoring server;
editing this copy changes nothing except your own understanding.
"""

import jax, jax.numpy as jnp
import numpy as np

N_NODES = 50000
D = 64
R = 3
E = 65536


def setup_inputs(seed: int = 0) -> dict:
    key = jax.random.key(seed)
    ks = jax.random.split(key, 9)
    inp = {}
    inp["gen_emb"] = jax.random.normal(ks[6], (R, E, D), dtype=jnp.float32)
    # learned parameters (Discriminator): node embedding table and per-relation matrices
    inp["node_emb"] = jax.random.normal(ks[7], (N_NODES, D), dtype=jnp.float32) * 0.1
    xav_std = (2.0 / (D + D)) ** 0.5  # xavier_normal_ for square DxD matrix
    inp["rel_mat"] = jax.random.normal(ks[8], (R, D, D), dtype=jnp.float32) * xav_std
    inp["src_pos"] = jax.random.randint(ks[0], (R, E), 0, N_NODES, dtype=jnp.int32)
    inp["dst_pos"] = jax.random.randint(ks[1], (R, E), 0, N_NODES, dtype=jnp.int32)
    inp["src_neg1"] = jax.random.randint(ks[2], (R, E), 0, N_NODES, dtype=jnp.int32)
    inp["dst_neg1"] = jax.random.randint(ks[3], (R, E), 0, N_NODES, dtype=jnp.int32)
    inp["src_neg2"] = jax.random.randint(ks[4], (R, E), 0, N_NODES, dtype=jnp.int32)
    inp["dst_neg2"] = jax.random.randint(ks[5], (R, E), 0, N_NODES, dtype=jnp.int32)
    return inp


def reference(gen_emb, node_emb, rel_mat, src_pos, dst_pos, src_neg1, dst_neg1, src_neg2, dst_neg2):
    # Faithful translation of Discriminator.forward:
    #  for each relation et: s = src_h.unsqueeze(1) @ M_et -> (E, D)
    #  score_edge = s * dst_h (pos/neg1) or s * generated_neighbor_emb (neg2)
    #  score = sum(score_edge, dim=1); concat over relations
    def score_pred(src, tgt_emb):
        h_src = jnp.take(node_emb, src, axis=0)          # (R, E, D) gather
        s = jnp.einsum("red,rdf->ref", h_src, rel_mat)   # per-edge matmul with relation matrix
        return jnp.sum(s * tgt_emb, axis=-1).reshape(-1)  # (R*E,) concat over etypes

    pos_score = score_pred(src_pos, jnp.take(node_emb, dst_pos, axis=0))
    neg_score1 = score_pred(src_neg1, jnp.take(node_emb, dst_neg1, axis=0))
    neg_score2 = score_pred(src_neg2, gen_emb)  # edata['f'] = generate_neighbor_emb path
    return (pos_score, neg_score1, neg_score2)

if __name__ == "__main__":
    import jax
    _d = setup_inputs()
    print(jax.jit(kernel)(*tuple(_d.values())))

</pallas_src>

<mosaic_0001>
#map = affine_map<(d0, d1) -> (0, 0)>
#map1 = affine_map<(d0, d1) -> (0)>
module attributes {stable_mosaic.version = 14 : i64} {
  func.func @_sc_body(%arg0: i32, %arg1: i32, %arg2: memref<150000x128xf32, #tpu.memory_space<hbm>>, %arg3: memref<196608x64xf32, #tpu.memory_space<hbm>>, %arg4: memref<393216xi32, #tpu.memory_space<hbm>>, %arg5: memref<393216xi32, #tpu.memory_space<hbm>>, %arg6: memref<196608xi32, #tpu.memory_space<hbm>>, %arg7: memref<393216xf32, #tpu.memory_space<hbm>>, %arg8: memref<196608xf32, #tpu.memory_space<hbm>>, %arg9: memref<12288xi32, #tpu.memory_space<vmem>>, %arg10: memref<12288xi32, #tpu.memory_space<vmem>>, %arg11: memref<2x128x128xf32, #tpu.memory_space<vmem>>, %arg12: memref<2x128x128xf32, #tpu.memory_space<vmem>>, %arg13: memref<2x128x64xf32, #tpu.memory_space<vmem>>, %arg14: memref<2048xf32, #tpu.memory_space<vmem>>, %arg15: memref<!tpu.dma_semaphore, #tpu.memory_space<semaphore_mem>>, %arg16: memref<!tpu.dma_semaphore, #tpu.memory_space<semaphore_mem>>) attributes {dimension_semantics = [#tpu.dimension_semantics<core_parallel>, #tpu.dimension_semantics<subcore_parallel>], iteration_bounds = array<i64: 2, 16>, scalar_prefetch = 0 : i64, scratch_operands = 8 : i64, tpu.core_type = #tpu.core_type<sc_vector_subcore>, window_params = [{transform_indices = #map}, {transform_indices = #map}, {transform_indices = #map1}, {transform_indices = #map1}, {transform_indices = #map1}, {transform_indices = #map1}, {transform_indices = #map1}]} {
    %mul3A = arith.constant 2 : i32
    %mul3A_0 = arith.muli %arg1, %mul3A : i32
    %add3A = arith.addi %mul3A_0, %arg0 : i32
    %iota3A = tpu.iota {dimensions = array<i32: 0>} : vector<16xi32>
    %broadcast_in_dim3A = arith.constant 0.000000e+00 : f32
    %broadcast_in_dim3A_1 = vector.broadcast %broadcast_in_dim3A : f32 to vector<16xf32>
    %mul3A_2 = arith.constant 2048 : i32
    %mul3A_3 = arith.muli %add3A, %mul3A_2 : i32
    %add3A_4 = arith.constant 0 : i32
    %add3A_5 = arith.addi %add3A_4, %mul3A_3 : i32
    "tpu.region"() ({
      %run_scoped3A = tpu.sem_alloc : memref<!tpu.dma_semaphore, #tpu.memory_space<semaphore_mem>>
      %dma_start3A_166 = arith.constant 0 : i32
      %dma_start3A_167 = tpu.memref_slice %arg9[%dma_start3A_166] : memref<12288xi32, #tpu.memory_space<vmem>> -> memref<2048xi32, #tpu.memory_space<vmem>>
      %dma_start3A_168 = tpu.memref_slice %arg4[%add3A_5] : memref<393216xi32, #tpu.memory_space<hbm>> -> memref<2048xi32, #tpu.memory_space<hbm>>
      %dma_start3A_169 = arith.constant 0 : i32
      %dma_start3A_170 = tpu.memref_slice %arg9[%dma_start3A_169] : memref<12288xi32, #tpu.memory_space<vmem>> -> memref<2048xi32, #tpu.memory_space<vmem>>
      %dma_start3A_171 = tpu.memref_slice %arg4[%add3A_5] : memref<393216xi32, #tpu.memory_space<hbm>> -> memref<2048xi32, #tpu.memory_space<hbm>>
      tpu.enqueue_dma source(%dma_start3A_171 : memref<2048xi32, #tpu.memory_space<hbm>>) target(%dma_start3A_170 : memref<2048xi32, #tpu.memory_space<vmem>>) target_semaphore(%run_scoped3A : memref<!tpu.dma_semaphore, #tpu.memory_space<semaphore_mem>>)
      %dma_wait3A = arith.constant 0 : i32
      %dma_wait3A_172 = tpu.memref_slice %arg9[%dma_wait3A] : memref<12288xi32, #tpu.memory_space<vmem>> -> memref<2048xi32, #tpu.memory_space<vmem>>
      %dma_wait3A_173 = tpu.memref_slice %arg4[%add3A_5] : memref<393216xi32, #tpu.memory_space<hbm>> -> memref<2048xi32, #tpu.memory_space<hbm>>
      %dma_wait3A_174 = arith.constant 0 : i32
      %dma_wait3A_175 = tpu.memref_slice %arg9[%dma_wait3A_174] : memref<12288xi32, #tpu.memory_space<vmem>> -> memref<2048xi32, #tpu.memory_space<vmem>>
      %dma_wait3A_176 = tpu.memref_slice %arg4[%add3A_5] : memref<393216xi32, #tpu.memory_space<hbm>> -> memref<2048xi32, #tpu.memory_space<hbm>>
      tpu.wait_dma2 semaphore(%run_scoped3A : memref<!tpu.dma_semaphore, #tpu.memory_space<semaphore_mem>>) src(%dma_wait3A_176 : memref<2048xi32, #tpu.memory_space<hbm>>) dst(%dma_wait3A_175 : memref<2048xi32, #tpu.memory_space<vmem>>)
      tpu.yield
    }) : () -> ()
    "tpu.region"() ({
      %run_scoped3A = tpu.sem_alloc : memref<!tpu.dma_semaphore, #tpu.memory_space<semaphore_mem>>
      %dma_start3A_166 = arith.constant 0 : i32
      %dma_start3A_167 = tpu.memref_slice %arg10[%dma_start3A_166] : memref<12288xi32, #tpu.memory_space<vmem>> -> memref<2048xi32, #tpu.memory_space<vmem>>
      %dma_start3A_168 = tpu.memref_slice %arg5[%add3A_5] : memref<393216xi32, #tpu.memory_space<hbm>> -> memref<2048xi32, #tpu.memory_space<hbm>>
      %dma_start3A_169 = arith.constant 0 : i32
      %dma_start3A_170 = tpu.memref_slice %arg10[%dma_start3A_169] : memref<12288xi32, #tpu.memory_space<vmem>> -> memref<2048xi32, #tpu.memory_space<vmem>>
      %dma_start3A_171 = tpu.memref_slice %arg5[%add3A_5] : memref<393216xi32, #tpu.memory_space<hbm>> -> memref<2048xi32, #tpu.memory_space<hbm>>
      tpu.enqueue_dma source(%dma_start3A_171 : memref<2048xi32, #tpu.memory_space<hbm>>) target(%dma_start3A_170 : memref<2048xi32, #tpu.memory_space<vmem>>) target_semaphore(%run_scoped3A : memref<!tpu.dma_semaphore, #tpu.memory_space<semaphore_mem>>)
      %dma_wait3A = arith.constant 0 : i32
      %dma_wait3A_172 = tpu.memref_slice %arg10[%dma_wait3A] : memref<12288xi32, #tpu.memory_space<vmem>> -> memref<2048xi32, #tpu.memory_space<vmem>>
      %dma_wait3A_173 = tpu.memref_slice %arg5[%add3A_5] : memref<393216xi32, #tpu.memory_space<hbm>> -> memref<2048xi32, #tpu.memory_space<hbm>>
      %dma_wait3A_174 = arith.constant 0 : i32
      %dma_wait3A_175 = tpu.memref_slice %arg10[%dma_wait3A_174] : memref<12288xi32, #tpu.memory_space<vmem>> -> memref<2048xi32, #tpu.memory_space<vmem>>
      %dma_wait3A_176 = tpu.memref_slice %arg5[%add3A_5] : memref<393216xi32, #tpu.memory_space<hbm>> -> memref<2048xi32, #tpu.memory_space<hbm>>
      tpu.wait_dma2 semaphore(%run_scoped3A : memref<!tpu.dma_semaphore, #tpu.memory_space<semaphore_mem>>) src(%dma_wait3A_176 : memref<2048xi32, #tpu.memory_space<hbm>>) dst(%dma_wait3A_175 : memref<2048xi32, #tpu.memory_space<vmem>>)
      tpu.yield
    }) : () -> ()
    %mul3A_6 = arith.constant 2048 : i32
    %mul3A_7 = arith.muli %add3A, %mul3A_6 : i32
    %add3A_8 = arith.constant 65536 : i32
    %add3A_9 = arith.addi %add3A_8, %mul3A_7 : i32
    "tpu.region"() ({
      %run_scoped3A = tpu.sem_alloc : memref<!tpu.dma_semaphore, #tpu.memory_space<semaphore_mem>>
      %dma_start3A_166 = arith.constant 2048 : i32
      %dma_start3A_167 = tpu.memref_slice %arg9[%dma_start3A_166] : memref<12288xi32, #tpu.memory_space<vmem>> -> memref<2048xi32, #tpu.memory_space<vmem>>
      %dma_start3A_168 = tpu.memref_slice %arg4[%add3A_9] : memref<393216xi32, #tpu.memory_space<hbm>> -> memref<2048xi32, #tpu.memory_space<hbm>>
      %dma_start3A_169 = arith.constant 2048 : i32
      %dma_start3A_170 = tpu.memref_slice %arg9[%dma_start3A_169] : memref<12288xi32, #tpu.memory_space<vmem>> -> memref<2048xi32, #tpu.memory_space<vmem>>
      %dma_start3A_171 = tpu.memref_slice %arg4[%add3A_9] : memref<393216xi32, #tpu.memory_space<hbm>> -> memref<2048xi32, #tpu.memory_space<hbm>>
      tpu.enqueue_dma source(%dma_start3A_171 : memref<2048xi32, #tpu.memory_space<hbm>>) target(%dma_start3A_170 : memref<2048xi32, #tpu.memory_space<vmem>>) target_semaphore(%run_scoped3A : memref<!tpu.dma_semaphore, #tpu.memory_space<semaphore_mem>>)
      %dma_wait3A = arith.constant 2048 : i32
      %dma_wait3A_172 = tpu.memref_slice %arg9[%dma_wait3A] : memref<12288xi32, #tpu.memory_space<vmem>> -> memref<2048xi32, #tpu.memory_space<vmem>>
      %dma_wait3A_173 = tpu.memref_slice %arg4[%add3A_9] : memref<393216xi32, #tpu.memory_space<hbm>> -> memref<2048xi32, #tpu.memory_space<hbm>>
      %dma_wait3A_174 = arith.constant 2048 : i32
      %dma_wait3A_175 = tpu.memref_slice %arg9[%dma_wait3A_174] : memref<12288xi32, #tpu.memory_space<vmem>> -> memref<2048xi32, #tpu.memory_space<vmem>>
      %dma_wait3A_176 = tpu.memref_slice %arg4[%add3A_9] : memref<393216xi32, #tpu.memory_space<hbm>> -> memref<2048xi32, #tpu.memory_space<hbm>>
      tpu.wait_dma2 semaphore(%run_scoped3A : memref<!tpu.dma_semaphore, #tpu.memory_space<semaphore_mem>>) src(%dma_wait3A_176 : memref<2048xi32, #tpu.memory_space<hbm>>) dst(%dma_wait3A_175 : memref<2048xi32, #tpu.memory_space<vmem>>)
      tpu.yield
    }) : () -> ()
    "tpu.region"() ({
      %run_scoped3A = tpu.sem_alloc : memref<!tpu.dma_semaphore, #tpu.memory_space<semaphore_mem>>
      %dma_start3A_166 = arith.constant 2048 : i32
      %dma_start3A_167 = tpu.memref_slice %arg10[%dma_start3A_166] : memref<12288xi32, #tpu.memory_space<vmem>> -> memref<2048xi32, #tpu.memory_space<vmem>>
      %dma_start3A_168 = tpu.memref_slice %arg5[%add3A_9] : memref<393216xi32, #tpu.memory_space<hbm>> -> memref<2048xi32, #tpu.memory_space<hbm>>
      %dma_start3A_169 = arith.constant 2048 : i32
      %dma_start3A_170 = tpu.memref_slice %arg10[%dma_start3A_169] : memref<12288xi32, #tpu.memory_space<vmem>> -> memref<2048xi32, #tpu.memory_space<vmem>>
      %dma_start3A_171 = tpu.memref_slice %arg5[%add3A_9] : memref<393216xi32, #tpu.memory_space<hbm>> -> memref<2048xi32, #tpu.memory_space<hbm>>
      tpu.enqueue_dma source(%dma_start3A_171 : memref<2048xi32, #tpu.memory_space<hbm>>) target(%dma_start3A_170 : memref<2048xi32, #tpu.memory_space<vmem>>) target_semaphore(%run_scoped3A : memref<!tpu.dma_semaphore, #tpu.memory_space<semaphore_mem>>)
      %dma_wait3A = arith.constant 2048 : i32
      %dma_wait3A_172 = tpu.memref_slice %arg10[%dma_wait3A] : memref<12288xi32, #tpu.memory_space<vmem>> -> memref<2048xi32, #tpu.memory_space<vmem>>
      %dma_wait3A_173 = tpu.memref_slice %arg5[%add3A_9] : memref<393216xi32, #tpu.memory_space<hbm>> -> memref<2048xi32, #tpu.memory_space<hbm>>
      %dma_wait3A_174 = arith.constant 2048 : i32
      %dma_wait3A_175 = tpu.memref_slice %arg10[%dma_wait3A_174] : memref<12288xi32, #tpu.memory_space<vmem>> -> memref<2048xi32, #tpu.memory_space<vmem>>
      %dma_wait3A_176 = tpu.memref_slice %arg5[%add3A_9] : memref<393216xi32, #tpu.memory_space<hbm>> -> memref<2048xi32, #tpu.memory_space<hbm>>
      tpu.wait_dma2 semaphore(%run_scoped3A : memref<!tpu.dma_semaphore, #tpu.memory_space<semaphore_mem>>) src(%dma_wait3A_176 : memref<2048xi32, #tpu.memory_space<hbm>>) dst(%dma_wait3A_175 : memref<2048xi32, #tpu.memory_space<vmem>>)
      tpu.yield
    }) : () -> ()
    %mul3A_10 = arith.constant 2048 : i32
    %mul3A_11 = arith.muli %add3A, %mul3A_10 : i32
    %add3A_12 = arith.constant 131072 : i32
    %add3A_13 = arith.addi %add3A_12, %mul3A_11 : i32
    "tpu.region"() ({
      %run_scoped3A = tpu.sem_alloc : memref<!tpu.dma_semaphore, #tpu.memory_space<semaphore_mem>>
      %dma_start3A_166 = arith.constant 4096 : i32
      %dma_start3A_167 = tpu.memref_slice %arg9[%dma_start3A_166] : memref<12288xi32, #tpu.memory_space<vmem>> -> memref<2048xi32, #tpu.memory_space<vmem>>
      %dma_start3A_168 = tpu.memref_slice %arg4[%add3A_13] : memref<393216xi32, #tpu.memory_space<hbm>> -> memref<2048xi32, #tpu.memory_space<hbm>>
      %dma_start3A_169 = arith.constant 4096 : i32
      %dma_start3A_170 = tpu.memref_slice %arg9[%dma_start3A_169] : memref<12288xi32, #tpu.memory_space<vmem>> -> memref<2048xi32, #tpu.memory_space<vmem>>
      %dma_start3A_171 = tpu.memref_slice %arg4[%add3A_13] : memref<393216xi32, #tpu.memory_space<hbm>> -> memref<2048xi32, #tpu.memory_space<hbm>>
      tpu.enqueue_dma source(%dma_start3A_171 : memref<2048xi32, #tpu.memory_space<hbm>>) target(%dma_start3A_170 : memref<2048xi32, #tpu.memory_space<vmem>>) target_semaphore(%run_scoped3A : memref<!tpu.dma_semaphore, #tpu.memory_space<semaphore_mem>>)
      %dma_wait3A = arith.constant 4096 : i32
      %dma_wait3A_172 = tpu.memref_slice %arg9[%dma_wait3A] : memref<12288xi32, #tpu.memory_space<vmem>> -> memref<2048xi32, #tpu.memory_space<vmem>>
      %dma_wait3A_173 = tpu.memref_slice %arg4[%add3A_13] : memref<393216xi32, #tpu.memory_space<hbm>> -> memref<2048xi32, #tpu.memory_space<hbm>>
      %dma_wait3A_174 = arith.constant 4096 : i32
      %dma_wait3A_175 = tpu.memref_slice %arg9[%dma_wait3A_174] : memref<12288xi32, #tpu.memory_space<vmem>> -> memref<2048xi32, #tpu.memory_space<vmem>>
      %dma_wait3A_176 = tpu.memref_slice %arg4[%add3A_13] : memref<393216xi32, #tpu.memory_space<hbm>> -> memref<2048xi32, #tpu.memory_space<hbm>>
      tpu.wait_dma2 semaphore(%run_scoped3A : memref<!tpu.dma_semaphore, #tpu.memory_space<semaphore_mem>>) src(%dma_wait3A_176 : memref<2048xi32, #tpu.memory_space<hbm>>) dst(%dma_wait3A_175 : memref<2048xi32, #tpu.memory_space<vmem>>)
      tpu.yield
    }) : () -> ()
    "tpu.region"() ({
      %run_scoped3A = tpu.sem_alloc : memref<!tpu.dma_semaphore, #tpu.memory_space<semaphore_mem>>
      %dma_start3A_166 = arith.constant 4096 : i32
      %dma_start3A_167 = tpu.memref_slice %arg10[%dma_start3A_166] : memref<12288xi32, #tpu.memory_space<vmem>> -> memref<2048xi32, #tpu.memory_space<vmem>>
      %dma_start3A_168 = tpu.memref_slice %arg5[%add3A_13] : memref<393216xi32, #tpu.memory_space<hbm>> -> memref<2048xi32, #tpu.memory_space<hbm>>
      %dma_start3A_169 = arith.constant 4096 : i32
      %dma_start3A_170 = tpu.memref_slice %arg10[%dma_start3A_169] : memref<12288xi32, #tpu.memory_space<vmem>> -> memref<2048xi32, #tpu.memory_space<vmem>>
      %dma_start3A_171 = tpu.memref_slice %arg5[%add3A_13] : memref<393216xi32, #tpu.memory_space<hbm>> -> memref<2048xi32, #tpu.memory_space<hbm>>
      tpu.enqueue_dma source(%dma_start3A_171 : memref<2048xi32, #tpu.memory_space<hbm>>) target(%dma_start3A_170 : memref<2048xi32, #tpu.memory_space<vmem>>) target_semaphore(%run_scoped3A : memref<!tpu.dma_semaphore, #tpu.memory_space<semaphore_mem>>)
      %dma_wait3A = arith.constant 4096 : i32
      %dma_wait3A_172 = tpu.memref_slice %arg10[%dma_wait3A] : memref<12288xi32, #tpu.memory_space<vmem>> -> memref<2048xi32, #tpu.memory_space<vmem>>
      %dma_wait3A_173 = tpu.memref_slice %arg5[%add3A_13] : memref<393216xi32, #tpu.memory_space<hbm>> -> memref<2048xi32, #tpu.memory_space<hbm>>
      %dma_wait3A_174 = arith.constant 4096 : i32
      %dma_wait3A_175 = tpu.memref_slice %arg10[%dma_wait3A_174] : memref<12288xi32, #tpu.memory_space<vmem>> -> memref<2048xi32, #tpu.memory_space<vmem>>
      %dma_wait3A_176 = tpu.memref_slice %arg5[%add3A_13] : memref<393216xi32, #tpu.memory_space<hbm>> -> memref<2048xi32, #tpu.memory_space<hbm>>
      tpu.wait_dma2 semaphore(%run_scoped3A : memref<!tpu.dma_semaphore, #tpu.memory_space<semaphore_mem>>) src(%dma_wait3A_176 : memref<2048xi32, #tpu.memory_space<hbm>>) dst(%dma_wait3A_175 : memref<2048xi32, #tpu.memory_space<vmem>>)
      tpu.yield
    }) : () -> ()
    %mul3A_14 = arith.constant 2048 : i32
    %mul3A_15 = arith.muli %add3A, %mul3A_14 : i32
    %add3A_16 = arith.constant 196608 : i32
    %add3A_17 = arith.addi %add3A_16, %mul3A_15 : i32
    "tpu.region"() ({
      %run_scoped3A = tpu.sem_alloc : memref<!tpu.dma_semaphore, #tpu.memory_space<semaphore_mem>>
      %dma_start3A_166 = arith.constant 6144 : i32
      %dma_start3A_167 = tpu.memref_slice %arg9[%dma_start3A_166] : memref<12288xi32, #tpu.memory_space<vmem>> -> memref<2048xi32, #tpu.memory_space<vmem>>
      %dma_start3A_168 = tpu.memref_slice %arg4[%add3A_17] : memref<393216xi32, #tpu.memory_space<hbm>> -> memref<2048xi32, #tpu.memory_space<hbm>>
      %dma_start3A_169 = arith.constant 6144 : i32
      %dma_start3A_170 = tpu.memref_slice %arg9[%dma_start3A_169] : memref<12288xi32, #tpu.memory_space<vmem>> -> memref<2048xi32, #tpu.memory_space<vmem>>
      %dma_start3A_171 = tpu.memref_slice %arg4[%add3A_17] : memref<393216xi32, #tpu.memory_space<hbm>> -> memref<2048xi32, #tpu.memory_space<hbm>>
      tpu.enqueue_dma source(%dma_start3A_171 : memref<2048xi32, #tpu.memory_space<hbm>>) target(%dma_start3A_170 : memref<2048xi32, #tpu.memory_space<vmem>>) target_semaphore(%run_scoped3A : memref<!tpu.dma_semaphore, #tpu.memory_space<semaphore_mem>>)
      %dma_wait3A = arith.constant 6144 : i32
      %dma_wait3A_172 = tpu.memref_slice %arg9[%dma_wait3A] : memref<12288xi32, #tpu.memory_space<vmem>> -> memref<2048xi32, #tpu.memory_space<vmem>>
      %dma_wait3A_173 = tpu.memref_slice %arg4[%add3A_17] : memref<393216xi32, #tpu.memory_space<hbm>> -> memref<2048xi32, #tpu.memory_space<hbm>>
      %dma_wait3A_174 = arith.constant 6144 : i32
      %dma_wait3A_175 = tpu.memref_slice %arg9[%dma_wait3A_174] : memref<12288xi32, #tpu.memory_space<vmem>> -> memref<2048xi32, #tpu.memory_space<vmem>>
      %dma_wait3A_176 = tpu.memref_slice %arg4[%add3A_17] : memref<393216xi32, #tpu.memory_space<hbm>> -> memref<2048xi32, #tpu.memory_space<hbm>>
      tpu.wait_dma2 semaphore(%run_scoped3A : memref<!tpu.dma_semaphore, #tpu.memory_space<semaphore_mem>>) src(%dma_wait3A_176 : memref<2048xi32, #tpu.memory_space<hbm>>) dst(%dma_wait3A_175 : memref<2048xi32, #tpu.memory_space<vmem>>)
      tpu.yield
    }) : () -> ()
    "tpu.region"() ({
      %run_scoped3A = tpu.sem_alloc : memref<!tpu.dma_semaphore, #tpu.memory_space<semaphore_mem>>
      %dma_start3A_166 = arith.constant 6144 : i32
      %dma_start3A_167 = tpu.memref_slice %arg10[%dma_start3A_166] : memref<12288xi32, #tpu.memory_space<vmem>> -> memref<2048xi32, #tpu.memory_space<vmem>>
      %dma_start3A_168 = tpu.memref_slice %arg5[%add3A_17] : memref<393216xi32, #tpu.memory_space<hbm>> -> memref<2048xi32, #tpu.memory_space<hbm>>
      %dma_start3A_169 = arith.constant 6144 : i32
      %dma_start3A_170 = tpu.memref_slice %arg10[%dma_start3A_169] : memref<12288xi32, #tpu.memory_space<vmem>> -> memref<2048xi32, #tpu.memory_space<vmem>>
      %dma_start3A_171 = tpu.memref_slice %arg5[%add3A_17] : memref<393216xi32, #tpu.memory_space<hbm>> -> memref<2048xi32, #tpu.memory_space<hbm>>
      tpu.enqueue_dma source(%dma_start3A_171 : memref<2048xi32, #tpu.memory_space<hbm>>) target(%dma_start3A_170 : memref<2048xi32, #tpu.memory_space<vmem>>) target_semaphore(%run_scoped3A : memref<!tpu.dma_semaphore, #tpu.memory_space<semaphore_mem>>)
      %dma_wait3A = arith.constant 6144 : i32
      %dma_wait3A_172 = tpu.memref_slice %arg10[%dma_wait3A] : memref<12288xi32, #tpu.memory_space<vmem>> -> memref<2048xi32, #tpu.memory_space<vmem>>
      %dma_wait3A_173 = tpu.memref_slice %arg5[%add3A_17] : memref<393216xi32, #tpu.memory_space<hbm>> -> memref<2048xi32, #tpu.memory_space<hbm>>
      %dma_wait3A_174 = arith.constant 6144 : i32
      %dma_wait3A_175 = tpu.memref_slice %arg10[%dma_wait3A_174] : memref<12288xi32, #tpu.memory_space<vmem>> -> memref<2048xi32, #tpu.memory_space<vmem>>
      %dma_wait3A_176 = tpu.memref_slice %arg5[%add3A_17] : memref<393216xi32, #tpu.memory_space<hbm>> -> memref<2048xi32, #tpu.memory_space<hbm>>
      tpu.wait_dma2 semaphore(%run_scoped3A : memref<!tpu.dma_semaphore, #tpu.memory_space<semaphore_mem>>) src(%dma_wait3A_176 : memref<2048xi32, #tpu.memory_space<hbm>>) dst(%dma_wait3A_175 : memref<2048xi32, #tpu.memory_space<vmem>>)
      tpu.yield
    }) : () -> ()
    %mul3A_18 = arith.constant 2048 : i32
    %mul3A_19 = arith.muli %add3A, %mul3A_18 : i32
    %add3A_20 = arith.constant 262144 : i32
    %add3A_21 = arith.addi %add3A_20, %mul3A_19 : i32
    "tpu.region"() ({
      %run_scoped3A = tpu.sem_alloc : memref<!tpu.dma_semaphore, #tpu.memory_space<semaphore_mem>>
      %dma_start3A_166 = arith.constant 8192 : i32
      %dma_start3A_167 = tpu.memref_slice %arg9[%dma_start3A_166] : memref<12288xi32, #tpu.memory_space<vmem>> -> memref<2048xi32, #tpu.memory_space<vmem>>
      %dma_start3A_168 = tpu.memref_slice %arg4[%add3A_21] : memref<393216xi32, #tpu.memory_space<hbm>> -> memref<2048xi32, #tpu.memory_space<hbm>>
      %dma_start3A_169 = arith.constant 8192 : i32
      %dma_start3A_170 = tpu.memref_slice %arg9[%dma_start3A_169] : memref<12288xi32, #tpu.memory_space<vmem>> -> memref<2048xi32, #tpu.memory_space<vmem>>
      %dma_start3A_171 = tpu.memref_slice %arg4[%add3A_21] : memref<393216xi32, #tpu.memory_space<hbm>> -> memref<2048xi32, #tpu.memory_space<hbm>>
      tpu.enqueue_dma source(%dma_start3A_171 : memref<2048xi32, #tpu.memory_space<hbm>>) target(%dma_start3A_170 : memref<2048xi32, #tpu.memory_space<vmem>>) target_semaphore(%run_scoped3A : memref<!tpu.dma_semaphore, #tpu.memory_space<semaphore_mem>>)
      %dma_wait3A = arith.constant 8192 : i32
      %dma_wait3A_172 = tpu.memref_slice %arg9[%dma_wait3A] : memref<12288xi32, #tpu.memory_space<vmem>> -> memref<2048xi32, #tpu.memory_space<vmem>>
      %dma_wait3A_173 = tpu.memref_slice %arg4[%add3A_21] : memref<393216xi32, #tpu.memory_space<hbm>> -> memref<2048xi32, #tpu.memory_space<hbm>>
      %dma_wait3A_174 = arith.constant 8192 : i32
      %dma_wait3A_175 = tpu.memref_slice %arg9[%dma_wait3A_174] : memref<12288xi32, #tpu.memory_space<vmem>> -> memref<2048xi32, #tpu.memory_space<vmem>>
      %dma_wait3A_176 = tpu.memref_slice %arg4[%add3A_21] : memref<393216xi32, #tpu.memory_space<hbm>> -> memref<2048xi32, #tpu.memory_space<hbm>>
      tpu.wait_dma2 semaphore(%run_scoped3A : memref<!tpu.dma_semaphore, #tpu.memory_space<semaphore_mem>>) src(%dma_wait3A_176 : memref<2048xi32, #tpu.memory_space<hbm>>) dst(%dma_wait3A_175 : memref<2048xi32, #tpu.memory_space<vmem>>)
      tpu.yield
    }) : () -> ()
    "tpu.region"() ({
      %run_scoped3A = tpu.sem_alloc : memref<!tpu.dma_semaphore, #tpu.memory_space<semaphore_mem>>
      %dma_start3A_166 = arith.constant 8192 : i32
      %dma_start3A_167 = tpu.memref_slice %arg10[%dma_start3A_166] : memref<12288xi32, #tpu.memory_space<vmem>> -> memref<2048xi32, #tpu.memory_space<vmem>>
      %dma_start3A_168 = tpu.memref_slice %arg5[%add3A_21] : memref<393216xi32, #tpu.memory_space<hbm>> -> memref<2048xi32, #tpu.memory_space<hbm>>
      %dma_start3A_169 = arith.constant 8192 : i32
      %dma_start3A_170 = tpu.memref_slice %arg10[%dma_start3A_169] : memref<12288xi32, #tpu.memory_space<vmem>> -> memref<2048xi32, #tpu.memory_space<vmem>>
      %dma_start3A_171 = tpu.memref_slice %arg5[%add3A_21] : memref<393216xi32, #tpu.memory_space<hbm>> -> memref<2048xi32, #tpu.memory_space<hbm>>
      tpu.enqueue_dma source(%dma_start3A_171 : memref<2048xi32, #tpu.memory_space<hbm>>) target(%dma_start3A_170 : memref<2048xi32, #tpu.memory_space<vmem>>) target_semaphore(%run_scoped3A : memref<!tpu.dma_semaphore, #tpu.memory_space<semaphore_mem>>)
      %dma_wait3A = arith.constant 8192 : i32
      %dma_wait3A_172 = tpu.memref_slice %arg10[%dma_wait3A] : memref<12288xi32, #tpu.memory_space<vmem>> -> memref<2048xi32, #tpu.memory_space<vmem>>
      %dma_wait3A_173 = tpu.memref_slice %arg5[%add3A_21] : memref<393216xi32, #tpu.memory_space<hbm>> -> memref<2048xi32, #tpu.memory_space<hbm>>
      %dma_wait3A_174 = arith.constant 8192 : i32
      %dma_wait3A_175 = tpu.memref_slice %arg10[%dma_wait3A_174] : memref<12288xi32, #tpu.memory_space<vmem>> -> memref<2048xi32, #tpu.memory_space<vmem>>
      %dma_wait3A_176 = tpu.memref_slice %arg5[%add3A_21] : memref<393216xi32, #tpu.memory_space<hbm>> -> memref<2048xi32, #tpu.memory_space<hbm>>
      tpu.wait_dma2 semaphore(%run_scoped3A : memref<!tpu.dma_semaphore, #tpu.memory_space<semaphore_mem>>) src(%dma_wait3A_176 : memref<2048xi32, #tpu.memory_space<hbm>>) dst(%dma_wait3A_175 : memref<2048xi32, #tpu.memory_space<vmem>>)
      tpu.yield
    }) : () -> ()
    %mul3A_22 = arith.constant 2048 : i32
    %mul3A_23 = arith.muli %add3A, %mul3A_22 : i32
    %add3A_24 = arith.constant 327680 : i32
    %add3A_25 = arith.addi %add3A_24, %mul3A_23 : i32
    "tpu.region"() ({
      %run_scoped3A = tpu.sem_alloc : memref<!tpu.dma_semaphore, #tpu.memory_space<semaphore_mem>>
      %dma_start3A_166 = arith.constant 10240 : i32
      %dma_start3A_167 = tpu.memref_slice %arg9[%dma_start3A_166] : memref<12288xi32, #tpu.memory_space<vmem>> -> memref<2048xi32, #tpu.memory_space<vmem>>
      %dma_start3A_168 = tpu.memref_slice %arg4[%add3A_25] : memref<393216xi32, #tpu.memory_space<hbm>> -> memref<2048xi32, #tpu.memory_space<hbm>>
      %dma_start3A_169 = arith.constant 10240 : i32
      %dma_start3A_170 = tpu.memref_slice %arg9[%dma_start3A_169] : memref<12288xi32, #tpu.memory_space<vmem>> -> memref<2048xi32, #tpu.memory_space<vmem>>
      %dma_start3A_171 = tpu.memref_slice %arg4[%add3A_25] : memref<393216xi32, #tpu.memory_space<hbm>> -> memref<2048xi32, #tpu.memory_space<hbm>>
      tpu.enqueue_dma source(%dma_start3A_171 : memref<2048xi32, #tpu.memory_space<hbm>>) target(%dma_start3A_170 : memref<2048xi32, #tpu.memory_space<vmem>>) target_semaphore(%run_scoped3A : memref<!tpu.dma_semaphore, #tpu.memory_space<semaphore_mem>>)
      %dma_wait3A = arith.constant 10240 : i32
      %dma_wait3A_172 = tpu.memref_slice %arg9[%dma_wait3A] : memref<12288xi32, #tpu.memory_space<vmem>> -> memref<2048xi32, #tpu.memory_space<vmem>>
      %dma_wait3A_173 = tpu.memref_slice %arg4[%add3A_25] : memref<393216xi32, #tpu.memory_space<hbm>> -> memref<2048xi32, #tpu.memory_space<hbm>>
      %dma_wait3A_174 = arith.constant 10240 : i32
      %dma_wait3A_175 = tpu.memref_slice %arg9[%dma_wait3A_174] : memref<12288xi32, #tpu.memory_space<vmem>> -> memref<2048xi32, #tpu.memory_space<vmem>>
      %dma_wait3A_176 = tpu.memref_slice %arg4[%add3A_25] : memref<393216xi32, #tpu.memory_space<hbm>> -> memref<2048xi32, #tpu.memory_space<hbm>>
      tpu.wait_dma2 semaphore(%run_scoped3A : memref<!tpu.dma_semaphore, #tpu.memory_space<semaphore_mem>>) src(%dma_wait3A_176 : memref<2048xi32, #tpu.memory_space<hbm>>) dst(%dma_wait3A_175 : memref<2048xi32, #tpu.memory_space<vmem>>)
      tpu.yield
    }) : () -> ()
    "tpu.region"() ({
      %run_scoped3A = tpu.sem_alloc : memref<!tpu.dma_semaphore, #tpu.memory_space<semaphore_mem>>
      %dma_start3A_166 = arith.constant 10240 : i32
      %dma_start3A_167 = tpu.memref_slice %arg10[%dma_start3A_166] : memref<12288xi32, #tpu.memory_space<vmem>> -> memref<2048xi32, #tpu.memory_space<vmem>>
      %dma_start3A_168 = tpu.memref_slice %arg5[%add3A_25] : memref<393216xi32, #tpu.memory_space<hbm>> -> memref<2048xi32, #tpu.memory_space<hbm>>
      %dma_start3A_169 = arith.constant 10240 : i32
      %dma_start3A_170 = tpu.memref_slice %arg10[%dma_start3A_169] : memref<12288xi32, #tpu.memory_space<vmem>> -> memref<2048xi32, #tpu.memory_space<vmem>>
      %dma_start3A_171 = tpu.memref_slice %arg5[%add3A_25] : memref<393216xi32, #tpu.memory_space<hbm>> -> memref<2048xi32, #tpu.memory_space<hbm>>
      tpu.enqueue_dma source(%dma_start3A_171 : memref<2048xi32, #tpu.memory_space<hbm>>) target(%dma_start3A_170 : memref<2048xi32, #tpu.memory_space<vmem>>) target_semaphore(%run_scoped3A : memref<!tpu.dma_semaphore, #tpu.memory_space<semaphore_mem>>)
      %dma_wait3A = arith.constant 10240 : i32
      %dma_wait3A_172 = tpu.memref_slice %arg10[%dma_wait3A] : memref<12288xi32, #tpu.memory_space<vmem>> -> memref<2048xi32, #tpu.memory_space<vmem>>
      %dma_wait3A_173 = tpu.memref_slice %arg5[%add3A_25] : memref<393216xi32, #tpu.memory_space<hbm>> -> memref<2048xi32, #tpu.memory_space<hbm>>
      %dma_wait3A_174 = arith.constant 10240 : i32
      %dma_wait3A_175 = tpu.memref_slice %arg10[%dma_wait3A_174] : memref<12288xi32, #tpu.memory_space<vmem>> -> memref<2048xi32, #tpu.memory_space<vmem>>
      %dma_wait3A_176 = tpu.memref_slice %arg5[%add3A_25] : memref<393216xi32, #tpu.memory_space<hbm>> -> memref<2048xi32, #tpu.memory_space<hbm>>
      tpu.wait_dma2 semaphore(%run_scoped3A : memref<!tpu.dma_semaphore, #tpu.memory_space<semaphore_mem>>) src(%dma_wait3A_176 : memref<2048xi32, #tpu.memory_space<hbm>>) dst(%dma_wait3A_175 : memref<2048xi32, #tpu.memory_space<vmem>>)
      tpu.yield
    }) : () -> ()
    %scan3A = arith.constant 0 : i32
    %scan3A_26 = arith.constant 0 : i32
    %scan3A_27 = arith.constant 768 : i32
    %scan3A_28 = arith.addi %scan3A_26, %scan3A_27 : i32
    %scan3A_29 = arith.constant 1 : i32
    scf.for %scan3A_166 = %scan3A_26 to %scan3A_28 step %scan3A_29  : i32 {
      %jit3A = arith.constant 128 : i32
      %div3A = arith.divsi %scan3A_166, %jit3A : i32
      %sign3A = arith.constant 0 : i32
      %sign3A_167 = arith.cmpi sgt, %scan3A_166, %sign3A : i32
      %sign3A_168 = arith.extui %sign3A_167 : i1 to i32
      %sign3A_169 = arith.constant 0 : i32
      %sign3A_170 = arith.cmpi slt, %scan3A_166, %sign3A_169 : i32
      %sign3A_171 = arith.extui %sign3A_170 : i1 to i32
      %sign3A_172 = arith.subi %sign3A_168, %sign3A_171 : i32
      %sign3A_173 = arith.constant 0 : i32
      %sign3A_174 = arith.cmpi sgt, %jit3A, %sign3A_173 : i32
      %sign3A_175 = arith.extui %sign3A_174 : i1 to i32
      %sign3A_176 = arith.constant 0 : i32
      %sign3A_177 = arith.cmpi slt, %jit3A, %sign3A_176 : i32
      %sign3A_178 = arith.extui %sign3A_177 : i1 to i32
      %sign3A_179 = arith.subi %sign3A_175, %sign3A_178 : i32
      %ne3A = arith.cmpi ne, %sign3A_172, %sign3A_179 : i32
      %rem3A_180 = arith.remsi %scan3A_166, %jit3A : i32
      %ne3A_181 = arith.constant 0 : i32
      %ne3A_182 = arith.cmpi ne, %rem3A_180, %ne3A_181 : i32
      %and3A = arith.andi %ne3A, %ne3A_182 : i1
      %sub3A = arith.constant 1 : i32
      %sub3A_183 = arith.subi %div3A, %sub3A : i32
      %select_n3A = arith.select %and3A, %sub3A_183, %div3A : i32
      %rem3A_184 = arith.constant 3 : i32
      %rem3A_185 = arith.remsi %select_n3A, %rem3A_184 : i32
      %mul3A_186 = arith.constant 50000 : i32
      %mul3A_187 = arith.muli %rem3A_185, %mul3A_186 : i32
      %mul3A_188 = arith.constant 16 : i32
      %mul3A_189 = arith.muli %scan3A_166, %mul3A_188 : i32
      %get3A = arith.index_cast %mul3A_189 : i32 to index
      %get3A_190 = tpu.vector_load %arg9[%get3A] {strides = array<i32>} : memref<12288xi32, #tpu.memory_space<vmem>>, vector<16xi32>,
      %get3A_191 = vector.shape_cast %get3A_190 : vector<16xi32> to vector<16xi32>
      %add3A_192 = vector.broadcast %mul3A_187 : i32 to vector<16xi32>
      %add3A_193 = arith.addi %get3A_191, %add3A_192 : vector<16xi32>
      %mul3A_194 = arith.constant 16 : i32
      %mul3A_195 = arith.muli %scan3A_166, %mul3A_194 : i32
      %swap3A = arith.index_cast %mul3A_195 : i32 to index
      %swap3A_196 = tpu.vector_load %arg9[%swap3A] {strides = array<i32>} : memref<12288xi32, #tpu.memory_space<vmem>>, vector<16xi32>,
      %swap3A_197 = vector.shape_cast %swap3A_196 : vector<16xi32> to vector<16xi32>
      %swap3A_198 = vector.shape_cast %add3A_193 : vector<16xi32> to vector<16xi32>
      tpu.vector_store %arg9[%swap3A], %swap3A_198 {strides = array<i32>} : memref<12288xi32, #tpu.memory_space<vmem>>, vector<16xi32>,
      %mul3A_199 = arith.constant 16 : i32
      %mul3A_200 = arith.muli %scan3A_166, %mul3A_199 : i32
      %get3A_201 = arith.index_cast %mul3A_200 : i32 to index
      %get3A_202 = tpu.vector_load %arg10[%get3A_201] {strides = array<i32>} : memref<12288xi32, #tpu.memory_space<vmem>>, vector<16xi32>,
      %get3A_203 = vector.shape_cast %get3A_202 : vector<16xi32> to vector<16xi32>
      %add3A_204 = vector.broadcast %mul3A_187 : i32 to vector<16xi32>
      %add3A_205 = arith.addi %get3A_203, %add3A_204 : vector<16xi32>
      %mul3A_206 = arith.constant 16 : i32
      %mul3A_207 = arith.muli %scan3A_166, %mul3A_206 : i32
      %swap3A_208 = arith.index_cast %mul3A_207 : i32 to index
      %swap3A_209 = tpu.vector_load %arg10[%swap3A_208] {strides = array<i32>} : memref<12288xi32, #tpu.memory_space<vmem>>, vector<16xi32>,
      %swap3A_210 = vector.shape_cast %swap3A_209 : vector<16xi32> to vector<16xi32>
      %swap3A_211 = vector.shape_cast %add3A_205 : vector<16xi32> to vector<16xi32>
      tpu.vector_store %arg10[%swap3A_208], %swap3A_211 {strides = array<i32>} : memref<12288xi32, #tpu.memory_space<vmem>>, vector<16xi32>,
    }
    %scan3A_30 = arith.constant 768 : i32
    %dma_start3A = arith.constant 0 : i32
    %dma_start3A_31 = arith.constant 0 : i32
    %dma_start3A_32 = arith.constant 0 : i32
    %dma_start3A_33 = tpu.memref_slice %arg11[%dma_start3A, %dma_start3A_31, %dma_start3A_32] : memref<2x128x128xf32, #tpu.memory_space<vmem>> -> memref<1x128x128xf32, #tpu.memory_space<vmem>>
    %dma_start3A_34 = tpu.memref_squeeze %dma_start3A_33 : memref<1x128x128xf32, #tpu.memory_space<vmem>> -> memref<128x128xf32, #tpu.memory_space<vmem>>
    %dma_start3A_35 = arith.constant 0 : i32
    %dma_start3A_36 = tpu.memref_slice %arg9[%dma_start3A_35] : memref<12288xi32, #tpu.memory_space<vmem>> -> memref<128xi32, #tpu.memory_space<vmem>>
    %dma_start3A_37 = arith.constant 0 : i32
    %dma_start3A_38 = arith.constant 0 : i32
    %dma_start3A_39 = tpu.memref_slice %arg2[%dma_start3A_37, %dma_start3A_38] : memref<150000x128xf32, #tpu.memory_space<hbm>> -> memref<150000x128xf32, #tpu.memory_space<hbm>>
    tpu.enqueue_indirect_dma source(%dma_start3A_39 : memref<150000x128xf32, #tpu.memory_space<hbm>>) target(%dma_start3A_34 : memref<128x128xf32, #tpu.memory_space<vmem>>) offsets(%dma_start3A_36 : memref<128xi32, #tpu.memory_space<vmem>>) semaphore(%arg15 : memref<!tpu.dma_semaphore, #tpu.memory_space<semaphore_mem>>)
    %dma_start3A_40 = arith.constant 0 : i32
    %dma_start3A_41 = arith.constant 0 : i32
    %dma_start3A_42 = arith.constant 0 : i32
    %dma_start3A_43 = tpu.memref_slice %arg12[%dma_start3A_40, %dma_start3A_41, %dma_start3A_42] : memref<2x128x128xf32, #tpu.memory_space<vmem>> -> memref<1x128x128xf32, #tpu.memory_space<vmem>>
    %dma_start3A_44 = tpu.memref_squeeze %dma_start3A_43 : memref<1x128x128xf32, #tpu.memory_space<vmem>> -> memref<128x128xf32, #tpu.memory_space<vmem>>
    %dma_start3A_45 = arith.constant 0 : i32
    %dma_start3A_46 = tpu.memref_slice %arg10[%dma_start3A_45] : memref<12288xi32, #tpu.memory_space<vmem>> -> memref<128xi32, #tpu.memory_space<vmem>>
    %dma_start3A_47 = arith.constant 0 : i32
    %dma_start3A_48 = arith.constant 0 : i32
    %dma_start3A_49 = tpu.memref_slice %arg2[%dma_start3A_47, %dma_start3A_48] : memref<150000x128xf32, #tpu.memory_space<hbm>> -> memref<150000x128xf32, #tpu.memory_space<hbm>>
    tpu.enqueue_indirect_dma source(%dma_start3A_49 : memref<150000x128xf32, #tpu.memory_space<hbm>>) target(%dma_start3A_44 : memref<128x128xf32, #tpu.memory_space<vmem>>) offsets(%dma_start3A_46 : memref<128xi32, #tpu.memory_space<vmem>>) semaphore(%arg15 : memref<!tpu.dma_semaphore, #tpu.memory_space<semaphore_mem>>)
    %dma_start3A_50 = arith.constant 1 : i32
    %dma_start3A_51 = arith.constant 0 : i32
    %dma_start3A_52 = arith.constant 0 : i32
    %dma_start3A_53 = tpu.memref_slice %arg11[%dma_start3A_50, %dma_start3A_51, %dma_start3A_52] : memref<2x128x128xf32, #tpu.memory_space<vmem>> -> memref<1x128x128xf32, #tpu.memory_space<vmem>>
    %dma_start3A_54 = tpu.memref_squeeze %dma_start3A_53 : memref<1x128x128xf32, #tpu.memory_space<vmem>> -> memref<128x128xf32, #tpu.memory_space<vmem>>
    %dma_start3A_55 = arith.constant 128 : i32
    %dma_start3A_56 = tpu.memref_slice %arg9[%dma_start3A_55] : memref<12288xi32, #tpu.memory_space<vmem>> -> memref<128xi32, #tpu.memory_space<vmem>>
    %dma_start3A_57 = arith.constant 0 : i32
    %dma_start3A_58 = arith.constant 0 : i32
    %dma_start3A_59 = tpu.memref_slice %arg2[%dma_start3A_57, %dma_start3A_58] : memref<150000x128xf32, #tpu.memory_space<hbm>> -> memref<150000x128xf32, #tpu.memory_space<hbm>>
    tpu.enqueue_indirect_dma source(%dma_start3A_59 : memref<150000x128xf32, #tpu.memory_space<hbm>>) target(%dma_start3A_54 : memref<128x128xf32, #tpu.memory_space<vmem>>) offsets(%dma_start3A_56 : memref<128xi32, #tpu.memory_space<vmem>>) semaphore(%arg16 : memref<!tpu.dma_semaphore, #tpu.memory_space<semaphore_mem>>)
    %dma_start3A_60 = arith.constant 1 : i32
    %dma_start3A_61 = arith.constant 0 : i32
    %dma_start3A_62 = arith.constant 0 : i32
    %dma_start3A_63 = tpu.memref_slice %arg12[%dma_start3A_60, %dma_start3A_61, %dma_start3A_62] : memref<2x128x128xf32, #tpu.memory_space<vmem>> -> memref<1x128x128xf32, #tpu.memory_space<vmem>>
    %dma_start3A_64 = tpu.memref_squeeze %dma_start3A_63 : memref<1x128x128xf32, #tpu.memory_space<vmem>> -> memref<128x128xf32, #tpu.memory_space<vmem>>
    %dma_start3A_65 = arith.constant 128 : i32
    %dma_start3A_66 = tpu.memref_slice %arg10[%dma_start3A_65] : memref<12288xi32, #tpu.memory_space<vmem>> -> memref<128xi32, #tpu.memory_space<vmem>>
    %dma_start3A_67 = arith.constant 0 : i32
    %dma_start3A_68 = arith.constant 0 : i32
    %dma_start3A_69 = tpu.memref_slice %arg2[%dma_start3A_67, %dma_start3A_68] : memref<150000x128xf32, #tpu.memory_space<hbm>> -> memref<150000x128xf32, #tpu.memory_space<hbm>>
    tpu.enqueue_indirect_dma source(%dma_start3A_69 : memref<150000x128xf32, #tpu.memory_space<hbm>>) target(%dma_start3A_64 : memref<128x128xf32, #tpu.memory_space<vmem>>) offsets(%dma_start3A_66 : memref<128xi32, #tpu.memory_space<vmem>>) semaphore(%arg16 : memref<!tpu.dma_semaphore, #tpu.memory_space<semaphore_mem>>)
    %scan3A_70 = arith.constant 0 : i32
    %scan3A_71 = arith.constant 0 : i32
    %scan3A_72 = arith.constant 96 : i32
    %scan3A_73 = arith.addi %scan3A_71, %scan3A_72 : i32
    %scan3A_74 = arith.constant 1 : i32
    scf.for %scan3A_166 = %scan3A_71 to %scan3A_73 step %scan3A_74  : i32 {
      %rem3A_167 = arith.constant 2 : i32
      %rem3A_168 = arith.remsi %scan3A_166, %rem3A_167 : i32
      %eq3A = arith.constant 0 : i32
      %eq3A_169 = arith.cmpi eq, %rem3A_168, %eq3A : i32
      %convert_element_type3A = arith.extui %eq3A_169 : i1 to i32
      %cond3A = arith.constant 0 : i32
      %cond3A_170 = arith.cmpi ne, %convert_element_type3A, %cond3A : i32
      scf.if %cond3A_170 {
        %dma_wait3A = arith.constant 0 : i32
        %dma_wait3A_199 = arith.constant 0 : i32
        %dma_wait3A_200 = arith.constant 0 : i32
        %dma_wait3A_201 = tpu.memref_slice %arg11[%dma_wait3A, %dma_wait3A_199, %dma_wait3A_200] : memref<2x128x128xf32, #tpu.memory_space<vmem>> -> memref<1x128x128xf32, #tpu.memory_space<vmem>>
        %dma_wait3A_202 = tpu.memref_squeeze %dma_wait3A_201 : memref<1x128x128xf32, #tpu.memory_space<vmem>> -> memref<128x128xf32, #tpu.memory_space<vmem>>
        %dma_wait3A_203 = arith.constant 0 : i32
        %dma_wait3A_204 = tpu.memref_slice %arg9[%dma_wait3A_203] : memref<12288xi32, #tpu.memory_space<vmem>> -> memref<128xi32, #tpu.memory_space<vmem>>
        %dma_wait3A_205 = arith.constant 0 : i32
        %dma_wait3A_206 = arith.constant 0 : i32
        %dma_wait3A_207 = tpu.memref_slice %arg2[%dma_wait3A_205, %dma_wait3A_206] : memref<150000x128xf32, #tpu.memory_space<hbm>> -> memref<150000x128xf32, #tpu.memory_space<hbm>>
        tpu.wait_indirect_dma semaphore(%arg15 : memref<!tpu.dma_semaphore, #tpu.memory_space<semaphore_mem>>) src(%dma_wait3A_207 : memref<150000x128xf32, #tpu.memory_space<hbm>>) dst(%dma_wait3A_202 : memref<128x128xf32, #tpu.memory_space<vmem>>)
        %dma_wait3A_208 = arith.constant 0 : i32
        %dma_wait3A_209 = arith.constant 0 : i32
        %dma_wait3A_210 = arith.constant 0 : i32
        %dma_wait3A_211 = tpu.memref_slice %arg12[%dma_wait3A_208, %dma_wait3A_209, %dma_wait3A_210] : memref<2x128x128xf32, #tpu.memory_space<vmem>> -> memref<1x128x128xf32, #tpu.memory_space<vmem>>
        %dma_wait3A_212 = tpu.memref_squeeze %dma_wait3A_211 : memref<1x128x128xf32, #tpu.memory_space<vmem>> -> memref<128x128xf32, #tpu.memory_space<vmem>>
        %dma_wait3A_213 = arith.constant 0 : i32
        %dma_wait3A_214 = tpu.memref_slice %arg10[%dma_wait3A_213] : memref<12288xi32, #tpu.memory_space<vmem>> -> memref<128xi32, #tpu.memory_space<vmem>>
        %dma_wait3A_215 = arith.constant 0 : i32
        %dma_wait3A_216 = arith.constant 0 : i32
        %dma_wait3A_217 = tpu.memref_slice %arg2[%dma_wait3A_215, %dma_wait3A_216] : memref<150000x128xf32, #tpu.memory_space<hbm>> -> memref<150000x128xf32, #tpu.memory_space<hbm>>
        tpu.wait_indirect_dma semaphore(%arg15 : memref<!tpu.dma_semaphore, #tpu.memory_space<semaphore_mem>>) src(%dma_wait3A_217 : memref<150000x128xf32, #tpu.memory_space<hbm>>) dst(%dma_wait3A_212 : memref<128x128xf32, #tpu.memory_space<vmem>>)
      } else {
      }
      %eq3A_171 = arith.constant 1 : i32
      %eq3A_172 = arith.cmpi eq, %rem3A_168, %eq3A_171 : i32
      %convert_element_type3A_173 = arith.extui %eq3A_172 : i1 to i32
      %cond3A_174 = arith.constant 0 : i32
      %cond3A_175 = arith.cmpi ne, %convert_element_type3A_173, %cond3A_174 : i32
      scf.if %cond3A_175 {
        %dma_wait3A = arith.constant 1 : i32
        %dma_wait3A_199 = arith.constant 0 : i32
        %dma_wait3A_200 = arith.constant 0 : i32
        %dma_wait3A_201 = tpu.memref_slice %arg11[%dma_wait3A, %dma_wait3A_199, %dma_wait3A_200] : memref<2x128x128xf32, #tpu.memory_space<vmem>> -> memref<1x128x128xf32, #tpu.memory_space<vmem>>
        %dma_wait3A_202 = tpu.memref_squeeze %dma_wait3A_201 : memref<1x128x128xf32, #tpu.memory_space<vmem>> -> memref<128x128xf32, #tpu.memory_space<vmem>>
        %dma_wait3A_203 = arith.constant 0 : i32
        %dma_wait3A_204 = tpu.memref_slice %arg9[%dma_wait3A_203] : memref<12288xi32, #tpu.memory_space<vmem>> -> memref<128xi32, #tpu.memory_space<vmem>>
        %dma_wait3A_205 = arith.constant 0 : i32
        %dma_wait3A_206 = arith.constant 0 : i32
        %dma_wait3A_207 = tpu.memref_slice %arg2[%dma_wait3A_205, %dma_wait3A_206] : memref<150000x128xf32, #tpu.memory_space<hbm>> -> memref<150000x128xf32, #tpu.memory_space<hbm>>
        tpu.wait_indirect_dma semaphore(%arg16 : memref<!tpu.dma_semaphore, #tpu.memory_space<semaphore_mem>>) src(%dma_wait3A_207 : memref<150000x128xf32, #tpu.memory_space<hbm>>) dst(%dma_wait3A_202 : memref<128x128xf32, #tpu.memory_space<vmem>>)
        %dma_wait3A_208 = arith.constant 1 : i32
        %dma_wait3A_209 = arith.constant 0 : i32
        %dma_wait3A_210 = arith.constant 0 : i32
        %dma_wait3A_211 = tpu.memref_slice %arg12[%dma_wait3A_208, %dma_wait3A_209, %dma_wait3A_210] : memref<2x128x128xf32, #tpu.memory_space<vmem>> -> memref<1x128x128xf32, #tpu.memory_space<vmem>>
        %dma_wait3A_212 = tpu.memref_squeeze %dma_wait3A_211 : memref<1x128x128xf32, #tpu.memory_space<vmem>> -> memref<128x128xf32, #tpu.memory_space<vmem>>
        %dma_wait3A_213 = arith.constant 0 : i32
        %dma_wait3A_214 = tpu.memref_slice %arg10[%dma_wait3A_213] : memref<12288xi32, #tpu.memory_space<vmem>> -> memref<128xi32, #tpu.memory_space<vmem>>
        %dma_wait3A_215 = arith.constant 0 : i32
        %dma_wait3A_216 = arith.constant 0 : i32
        %dma_wait3A_217 = tpu.memref_slice %arg2[%dma_wait3A_215, %dma_wait3A_216] : memref<150000x128xf32, #tpu.memory_space<hbm>> -> memref<150000x128xf32, #tpu.memory_space<hbm>>
        tpu.wait_indirect_dma semaphore(%arg16 : memref<!tpu.dma_semaphore, #tpu.memory_space<semaphore_mem>>) src(%dma_wait3A_217 : memref<150000x128xf32, #tpu.memory_space<hbm>>) dst(%dma_wait3A_212 : memref<128x128xf32, #tpu.memory_space<vmem>>)
      } else {
      }
      %rem3A_176 = arith.constant 16 : i32
      %rem3A_177 = arith.remsi %scan3A_166, %rem3A_176 : i32
      %mul3A_178 = arith.constant 128 : i32
      %mul3A_179 = arith.muli %rem3A_177, %mul3A_178 : i32
      %scan3A_180 = arith.constant 0 : i32
      %scan3A_181 = arith.constant 0 : i32
      %scan3A_182 = arith.constant 8 : i32
      %scan3A_183 = arith.addi %scan3A_181, %scan3A_182 : i32
      %scan3A_184 = arith.constant 1 : i32
      scf.for %scan3A_199 = %scan3A_181 to %scan3A_183 step %scan3A_184  : i32 {
        %mul3A_200 = arith.constant 16 : i32
        %mul3A_201 = arith.muli %scan3A_199, %mul3A_200 : i32
        %add3A_202 = arith.constant 0 : i32
        %add3A_203 = arith.addi %mul3A_201, %add3A_202 : i32
        %get3A = arith.index_cast %rem3A_168 : i32 to index
        %get3A_204 = arith.index_cast %add3A_203 : i32 to index
        %get3A_205 = arith.constant 0 : index
        %get3A_206 = tpu.vector_load %arg11[%get3A, %get3A_204, %get3A_205] {strides = array<i32>} : memref<2x128x128xf32, #tpu.memory_space<vmem>>, vector<1x1x16xf32>,
        %get3A_207 = vector.shape_cast %get3A_206 : vector<1x1x16xf32> to vector<16xf32>
        %get3A_208 = arith.index_cast %rem3A_168 : i32 to index
        %get3A_209 = arith.index_cast %add3A_203 : i32 to index
        %get3A_210 = arith.constant 64 : index
        %get3A_211 = tpu.vector_load %arg12[%get3A_208, %get3A_209, %get3A_210] {strides = array<i32>} : memref<2x128x128xf32, #tpu.memory_space<vmem>>, vector<1x1x16xf32>,
        %get3A_212 = vector.shape_cast %get3A_211 : vector<1x1x16xf32> to vector<16xf32>
        %mul3A_213 = arith.mulf %get3A_207, %get3A_212 : vector<16xf32>
        %get3A_214 = arith.index_cast %rem3A_168 : i32 to index
        %get3A_215 = arith.index_cast %add3A_203 : i32 to index
        %get3A_216 = arith.constant 16 : index
        %get3A_217 = tpu.vector_load %arg11[%get3A_214, %get3A_215, %get3A_216] {strides = array<i32>} : memref<2x128x128xf32, #tpu.memory_space<vmem>>, vector<1x1x16xf32>,
        %get3A_218 = vector.shape_cast %get3A_217 : vector<1x1x16xf32> to vector<16xf32>
        %get3A_219 = arith.index_cast %rem3A_168 : i32 to index
        %get3A_220 = arith.index_cast %add3A_203 : i32 to index
        %get3A_221 = arith.constant 80 : index
        %get3A_222 = tpu.vector_load %arg12[%get3A_219, %get3A_220, %get3A_221] {strides = array<i32>} : memref<2x128x128xf32, #tpu.memory_space<vmem>>, vector<1x1x16xf32>,
        %get3A_223 = vector.shape_cast %get3A_222 : vector<1x1x16xf32> to vector<16xf32>
        %mul3A_224 = arith.mulf %get3A_218, %get3A_223 : vector<16xf32>
        %add3A_225 = arith.addf %mul3A_213, %mul3A_224 : vector<16xf32>
        %get3A_226 = arith.index_cast %rem3A_168 : i32 to index
        %get3A_227 = arith.index_cast %add3A_203 : i32 to index
        %get3A_228 = arith.constant 32 : index
        %get3A_229 = tpu.vector_load %arg11[%get3A_226, %get3A_227, %get3A_228] {strides = array<i32>} : memref<2x128x128xf32, #tpu.memory_space<vmem>>, vector<1x1x16xf32>,
        %get3A_230 = vector.shape_cast %get3A_229 : vector<1x1x16xf32> to vector<16xf32>
        %get3A_231 = arith.index_cast %rem3A_168 : i32 to index
        %get3A_232 = arith.index_cast %add3A_203 : i32 to index
        %get3A_233 = arith.constant 96 : index
        %get3A_234 = tpu.vector_load %arg12[%get3A_231, %get3A_232, %get3A_233] {strides = array<i32>} : memref<2x128x128xf32, #tpu.memory_space<vmem>>, vector<1x1x16xf32>,
        %get3A_235 = vector.shape_cast %get3A_234 : vector<1x1x16xf32> to vector<16xf32>
        %mul3A_236 = arith.mulf %get3A_230, %get3A_235 : vector<16xf32>
        %add3A_237 = arith.addf %add3A_225, %mul3A_236 : vector<16xf32>
        %get3A_238 = arith.index_cast %rem3A_168 : i32 to index
        %get3A_239 = arith.index_cast %add3A_203 : i32 to index
        %get3A_240 = arith.constant 48 : index
        %get3A_241 = tpu.vector_load %arg11[%get3A_238, %get3A_239, %get3A_240] {strides = array<i32>} : memref<2x128x128xf32, #tpu.memory_space<vmem>>, vector<1x1x16xf32>,
        %get3A_242 = vector.shape_cast %get3A_241 : vector<1x1x16xf32> to vector<16xf32>
        %get3A_243 = arith.index_cast %rem3A_168 : i32 to index
        %get3A_244 = arith.index_cast %add3A_203 : i32 to index
        %get3A_245 = arith.constant 112 : index
        %get3A_246 = tpu.vector_load %arg12[%get3A_243, %get3A_244, %get3A_245] {strides = array<i32>} : memref<2x128x128xf32, #tpu.memory_space<vmem>>, vector<1x1x16xf32>,
        %get3A_247 = vector.shape_cast %get3A_246 : vector<1x1x16xf32> to vector<16xf32>
        %mul3A_248 = arith.mulf %get3A_242, %get3A_247 : vector<16xf32>
        %add3A_249 = arith.addf %add3A_237, %mul3A_248 : vector<16xf32>
        %xor3A = arith.constant 1 : i32
        %xor3A_250 = vector.broadcast %xor3A : i32 to vector<16xi32>
        %xor3A_251 = arith.xori %iota3A, %xor3A_250 : vector<16xi32>
        %broadcast_in_dim3A_252 = vector.shape_cast %xor3A_251 : vector<16xi32> to vector<16x1xi32>
        %gather3A = vector.shape_cast %broadcast_in_dim3A_252 : vector<16x1xi32> to vector<16xi32>
        %gather3A_253 = tpu.dynamic_gather %add3A_249[%gather3A] in [0] : vector<16xf32>, vector<16xi32> -> vector<16xf32>
        %add3A_254 = arith.addf %add3A_249, %gather3A_253 : vector<16xf32>
        %xor3A_255 = arith.constant 2 : i32
        %xor3A_256 = vector.broadcast %xor3A_255 : i32 to vector<16xi32>
        %xor3A_257 = arith.xori %iota3A, %xor3A_256 : vector<16xi32>
        %broadcast_in_dim3A_258 = vector.shape_cast %xor3A_257 : vector<16xi32> to vector<16x1xi32>
        %gather3A_259 = vector.shape_cast %broadcast_in_dim3A_258 : vector<16x1xi32> to vector<16xi32>
        %gather3A_260 = tpu.dynamic_gather %add3A_254[%gather3A_259] in [0] : vector<16xf32>, vector<16xi32> -> vector<16xf32>
        %add3A_261 = arith.addf %add3A_254, %gather3A_260 : vector<16xf32>
        %xor3A_262 = arith.constant 4 : i32
        %xor3A_263 = vector.broadcast %xor3A_262 : i32 to vector<16xi32>
        %xor3A_264 = arith.xori %iota3A, %xor3A_263 : vector<16xi32>
        %broadcast_in_dim3A_265 = vector.shape_cast %xor3A_264 : vector<16xi32> to vector<16x1xi32>
        %gather3A_266 = vector.shape_cast %broadcast_in_dim3A_265 : vector<16x1xi32> to vector<16xi32>
        %gather3A_267 = tpu.dynamic_gather %add3A_261[%gather3A_266] in [0] : vector<16xf32>, vector<16xi32> -> vector<16xf32>
        %add3A_268 = arith.addf %add3A_261, %gather3A_267 : vector<16xf32>
        %xor3A_269 = arith.constant 8 : i32
        %xor3A_270 = vector.broadcast %xor3A_269 : i32 to vector<16xi32>
        %xor3A_271 = arith.xori %iota3A, %xor3A_270 : vector<16xi32>
        %broadcast_in_dim3A_272 = vector.shape_cast %xor3A_271 : vector<16xi32> to vector<16x1xi32>
        %gather3A_273 = vector.shape_cast %broadcast_in_dim3A_272 : vector<16x1xi32> to vector<16xi32>
        %gather3A_274 = tpu.dynamic_gather %add3A_268[%gather3A_273] in [0] : vector<16xf32>, vector<16xi32> -> vector<16xf32>
        %add3A_275 = arith.addf %add3A_268, %gather3A_274 : vector<16xf32>
        %eq3A_276 = arith.constant 0 : i32
        %eq3A_277 = vector.broadcast %eq3A_276 : i32 to vector<16xi32>
        %eq3A_278 = arith.cmpi eq, %iota3A, %eq3A_277 : vector<16xi32>
        %select_n3A = arith.select %eq3A_278, %add3A_275, %broadcast_in_dim3A_1 : vector<16xi1>, vector<16xf32>
        %add3A_279 = arith.addf %broadcast_in_dim3A_1, %select_n3A : vector<16xf32>
        %mul3A_280 = arith.constant 16 : i32
        %mul3A_281 = arith.muli %scan3A_199, %mul3A_280 : i32
        %add3A_282 = arith.constant 1 : i32
        %add3A_283 = arith.addi %mul3A_281, %add3A_282 : i32
        %get3A_284 = arith.index_cast %rem3A_168 : i32 to index
        %get3A_285 = arith.index_cast %add3A_283 : i32 to index
        %get3A_286 = arith.constant 0 : index
        %get3A_287 = tpu.vector_load %arg11[%get3A_284, %get3A_285, %get3A_286] {strides = array<i32>} : memref<2x128x128xf32, #tpu.memory_space<vmem>>, vector<1x1x16xf32>,
        %get3A_288 = vector.shape_cast %get3A_287 : vector<1x1x16xf32> to vector<16xf32>
        %get3A_289 = arith.index_cast %rem3A_168 : i32 to index
        %get3A_290 = arith.index_cast %add3A_283 : i32 to index
        %get3A_291 = arith.constant 64 : index
        %get3A_292 = tpu.vector_load %arg12[%get3A_289, %get3A_290, %get3A_291] {strides = array<i32>} : memref<2x128x128xf32, #tpu.memory_space<vmem>>, vector<1x1x16xf32>,
        %get3A_293 = vector.shape_cast %get3A_292 : vector<1x1x16xf32> to vector<16xf32>
        %mul3A_294 = arith.mulf %get3A_288, %get3A_293 : vector<16xf32>
        %get3A_295 = arith.index_cast %rem3A_168 : i32 to index
        %get3A_296 = arith.index_cast %add3A_283 : i32 to index
        %get3A_297 = arith.constant 16 : index
        %get3A_298 = tpu.vector_load %arg11[%get3A_295, %get3A_296, %get3A_297] {strides = array<i32>} : memref<2x128x128xf32, #tpu.memory_space<vmem>>, vector<1x1x16xf32>,
        %get3A_299 = vector.shape_cast %get3A_298 : vector<1x1x16xf32> to vector<16xf32>
        %get3A_300 = arith.index_cast %rem3A_168 : i32 to index
        %get3A_301 = arith.index_cast %add3A_283 : i32 to index
        %get3A_302 = arith.constant 80 : index
        %get3A_303 = tpu.vector_load %arg12[%get3A_300, %get3A_301, %get3A_302] {strides = array<i32>} : memref<2x128x128xf32, #tpu.memory_space<vmem>>, vector<1x1x16xf32>,
        %get3A_304 = vector.shape_cast %get3A_303 : vector<1x1x16xf32> to vector<16xf32>
        %mul3A_305 = arith.mulf %get3A_299, %get3A_304 : vector<16xf32>
        %add3A_306 = arith.addf %mul3A_294, %mul3A_305 : vector<16xf32>
        %get3A_307 = arith.index_cast %rem3A_168 : i32 to index
        %get3A_308 = arith.index_cast %add3A_283 : i32 to index
        %get3A_309 = arith.constant 32 : index
        %get3A_310 = tpu.vector_load %arg11[%get3A_307, %get3A_308, %get3A_309] {strides = array<i32>} : memref<2x128x128xf32, #tpu.memory_space<vmem>>, vector<1x1x16xf32>,
        %get3A_311 = vector.shape_cast %get3A_310 : vector<1x1x16xf32> to vector<16xf32>
        %get3A_312 = arith.index_cast %rem3A_168 : i32 to index
        %get3A_313 = arith.index_cast %add3A_283 : i32 to index
        %get3A_314 = arith.constant 96 : index
        %get3A_315 = tpu.vector_load %arg12[%get3A_312, %get3A_313, %get3A_314] {strides = array<i32>} : memref<2x128x128xf32, #tpu.memory_space<vmem>>, vector<1x1x16xf32>,
        %get3A_316 = vector.shape_cast %get3A_315 : vector<1x1x16xf32> to vector<16xf32>
        %mul3A_317 = arith.mulf %get3A_311, %get3A_316 : vector<16xf32>
        %add3A_318 = arith.addf %add3A_306, %mul3A_317 : vector<16xf32>
        %get3A_319 = arith.index_cast %rem3A_168 : i32 to index
        %get3A_320 = arith.index_cast %add3A_283 : i32 to index
        %get3A_321 = arith.constant 48 : index
        %get3A_322 = tpu.vector_load %arg11[%get3A_319, %get3A_320, %get3A_321] {strides = array<i32>} : memref<2x128x128xf32, #tpu.memory_space<vmem>>, vector<1x1x16xf32>,
        %get3A_323 = vector.shape_cast %get3A_322 : vector<1x1x16xf32> to vector<16xf32>
        %get3A_324 = arith.index_cast %rem3A_168 : i32 to index
        %get3A_325 = arith.index_cast %add3A_283 : i32 to index
        %get3A_326 = arith.constant 112 : index
        %get3A_327 = tpu.vector_load %arg12[%get3A_324, %get3A_325, %get3A_326] {strides = array<i32>} : memref<2x128x128xf32, #tpu.memory_space<vmem>>, vector<1x1x16xf32>,
        %get3A_328 = vector.shape_cast %get3A_327 : vector<1x1x16xf32> to vector<16xf32>
        %mul3A_329 = arith.mulf %get3A_323, %get3A_328 : vector<16xf32>
        %add3A_330 = arith.addf %add3A_318, %mul3A_329 : vector<16xf32>
        %xor3A_331 = arith.constant 1 : i32
        %xor3A_332 = vector.broadcast %xor3A_331 : i32 to vector<16xi32>
        %xor3A_333 = arith.xori %iota3A, %xor3A_332 : vector<16xi32>
        %broadcast_in_dim3A_334 = vector.shape_cast %xor3A_333 : vector<16xi32> to vector<16x1xi32>
        %gather3A_335 = vector.shape_cast %broadcast_in_dim3A_334 : vector<16x1xi32> to vector<16xi32>
        %gather3A_336 = tpu.dynamic_gather %add3A_330[%gather3A_335] in [0] : vector<16xf32>, vector<16xi32> -> vector<16xf32>
        %add3A_337 = arith.addf %add3A_330, %gather3A_336 : vector<16xf32>
        %xor3A_338 = arith.constant 2 : i32
        %xor3A_339 = vector.broadcast %xor3A_338 : i32 to vector<16xi32>
        %xor3A_340 = arith.xori %iota3A, %xor3A_339 : vector<16xi32>
        %broadcast_in_dim3A_341 = vector.shape_cast %xor3A_340 : vector<16xi32> to vector<16x1xi32>
        %gather3A_342 = vector.shape_cast %broadcast_in_dim3A_341 : vector<16x1xi32> to vector<16xi32>
        %gather3A_343 = tpu.dynamic_gather %add3A_337[%gather3A_342] in [0] : vector<16xf32>, vector<16xi32> -> vector<16xf32>
        %add3A_344 = arith.addf %add3A_337, %gather3A_343 : vector<16xf32>
        %xor3A_345 = arith.constant 4 : i32
        %xor3A_346 = vector.broadcast %xor3A_345 : i32 to vector<16xi32>
        %xor3A_347 = arith.xori %iota3A, %xor3A_346 : vector<16xi32>
        %broadcast_in_dim3A_348 = vector.shape_cast %xor3A_347 : vector<16xi32> to vector<16x1xi32>
        %gather3A_349 = vector.shape_cast %broadcast_in_dim3A_348 : vector<16x1xi32> to vector<16xi32>
        %gather3A_350 = tpu.dynamic_gather %add3A_344[%gather3A_349] in [0] : vector<16xf32>, vector<16xi32> -> vector<16xf32>
        %add3A_351 = arith.addf %add3A_344, %gather3A_350 : vector<16xf32>
        %xor3A_352 = arith.constant 8 : i32
        %xor3A_353 = vector.broadcast %xor3A_352 : i32 to vector<16xi32>
        %xor3A_354 = arith.xori %iota3A, %xor3A_353 : vector<16xi32>
        %broadcast_in_dim3A_355 = vector.shape_cast %xor3A_354 : vector<16xi32> to vector<16x1xi32>
        %gather3A_356 = vector.shape_cast %broadcast_in_dim3A_355 : vector<16x1xi32> to vector<16xi32>
        %gather3A_357 = tpu.dynamic_gather %add3A_351[%gather3A_356] in [0] : vector<16xf32>, vector<16xi32> -> vector<16xf32>
        %add3A_358 = arith.addf %add3A_351, %gather3A_357 : vector<16xf32>
        %eq3A_359 = arith.constant 1 : i32
        %eq3A_360 = vector.broadcast %eq3A_359 : i32 to vector<16xi32>
        %eq3A_361 = arith.cmpi eq, %iota3A, %eq3A_360 : vector<16xi32>
        %select_n3A_362 = arith.select %eq3A_361, %add3A_358, %broadcast_in_dim3A_1 : vector<16xi1>, vector<16xf32>
        %add3A_363 = arith.addf %add3A_279, %select_n3A_362 : vector<16xf32>
        %mul3A_364 = arith.constant 16 : i32
        %mul3A_365 = arith.muli %scan3A_199, %mul3A_364 : i32
        %add3A_366 = arith.constant 2 : i32
        %add3A_367 = arith.addi %mul3A_365, %add3A_366 : i32
        %get3A_368 = arith.index_cast %rem3A_168 : i32 to index
        %get3A_369 = arith.index_cast %add3A_367 : i32 to index
        %get3A_370 = arith.constant 0 : index
        %get3A_371 = tpu.vector_load %arg11[%get3A_368, %get3A_369, %get3A_370] {strides = array<i32>} : memref<2x128x128xf32, #tpu.memory_space<vmem>>, vector<1x1x16xf32>,
        %get3A_372 = vector.shape_cast %get3A_371 : vector<1x1x16xf32> to vector<16xf32>
        %get3A_373 = arith.index_cast %rem3A_168 : i32 to index
        %get3A_374 = arith.index_cast %add3A_367 : i32 to index
        %get3A_375 = arith.constant 64 : index
        %get3A_376 = tpu.vector_load %arg12[%get3A_373, %get3A_374, %get3A_375] {strides = array<i32>} : memref<2x128x128xf32, #tpu.memory_space<vmem>>, vector<1x1x16xf32>,
        %get3A_377 = vector.shape_cast %get3A_376 : vector<1x1x16xf32> to vector<16xf32>
        %mul3A_378 = arith.mulf %get3A_372, %get3A_377 : vector<16xf32>
        %get3A_379 = arith.index_cast %rem3A_168 : i32 to index
        %get3A_380 = arith.index_cast %add3A_367 : i32 to index
        %get3A_381 = arith.constant 16 : index
        %get3A_382 = tpu.vector_load %arg11[%get3A_379, %get3A_380, %get3A_381] {strides = array<i32>} : memref<2x128x128xf32, #tpu.memory_space<vmem>>, vector<1x1x16xf32>,
        %get3A_383 = vector.shape_cast %get3A_382 : vector<1x1x16xf32> to vector<16xf32>
        %get3A_384 = arith.index_cast %rem3A_168 : i32 to index
        %get3A_385 = arith.index_cast %add3A_367 : i32 to index
        %get3A_386 = arith.constant 80 : index
        %get3A_387 = tpu.vector_load %arg12[%get3A_384, %get3A_385, %get3A_386] {strides = array<i32>} : memref<2x128x128xf32, #tpu.memory_space<vmem>>, vector<1x1x16xf32>,
        %get3A_388 = vector.shape_cast %get3A_387 : vector<1x1x16xf32> to vector<16xf32>
        %mul3A_389 = arith.mulf %get3A_383, %get3A_388 : vector<16xf32>
        %add3A_390 = arith.addf %mul3A_378, %mul3A_389 : vector<16xf32>
        %get3A_391 = arith.index_cast %rem3A_168 : i32 to index
        %get3A_392 = arith.index_cast %add3A_367 : i32 to index
        %get3A_393 = arith.constant 32 : index
        %get3A_394 = tpu.vector_load %arg11[%get3A_391, %get3A_392, %get3A_393] {strides = array<i32>} : memref<2x128x128xf32, #tpu.memory_space<vmem>>, vector<1x1x16xf32>,
        %get3A_395 = vector.shape_cast %get3A_394 : vector<1x1x16xf32> to vector<16xf32>
        %get3A_396 = arith.index_cast %rem3A_168 : i32 to index
        %get3A_397 = arith.index_cast %add3A_367 : i32 to index
        %get3A_398 = arith.constant 96 : index
        %get3A_399 = tpu.vector_load %arg12[%get3A_396, %get3A_397, %get3A_398] {strides = array<i32>} : memref<2x128x128xf32, #tpu.memory_space<vmem>>, vector<1x1x16xf32>,
        %get3A_400 = vector.shape_cast %get3A_399 : vector<1x1x16xf32> to vector<16xf32>
        %mul3A_401 = arith.mulf %get3A_395, %get3A_400 : vector<16xf32>
        %add3A_402 = arith.addf %add3A_390, %mul3A_401 : vector<16xf32>
        %get3A_403 = arith.index_cast %rem3A_168 : i32 to index
        %get3A_404 = arith.index_cast %add3A_367 : i32 to index
        %get3A_405 = arith.constant 48 : index
        %get3A_406 = tpu.vector_load %arg11[%get3A_403, %get3A_404, %get3A_405] {strides = array<i32>} : memref<2x128x128xf32, #tpu.memory_space<vmem>>, vector<1x1x16xf32>,
        %get3A_407 = vector.shape_cast %get3A_406 : vector<1x1x16xf32> to vector<16xf32>
        %get3A_408 = arith.index_cast %rem3A_168 : i32 to index
        %get3A_409 = arith.index_cast %add3A_367 : i32 to index
        %get3A_410 = arith.constant 112 : index
        %get3A_411 = tpu.vector_load %arg12[%get3A_408, %get3A_409, %get3A_410] {strides = array<i32>} : memref<2x128x128xf32, #tpu.memory_space<vmem>>, vector<1x1x16xf32>,
        %get3A_412 = vector.shape_cast %get3A_411 : vector<1x1x16xf32> to vector<16xf32>
        %mul3A_413 = arith.mulf %get3A_407, %get3A_412 : vector<16xf32>
        %add3A_414 = arith.addf %add3A_402, %mul3A_413 : vector<16xf32>
        %xor3A_415 = arith.constant 1 : i32
        %xor3A_416 = vector.broadcast %xor3A_415 : i32 to vector<16xi32>
        %xor3A_417 = arith.xori %iota3A, %xor3A_416 : vector<16xi32>
        %broadcast_in_dim3A_418 = vector.shape_cast %xor3A_417 : vector<16xi32> to vector<16x1xi32>
        %gather3A_419 = vector.shape_cast %broadcast_in_dim3A_418 : vector<16x1xi32> to vector<16xi32>
        %gather3A_420 = tpu.dynamic_gather %add3A_414[%gather3A_419] in [0] : vector<16xf32>, vector<16xi32> -> vector<16xf32>
        %add3A_421 = arith.addf %add3A_414, %gather3A_420 : vector<16xf32>
        %xor3A_422 = arith.constant 2 : i32
        %xor3A_423 = vector.broadcast %xor3A_422 : i32 to vector<16xi32>
        %xor3A_424 = arith.xori %iota3A, %xor3A_423 : vector<16xi32>
        %broadcast_in_dim3A_425 = vector.shape_cast %xor3A_424 : vector<16xi32> to vector<16x1xi32>
        %gather3A_426 = vector.shape_cast %broadcast_in_dim3A_425 : vector<16x1xi32> to vector<16xi32>
        %gather3A_427 = tpu.dynamic_gather %add3A_421[%gather3A_426] in [0] : vector<16xf32>, vector<16xi32> -> vector<16xf32>
        %add3A_428 = arith.addf %add3A_421, %gather3A_427 : vector<16xf32>
        %xor3A_429 = arith.constant 4 : i32
        %xor3A_430 = vector.broadcast %xor3A_429 : i32 to vector<16xi32>
        %xor3A_431 = arith.xori %iota3A, %xor3A_430 : vector<16xi32>
        %broadcast_in_dim3A_432 = vector.shape_cast %xor3A_431 : vector<16xi32> to vector<16x1xi32>
        %gather3A_433 = vector.shape_cast %broadcast_in_dim3A_432 : vector<16x1xi32> to vector<16xi32>
        %gather3A_434 = tpu.dynamic_gather %add3A_428[%gather3A_433] in [0] : vector<16xf32>, vector<16xi32> -> vector<16xf32>
        %add3A_435 = arith.addf %add3A_428, %gather3A_434 : vector<16xf32>
        %xor3A_436 = arith.constant 8 : i32
        %xor3A_437 = vector.broadcast %xor3A_436 : i32 to vector<16xi32>
        %xor3A_438 = arith.xori %iota3A, %xor3A_437 : vector<16xi32>
        %broadcast_in_dim3A_439 = vector.shape_cast %xor3A_438 : vector<16xi32> to vector<16x1xi32>
        %gather3A_440 = vector.shape_cast %broadcast_in_dim3A_439 : vector<16x1xi32> to vector<16xi32>
        %gather3A_441 = tpu.dynamic_gather %add3A_435[%gather3A_440] in [0] : vector<16xf32>, vector<16xi32> -> vector<16xf32>
        %add3A_442 = arith.addf %add3A_435, %gather3A_441 : vector<16xf32>
        %eq3A_443 = arith.constant 2 : i32
        %eq3A_444 = vector.broadcast %eq3A_443 : i32 to vector<16xi32>
        %eq3A_445 = arith.cmpi eq, %iota3A, %eq3A_444 : vector<16xi32>
        %select_n3A_446 = arith.select %eq3A_445, %add3A_442, %broadcast_in_dim3A_1 : vector<16xi1>, vector<16xf32>
        %add3A_447 = arith.addf %add3A_363, %select_n3A_446 : vector<16xf32>
        %mul3A_448 = arith.constant 16 : i32
        %mul3A_449 = arith.muli %scan3A_199, %mul3A_448 : i32
        %add3A_450 = arith.constant 3 : i32
        %add3A_451 = arith.addi %mul3A_449, %add3A_450 : i32
        %get3A_452 = arith.index_cast %rem3A_168 : i32 to index
        %get3A_453 = arith.index_cast %add3A_451 : i32 to index
        %get3A_454 = arith.constant 0 : index
        %get3A_455 = tpu.vector_load %arg11[%get3A_452, %get3A_453, %get3A_454] {strides = array<i32>} : memref<2x128x128xf32, #tpu.memory_space<vmem>>, vector<1x1x16xf32>,
        %get3A_456 = vector.shape_cast %get3A_455 : vector<1x1x16xf32> to vector<16xf32>
        %get3A_457 = arith.index_cast %rem3A_168 : i32 to index
        %get3A_458 = arith.index_cast %add3A_451 : i32 to index
        %get3A_459 = arith.constant 64 : index
        %get3A_460 = tpu.vector_load %arg12[%get3A_457, %get3A_458, %get3A_459] {strides = array<i32>} : memref<2x128x128xf32, #tpu.memory_space<vmem>>, vector<1x1x16xf32>,
        %get3A_461 = vector.shape_cast %get3A_460 : vector<1x1x16xf32> to vector<16xf32>
        %mul3A_462 = arith.mulf %get3A_456, %get3A_461 : vector<16xf32>
        %get3A_463 = arith.index_cast %rem3A_168 : i32 to index
        %get3A_464 = arith.index_cast %add3A_451 : i32 to index
        %get3A_465 = arith.constant 16 : index
        %get3A_466 = tpu.vector_load %arg11[%get3A_463, %get3A_464, %get3A_465] {strides = array<i32>} : memref<2x128x128xf32, #tpu.memory_space<vmem>>, vector<1x1x16xf32>,
        %get3A_467 = vector.shape_cast %get3A_466 : vector<1x1x16xf32> to vector<16xf32>
        %get3A_468 = arith.index_cast %rem3A_168 : i32 to index
        %get3A_469 = arith.index_cast %add3A_451 : i32 to index
        %get3A_470 = arith.constant 80 : index
        %get3A_471 = tpu.vector_load %arg12[%get3A_468, %get3A_469, %get3A_470] {strides = array<i32>} : memref<2x128x128xf32, #tpu.memory_space<vmem>>, vector<1x1x16xf32>,
        %get3A_472 = vector.shape_cast %get3A_471 : vector<1x1x16xf32> to vector<16xf32>
        %mul3A_473 = arith.mulf %get3A_467, %get3A_472 : vector<16xf32>
        %add3A_474 = arith.addf %mul3A_462, %mul3A_473 : vector<16xf32>
        %get3A_475 = arith.index_cast %rem3A_168 : i32 to index
        %get3A_476 = arith.index_cast %add3A_451 : i32 to index
        %get3A_477 = arith.constant 32 : index
        %get3A_478 = tpu.vector_load %arg11[%get3A_475, %get3A_476, %get3A_477] {strides = array<i32>} : memref<2x128x128xf32, #tpu.memory_space<vmem>>, vector<1x1x16xf32>,
        %get3A_479 = vector.shape_cast %get3A_478 : vector<1x1x16xf32> to vector<16xf32>
        %get3A_480 = arith.index_cast %rem3A_168 : i32 to index
        %get3A_481 = arith.index_cast %add3A_451 : i32 to index
        %get3A_482 = arith.constant 96 : index
        %get3A_483 = tpu.vector_load %arg12[%get3A_480, %get3A_481, %get3A_482] {strides = array<i32>} : memref<2x128x128xf32, #tpu.memory_space<vmem>>, vector<1x1x16xf32>,
        %get3A_484 = vector.shape_cast %get3A_483 : vector<1x1x16xf32> to vector<16xf32>
        %mul3A_485 = arith.mulf %get3A_479, %get3A_484 : vector<16xf32>
        %add3A_486 = arith.addf %add3A_474, %mul3A_485 : vector<16xf32>
        %get3A_487 = arith.index_cast %rem3A_168 : i32 to index
        %get3A_488 = arith.index_cast %add3A_451 : i32 to index
        %get3A_489 = arith.constant 48 : index
        %get3A_490 = tpu.vector_load %arg11[%get3A_487, %get3A_488, %get3A_489] {strides = array<i32>} : memref<2x128x128xf32, #tpu.memory_space<vmem>>, vector<1x1x16xf32>,
        %get3A_491 = vector.shape_cast %get3A_490 : vector<1x1x16xf32> to vector<16xf32>
        %get3A_492 = arith.index_cast %rem3A_168 : i32 to index
        %get3A_493 = arith.index_cast %add3A_451 : i32 to index
        %get3A_494 = arith.constant 112 : index
        %get3A_495 = tpu.vector_load %arg12[%get3A_492, %get3A_493, %get3A_494] {strides = array<i32>} : memref<2x128x128xf32, #tpu.memory_space<vmem>>, vector<1x1x16xf32>,
        %get3A_496 = vector.shape_cast %get3A_495 : vector<1x1x16xf32> to vector<16xf32>
        %mul3A_497 = arith.mulf %get3A_491, %get3A_496 : vector<16xf32>
        %add3A_498 = arith.addf %add3A_486, %mul3A_497 : vector<16xf32>
        %xor3A_499 = arith.constant 1 : i32
        %xor3A_500 = vector.broadcast %xor3A_499 : i32 to vector<16xi32>
        %xor3A_501 = arith.xori %iota3A, %xor3A_500 : vector<16xi32>
        %broadcast_in_dim3A_502 = vector.shape_cast %xor3A_501 : vector<16xi32> to vector<16x1xi32>
        %gather3A_503 = vector.shape_cast %broadcast_in_dim3A_502 : vector<16x1xi32> to vector<16xi32>
        %gather3A_504 = tpu.dynamic_gather %add3A_498[%gather3A_503] in [0] : vector<16xf32>, vector<16xi32> -> vector<16xf32>
        %add3A_505 = arith.addf %add3A_498, %gather3A_504 : vector<16xf32>
        %xor3A_506 = arith.constant 2 : i32
        %xor3A_507 = vector.broadcast %xor3A_506 : i32 to vector<16xi32>
        %xor3A_508 = arith.xori %iota3A, %xor3A_507 : vector<16xi32>
        %broadcast_in_dim3A_509 = vector.shape_cast %xor3A_508 : vector<16xi32> to vector<16x1xi32>
        %gather3A_510 = vector.shape_cast %broadcast_in_dim3A_509 : vector<16x1xi32> to vector<16xi32>
        %gather3A_511 = tpu.dynamic_gather %add3A_505[%gather3A_510] in [0] : vector<16xf32>, vector<16xi32> -> vector<16xf32>
        %add3A_512 = arith.addf %add3A_505, %gather3A_511 : vector<16xf32>
        %xor3A_513 = arith.constant 4 : i32
        %xor3A_514 = vector.broadcast %xor3A_513 : i32 to vector<16xi32>
        %xor3A_515 = arith.xori %iota3A, %xor3A_514 : vector<16xi32>
        %broadcast_in_dim3A_516 = vector.shape_cast %xor3A_515 : vector<16xi32> to vector<16x1xi32>
        %gather3A_517 = vector.shape_cast %broadcast_in_dim3A_516 : vector<16x1xi32> to vector<16xi32>
        %gather3A_518 = tpu.dynamic_gather %add3A_512[%gather3A_517] in [0] : vector<16xf32>, vector<16xi32> -> vector<16xf32>
        %add3A_519 = arith.addf %add3A_512, %gather3A_518 : vector<16xf32>
        %xor3A_520 = arith.constant 8 : i32
        %xor3A_521 = vector.broadcast %xor3A_520 : i32 to vector<16xi32>
        %xor3A_522 = arith.xori %iota3A, %xor3A_521 : vector<16xi32>
        %broadcast_in_dim3A_523 = vector.shape_cast %xor3A_522 : vector<16xi32> to vector<16x1xi32>
        %gather3A_524 = vector.shape_cast %broadcast_in_dim3A_523 : vector<16x1xi32> to vector<16xi32>
        %gather3A_525 = tpu.dynamic_gather %add3A_519[%gather3A_524] in [0] : vector<16xf32>, vector<16xi32> -> vector<16xf32>
        %add3A_526 = arith.addf %add3A_519, %gather3A_525 : vector<16xf32>
        %eq3A_527 = arith.constant 3 : i32
        %eq3A_528 = vector.broadcast %eq3A_527 : i32 to vector<16xi32>
        %eq3A_529 = arith.cmpi eq, %iota3A, %eq3A_528 : vector<16xi32>
        %select_n3A_530 = arith.select %eq3A_529, %add3A_526, %broadcast_in_dim3A_1 : vector<16xi1>, vector<16xf32>
        %add3A_531 = arith.addf %add3A_447, %select_n3A_530 : vector<16xf32>
        %mul3A_532 = arith.constant 16 : i32
        %mul3A_533 = arith.muli %scan3A_199, %mul3A_532 : i32
        %add3A_534 = arith.constant 4 : i32
        %add3A_535 = arith.addi %mul3A_533, %add3A_534 : i32
        %get3A_536 = arith.index_cast %rem3A_168 : i32 to index
        %get3A_537 = arith.index_cast %add3A_535 : i32 to index
        %get3A_538 = arith.constant 0 : index
        %get3A_539 = tpu.vector_load %arg11[%get3A_536, %get3A_537, %get3A_538] {strides = array<i32>} : memref<2x128x128xf32, #tpu.memory_space<vmem>>, vector<1x1x16xf32>,
        %get3A_540 = vector.shape_cast %get3A_539 : vector<1x1x16xf32> to vector<16xf32>
        %get3A_541 = arith.index_cast %rem3A_168 : i32 to index
        %get3A_542 = arith.index_cast %add3A_535 : i32 to index
        %get3A_543 = arith.constant 64 : index
        %get3A_544 = tpu.vector_load %arg12[%get3A_541, %get3A_542, %get3A_543] {strides = array<i32>} : memref<2x128x128xf32, #tpu.memory_space<vmem>>, vector<1x1x16xf32>,
        %get3A_545 = vector.shape_cast %get3A_544 : vector<1x1x16xf32> to vector<16xf32>
        %mul3A_546 = arith.mulf %get3A_540, %get3A_545 : vector<16xf32>
        %get3A_547 = arith.index_cast %rem3A_168 : i32 to index
        %get3A_548 = arith.index_cast %add3A_535 : i32 to index
        %get3A_549 = arith.constant 16 : index
        %get3A_550 = tpu.vector_load %arg11[%get3A_547, %get3A_548, %get3A_549] {strides = array<i32>} : memref<2x128x128xf32, #tpu.memory_space<vmem>>, vector<1x1x16xf32>,
        %get3A_551 = vector.shape_cast %get3A_550 : vector<1x1x16xf32> to vector<16xf32>
        %get3A_552 = arith.index_cast %rem3A_168 : i32 to index
        %get3A_553 = arith.index_cast %add3A_535 : i32 to index
        %get3A_554 = arith.constant 80 : index
        %get3A_555 = tpu.vector_load %arg12[%get3A_552, %get3A_553, %get3A_554] {strides = array<i32>} : memref<2x128x128xf32, #tpu.memory_space<vmem>>, vector<1x1x16xf32>,
        %get3A_556 = vector.shape_cast %get3A_555 : vector<1x1x16xf32> to vector<16xf32>
        %mul3A_557 = arith.mulf %get3A_551, %get3A_556 : vector<16xf32>
        %add3A_558 = arith.addf %mul3A_546, %mul3A_557 : vector<16xf32>
        %get3A_559 = arith.index_cast %rem3A_168 : i32 to index
        %get3A_560 = arith.index_cast %add3A_535 : i32 to index
        %get3A_561 = arith.constant 32 : index
        %get3A_562 = tpu.vector_load %arg11[%get3A_559, %get3A_560, %get3A_561] {strides = array<i32>} : memref<2x128x128xf32, #tpu.memory_space<vmem>>, vector<1x1x16xf32>,
        %get3A_563 = vector.shape_cast %get3A_562 : vector<1x1x16xf32> to vector<16xf32>
        %get3A_564 = arith.index_cast %rem3A_168 : i32 to index
        %get3A_565 = arith.index_cast %add3A_535 : i32 to index
        %get3A_566 = arith.constant 96 : index
        %get3A_567 = tpu.vector_load %arg12[%get3A_564, %get3A_565, %get3A_566] {strides = array<i32>} : memref<2x128x128xf32, #tpu.memory_space<vmem>>, vector<1x1x16xf32>,
        %get3A_568 = vector.shape_cast %get3A_567 : vector<1x1x16xf32> to vector<16xf32>
        %mul3A_569 = arith.mulf %get3A_563, %get3A_568 : vector<16xf32>
        %add3A_570 = arith.addf %add3A_558, %mul3A_569 : vector<16xf32>
        %get3A_571 = arith.index_cast %rem3A_168 : i32 to index
        %get3A_572 = arith.index_cast %add3A_535 : i32 to index
        %get3A_573 = arith.constant 48 : index
        %get3A_574 = tpu.vector_load %arg11[%get3A_571, %get3A_572, %get3A_573] {strides = array<i32>} : memref<2x128x128xf32, #tpu.memory_space<vmem>>, vector<1x1x16xf32>,
        %get3A_575 = vector.shape_cast %get3A_574 : vector<1x1x16xf32> to vector<16xf32>
        %get3A_576 = arith.index_cast %rem3A_168 : i32 to index
        %get3A_577 = arith.index_cast %add3A_535 : i32 to index
        %get3A_578 = arith.constant 112 : index
        %get3A_579 = tpu.vector_load %arg12[%get3A_576, %get3A_577, %get3A_578] {strides = array<i32>} : memref<2x128x128xf32, #tpu.memory_space<vmem>>, vector<1x1x16xf32>,
        %get3A_580 = vector.shape_cast %get3A_579 : vector<1x1x16xf32> to vector<16xf32>
        %mul3A_581 = arith.mulf %get3A_575, %get3A_580 : vector<16xf32>
        %add3A_582 = arith.addf %add3A_570, %mul3A_581 : vector<16xf32>
        %xor3A_583 = arith.constant 1 : i32
        %xor3A_584 = vector.broadcast %xor3A_583 : i32 to vector<16xi32>
        %xor3A_585 = arith.xori %iota3A, %xor3A_584 : vector<16xi32>
        %broadcast_in_dim3A_586 = vector.shape_cast %xor3A_585 : vector<16xi32> to vector<16x1xi32>
        %gather3A_587 = vector.shape_cast %broadcast_in_dim3A_586 : vector<16x1xi32> to vector<16xi32>
        %gather3A_588 = tpu.dynamic_gather %add3A_582[%gather3A_587] in [0] : vector<16xf32>, vector<16xi32> -> vector<16xf32>
        %add3A_589 = arith.addf %add3A_582, %gather3A_588 : vector<16xf32>
        %xor3A_590 = arith.constant 2 : i32
        %xor3A_591 = vector.broadcast %xor3A_590 : i32 to vector<16xi32>
        %xor3A_592 = arith.xori %iota3A, %xor3A_591 : vector<16xi32>
        %broadcast_in_dim3A_593 = vector.shape_cast %xor3A_592 : vector<16xi32> to vector<16x1xi32>
        %gather3A_594 = vector.shape_cast %broadcast_in_dim3A_593 : vector<16x1xi32> to vector<16xi32>
        %gather3A_595 = tpu.dynamic_gather %add3A_589[%gather3A_594] in [0] : vector<16xf32>, vector<16xi32> -> vector<16xf32>
        %add3A_596 = arith.addf %add3A_589, %gather3A_595 : vector<16xf32>
        %xor3A_597 = arith.constant 4 : i32
        %xor3A_598 = vector.broadcast %xor3A_597 : i32 to vector<16xi32>
        %xor3A_599 = arith.xori %iota3A, %xor3A_598 : vector<16xi32>
        %broadcast_in_dim3A_600 = vector.shape_cast %xor3A_599 : vector<16xi32> to vector<16x1xi32>
        %gather3A_601 = vector.shape_cast %broadcast_in_dim3A_600 : vector<16x1xi32> to vector<16xi32>
        %gather3A_602 = tpu.dynamic_gather %add3A_596[%gather3A_601] in [0] : vector<16xf32>, vector<16xi32> -> vector<16xf32>
        %add3A_603 = arith.addf %add3A_596, %gather3A_602 : vector<16xf32>
        %xor3A_604 = arith.constant 8 : i32
        %xor3A_605 = vector.broadcast %xor3A_604 : i32 to vector<16xi32>
        %xor3A_606 = arith.xori %iota3A, %xor3A_605 : vector<16xi32>
        %broadcast_in_dim3A_607 = vector.shape_cast %xor3A_606 : vector<16xi32> to vector<16x1xi32>
        %gather3A_608 = vector.shape_cast %broadcast_in_dim3A_607 : vector<16x1xi32> to vector<16xi32>
        %gather3A_609 = tpu.dynamic_gather %add3A_603[%gather3A_608] in [0] : vector<16xf32>, vector<16xi32> -> vector<16xf32>
        %add3A_610 = arith.addf %add3A_603, %gather3A_609 : vector<16xf32>
        %eq3A_611 = arith.constant 4 : i32
        %eq3A_612 = vector.broadcast %eq3A_611 : i32 to vector<16xi32>
        %eq3A_613 = arith.cmpi eq, %iota3A, %eq3A_612 : vector<16xi32>
        %select_n3A_614 = arith.select %eq3A_613, %add3A_610, %broadcast_in_dim3A_1 : vector<16xi1>, vector<16xf32>
        %add3A_615 = arith.addf %add3A_531, %select_n3A_614 : vector<16xf32>
        %mul3A_616 = arith.constant 16 : i32
        %mul3A_617 = arith.muli %scan3A_199, %mul3A_616 : i32
        %add3A_618 = arith.constant 5 : i32
        %add3A_619 = arith.addi %mul3A_617, %add3A_618 : i32
        %get3A_620 = arith.index_cast %rem3A_168 : i32 to index
        %get3A_621 = arith.index_cast %add3A_619 : i32 to index
        %get3A_622 = arith.constant 0 : index
        %get3A_623 = tpu.vector_load %arg11[%get3A_620, %get3A_621, %get3A_622] {strides = array<i32>} : memref<2x128x128xf32, #tpu.memory_space<vmem>>, vector<1x1x16xf32>,
        %get3A_624 = vector.shape_cast %get3A_623 : vector<1x1x16xf32> to vector<16xf32>
        %get3A_625 = arith.index_cast %rem3A_168 : i32 to index
        %get3A_626 = arith.index_cast %add3A_619 : i32 to index
        %get3A_627 = arith.constant 64 : index
        %get3A_628 = tpu.vector_load %arg12[%get3A_625, %get3A_626, %get3A_627] {strides = array<i32>} : memref<2x128x128xf32, #tpu.memory_space<vmem>>, vector<1x1x16xf32>,
        %get3A_629 = vector.shape_cast %get3A_628 : vector<1x1x16xf32> to vector<16xf32>
        %mul3A_630 = arith.mulf %get3A_624, %get3A_629 : vector<16xf32>
        %get3A_631 = arith.index_cast %rem3A_168 : i32 to index
        %get3A_632 = arith.index_cast %add3A_619 : i32 to index
        %get3A_633 = arith.constant 16 : index
        %get3A_634 = tpu.vector_load %arg11[%get3A_631, %get3A_632, %get3A_633] {strides = array<i32>} : memref<2x128x128xf32, #tpu.memory_space<vmem>>, vector<1x1x16xf32>,
        %get3A_635 = vector.shape_cast %get3A_634 : vector<1x1x16xf32> to vector<16xf32>
        %get3A_636 = arith.index_cast %rem3A_168 : i32 to index
        %get3A_637 = arith.index_cast %add3A_619 : i32 to index
        %get3A_638 = arith.constant 80 : index
        %get3A_639 = tpu.vector_load %arg12[%get3A_636, %get3A_637, %get3A_638] {strides = array<i32>} : memref<2x128x128xf32, #tpu.memory_space<vmem>>, vector<1x1x16xf32>,
        %get3A_640 = vector.shape_cast %get3A_639 : vector<1x1x16xf32> to vector<16xf32>
        %mul3A_641 = arith.mulf %get3A_635, %get3A_640 : vector<16xf32>
        %add3A_642 = arith.addf %mul3A_630, %mul3A_641 : vector<16xf32>
        %get3A_643 = arith.index_cast %rem3A_168 : i32 to index
        %get3A_644 = arith.index_cast %add3A_619 : i32 to index
        %get3A_645 = arith.constant 32 : index
        %get3A_646 = tpu.vector_load %arg11[%get3A_643, %get3A_644, %get3A_645] {strides = array<i32>} : memref<2x128x128xf32, #tpu.memory_space<vmem>>, vector<1x1x16xf32>,
        %get3A_647 = vector.shape_cast %get3A_646 : vector<1x1x16xf32> to vector<16xf32>
        %get3A_648 = arith.index_cast %rem3A_168 : i32 to index
        %get3A_649 = arith.index_cast %add3A_619 : i32 to index
        %get3A_650 = arith.constant 96 : index
        %get3A_651 = tpu.vector_load %arg12[%get3A_648, %get3A_649, %get3A_650] {strides = array<i32>} : memref<2x128x128xf32, #tpu.memory_space<vmem>>, vector<1x1x16xf32>,
        %get3A_652 = vector.shape_cast %get3A_651 : vector<1x1x16xf32> to vector<16xf32>
        %mul3A_653 = arith.mulf %get3A_647, %get3A_652 : vector<16xf32>
        %add3A_654 = arith.addf %add3A_642, %mul3A_653 : vector<16xf32>
        %get3A_655 = arith.index_cast %rem3A_168 : i32 to index
        %get3A_656 = arith.index_cast %add3A_619 : i32 to index
        %get3A_657 = arith.constant 48 : index
        %get3A_658 = tpu.vector_load %arg11[%get3A_655, %get3A_656, %get3A_657] {strides = array<i32>} : memref<2x128x128xf32, #tpu.memory_space<vmem>>, vector<1x1x16xf32>,
        %get3A_659 = vector.shape_cast %get3A_658 : vector<1x1x16xf32> to vector<16xf32>
        %get3A_660 = arith.index_cast %rem3A_168 : i32 to index
        %get3A_661 = arith.index_cast %add3A_619 : i32 to index
        %get3A_662 = arith.constant 112 : index
        %get3A_663 = tpu.vector_load %arg12[%get3A_660, %get3A_661, %get3A_662] {strides = array<i32>} : memref<2x128x128xf32, #tpu.memory_space<vmem>>, vector<1x1x16xf32>,
        %get3A_664 = vector.shape_cast %get3A_663 : vector<1x1x16xf32> to vector<16xf32>
        %mul3A_665 = arith.mulf %get3A_659, %get3A_664 : vector<16xf32>
        %add3A_666 = arith.addf %add3A_654, %mul3A_665 : vector<16xf32>
        %xor3A_667 = arith.constant 1 : i32
        %xor3A_668 = vector.broadcast %xor3A_667 : i32 to vector<16xi32>
        %xor3A_669 = arith.xori %iota3A, %xor3A_668 : vector<16xi32>
        %broadcast_in_dim3A_670 = vector.shape_cast %xor3A_669 : vector<16xi32> to vector<16x1xi32>
        %gather3A_671 = vector.shape_cast %broadcast_in_dim3A_670 : vector<16x1xi32> to vector<16xi32>
        %gather3A_672 = tpu.dynamic_gather %add3A_666[%gather3A_671] in [0] : vector<16xf32>, vector<16xi32> -> vector<16xf32>
        %add3A_673 = arith.addf %add3A_666, %gather3A_672 : vector<16xf32>
        %xor3A_674 = arith.constant 2 : i32
        %xor3A_675 = vector.broadcast %xor3A_674 : i32 to vector<16xi32>
        %xor3A_676 = arith.xori %iota3A, %xor3A_675 : vector<16xi32>
        %broadcast_in_dim3A_677 = vector.shape_cast %xor3A_676 : vector<16xi32> to vector<16x1xi32>
        %gather3A_678 = vector.shape_cast %broadcast_in_dim3A_677 : vector<16x1xi32> to vector<16xi32>
        %gather3A_679 = tpu.dynamic_gather %add3A_673[%gather3A_678] in [0] : vector<16xf32>, vector<16xi32> -> vector<16xf32>
        %add3A_680 = arith.addf %add3A_673, %gather3A_679 : vector<16xf32>
        %xor3A_681 = arith.constant 4 : i32
        %xor3A_682 = vector.broadcast %xor3A_681 : i32 to vector<16xi32>
        %xor3A_683 = arith.xori %iota3A, %xor3A_682 : vector<16xi32>
        %broadcast_in_dim3A_684 = vector.shape_cast %xor3A_683 : vector<16xi32> to vector<16x1xi32>
        %gather3A_685 = vector.shape_cast %broadcast_in_dim3A_684 : vector<16x1xi32> to vector<16xi32>
        %gather3A_686 = tpu.dynamic_gather %add3A_680[%gather3A_685] in [0] : vector<16xf32>, vector<16xi32> -> vector<16xf32>
        %add3A_687 = arith.addf %add3A_680, %gather3A_686 : vector<16xf32>
        %xor3A_688 = arith.constant 8 : i32
        %xor3A_689 = vector.broadcast %xor3A_688 : i32 to vector<16xi32>
        %xor3A_690 = arith.xori %iota3A, %xor3A_689 : vector<16xi32>
        %broadcast_in_dim3A_691 = vector.shape_cast %xor3A_690 : vector<16xi32> to vector<16x1xi32>
        %gather3A_692 = vector.shape_cast %broadcast_in_dim3A_691 : vector<16x1xi32> to vector<16xi32>
        %gather3A_693 = tpu.dynamic_gather %add3A_687[%gather3A_692] in [0] : vector<16xf32>, vector<16xi32> -> vector<16xf32>
        %add3A_694 = arith.addf %add3A_687, %gather3A_693 : vector<16xf32>
        %eq3A_695 = arith.constant 5 : i32
        %eq3A_696 = vector.broadcast %eq3A_695 : i32 to vector<16xi32>
        %eq3A_697 = arith.cmpi eq, %iota3A, %eq3A_696 : vector<16xi32>
        %select_n3A_698 = arith.select %eq3A_697, %add3A_694, %broadcast_in_dim3A_1 : vector<16xi1>, vector<16xf32>
        %add3A_699 = arith.addf %add3A_615, %select_n3A_698 : vector<16xf32>
        %mul3A_700 = arith.constant 16 : i32
        %mul3A_701 = arith.muli %scan3A_199, %mul3A_700 : i32
        %add3A_702 = arith.constant 6 : i32
        %add3A_703 = arith.addi %mul3A_701, %add3A_702 : i32
        %get3A_704 = arith.index_cast %rem3A_168 : i32 to index
        %get3A_705 = arith.index_cast %add3A_703 : i32 to index
        %get3A_706 = arith.constant 0 : index
        %get3A_707 = tpu.vector_load %arg11[%get3A_704, %get3A_705, %get3A_706] {strides = array<i32>} : memref<2x128x128xf32, #tpu.memory_space<vmem>>, vector<1x1x16xf32>,
        %get3A_708 = vector.shape_cast %get3A_707 : vector<1x1x16xf32> to vector<16xf32>
        %get3A_709 = arith.index_cast %rem3A_168 : i32 to index
        %get3A_710 = arith.index_cast %add3A_703 : i32 to index
        %get3A_711 = arith.constant 64 : index
        %get3A_712 = tpu.vector_load %arg12[%get3A_709, %get3A_710, %get3A_711] {strides = array<i32>} : memref<2x128x128xf32, #tpu.memory_space<vmem>>, vector<1x1x16xf32>,
        %get3A_713 = vector.shape_cast %get3A_712 : vector<1x1x16xf32> to vector<16xf32>
        %mul3A_714 = arith.mulf %get3A_708, %get3A_713 : vector<16xf32>
        %get3A_715 = arith.index_cast %rem3A_168 : i32 to index
        %get3A_716 = arith.index_cast %add3A_703 : i32 to index
        %get3A_717 = arith.constant 16 : index
        %get3A_718 = tpu.vector_load %arg11[%get3A_715, %get3A_716, %get3A_717] {strides = array<i32>} : memref<2x128x128xf32, #tpu.memory_space<vmem>>, vector<1x1x16xf32>,
        %get3A_719 = vector.shape_cast %get3A_718 : vector<1x1x16xf32> to vector<16xf32>
        %get3A_720 = arith.index_cast %rem3A_168 : i32 to index
        %get3A_721 = arith.index_cast %add3A_703 : i32 to index
        %get3A_722 = arith.constant 80 : index
        %get3A_723 = tpu.vector_load %arg12[%get3A_720, %get3A_721, %get3A_722] {strides = array<i32>} : memref<2x128x128xf32, #tpu.memory_space<vmem>>, vector<1x1x16xf32>,
        %get3A_724 = vector.shape_cast %get3A_723 : vector<1x1x16xf32> to vector<16xf32>
        %mul3A_725 = arith.mulf %get3A_719, %get3A_724 : vector<16xf32>
        %add3A_726 = arith.addf %mul3A_714, %mul3A_725 : vector<16xf32>
        %get3A_727 = arith.index_cast %rem3A_168 : i32 to index
        %get3A_728 = arith.index_cast %add3A_703 : i32 to index
        %get3A_729 = arith.constant 32 : index
        %get3A_730 = tpu.vector_load %arg11[%get3A_727, %get3A_728, %get3A_729] {strides = array<i32>} : memref<2x128x128xf32, #tpu.memory_space<vmem>>, vector<1x1x16xf32>,
        %get3A_731 = vector.shape_cast %get3A_730 : vector<1x1x16xf32> to vector<16xf32>
        %get3A_732 = arith.index_cast %rem3A_168 : i32 to index
        %get3A_733 = arith.index_cast %add3A_703 : i32 to index
        %get3A_734 = arith.constant 96 : index
        %get3A_735 = tpu.vector_load %arg12[%get3A_732, %get3A_733, %get3A_734] {strides = array<i32>} : memref<2x128x128xf32, #tpu.memory_space<vmem>>, vector<1x1x16xf32>,
        %get3A_736 = vector.shape_cast %get3A_735 : vector<1x1x16xf32> to vector<16xf32>
        %mul3A_737 = arith.mulf %get3A_731, %get3A_736 : vector<16xf32>
        %add3A_738 = arith.addf %add3A_726, %mul3A_737 : vector<16xf32>
        %get3A_739 = arith.index_cast %rem3A_168 : i32 to index
        %get3A_740 = arith.index_cast %add3A_703 : i32 to index
        %get3A_741 = arith.constant 48 : index
        %get3A_742 = tpu.vector_load %arg11[%get3A_739, %get3A_740, %get3A_741] {strides = array<i32>} : memref<2x128x128xf32, #tpu.memory_space<vmem>>, vector<1x1x16xf32>,
        %get3A_743 = vector.shape_cast %get3A_742 : vector<1x1x16xf32> to vector<16xf32>
        %get3A_744 = arith.index_cast %rem3A_168 : i32 to index
        %get3A_745 = arith.index_cast %add3A_703 : i32 to index
        %get3A_746 = arith.constant 112 : index
        %get3A_747 = tpu.vector_load %arg12[%get3A_744, %get3A_745, %get3A_746] {strides = array<i32>} : memref<2x128x128xf32, #tpu.memory_space<vmem>>, vector<1x1x16xf32>,
        %get3A_748 = vector.shape_cast %get3A_747 : vector<1x1x16xf32> to vector<16xf32>
        %mul3A_749 = arith.mulf %get3A_743, %get3A_748 : vector<16xf32>
        %add3A_750 = arith.addf %add3A_738, %mul3A_749 : vector<16xf32>
        %xor3A_751 = arith.constant 1 : i32
        %xor3A_752 = vector.broadcast %xor3A_751 : i32 to vector<16xi32>
        %xor3A_753 = arith.xori %iota3A, %xor3A_752 : vector<16xi32>
        %broadcast_in_dim3A_754 = vector.shape_cast %xor3A_753 : vector<16xi32> to vector<16x1xi32>
        %gather3A_755 = vector.shape_cast %broadcast_in_dim3A_754 : vector<16x1xi32> to vector<16xi32>
        %gather3A_756 = tpu.dynamic_gather %add3A_750[%gather3A_755] in [0] : vector<16xf32>, vector<16xi32> -> vector<16xf32>
        %add3A_757 = arith.addf %add3A_750, %gather3A_756 : vector<16xf32>
        %xor3A_758 = arith.constant 2 : i32
        %xor3A_759 = vector.broadcast %xor3A_758 : i32 to vector<16xi32>
        %xor3A_760 = arith.xori %iota3A, %xor3A_759 : vector<16xi32>
        %broadcast_in_dim3A_761 = vector.shape_cast %xor3A_760 : vector<16xi32> to vector<16x1xi32>
        %gather3A_762 = vector.shape_cast %broadcast_in_dim3A_761 : vector<16x1xi32> to vector<16xi32>
        %gather3A_763 = tpu.dynamic_gather %add3A_757[%gather3A_762] in [0] : vector<16xf32>, vector<16xi32> -> vector<16xf32>
        %add3A_764 = arith.addf %add3A_757, %gather3A_763 : vector<16xf32>
        %xor3A_765 = arith.constant 4 : i32
        %xor3A_766 = vector.broadcast %xor3A_765 : i32 to vector<16xi32>
        %xor3A_767 = arith.xori %iota3A, %xor3A_766 : vector<16xi32>
        %broadcast_in_dim3A_768 = vector.shape_cast %xor3A_767 : vector<16xi32> to vector<16x1xi32>
        %gather3A_769 = vector.shape_cast %broadcast_in_dim3A_768 : vector<16x1xi32> to vector<16xi32>
        %gather3A_770 = tpu.dynamic_gather %add3A_764[%gather3A_769] in [0] : vector<16xf32>, vector<16xi32> -> vector<16xf32>
        %add3A_771 = arith.addf %add3A_764, %gather3A_770 : vector<16xf32>
        %xor3A_772 = arith.constant 8 : i32
        %xor3A_773 = vector.broadcast %xor3A_772 : i32 to vector<16xi32>
        %xor3A_774 = arith.xori %iota3A, %xor3A_773 : vector<16xi32>
        %broadcast_in_dim3A_775 = vector.shape_cast %xor3A_774 : vector<16xi32> to vector<16x1xi32>
        %gather3A_776 = vector.shape_cast %broadcast_in_dim3A_775 : vector<16x1xi32> to vector<16xi32>
        %gather3A_777 = tpu.dynamic_gather %add3A_771[%gather3A_776] in [0] : vector<16xf32>, vector<16xi32> -> vector<16xf32>
        %add3A_778 = arith.addf %add3A_771, %gather3A_777 : vector<16xf32>
        %eq3A_779 = arith.constant 6 : i32
        %eq3A_780 = vector.broadcast %eq3A_779 : i32 to vector<16xi32>
        %eq3A_781 = arith.cmpi eq, %iota3A, %eq3A_780 : vector<16xi32>
        %select_n3A_782 = arith.select %eq3A_781, %add3A_778, %broadcast_in_dim3A_1 : vector<16xi1>, vector<16xf32>
        %add3A_783 = arith.addf %add3A_699, %select_n3A_782 : vector<16xf32>
        %mul3A_784 = arith.constant 16 : i32
        %mul3A_785 = arith.muli %scan3A_199, %mul3A_784 : i32
        %add3A_786 = arith.constant 7 : i32
        %add3A_787 = arith.addi %mul3A_785, %add3A_786 : i32
        %get3A_788 = arith.index_cast %rem3A_168 : i32 to index
        %get3A_789 = arith.index_cast %add3A_787 : i32 to index
        %get3A_790 = arith.constant 0 : index
        %get3A_791 = tpu.vector_load %arg11[%get3A_788, %get3A_789, %get3A_790] {strides = array<i32>} : memref<2x128x128xf32, #tpu.memory_space<vmem>>, vector<1x1x16xf32>,
        %get3A_792 = vector.shape_cast %get3A_791 : vector<1x1x16xf32> to vector<16xf32>
        %get3A_793 = arith.index_cast %rem3A_168 : i32 to index
        %get3A_794 = arith.index_cast %add3A_787 : i32 to index
        %get3A_795 = arith.constant 64 : index
        %get3A_796 = tpu.vector_load %arg12[%get3A_793, %get3A_794, %get3A_795] {strides = array<i32>} : memref<2x128x128xf32, #tpu.memory_space<vmem>>, vector<1x1x16xf32>,
        %get3A_797 = vector.shape_cast %get3A_796 : vector<1x1x16xf32> to vector<16xf32>
        %mul3A_798 = arith.mulf %get3A_792, %get3A_797 : vector<16xf32>
        %get3A_799 = arith.index_cast %rem3A_168 : i32 to index
        %get3A_800 = arith.index_cast %add3A_787 : i32 to index
        %get3A_801 = arith.constant 16 : index
        %get3A_802 = tpu.vector_load %arg11[%get3A_799, %get3A_800, %get3A_801] {strides = array<i32>} : memref<2x128x128xf32, #tpu.memory_space<vmem>>, vector<1x1x16xf32>,
        %get3A_803 = vector.shape_cast %get3A_802 : vector<1x1x16xf32> to vector<16xf32>
        %get3A_804 = arith.index_cast %rem3A_168 : i32 to index
        %get3A_805 = arith.index_cast %add3A_787 : i32 to index
        %get3A_806 = arith.constant 80 : index
        %get3A_807 = tpu.vector_load %arg12[%get3A_804, %get3A_805, %get3A_806] {strides = array<i32>} : memref<2x128x128xf32, #tpu.memory_space<vmem>>, vector<1x1x16xf32>,
        %get3A_808 = vector.shape_cast %get3A_807 : vector<1x1x16xf32> to vector<16xf32>
        %mul3A_809 = arith.mulf %get3A_803, %get3A_808 : vector<16xf32>
        %add3A_810 = arith.addf %mul3A_798, %mul3A_809 : vector<16xf32>
        %get3A_811 = arith.index_cast %rem3A_168 : i32 to index
        %get3A_812 = arith.index_cast %add3A_787 : i32 to index
        %get3A_813 = arith.constant 32 : index
        %get3A_814 = tpu.vector_load %arg11[%get3A_811, %get3A_812, %get3A_813] {strides = array<i32>} : memref<2x128x128xf32, #tpu.memory_space<vmem>>, vector<1x1x16xf32>,
        %get3A_815 = vector.shape_cast %get3A_814 : vector<1x1x16xf32> to vector<16xf32>
        %get3A_816 = arith.index_cast %rem3A_168 : i32 to index
        %get3A_817 = arith.index_cast %add3A_787 : i32 to index
        %get3A_818 = arith.constant 96 : index
        %get3A_819 = tpu.vector_load %arg12[%get3A_816, %get3A_817, %get3A_818] {strides = array<i32>} : memref<2x128x128xf32, #tpu.memory_space<vmem>>, vector<1x1x16xf32>,
        %get3A_820 = vector.shape_cast %get3A_819 : vector<1x1x16xf32> to vector<16xf32>
        %mul3A_821 = arith.mulf %get3A_815, %get3A_820 : vector<16xf32>
        %add3A_822 = arith.addf %add3A_810, %mul3A_821 : vector<16xf32>
        %get3A_823 = arith.index_cast %rem3A_168 : i32 to index
        %get3A_824 = arith.index_cast %add3A_787 : i32 to index
        %get3A_825 = arith.constant 48 : index
        %get3A_826 = tpu.vector_load %arg11[%get3A_823, %get3A_824, %get3A_825] {strides = array<i32>} : memref<2x128x128xf32, #tpu.memory_space<vmem>>, vector<1x1x16xf32>,
        %get3A_827 = vector.shape_cast %get3A_826 : vector<1x1x16xf32> to vector<16xf32>
        %get3A_828 = arith.index_cast %rem3A_168 : i32 to index
        %get3A_829 = arith.index_cast %add3A_787 : i32 to index
        %get3A_830 = arith.constant 112 : index
        %get3A_831 = tpu.vector_load %arg12[%get3A_828, %get3A_829, %get3A_830] {strides = array<i32>} : memref<2x128x128xf32, #tpu.memory_space<vmem>>, vector<1x1x16xf32>,
        %get3A_832 = vector.shape_cast %get3A_831 : vector<1x1x16xf32> to vector<16xf32>
        %mul3A_833 = arith.mulf %get3A_827, %get3A_832 : vector<16xf32>
        %add3A_834 = arith.addf %add3A_822, %mul3A_833 : vector<16xf32>
        %xor3A_835 = arith.constant 1 : i32
        %xor3A_836 = vector.broadcast %xor3A_835 : i32 to vector<16xi32>
        %xor3A_837 = arith.xori %iota3A, %xor3A_836 : vector<16xi32>
        %broadcast_in_dim3A_838 = vector.shape_cast %xor3A_837 : vector<16xi32> to vector<16x1xi32>
        %gather3A_839 = vector.shape_cast %broadcast_in_dim3A_838 : vector<16x1xi32> to vector<16xi32>
        %gather3A_840 = tpu.dynamic_gather %add3A_834[%gather3A_839] in [0] : vector<16xf32>, vector<16xi32> -> vector<16xf32>
        %add3A_841 = arith.addf %add3A_834, %gather3A_840 : vector<16xf32>
        %xor3A_842 = arith.constant 2 : i32
        %xor3A_843 = vector.broadcast %xor3A_842 : i32 to vector<16xi32>
        %xor3A_844 = arith.xori %iota3A, %xor3A_843 : vector<16xi32>
        %broadcast_in_dim3A_845 = vector.shape_cast %xor3A_844 : vector<16xi32> to vector<16x1xi32>
        %gather3A_846 = vector.shape_cast %broadcast_in_dim3A_845 : vector<16x1xi32> to vector<16xi32>
        %gather3A_847 = tpu.dynamic_gather %add3A_841[%gather3A_846] in [0] : vector<16xf32>, vector<16xi32> -> vector<16xf32>
        %add3A_848 = arith.addf %add3A_841, %gather3A_847 : vector<16xf32>
        %xor3A_849 = arith.constant 4 : i32
        %xor3A_850 = vector.broadcast %xor3A_849 : i32 to vector<16xi32>
        %xor3A_851 = arith.xori %iota3A, %xor3A_850 : vector<16xi32>
        %broadcast_in_dim3A_852 = vector.shape_cast %xor3A_851 : vector<16xi32> to vector<16x1xi32>
        %gather3A_853 = vector.shape_cast %broadcast_in_dim3A_852 : vector<16x1xi32> to vector<16xi32>
        %gather3A_854 = tpu.dynamic_gather %add3A_848[%gather3A_853] in [0] : vector<16xf32>, vector<16xi32> -> vector<16xf32>
        %add3A_855 = arith.addf %add3A_848, %gather3A_854 : vector<16xf32>
        %xor3A_856 = arith.constant 8 : i32
        %xor3A_857 = vector.broadcast %xor3A_856 : i32 to vector<16xi32>
        %xor3A_858 = arith.xori %iota3A, %xor3A_857 : vector<16xi32>
        %broadcast_in_dim3A_859 = vector.shape_cast %xor3A_858 : vector<16xi32> to vector<16x1xi32>
        %gather3A_860 = vector.shape_cast %broadcast_in_dim3A_859 : vector<16x1xi32> to vector<16xi32>
        %gather3A_861 = tpu.dynamic_gather %add3A_855[%gather3A_860] in [0] : vector<16xf32>, vector<16xi32> -> vector<16xf32>
        %add3A_862 = arith.addf %add3A_855, %gather3A_861 : vector<16xf32>
        %eq3A_863 = arith.constant 7 : i32
        %eq3A_864 = vector.broadcast %eq3A_863 : i32 to vector<16xi32>
        %eq3A_865 = arith.cmpi eq, %iota3A, %eq3A_864 : vector<16xi32>
        %select_n3A_866 = arith.select %eq3A_865, %add3A_862, %broadcast_in_dim3A_1 : vector<16xi1>, vector<16xf32>
        %add3A_867 = arith.addf %add3A_783, %select_n3A_866 : vector<16xf32>
        %mul3A_868 = arith.constant 16 : i32
        %mul3A_869 = arith.muli %scan3A_199, %mul3A_868 : i32
        %add3A_870 = arith.constant 8 : i32
        %add3A_871 = arith.addi %mul3A_869, %add3A_870 : i32
        %get3A_872 = arith.index_cast %rem3A_168 : i32 to index
        %get3A_873 = arith.index_cast %add3A_871 : i32 to index
        %get3A_874 = arith.constant 0 : index
        %get3A_875 = tpu.vector_load %arg11[%get3A_872, %get3A_873, %get3A_874] {strides = array<i32>} : memref<2x128x128xf32, #tpu.memory_space<vmem>>, vector<1x1x16xf32>,
        %get3A_876 = vector.shape_cast %get3A_875 : vector<1x1x16xf32> to vector<16xf32>
        %get3A_877 = arith.index_cast %rem3A_168 : i32 to index
        %get3A_878 = arith.index_cast %add3A_871 : i32 to index
        %get3A_879 = arith.constant 64 : index
        %get3A_880 = tpu.vector_load %arg12[%get3A_877, %get3A_878, %get3A_879] {strides = array<i32>} : memref<2x128x128xf32, #tpu.memory_space<vmem>>, vector<1x1x16xf32>,
        %get3A_881 = vector.shape_cast %get3A_880 : vector<1x1x16xf32> to vector<16xf32>
        %mul3A_882 = arith.mulf %get3A_876, %get3A_881 : vector<16xf32>
        %get3A_883 = arith.index_cast %rem3A_168 : i32 to index
        %get3A_884 = arith.index_cast %add3A_871 : i32 to index
        %get3A_885 = arith.constant 16 : index
        %get3A_886 = tpu.vector_load %arg11[%get3A_883, %get3A_884, %get3A_885] {strides = array<i32>} : memref<2x128x128xf32, #tpu.memory_space<vmem>>, vector<1x1x16xf32>,
        %get3A_887 = vector.shape_cast %get3A_886 : vector<1x1x16xf32> to vector<16xf32>
        %get3A_888 = arith.index_cast %rem3A_168 : i32 to index
        %get3A_889 = arith.index_cast %add3A_871 : i32 to index
        %get3A_890 = arith.constant 80 : index
        %get3A_891 = tpu.vector_load %arg12[%get3A_888, %get3A_889, %get3A_890] {strides = array<i32>} : memref<2x128x128xf32, #tpu.memory_space<vmem>>, vector<1x1x16xf32>,
        %get3A_892 = vector.shape_cast %get3A_891 : vector<1x1x16xf32> to vector<16xf32>
        %mul3A_893 = arith.mulf %get3A_887, %get3A_892 : vector<16xf32>
        %add3A_894 = arith.addf %mul3A_882, %mul3A_893 : vector<16xf32>
        %get3A_895 = arith.index_cast %rem3A_168 : i32 to index
        %get3A_896 = arith.index_cast %add3A_871 : i32 to index
        %get3A_897 = arith.constant 32 : index
        %get3A_898 = tpu.vector_load %arg11[%get3A_895, %get3A_896, %get3A_897] {strides = array<i32>} : memref<2x128x128xf32, #tpu.memory_space<vmem>>, vector<1x1x16xf32>,
        %get3A_899 = vector.shape_cast %get3A_898 : vector<1x1x16xf32> to vector<16xf32>
        %get3A_900 = arith.index_cast %rem3A_168 : i32 to index
        %get3A_901 = arith.index_cast %add3A_871 : i32 to index
        %get3A_902 = arith.constant 96 : index
        %get3A_903 = tpu.vector_load %arg12[%get3A_900, %get3A_901, %get3A_902] {strides = array<i32>} : memref<2x128x128xf32, #tpu.memory_space<vmem>>, vector<1x1x16xf32>,
        %get3A_904 = vector.shape_cast %get3A_903 : vector<1x1x16xf32> to vector<16xf32>
        %mul3A_905 = arith.mulf %get3A_899, %get3A_904 : vector<16xf32>
        %add3A_906 = arith.addf %add3A_894, %mul3A_905 : vector<16xf32>
        %get3A_907 = arith.index_cast %rem3A_168 : i32 to index
        %get3A_908 = arith.index_cast %add3A_871 : i32 to index
        %get3A_909 = arith.constant 48 : index
        %get3A_910 = tpu.vector_load %arg11[%get3A_907, %get3A_908, %get3A_909] {strides = array<i32>} : memref<2x128x128xf32, #tpu.memory_space<vmem>>, vector<1x1x16xf32>,
        %get3A_911 = vector.shape_cast %get3A_910 : vector<1x1x16xf32> to vector<16xf32>
        %get3A_912 = arith.index_cast %rem3A_168 : i32 to index
        %get3A_913 = arith.index_cast %add3A_871 : i32 to index
        %get3A_914 = arith.constant 112 : index
        %get3A_915 = tpu.vector_load %arg12[%get3A_912, %get3A_913, %get3A_914] {strides = array<i32>} : memref<2x128x128xf32, #tpu.memory_space<vmem>>, vector<1x1x16xf32>,
        %get3A_916 = vector.shape_cast %get3A_915 : vector<1x1x16xf32> to vector<16xf32>
        %mul3A_917 = arith.mulf %get3A_911, %get3A_916 : vector<16xf32>
        %add3A_918 = arith.addf %add3A_906, %mul3A_917 : vector<16xf32>
        %xor3A_919 = arith.constant 1 : i32
        %xor3A_920 = vector.broadcast %xor3A_919 : i32 to vector<16xi32>
        %xor3A_921 = arith.xori %iota3A, %xor3A_920 : vector<16xi32>
        %broadcast_in_dim3A_922 = vector.shape_cast %xor3A_921 : vector<16xi32> to vector<16x1xi32>
        %gather3A_923 = vector.shape_cast %broadcast_in_dim3A_922 : vector<16x1xi32> to vector<16xi32>
        %gather3A_924 = tpu.dynamic_gather %add3A_918[%gather3A_923] in [0] : vector<16xf32>, vector<16xi32> -> vector<16xf32>
        %add3A_925 = arith.addf %add3A_918, %gather3A_924 : vector<16xf32>
        %xor3A_926 = arith.constant 2 : i32
        %xor3A_927 = vector.broadcast %xor3A_926 : i32 to vector<16xi32>
        %xor3A_928 = arith.xori %iota3A, %xor3A_927 : vector<16xi32>
        %broadcast_in_dim3A_929 = vector.shape_cast %xor3A_928 : vector<16xi32> to vector<16x1xi32>
        %gather3A_930 = vector.shape_cast %broadcast_in_dim3A_929 : vector<16x1xi32> to vector<16xi32>
        %gather3A_931 = tpu.dynamic_gather %add3A_925[%gather3A_930] in [0] : vector<16xf32>, vector<16xi32> -> vector<16xf32>
        %add3A_932 = arith.addf %add3A_925, %gather3A_931 : vector<16xf32>
        %xor3A_933 = arith.constant 4 : i32
        %xor3A_934 = vector.broadcast %xor3A_933 : i32 to vector<16xi32>
        %xor3A_935 = arith.xori %iota3A, %xor3A_934 : vector<16xi32>
        %broadcast_in_dim3A_936 = vector.shape_cast %xor3A_935 : vector<16xi32> to vector<16x1xi32>
        %gather3A_937 = vector.shape_cast %broadcast_in_dim3A_936 : vector<16x1xi32> to vector<16xi32>
        %gather3A_938 = tpu.dynamic_gather %add3A_932[%gather3A_937] in [0] : vector<16xf32>, vector<16xi32> -> vector<16xf32>
        %add3A_939 = arith.addf %add3A_932, %gather3A_938 : vector<16xf32>
        %xor3A_940 = arith.constant 8 : i32
        %xor3A_941 = vector.broadcast %xor3A_940 : i32 to vector<16xi32>
        %xor3A_942 = arith.xori %iota3A, %xor3A_941 : vector<16xi32>
        %broadcast_in_dim3A_943 = vector.shape_cast %xor3A_942 : vector<16xi32> to vector<16x1xi32>
        %gather3A_944 = vector.shape_cast %broadcast_in_dim3A_943 : vector<16x1xi32> to vector<16xi32>
        %gather3A_945 = tpu.dynamic_gather %add3A_939[%gather3A_944] in [0] : vector<16xf32>, vector<16xi32> -> vector<16xf32>
        %add3A_946 = arith.addf %add3A_939, %gather3A_945 : vector<16xf32>
        %eq3A_947 = arith.constant 8 : i32
        %eq3A_948 = vector.broadcast %eq3A_947 : i32 to vector<16xi32>
        %eq3A_949 = arith.cmpi eq, %iota3A, %eq3A_948 : vector<16xi32>
        %select_n3A_950 = arith.select %eq3A_949, %add3A_946, %broadcast_in_dim3A_1 : vector<16xi1>, vector<16xf32>
        %add3A_951 = arith.addf %add3A_867, %select_n3A_950 : vector<16xf32>
        %mul3A_952 = arith.constant 16 : i32
        %mul3A_953 = arith.muli %scan3A_199, %mul3A_952 : i32
        %add3A_954 = arith.constant 9 : i32
        %add3A_955 = arith.addi %mul3A_953, %add3A_954 : i32
        %get3A_956 = arith.index_cast %rem3A_168 : i32 to index
        %get3A_957 = arith.index_cast %add3A_955 : i32 to index
        %get3A_958 = arith.constant 0 : index
        %get3A_959 = tpu.vector_load %arg11[%get3A_956, %get3A_957, %get3A_958] {strides = array<i32>} : memref<2x128x128xf32, #tpu.memory_space<vmem>>, vector<1x1x16xf32>,
        %get3A_960 = vector.shape_cast %get3A_959 : vector<1x1x16xf32> to vector<16xf32>
        %get3A_961 = arith.index_cast %rem3A_168 : i32 to index
        %get3A_962 = arith.index_cast %add3A_955 : i32 to index
        %get3A_963 = arith.constant 64 : index
        %get3A_964 = tpu.vector_load %arg12[%get3A_961, %get3A_962, %get3A_963] {strides = array<i32>} : memref<2x128x128xf32, #tpu.memory_space<vmem>>, vector<1x1x16xf32>,
        %get3A_965 = vector.shape_cast %get3A_964 : vector<1x1x16xf32> to vector<16xf32>
        %mul3A_966 = arith.mulf %get3A_960, %get3A_965 : vector<16xf32>
        %get3A_967 = arith.index_cast %rem3A_168 : i32 to index
        %get3A_968 = arith.index_cast %add3A_955 : i32 to index
        %get3A_969 = arith.constant 16 : index
        %get3A_970 = tpu.vector_load %arg11[%get3A_967, %get3A_968, %get3A_969] {strides = array<i32>} : memref<2x128x128xf32, #tpu.memory_space<vmem>>, vector<1x1x16xf32>,
        %get3A_971 = vector.shape_cast %get3A_970 : vector<1x1x16xf32> to vector<16xf32>
        %get3A_972 = arith.index_cast %rem3A_168 : i32 to index
        %get3A_973 = arith.index_cast %add3A_955 : i32 to index
        %get3A_974 = arith.constant 80 : index
        %get3A_975 = tpu.vector_load %arg12[%get3A_972, %get3A_973, %get3A_974] {strides = array<i32>} : memref<2x128x128xf32, #tpu.memory_space<vmem>>, vector<1x1x16xf32>,
        %get3A_976 = vector.shape_cast %get3A_975 : vector<1x1x16xf32> to vector<16xf32>
        %mul3A_977 = arith.mulf %get3A_971, %get3A_976 : vector<16xf32>
        %add3A_978 = arith.addf %mul3A_966, %mul3A_977 : vector<16xf32>
        %get3A_979 = arith.index_cast %rem3A_168 : i32 to index
        %get3A_980 = arith.index_cast %add3A_955 : i32 to index
        %get3A_981 = arith.constant 32 : index
        %get3A_982 = tpu.vector_load %arg11[%get3A_979, %get3A_980, %get3A_981] {strides = array<i32>} : memref<2x128x128xf32, #tpu.memory_space<vmem>>, vector<1x1x16xf32>,
        %get3A_983 = vector.shape_cast %get3A_982 : vector<1x1x16xf32> to vector<16xf32>
        %get3A_984 = arith.index_cast %rem3A_168 : i32 to index
        %get3A_985 = arith.index_cast %add3A_955 : i32 to index
        %get3A_986 = arith.constant 96 : index
        %get3A_987 = tpu.vector_load %arg12[%get3A_984, %get3A_985, %get3A_986] {strides = array<i32>} : memref<2x128x128xf32, #tpu.memory_space<vmem>>, vector<1x1x16xf32>,
        %get3A_988 = vector.shape_cast %get3A_987 : vector<1x1x16xf32> to vector<16xf32>
        %mul3A_989 = arith.mulf %get3A_983, %get3A_988 : vector<16xf32>
        %add3A_990 = arith.addf %add3A_978, %mul3A_989 : vector<16xf32>
        %get3A_991 = arith.index_cast %rem3A_168 : i32 to index
        %get3A_992 = arith.index_cast %add3A_955 : i32 to index
        %get3A_993 = arith.constant 48 : index
        %get3A_994 = tpu.vector_load %arg11[%get3A_991, %get3A_992, %get3A_993] {strides = array<i32>} : memref<2x128x128xf32, #tpu.memory_space<vmem>>, vector<1x1x16xf32>,
        %get3A_995 = vector.shape_cast %get3A_994 : vector<1x1x16xf32> to vector<16xf32>
        %get3A_996 = arith.index_cast %rem3A_168 : i32 to index
        %get3A_997 = arith.index_cast %add3A_955 : i32 to index
        %get3A_998 = arith.constant 112 : index
        %get3A_999 = tpu.vector_load %arg12[%get3A_996, %get3A_997, %get3A_998] {strides = array<i32>} : memref<2x128x128xf32, #tpu.memory_space<vmem>>, vector<1x1x16xf32>,
        %get3A_1000 = vector.shape_cast %get3A_999 : vector<1x1x16xf32> to vector<16xf32>
        %mul3A_1001 = arith.mulf %get3A_995, %get3A_1000 : vector<16xf32>
        %add3A_1002 = arith.addf %add3A_990, %mul3A_1001 : vector<16xf32>
        %xor3A_1003 = arith.constant 1 : i32
        %xor3A_1004 = vector.broadcast %xor3A_1003 : i32 to vector<16xi32>
        %xor3A_1005 = arith.xori %iota3A, %xor3A_1004 : vector<16xi32>
        %broadcast_in_dim3A_1006 = vector.shape_cast %xor3A_1005 : vector<16xi32> to vector<16x1xi32>
        %gather3A_1007 = vector.shape_cast %broadcast_in_dim3A_1006 : vector<16x1xi32> to vector<16xi32>
        %gather3A_1008 = tpu.dynamic_gather %add3A_1002[%gather3A_1007] in [0] : vector<16xf32>, vector<16xi32> -> vector<16xf32>
        %add3A_1009 = arith.addf %add3A_1002, %gather3A_1008 : vector<16xf32>
        %xor3A_1010 = arith.constant 2 : i32
        %xor3A_1011 = vector.broadcast %xor3A_1010 : i32 to vector<16xi32>
        %xor3A_1012 = arith.xori %iota3A, %xor3A_1011 : vector<16xi32>
        %broadcast_in_dim3A_1013 = vector.shape_cast %xor3A_1012 : vector<16xi32> to vector<16x1xi32>
        %gather3A_1014 = vector.shape_cast %broadcast_in_dim3A_1013 : vector<16x1xi32> to vector<16xi32>
        %gather3A_1015 = tpu.dynamic_gather %add3A_1009[%gather3A_1014] in [0] : vector<16xf32>, vector<16xi32> -> vector<16xf32>
        %add3A_1016 = arith.addf %add3A_1009, %gather3A_1015 : vector<16xf32>
        %xor3A_1017 = arith.constant 4 : i32
        %xor3A_1018 = vector.broadcast %xor3A_1017 : i32 to vector<16xi32>
        %xor3A_1019 = arith.xori %iota3A, %xor3A_1018 : vector<16xi32>
        %broadcast_in_dim3A_1020 = vector.shape_cast %xor3A_1019 : vector<16xi32> to vector<16x1xi32>
        %gather3A_1021 = vector.shape_cast %broadcast_in_dim3A_1020 : vector<16x1xi32> to vector<16xi32>
        %gather3A_1022 = tpu.dynamic_gather %add3A_1016[%gather3A_1021] in [0] : vector<16xf32>, vector<16xi32> -> vector<16xf32>
        %add3A_1023 = arith.addf %add3A_1016, %gather3A_1022 : vector<16xf32>
        %xor3A_1024 = arith.constant 8 : i32
        %xor3A_1025 = vector.broadcast %xor3A_1024 : i32 to vector<16xi32>
        %xor3A_1026 = arith.xori %iota3A, %xor3A_1025 : vector<16xi32>
        %broadcast_in_dim3A_1027 = vector.shape_cast %xor3A_1026 : vector<16xi32> to vector<16x1xi32>
        %gather3A_1028 = vector.shape_cast %broadcast_in_dim3A_1027 : vector<16x1xi32> to vector<16xi32>
        %gather3A_1029 = tpu.dynamic_gather %add3A_1023[%gather3A_1028] in [0] : vector<16xf32>, vector<16xi32> -> vector<16xf32>
        %add3A_1030 = arith.addf %add3A_1023, %gather3A_1029 : vector<16xf32>
        %eq3A_1031 = arith.constant 9 : i32
        %eq3A_1032 = vector.broadcast %eq3A_1031 : i32 to vector<16xi32>
        %eq3A_1033 = arith.cmpi eq, %iota3A, %eq3A_1032 : vector<16xi32>
        %select_n3A_1034 = arith.select %eq3A_1033, %add3A_1030, %broadcast_in_dim3A_1 : vector<16xi1>, vector<16xf32>
        %add3A_1035 = arith.addf %add3A_951, %select_n3A_1034 : vector<16xf32>
        %mul3A_1036 = arith.constant 16 : i32
        %mul3A_1037 = arith.muli %scan3A_199, %mul3A_1036 : i32
        %add3A_1038 = arith.constant 10 : i32
        %add3A_1039 = arith.addi %mul3A_1037, %add3A_1038 : i32
        %get3A_1040 = arith.index_cast %rem3A_168 : i32 to index
        %get3A_1041 = arith.index_cast %add3A_1039 : i32 to index
        %get3A_1042 = arith.constant 0 : index
        %get3A_1043 = tpu.vector_load %arg11[%get3A_1040, %get3A_1041, %get3A_1042] {strides = array<i32>} : memref<2x128x128xf32, #tpu.memory_space<vmem>>, vector<1x1x16xf32>,
        %get3A_1044 = vector.shape_cast %get3A_1043 : vector<1x1x16xf32> to vector<16xf32>
        %get3A_1045 = arith.index_cast %rem3A_168 : i32 to index
        %get3A_1046 = arith.index_cast %add3A_1039 : i32 to index
        %get3A_1047 = arith.constant 64 : index
        %get3A_1048 = tpu.vector_load %arg12[%get3A_1045, %get3A_1046, %get3A_1047] {strides = array<i32>} : memref<2x128x128xf32, #tpu.memory_space<vmem>>, vector<1x1x16xf32>,
        %get3A_1049 = vector.shape_cast %get3A_1048 : vector<1x1x16xf32> to vector<16xf32>
        %mul3A_1050 = arith.mulf %get3A_1044, %get3A_1049 : vector<16xf32>
        %get3A_1051 = arith.index_cast %rem3A_168 : i32 to index
        %get3A_1052 = arith.index_cast %add3A_1039 : i32 to index
        %get3A_1053 = arith.constant 16 : index
        %get3A_1054 = tpu.vector_load %arg11[%get3A_1051, %get3A_1052, %get3A_1053] {strides = array<i32>} : memref<2x128x128xf32, #tpu.memory_space<vmem>>, vector<1x1x16xf32>,
        %get3A_1055 = vector.shape_cast %get3A_1054 : vector<1x1x16xf32> to vector<16xf32>
        %get3A_1056 = arith.index_cast %rem3A_168 : i32 to index
        %get3A_1057 = arith.index_cast %add3A_1039 : i32 to index
        %get3A_1058 = arith.constant 80 : index
        %get3A_1059 = tpu.vector_load %arg12[%get3A_1056, %get3A_1057, %get3A_1058] {strides = array<i32>} : memref<2x128x128xf32, #tpu.memory_space<vmem>>, vector<1x1x16xf32>,
        %get3A_1060 = vector.shape_cast %get3A_1059 : vector<1x1x16xf32> to vector<16xf32>
        %mul3A_1061 = arith.mulf %get3A_1055, %get3A_1060 : vector<16xf32>
        %add3A_1062 = arith.addf %mul3A_1050, %mul3A_1061 : vector<16xf32>
        %get3A_1063 = arith.index_cast %rem3A_168 : i32 to index
        %get3A_1064 = arith.index_cast %add3A_1039 : i32 to index
        %get3A_1065 = arith.constant 32 : index
        %get3A_1066 = tpu.vector_load %arg11[%get3A_1063, %get3A_1064, %get3A_1065] {strides = array<i32>} : memref<2x128x128xf32, #tpu.memory_space<vmem>>, vector<1x1x16xf32>,
        %get3A_1067 = vector.shape_cast %get3A_1066 : vector<1x1x16xf32> to vector<16xf32>
        %get3A_1068 = arith.index_cast %rem3A_168 : i32 to index
        %get3A_1069 = arith.index_cast %add3A_1039 : i32 to index
        %get3A_1070 = arith.constant 96 : index
        %get3A_1071 = tpu.vector_load %arg12[%get3A_1068, %get3A_1069, %get3A_1070] {strides = array<i32>} : memref<2x128x128xf32, #tpu.memory_space<vmem>>, vector<1x1x16xf32>,
        %get3A_1072 = vector.shape_cast %get3A_1071 : vector<1x1x16xf32> to vector<16xf32>
        %mul3A_1073 = arith.mulf %get3A_1067, %get3A_1072 : vector<16xf32>
        %add3A_1074 = arith.addf %add3A_1062, %mul3A_1073 : vector<16xf32>
        %get3A_1075 = arith.index_cast %rem3A_168 : i32 to index
        %get3A_1076 = arith.index_cast %add3A_1039 : i32 to index
        %get3A_1077 = arith.constant 48 : index
        %get3A_1078 = tpu.vector_load %arg11[%get3A_1075, %get3A_1076, %get3A_1077] {strides = array<i32>} : memref<2x128x128xf32, #tpu.memory_space<vmem>>, vector<1x1x16xf32>,
        %get3A_1079 = vector.shape_cast %get3A_1078 : vector<1x1x16xf32> to vector<16xf32>
        %get3A_1080 = arith.index_cast %rem3A_168 : i32 to index
        %get3A_1081 = arith.index_cast %add3A_1039 : i32 to index
        %get3A_1082 = arith.constant 112 : index
        %get3A_1083 = tpu.vector_load %arg12[%get3A_1080, %get3A_1081, %get3A_1082] {strides = array<i32>} : memref<2x128x128xf32, #tpu.memory_space<vmem>>, vector<1x1x16xf32>,
        %get3A_1084 = vector.shape_cast %get3A_1083 : vector<1x1x16xf32> to vector<16xf32>
        %mul3A_1085 = arith.mulf %get3A_1079, %get3A_1084 : vector<16xf32>
        %add3A_1086 = arith.addf %add3A_1074, %mul3A_1085 : vector<16xf32>
        %xor3A_1087 = arith.constant 1 : i32
        %xor3A_1088 = vector.broadcast %xor3A_1087 : i32 to vector<16xi32>
        %xor3A_1089 = arith.xori %iota3A, %xor3A_1088 : vector<16xi32>
        %broadcast_in_dim3A_1090 = vector.shape_cast %xor3A_1089 : vector<16xi32> to vector<16x1xi32>
        %gather3A_1091 = vector.shape_cast %broadcast_in_dim3A_1090 : vector<16x1xi32> to vector<16xi32>
        %gather3A_1092 = tpu.dynamic_gather %add3A_1086[%gather3A_1091] in [0] : vector<16xf32>, vector<16xi32> -> vector<16xf32>
        %add3A_1093 = arith.addf %add3A_1086, %gather3A_1092 : vector<16xf32>
        %xor3A_1094 = arith.constant 2 : i32
        %xor3A_1095 = vector.broadcast %xor3A_1094 : i32 to vector<16xi32>
        %xor3A_1096 = arith.xori %iota3A, %xor3A_1095 : vector<16xi32>
        %broadcast_in_dim3A_1097 = vector.shape_cast %xor3A_1096 : vector<16xi32> to vector<16x1xi32>
        %gather3A_1098 = vector.shape_cast %broadcast_in_dim3A_1097 : vector<16x1xi32> to vector<16xi32>
        %gather3A_1099 = tpu.dynamic_gather %add3A_1093[%gather3A_1098] in [0] : vector<16xf32>, vector<16xi32> -> vector<16xf32>
        %add3A_1100 = arith.addf %add3A_1093, %gather3A_1099 : vector<16xf32>
        %xor3A_1101 = arith.constant 4 : i32
        %xor3A_1102 = vector.broadcast %xor3A_1101 : i32 to vector<16xi32>
        %xor3A_1103 = arith.xori %iota3A, %xor3A_1102 : vector<16xi32>
        %broadcast_in_dim3A_1104 = vector.shape_cast %xor3A_1103 : vector<16xi32> to vector<16x1xi32>
        %gather3A_1105 = vector.shape_cast %broadcast_in_dim3A_1104 : vector<16x1xi32> to vector<16xi32>
        %gather3A_1106 = tpu.dynamic_gather %add3A_1100[%gather3A_1105] in [0] : vector<16xf32>, vector<16xi32> -> vector<16xf32>
        %add3A_1107 = arith.addf %add3A_1100, %gather3A_1106 : vector<16xf32>
        %xor3A_1108 = arith.constant 8 : i32
        %xor3A_1109 = vector.broadcast %xor3A_1108 : i32 to vector<16xi32>
        %xor3A_1110 = arith.xori %iota3A, %xor3A_1109 : vector<16xi32>
        %broadcast_in_dim3A_1111 = vector.shape_cast %xor3A_1110 : vector<16xi32> to vector<16x1xi32>
        %gather3A_1112 = vector.shape_cast %broadcast_in_dim3A_1111 : vector<16x1xi32> to vector<16xi32>
        %gather3A_1113 = tpu.dynamic_gather %add3A_1107[%gather3A_1112] in [0] : vector<16xf32>, vector<16xi32> -> vector<16xf32>
        %add3A_1114 = arith.addf %add3A_1107, %gather3A_1113 : vector<16xf32>
        %eq3A_1115 = arith.constant 10 : i32
        %eq3A_1116 = vector.broadcast %eq3A_1115 : i32 to vector<16xi32>
        %eq3A_1117 = arith.cmpi eq, %iota3A, %eq3A_1116 : vector<16xi32>
        %select_n3A_1118 = arith.select %eq3A_1117, %add3A_1114, %broadcast_in_dim3A_1 : vector<16xi1>, vector<16xf32>
        %add3A_1119 = arith.addf %add3A_1035, %select_n3A_1118 : vector<16xf32>
        %mul3A_1120 = arith.constant 16 : i32
        %mul3A_1121 = arith.muli %scan3A_199, %mul3A_1120 : i32
        %add3A_1122 = arith.constant 11 : i32
        %add3A_1123 = arith.addi %mul3A_1121, %add3A_1122 : i32
        %get3A_1124 = arith.index_cast %rem3A_168 : i32 to index
        %get3A_1125 = arith.index_cast %add3A_1123 : i32 to index
        %get3A_1126 = arith.constant 0 : index
        %get3A_1127 = tpu.vector_load %arg11[%get3A_1124, %get3A_1125, %get3A_1126] {strides = array<i32>} : memref<2x128x128xf32, #tpu.memory_space<vmem>>, vector<1x1x16xf32>,
        %get3A_1128 = vector.shape_cast %get3A_1127 : vector<1x1x16xf32> to vector<16xf32>
        %get3A_1129 = arith.index_cast %rem3A_168 : i32 to index
        %get3A_1130 = arith.index_cast %add3A_1123 : i32 to index
        %get3A_1131 = arith.constant 64 : index
        %get3A_1132 = tpu.vector_load %arg12[%get3A_1129, %get3A_1130, %get3A_1131] {strides = array<i32>} : memref<2x128x128xf32, #tpu.memory_space<vmem>>, vector<1x1x16xf32>,
        %get3A_1133 = vector.shape_cast %get3A_1132 : vector<1x1x16xf32> to vector<16xf32>
        %mul3A_1134 = arith.mulf %get3A_1128, %get3A_1133 : vector<16xf32>
        %get3A_1135 = arith.index_cast %rem3A_168 : i32 to index
        %get3A_1136 = arith.index_cast %add3A_1123 : i32 to index
        %get3A_1137 = arith.constant 16 : index
        %get3A_1138 = tpu.vector_load %arg11[%get3A_1135, %get3A_1136, %get3A_1137] {strides = array<i32>} : memref<2x128x128xf32, #tpu.memory_space<vmem>>, vector<1x1x16xf32>,
        %get3A_1139 = vector.shape_cast %get3A_1138 : vector<1x1x16xf32> to vector<16xf32>
        %get3A_1140 = arith.index_cast %rem3A_168 : i32 to index
        %get3A_1141 = arith.index_cast %add3A_1123 : i32 to index
        %get3A_1142 = arith.constant 80 : index
        %get3A_1143 = tpu.vector_load %arg12[%get3A_1140, %get3A_1141, %get3A_1142] {strides = array<i32>} : memref<2x128x128xf32, #tpu.memory_space<vmem>>, vector<1x1x16xf32>,
        %get3A_1144 = vector.shape_cast %get3A_1143 : vector<1x1x16xf32> to vector<16xf32>
        %mul3A_1145 = arith.mulf %get3A_1139, %get3A_1144 : vector<16xf32>
        %add3A_1146 = arith.addf %mul3A_1134, %mul3A_1145 : vector<16xf32>
        %get3A_1147 = arith.index_cast %rem3A_168 : i32 to index
        %get3A_1148 = arith.index_cast %add3A_1123 : i32 to index
        %get3A_1149 = arith.constant 32 : index
        %get3A_1150 = tpu.vector_load %arg11[%get3A_1147, %get3A_1148, %get3A_1149] {strides = array<i32>} : memref<2x128x128xf32, #tpu.memory_space<vmem>>, vector<1x1x16xf32>,
        %get3A_1151 = vector.shape_cast %get3A_1150 : vector<1x1x16xf32> to vector<16xf32>
        %get3A_1152 = arith.index_cast %rem3A_168 : i32 to index
        %get3A_1153 = arith.index_cast %add3A_1123 : i32 to index
        %get3A_1154 = arith.constant 96 : index
        %get3A_1155 = tpu.vector_load %arg12[%get3A_1152, %get3A_1153, %get3A_1154] {strides = array<i32>} : memref<2x128x128xf32, #tpu.memory_space<vmem>>, vector<1x1x16xf32>,
        %get3A_1156 = vector.shape_cast %get3A_1155 : vector<1x1x16xf32> to vector<16xf32>
        %mul3A_1157 = arith.mulf %get3A_1151, %get3A_1156 : vector<16xf32>
        %add3A_1158 = arith.addf %add3A_1146, %mul3A_1157 : vector<16xf32>
        %get3A_1159 = arith.index_cast %rem3A_168 : i32 to index
        %get3A_1160 = arith.index_cast %add3A_1123 : i32 to index
        %get3A_1161 = arith.constant 48 : index
        %get3A_1162 = tpu.vector_load %arg11[%get3A_1159, %get3A_1160, %get3A_1161] {strides = array<i32>} : memref<2x128x128xf32, #tpu.memory_space<vmem>>, vector<1x1x16xf32>,
        %get3A_1163 = vector.shape_cast %get3A_1162 : vector<1x1x16xf32> to vector<16xf32>
        %get3A_1164 = arith.index_cast %rem3A_168 : i32 to index
        %get3A_1165 = arith.index_cast %add3A_1123 : i32 to index
        %get3A_1166 = arith.constant 112 : index
        %get3A_1167 = tpu.vector_load %arg12[%get3A_1164, %get3A_1165, %get3A_1166] {strides = array<i32>} : memref<2x128x128xf32, #tpu.memory_space<vmem>>, vector<1x1x16xf32>,
        %get3A_1168 = vector.shape_cast %get3A_1167 : vector<1x1x16xf32> to vector<16xf32>
        %mul3A_1169 = arith.mulf %get3A_1163, %get3A_1168 : vector<16xf32>
        %add3A_1170 = arith.addf %add3A_1158, %mul3A_1169 : vector<16xf32>
        %xor3A_1171 = arith.constant 1 : i32
        %xor3A_1172 = vector.broadcast %xor3A_1171 : i32 to vector<16xi32>
        %xor3A_1173 = arith.xori %iota3A, %xor3A_1172 : vector<16xi32>
        %broadcast_in_dim3A_1174 = vector.shape_cast %xor3A_1173 : vector<16xi32> to vector<16x1xi32>
        %gather3A_1175 = vector.shape_cast %broadcast_in_dim3A_1174 : vector<16x1xi32> to vector<16xi32>
        %gather3A_1176 = tpu.dynamic_gather %add3A_1170[%gather3A_1175] in [0] : vector<16xf32>, vector<16xi32> -> vector<16xf32>
        %add3A_1177 = arith.addf %add3A_1170, %gather3A_1176 : vector<16xf32>
        %xor3A_1178 = arith.constant 2 : i32
        %xor3A_1179 = vector.broadcast %xor3A_1178 : i32 to vector<16xi32>
        %xor3A_1180 = arith.xori %iota3A, %xor3A_1179 : vector<16xi32>
        %broadcast_in_dim3A_1181 = vector.shape_cast %xor3A_1180 : vector<16xi32> to vector<16x1xi32>
        %gather3A_1182 = vector.shape_cast %broadcast_in_dim3A_1181 : vector<16x1xi32> to vector<16xi32>
        %gather3A_1183 = tpu.dynamic_gather %add3A_1177[%gather3A_1182] in [0] : vector<16xf32>, vector<16xi32> -> vector<16xf32>
        %add3A_1184 = arith.addf %add3A_1177, %gather3A_1183 : vector<16xf32>
        %xor3A_1185 = arith.constant 4 : i32
        %xor3A_1186 = vector.broadcast %xor3A_1185 : i32 to vector<16xi32>
        %xor3A_1187 = arith.xori %iota3A, %xor3A_1186 : vector<16xi32>
        %broadcast_in_dim3A_1188 = vector.shape_cast %xor3A_1187 : vector<16xi32> to vector<16x1xi32>
        %gather3A_1189 = vector.shape_cast %broadcast_in_dim3A_1188 : vector<16x1xi32> to vector<16xi32>
        %gather3A_1190 = tpu.dynamic_gather %add3A_1184[%gather3A_1189] in [0] : vector<16xf32>, vector<16xi32> -> vector<16xf32>
        %add3A_1191 = arith.addf %add3A_1184, %gather3A_1190 : vector<16xf32>
        %xor3A_1192 = arith.constant 8 : i32
        %xor3A_1193 = vector.broadcast %xor3A_1192 : i32 to vector<16xi32>
        %xor3A_1194 = arith.xori %iota3A, %xor3A_1193 : vector<16xi32>
        %broadcast_in_dim3A_1195 = vector.shape_cast %xor3A_1194 : vector<16xi32> to vector<16x1xi32>
        %gather3A_1196 = vector.shape_cast %broadcast_in_dim3A_1195 : vector<16x1xi32> to vector<16xi32>
        %gather3A_1197 = tpu.dynamic_gather %add3A_1191[%gather3A_1196] in [0] : vector<16xf32>, vector<16xi32> -> vector<16xf32>
        %add3A_1198 = arith.addf %add3A_1191, %gather3A_1197 : vector<16xf32>
        %eq3A_1199 = arith.constant 11 : i32
        %eq3A_1200 = vector.broadcast %eq3A_1199 : i32 to vector<16xi32>
        %eq3A_1201 = arith.cmpi eq, %iota3A, %eq3A_1200 : vector<16xi32>
        %select_n3A_1202 = arith.select %eq3A_1201, %add3A_1198, %broadcast_in_dim3A_1 : vector<16xi1>, vector<16xf32>
        %add3A_1203 = arith.addf %add3A_1119, %select_n3A_1202 : vector<16xf32>
        %mul3A_1204 = arith.constant 16 : i32
        %mul3A_1205 = arith.muli %scan3A_199, %mul3A_1204 : i32
        %add3A_1206 = arith.constant 12 : i32
        %add3A_1207 = arith.addi %mul3A_1205, %add3A_1206 : i32
        %get3A_1208 = arith.index_cast %rem3A_168 : i32 to index
        %get3A_1209 = arith.index_cast %add3A_1207 : i32 to index
        %get3A_1210 = arith.constant 0 : index
        %get3A_1211 = tpu.vector_load %arg11[%get3A_1208, %get3A_1209, %get3A_1210] {strides = array<i32>} : memref<2x128x128xf32, #tpu.memory_space<vmem>>, vector<1x1x16xf32>,
        %get3A_1212 = vector.shape_cast %get3A_1211 : vector<1x1x16xf32> to vector<16xf32>
        %get3A_1213 = arith.index_cast %rem3A_168 : i32 to index
        %get3A_1214 = arith.index_cast %add3A_1207 : i32 to index
        %get3A_1215 = arith.constant 64 : index
        %get3A_1216 = tpu.vector_load %arg12[%get3A_1213, %get3A_1214, %get3A_1215] {strides = array<i32>} : memref<2x128x128xf32, #tpu.memory_space<vmem>>, vector<1x1x16xf32>,
        %get3A_1217 = vector.shape_cast %get3A_1216 : vector<1x1x16xf32> to vector<16xf32>
        %mul3A_1218 = arith.mulf %get3A_1212, %get3A_1217 : vector<16xf32>
        %get3A_1219 = arith.index_cast %rem3A_168 : i32 to index
        %get3A_1220 = arith.index_cast %add3A_1207 : i32 to index
        %get3A_1221 = arith.constant 16 : index
        %get3A_1222 = tpu.vector_load %arg11[%get3A_1219, %get3A_1220, %get3A_1221] {strides = array<i32>} : memref<2x128x128xf32, #tpu.memory_space<vmem>>, vector<1x1x16xf32>,
        %get3A_1223 = vector.shape_cast %get3A_1222 : vector<1x1x16xf32> to vector<16xf32>
        %get3A_1224 = arith.index_cast %rem3A_168 : i32 to index
        %get3A_1225 = arith.index_cast %add3A_1207 : i32 to index
        %get3A_1226 = arith.constant 80 : index
        %get3A_1227 = tpu.vector_load %arg12[%get3A_1224, %get3A_1225, %get3A_1226] {strides = array<i32>} : memref<2x128x128xf32, #tpu.memory_space<vmem>>, vector<1x1x16xf32>,
        %get3A_1228 = vector.shape_cast %get3A_1227 : vector<1x1x16xf32> to vector<16xf32>
        %mul3A_1229 = arith.mulf %get3A_1223, %get3A_1228 : vector<16xf32>
        %add3A_1230 = arith.addf %mul3A_1218, %mul3A_1229 : vector<16xf32>
        %get3A_1231 = arith.index_cast %rem3A_168 : i32 to index
        %get3A_1232 = arith.index_cast %add3A_1207 : i32 to index
        %get3A_1233 = arith.constant 32 : index
        %get3A_1234 = tpu.vector_load %arg11[%get3A_1231, %get3A_1232, %get3A_1233] {strides = array<i32>} : memref<2x128x128xf32, #tpu.memory_space<vmem>>, vector<1x1x16xf32>,
        %get3A_1235 = vector.shape_cast %get3A_1234 : vector<1x1x16xf32> to vector<16xf32>
        %get3A_1236 = arith.index_cast %rem3A_168 : i32 to index
        %get3A_1237 = arith.index_cast %add3A_1207 : i32 to index
        %get3A_1238 = arith.constant 96 : index
        %get3A_1239 = tpu.vector_load %arg12[%get3A_1236, %get3A_1237, %get3A_1238] {strides = array<i32>} : memref<2x128x128xf32, #tpu.memory_space<vmem>>, vector<1x1x16xf32>,
        %get3A_1240 = vector.shape_cast %get3A_1239 : vector<1x1x16xf32> to vector<16xf32>
        %mul3A_1241 = arith.mulf %get3A_1235, %get3A_1240 : vector<16xf32>
        %add3A_1242 = arith.addf %add3A_1230, %mul3A_1241 : vector<16xf32>
        %get3A_1243 = arith.index_cast %rem3A_168 : i32 to index
        %get3A_1244 = arith.index_cast %add3A_1207 : i32 to index
        %get3A_1245 = arith.constant 48 : index
        %get3A_1246 = tpu.vector_load %arg11[%get3A_1243, %get3A_1244, %get3A_1245] {strides = array<i32>} : memref<2x128x128xf32, #tpu.memory_space<vmem>>, vector<1x1x16xf32>,
        %get3A_1247 = vector.shape_cast %get3A_1246 : vector<1x1x16xf32> to vector<16xf32>
        %get3A_1248 = arith.index_cast %rem3A_168 : i32 to index
        %get3A_1249 = arith.index_cast %add3A_1207 : i32 to index
        %get3A_1250 = arith.constant 112 : index
        %get3A_1251 = tpu.vector_load %arg12[%get3A_1248, %get3A_1249, %get3A_1250] {strides = array<i32>} : memref<2x128x128xf32, #tpu.memory_space<vmem>>, vector<1x1x16xf32>,
        %get3A_1252 = vector.shape_cast %get3A_1251 : vector<1x1x16xf32> to vector<16xf32>
        %mul3A_1253 = arith.mulf %get3A_1247, %get3A_1252 : vector<16xf32>
        %add3A_1254 = arith.addf %add3A_1242, %mul3A_1253 : vector<16xf32>
        %xor3A_1255 = arith.constant 1 : i32
        %xor3A_1256 = vector.broadcast %xor3A_1255 : i32 to vector<16xi32>
        %xor3A_1257 = arith.xori %iota3A, %xor3A_1256 : vector<16xi32>
        %broadcast_in_dim3A_1258 = vector.shape_cast %xor3A_1257 : vector<16xi32> to vector<16x1xi32>
        %gather3A_1259 = vector.shape_cast %broadcast_in_dim3A_1258 : vector<16x1xi32> to vector<16xi32>
        %gather3A_1260 = tpu.dynamic_gather %add3A_1254[%gather3A_1259] in [0] : vector<16xf32>, vector<16xi32> -> vector<16xf32>
        %add3A_1261 = arith.addf %add3A_1254, %gather3A_1260 : vector<16xf32>
        %xor3A_1262 = arith.constant 2 : i32
        %xor3A_1263 = vector.broadcast %xor3A_1262 : i32 to vector<16xi32>
        %xor3A_1264 = arith.xori %iota3A, %xor3A_1263 : vector<16xi32>
        %broadcast_in_dim3A_1265 = vector.shape_cast %xor3A_1264 : vector<16xi32> to vector<16x1xi32>
        %gather3A_1266 = vector.shape_cast %broadcast_in_dim3A_1265 : vector<16x1xi32> to vector<16xi32>
        %gather3A_1267 = tpu.dynamic_gather %add3A_1261[%gather3A_1266] in [0] : vector<16xf32>, vector<16xi32> -> vector<16xf32>
        %add3A_1268 = arith.addf %add3A_1261, %gather3A_1267 : vector<16xf32>
        %xor3A_1269 = arith.constant 4 : i32
        %xor3A_1270 = vector.broadcast %xor3A_1269 : i32 to vector<16xi32>
        %xor3A_1271 = arith.xori %iota3A, %xor3A_1270 : vector<16xi32>
        %broadcast_in_dim3A_1272 = vector.shape_cast %xor3A_1271 : vector<16xi32> to vector<16x1xi32>
        %gather3A_1273 = vector.shape_cast %broadcast_in_dim3A_1272 : vector<16x1xi32> to vector<16xi32>
        %gather3A_1274 = tpu.dynamic_gather %add3A_1268[%gather3A_1273] in [0] : vector<16xf32>, vector<16xi32> -> vector<16xf32>
        %add3A_1275 = arith.addf %add3A_1268, %gather3A_1274 : vector<16xf32>
        %xor3A_1276 = arith.constant 8 : i32
        %xor3A_1277 = vector.broadcast %xor3A_1276 : i32 to vector<16xi32>
        %xor3A_1278 = arith.xori %iota3A, %xor3A_1277 : vector<16xi32>
        %broadcast_in_dim3A_1279 = vector.shape_cast %xor3A_1278 : vector<16xi32> to vector<16x1xi32>
        %gather3A_1280 = vector.shape_cast %broadcast_in_dim3A_1279 : vector<16x1xi32> to vector<16xi32>
        %gather3A_1281 = tpu.dynamic_gather %add3A_1275[%gather3A_1280] in [0] : vector<16xf32>, vector<16xi32> -> vector<16xf32>
        %add3A_1282 = arith.addf %add3A_1275, %gather3A_1281 : vector<16xf32>
        %eq3A_1283 = arith.constant 12 : i32
        %eq3A_1284 = vector.broadcast %eq3A_1283 : i32 to vector<16xi32>
        %eq3A_1285 = arith.cmpi eq, %iota3A, %eq3A_1284 : vector<16xi32>
        %select_n3A_1286 = arith.select %eq3A_1285, %add3A_1282, %broadcast_in_dim3A_1 : vector<16xi1>, vector<16xf32>
        %add3A_1287 = arith.addf %add3A_1203, %select_n3A_1286 : vector<16xf32>
        %mul3A_1288 = arith.constant 16 : i32
        %mul3A_1289 = arith.muli %scan3A_199, %mul3A_1288 : i32
        %add3A_1290 = arith.constant 13 : i32
        %add3A_1291 = arith.addi %mul3A_1289, %add3A_1290 : i32
        %get3A_1292 = arith.index_cast %rem3A_168 : i32 to index
        %get3A_1293 = arith.index_cast %add3A_1291 : i32 to index
        %get3A_1294 = arith.constant 0 : index
        %get3A_1295 = tpu.vector_load %arg11[%get3A_1292, %get3A_1293, %get3A_1294] {strides = array<i32>} : memref<2x128x128xf32, #tpu.memory_space<vmem>>, vector<1x1x16xf32>,
        %get3A_1296 = vector.shape_cast %get3A_1295 : vector<1x1x16xf32> to vector<16xf32>
        %get3A_1297 = arith.index_cast %rem3A_168 : i32 to index
        %get3A_1298 = arith.index_cast %add3A_1291 : i32 to index
        %get3A_1299 = arith.constant 64 : index
        %get3A_1300 = tpu.vector_load %arg12[%get3A_1297, %get3A_1298, %get3A_1299] {strides = array<i32>} : memref<2x128x128xf32, #tpu.memory_space<vmem>>, vector<1x1x16xf32>,
        %get3A_1301 = vector.shape_cast %get3A_1300 : vector<1x1x16xf32> to vector<16xf32>
        %mul3A_1302 = arith.mulf %get3A_1296, %get3A_1301 : vector<16xf32>
        %get3A_1303 = arith.index_cast %rem3A_168 : i32 to index
        %get3A_1304 = arith.index_cast %add3A_1291 : i32 to index
        %get3A_1305 = arith.constant 16 : index
        %get3A_1306 = tpu.vector_load %arg11[%get3A_1303, %get3A_1304, %get3A_1305] {strides = array<i32>} : memref<2x128x128xf32, #tpu.memory_space<vmem>>, vector<1x1x16xf32>,
        %get3A_1307 = vector.shape_cast %get3A_1306 : vector<1x1x16xf32> to vector<16xf32>
        %get3A_1308 = arith.index_cast %rem3A_168 : i32 to index
        %get3A_1309 = arith.index_cast %add3A_1291 : i32 to index
        %get3A_1310 = arith.constant 80 : index
        %get3A_1311 = tpu.vector_load %arg12[%get3A_1308, %get3A_1309, %get3A_1310] {strides = array<i32>} : memref<2x128x128xf32, #tpu.memory_space<vmem>>, vector<1x1x16xf32>,
        %get3A_1312 = vector.shape_cast %get3A_1311 : vector<1x1x16xf32> to vector<16xf32>
        %mul3A_1313 = arith.mulf %get3A_1307, %get3A_1312 : vector<16xf32>
        %add3A_1314 = arith.addf %mul3A_1302, %mul3A_1313 : vector<16xf32>
        %get3A_1315 = arith.index_cast %rem3A_168 : i32 to index
        %get3A_1316 = arith.index_cast %add3A_1291 : i32 to index
        %get3A_1317 = arith.constant 32 : index
        %get3A_1318 = tpu.vector_load %arg11[%get3A_1315, %get3A_1316, %get3A_1317] {strides = array<i32>} : memref<2x128x128xf32, #tpu.memory_space<vmem>>, vector<1x1x16xf32>,
        %get3A_1319 = vector.shape_cast %get3A_1318 : vector<1x1x16xf32> to vector<16xf32>
        %get3A_1320 = arith.index_cast %rem3A_168 : i32 to index
        %get3A_1321 = arith.index_cast %add3A_1291 : i32 to index
        %get3A_1322 = arith.constant 96 : index
        %get3A_1323 = tpu.vector_load %arg12[%get3A_1320, %get3A_1321, %get3A_1322] {strides = array<i32>} : memref<2x128x128xf32, #tpu.memory_space<vmem>>, vector<1x1x16xf32>,
        %get3A_1324 = vector.shape_cast %get3A_1323 : vector<1x1x16xf32> to vector<16xf32>
        %mul3A_1325 = arith.mulf %get3A_1319, %get3A_1324 : vector<16xf32>
        %add3A_1326 = arith.addf %add3A_1314, %mul3A_1325 : vector<16xf32>
        %get3A_1327 = arith.index_cast %rem3A_168 : i32 to index
        %get3A_1328 = arith.index_cast %add3A_1291 : i32 to index
        %get3A_1329 = arith.constant 48 : index
        %get3A_1330 = tpu.vector_load %arg11[%get3A_1327, %get3A_1328, %get3A_1329] {strides = array<i32>} : memref<2x128x128xf32, #tpu.memory_space<vmem>>, vector<1x1x16xf32>,
        %get3A_1331 = vector.shape_cast %get3A_1330 : vector<1x1x16xf32> to vector<16xf32>
        %get3A_1332 = arith.index_cast %rem3A_168 : i32 to index
        %get3A_1333 = arith.index_cast %add3A_1291 : i32 to index
        %get3A_1334 = arith.constant 112 : index
        %get3A_1335 = tpu.vector_load %arg12[%get3A_1332, %get3A_1333, %get3A_1334] {strides = array<i32>} : memref<2x128x128xf32, #tpu.memory_space<vmem>>, vector<1x1x16xf32>,
        %get3A_1336 = vector.shape_cast %get3A_1335 : vector<1x1x16xf32> to vector<16xf32>
        %mul3A_1337 = arith.mulf %get3A_1331, %get3A_1336 : vector<16xf32>
        %add3A_1338 = arith.addf %add3A_1326, %mul3A_1337 : vector<16xf32>
        %xor3A_1339 = arith.constant 1 : i32
        %xor3A_1340 = vector.broadcast %xor3A_1339 : i32 to vector<16xi32>
        %xor3A_1341 = arith.xori %iota3A, %xor3A_1340 : vector<16xi32>
        %broadcast_in_dim3A_1342 = vector.shape_cast %xor3A_1341 : vector<16xi32> to vector<16x1xi32>
        %gather3A_1343 = vector.shape_cast %broadcast_in_dim3A_1342 : vector<16x1xi32> to vector<16xi32>
        %gather3A_1344 = tpu.dynamic_gather %add3A_1338[%gather3A_1343] in [0] : vector<16xf32>, vector<16xi32> -> vector<16xf32>
        %add3A_1345 = arith.addf %add3A_1338, %gather3A_1344 : vector<16xf32>
        %xor3A_1346 = arith.constant 2 : i32
        %xor3A_1347 = vector.broadcast %xor3A_1346 : i32 to vector<16xi32>
        %xor3A_1348 = arith.xori %iota3A, %xor3A_1347 : vector<16xi32>
        %broadcast_in_dim3A_1349 = vector.shape_cast %xor3A_1348 : vector<16xi32> to vector<16x1xi32>
        %gather3A_1350 = vector.shape_cast %broadcast_in_dim3A_1349 : vector<16x1xi32> to vector<16xi32>
        %gather3A_1351 = tpu.dynamic_gather %add3A_1345[%gather3A_1350] in [0] : vector<16xf32>, vector<16xi32> -> vector<16xf32>
        %add3A_1352 = arith.addf %add3A_1345, %gather3A_1351 : vector<16xf32>
        %xor3A_1353 = arith.constant 4 : i32
        %xor3A_1354 = vector.broadcast %xor3A_1353 : i32 to vector<16xi32>
        %xor3A_1355 = arith.xori %iota3A, %xor3A_1354 : vector<16xi32>
        %broadcast_in_dim3A_1356 = vector.shape_cast %xor3A_1355 : vector<16xi32> to vector<16x1xi32>
        %gather3A_1357 = vector.shape_cast %broadcast_in_dim3A_1356 : vector<16x1xi32> to vector<16xi32>
        %gather3A_1358 = tpu.dynamic_gather %add3A_1352[%gather3A_1357] in [0] : vector<16xf32>, vector<16xi32> -> vector<16xf32>
        %add3A_1359 = arith.addf %add3A_1352, %gather3A_1358 : vector<16xf32>
        %xor3A_1360 = arith.constant 8 : i32
        %xor3A_1361 = vector.broadcast %xor3A_1360 : i32 to vector<16xi32>
        %xor3A_1362 = arith.xori %iota3A, %xor3A_1361 : vector<16xi32>
        %broadcast_in_dim3A_1363 = vector.shape_cast %xor3A_1362 : vector<16xi32> to vector<16x1xi32>
        %gather3A_1364 = vector.shape_cast %broadcast_in_dim3A_1363 : vector<16x1xi32> to vector<16xi32>
        %gather3A_1365 = tpu.dynamic_gather %add3A_1359[%gather3A_1364] in [0] : vector<16xf32>, vector<16xi32> -> vector<16xf32>
        %add3A_1366 = arith.addf %add3A_1359, %gather3A_1365 : vector<16xf32>
        %eq3A_1367 = arith.constant 13 : i32
        %eq3A_1368 = vector.broadcast %eq3A_1367 : i32 to vector<16xi32>
        %eq3A_1369 = arith.cmpi eq, %iota3A, %eq3A_1368 : vector<16xi32>
        %select_n3A_1370 = arith.select %eq3A_1369, %add3A_1366, %broadcast_in_dim3A_1 : vector<16xi1>, vector<16xf32>
        %add3A_1371 = arith.addf %add3A_1287, %select_n3A_1370 : vector<16xf32>
        %mul3A_1372 = arith.constant 16 : i32
        %mul3A_1373 = arith.muli %scan3A_199, %mul3A_1372 : i32
        %add3A_1374 = arith.constant 14 : i32
        %add3A_1375 = arith.addi %mul3A_1373, %add3A_1374 : i32
        %get3A_1376 = arith.index_cast %rem3A_168 : i32 to index
        %get3A_1377 = arith.index_cast %add3A_1375 : i32 to index
        %get3A_1378 = arith.constant 0 : index
        %get3A_1379 = tpu.vector_load %arg11[%get3A_1376, %get3A_1377, %get3A_1378] {strides = array<i32>} : memref<2x128x128xf32, #tpu.memory_space<vmem>>, vector<1x1x16xf32>,
        %get3A_1380 = vector.shape_cast %get3A_1379 : vector<1x1x16xf32> to vector<16xf32>
        %get3A_1381 = arith.index_cast %rem3A_168 : i32 to index
        %get3A_1382 = arith.index_cast %add3A_1375 : i32 to index
        %get3A_1383 = arith.constant 64 : index
        %get3A_1384 = tpu.vector_load %arg12[%get3A_1381, %get3A_1382, %get3A_1383] {strides = array<i32>} : memref<2x128x128xf32, #tpu.memory_space<vmem>>, vector<1x1x16xf32>,
        %get3A_1385 = vector.shape_cast %get3A_1384 : vector<1x1x16xf32> to vector<16xf32>
        %mul3A_1386 = arith.mulf %get3A_1380, %get3A_1385 : vector<16xf32>
        %get3A_1387 = arith.index_cast %rem3A_168 : i32 to index
        %get3A_1388 = arith.index_cast %add3A_1375 : i32 to index
        %get3A_1389 = arith.constant 16 : index
        %get3A_1390 = tpu.vector_load %arg11[%get3A_1387, %get3A_1388, %get3A_1389] {strides = array<i32>} : memref<2x128x128xf32, #tpu.memory_space<vmem>>, vector<1x1x16xf32>,
        %get3A_1391 = vector.shape_cast %get3A_1390 : vector<1x1x16xf32> to vector<16xf32>
        %get3A_1392 = arith.index_cast %rem3A_168 : i32 to index
        %get3A_1393 = arith.index_cast %add3A_1375 : i32 to index
        %get3A_1394 = arith.constant 80 : index
        %get3A_1395 = tpu.vector_load %arg12[%get3A_1392, %get3A_1393, %get3A_1394] {strides = array<i32>} : memref<2x128x128xf32, #tpu.memory_space<vmem>>, vector<1x1x16xf32>,
        %get3A_1396 = vector.shape_cast %get3A_1395 : vector<1x1x16xf32> to vector<16xf32>
        %mul3A_1397 = arith.mulf %get3A_1391, %get3A_1396 : vector<16xf32>
        %add3A_1398 = arith.addf %mul3A_1386, %mul3A_1397 : vector<16xf32>
        %get3A_1399 = arith.index_cast %rem3A_168 : i32 to index
        %get3A_1400 = arith.index_cast %add3A_1375 : i32 to index
        %get3A_1401 = arith.constant 32 : index
        %get3A_1402 = tpu.vector_load %arg11[%get3A_1399, %get3A_1400, %get3A_1401] {strides = array<i32>} : memref<2x128x128xf32, #tpu.memory_space<vmem>>, vector<1x1x16xf32>,
        %get3A_1403 = vector.shape_cast %get3A_1402 : vector<1x1x16xf32> to vector<16xf32>
        %get3A_1404 = arith.index_cast %rem3A_168 : i32 to index
        %get3A_1405 = arith.index_cast %add3A_1375 : i32 to index
        %get3A_1406 = arith.constant 96 : index
        %get3A_1407 = tpu.vector_load %arg12[%get3A_1404, %get3A_1405, %get3A_1406] {strides = array<i32>} : memref<2x128x128xf32, #tpu.memory_space<vmem>>, vector<1x1x16xf32>,
        %get3A_1408 = vector.shape_cast %get3A_1407 : vector<1x1x16xf32> to vector<16xf32>
        %mul3A_1409 = arith.mulf %get3A_1403, %get3A_1408 : vector<16xf32>
        %add3A_1410 = arith.addf %add3A_1398, %mul3A_1409 : vector<16xf32>
        %get3A_1411 = arith.index_cast %rem3A_168 : i32 to index
        %get3A_1412 = arith.index_cast %add3A_1375 : i32 to index
        %get3A_1413 = arith.constant 48 : index
        %get3A_1414 = tpu.vector_load %arg11[%get3A_1411, %get3A_1412, %get3A_1413] {strides = array<i32>} : memref<2x128x128xf32, #tpu.memory_space<vmem>>, vector<1x1x16xf32>,
        %get3A_1415 = vector.shape_cast %get3A_1414 : vector<1x1x16xf32> to vector<16xf32>
        %get3A_1416 = arith.index_cast %rem3A_168 : i32 to index
        %get3A_1417 = arith.index_cast %add3A_1375 : i32 to index
        %get3A_1418 = arith.constant 112 : index
        %get3A_1419 = tpu.vector_load %arg12[%get3A_1416, %get3A_1417, %get3A_1418] {strides = array<i32>} : memref<2x128x128xf32, #tpu.memory_space<vmem>>, vector<1x1x16xf32>,
        %get3A_1420 = vector.shape_cast %get3A_1419 : vector<1x1x16xf32> to vector<16xf32>
        %mul3A_1421 = arith.mulf %get3A_1415, %get3A_1420 : vector<16xf32>
        %add3A_1422 = arith.addf %add3A_1410, %mul3A_1421 : vector<16xf32>
        %xor3A_1423 = arith.constant 1 : i32
        %xor3A_1424 = vector.broadcast %xor3A_1423 : i32 to vector<16xi32>
        %xor3A_1425 = arith.xori %iota3A, %xor3A_1424 : vector<16xi32>
        %broadcast_in_dim3A_1426 = vector.shape_cast %xor3A_1425 : vector<16xi32> to vector<16x1xi32>
        %gather3A_1427 = vector.shape_cast %broadcast_in_dim3A_1426 : vector<16x1xi32> to vector<16xi32>
        %gather3A_1428 = tpu.dynamic_gather %add3A_1422[%gather3A_1427] in [0] : vector<16xf32>, vector<16xi32> -> vector<16xf32>
        %add3A_1429 = arith.addf %add3A_1422, %gather3A_1428 : vector<16xf32>
        %xor3A_1430 = arith.constant 2 : i32
        %xor3A_1431 = vector.broadcast %xor3A_1430 : i32 to vector<16xi32>
        %xor3A_1432 = arith.xori %iota3A, %xor3A_1431 : vector<16xi32>
        %broadcast_in_dim3A_1433 = vector.shape_cast %xor3A_1432 : vector<16xi32> to vector<16x1xi32>
        %gather3A_1434 = vector.shape_cast %broadcast_in_dim3A_1433 : vector<16x1xi32> to vector<16xi32>
        %gather3A_1435 = tpu.dynamic_gather %add3A_1429[%gather3A_1434] in [0] : vector<16xf32>, vector<16xi32> -> vector<16xf32>
        %add3A_1436 = arith.addf %add3A_1429, %gather3A_1435 : vector<16xf32>
        %xor3A_1437 = arith.constant 4 : i32
        %xor3A_1438 = vector.broadcast %xor3A_1437 : i32 to vector<16xi32>
        %xor3A_1439 = arith.xori %iota3A, %xor3A_1438 : vector<16xi32>
        %broadcast_in_dim3A_1440 = vector.shape_cast %xor3A_1439 : vector<16xi32> to vector<16x1xi32>
        %gather3A_1441 = vector.shape_cast %broadcast_in_dim3A_1440 : vector<16x1xi32> to vector<16xi32>
        %gather3A_1442 = tpu.dynamic_gather %add3A_1436[%gather3A_1441] in [0] : vector<16xf32>, vector<16xi32> -> vector<16xf32>
        %add3A_1443 = arith.addf %add3A_1436, %gather3A_1442 : vector<16xf32>
        %xor3A_1444 = arith.constant 8 : i32
        %xor3A_1445 = vector.broadcast %xor3A_1444 : i32 to vector<16xi32>
        %xor3A_1446 = arith.xori %iota3A, %xor3A_1445 : vector<16xi32>
        %broadcast_in_dim3A_1447 = vector.shape_cast %xor3A_1446 : vector<16xi32> to vector<16x1xi32>
        %gather3A_1448 = vector.shape_cast %broadcast_in_dim3A_1447 : vector<16x1xi32> to vector<16xi32>
        %gather3A_1449 = tpu.dynamic_gather %add3A_1443[%gather3A_1448] in [0] : vector<16xf32>, vector<16xi32> -> vector<16xf32>
        %add3A_1450 = arith.addf %add3A_1443, %gather3A_1449 : vector<16xf32>
        %eq3A_1451 = arith.constant 14 : i32
        %eq3A_1452 = vector.broadcast %eq3A_1451 : i32 to vector<16xi32>
        %eq3A_1453 = arith.cmpi eq, %iota3A, %eq3A_1452 : vector<16xi32>
        %select_n3A_1454 = arith.select %eq3A_1453, %add3A_1450, %broadcast_in_dim3A_1 : vector<16xi1>, vector<16xf32>
        %add3A_1455 = arith.addf %add3A_1371, %select_n3A_1454 : vector<16xf32>
        %mul3A_1456 = arith.constant 16 : i32
        %mul3A_1457 = arith.muli %scan3A_199, %mul3A_1456 : i32
        %add3A_1458 = arith.constant 15 : i32
        %add3A_1459 = arith.addi %mul3A_1457, %add3A_1458 : i32
        %get3A_1460 = arith.index_cast %rem3A_168 : i32 to index
        %get3A_1461 = arith.index_cast %add3A_1459 : i32 to index
        %get3A_1462 = arith.constant 0 : index
        %get3A_1463 = tpu.vector_load %arg11[%get3A_1460, %get3A_1461, %get3A_1462] {strides = array<i32>} : memref<2x128x128xf32, #tpu.memory_space<vmem>>, vector<1x1x16xf32>,
        %get3A_1464 = vector.shape_cast %get3A_1463 : vector<1x1x16xf32> to vector<16xf32>
        %get3A_1465 = arith.index_cast %rem3A_168 : i32 to index
        %get3A_1466 = arith.index_cast %add3A_1459 : i32 to index
        %get3A_1467 = arith.constant 64 : index
        %get3A_1468 = tpu.vector_load %arg12[%get3A_1465, %get3A_1466, %get3A_1467] {strides = array<i32>} : memref<2x128x128xf32, #tpu.memory_space<vmem>>, vector<1x1x16xf32>,
        %get3A_1469 = vector.shape_cast %get3A_1468 : vector<1x1x16xf32> to vector<16xf32>
        %mul3A_1470 = arith.mulf %get3A_1464, %get3A_1469 : vector<16xf32>
        %get3A_1471 = arith.index_cast %rem3A_168 : i32 to index
        %get3A_1472 = arith.index_cast %add3A_1459 : i32 to index
        %get3A_1473 = arith.constant 16 : index
        %get3A_1474 = tpu.vector_load %arg11[%get3A_1471, %get3A_1472, %get3A_1473] {strides = array<i32>} : memref<2x128x128xf32, #tpu.memory_space<vmem>>, vector<1x1x16xf32>,
        %get3A_1475 = vector.shape_cast %get3A_1474 : vector<1x1x16xf32> to vector<16xf32>
        %get3A_1476 = arith.index_cast %rem3A_168 : i32 to index
        %get3A_1477 = arith.index_cast %add3A_1459 : i32 to index
        %get3A_1478 = arith.constant 80 : index
        %get3A_1479 = tpu.vector_load %arg12[%get3A_1476, %get3A_1477, %get3A_1478] {strides = array<i32>} : memref<2x128x128xf32, #tpu.memory_space<vmem>>, vector<1x1x16xf32>,
        %get3A_1480 = vector.shape_cast %get3A_1479 : vector<1x1x16xf32> to vector<16xf32>
        %mul3A_1481 = arith.mulf %get3A_1475, %get3A_1480 : vector<16xf32>
        %add3A_1482 = arith.addf %mul3A_1470, %mul3A_1481 : vector<16xf32>
        %get3A_1483 = arith.index_cast %rem3A_168 : i32 to index
        %get3A_1484 = arith.index_cast %add3A_1459 : i32 to index
        %get3A_1485 = arith.constant 32 : index
        %get3A_1486 = tpu.vector_load %arg11[%get3A_1483, %get3A_1484, %get3A_1485] {strides = array<i32>} : memref<2x128x128xf32, #tpu.memory_space<vmem>>, vector<1x1x16xf32>,
        %get3A_1487 = vector.shape_cast %get3A_1486 : vector<1x1x16xf32> to vector<16xf32>
        %get3A_1488 = arith.index_cast %rem3A_168 : i32 to index
        %get3A_1489 = arith.index_cast %add3A_1459 : i32 to index
        %get3A_1490 = arith.constant 96 : index
        %get3A_1491 = tpu.vector_load %arg12[%get3A_1488, %get3A_1489, %get3A_1490] {strides = array<i32>} : memref<2x128x128xf32, #tpu.memory_space<vmem>>, vector<1x1x16xf32>,
        %get3A_1492 = vector.shape_cast %get3A_1491 : vector<1x1x16xf32> to vector<16xf32>
        %mul3A_1493 = arith.mulf %get3A_1487, %get3A_1492 : vector<16xf32>
        %add3A_1494 = arith.addf %add3A_1482, %mul3A_1493 : vector<16xf32>
        %get3A_1495 = arith.index_cast %rem3A_168 : i32 to index
        %get3A_1496 = arith.index_cast %add3A_1459 : i32 to index
        %get3A_1497 = arith.constant 48 : index
        %get3A_1498 = tpu.vector_load %arg11[%get3A_1495, %get3A_1496, %get3A_1497] {strides = array<i32>} : memref<2x128x128xf32, #tpu.memory_space<vmem>>, vector<1x1x16xf32>,
        %get3A_1499 = vector.shape_cast %get3A_1498 : vector<1x1x16xf32> to vector<16xf32>
        %get3A_1500 = arith.index_cast %rem3A_168 : i32 to index
        %get3A_1501 = arith.index_cast %add3A_1459 : i32 to index
        %get3A_1502 = arith.constant 112 : index
        %get3A_1503 = tpu.vector_load %arg12[%get3A_1500, %get3A_1501, %get3A_1502] {strides = array<i32>} : memref<2x128x128xf32, #tpu.memory_space<vmem>>, vector<1x1x16xf32>,
        %get3A_1504 = vector.shape_cast %get3A_1503 : vector<1x1x16xf32> to vector<16xf32>
        %mul3A_1505 = arith.mulf %get3A_1499, %get3A_1504 : vector<16xf32>
        %add3A_1506 = arith.addf %add3A_1494, %mul3A_1505 : vector<16xf32>
        %xor3A_1507 = arith.constant 1 : i32
        %xor3A_1508 = vector.broadcast %xor3A_1507 : i32 to vector<16xi32>
        %xor3A_1509 = arith.xori %iota3A, %xor3A_1508 : vector<16xi32>
        %broadcast_in_dim3A_1510 = vector.shape_cast %xor3A_1509 : vector<16xi32> to vector<16x1xi32>
        %gather3A_1511 = vector.shape_cast %broadcast_in_dim3A_1510 : vector<16x1xi32> to vector<16xi32>
        %gather3A_1512 = tpu.dynamic_gather %add3A_1506[%gather3A_1511] in [0] : vector<16xf32>, vector<16xi32> -> vector<16xf32>
        %add3A_1513 = arith.addf %add3A_1506, %gather3A_1512 : vector<16xf32>
        %xor3A_1514 = arith.constant 2 : i32
        %xor3A_1515 = vector.broadcast %xor3A_1514 : i32 to vector<16xi32>
        %xor3A_1516 = arith.xori %iota3A, %xor3A_1515 : vector<16xi32>
        %broadcast_in_dim3A_1517 = vector.shape_cast %xor3A_1516 : vector<16xi32> to vector<16x1xi32>
        %gather3A_1518 = vector.shape_cast %broadcast_in_dim3A_1517 : vector<16x1xi32> to vector<16xi32>
        %gather3A_1519 = tpu.dynamic_gather %add3A_1513[%gather3A_1518] in [0] : vector<16xf32>, vector<16xi32> -> vector<16xf32>
        %add3A_1520 = arith.addf %add3A_1513, %gather3A_1519 : vector<16xf32>
        %xor3A_1521 = arith.constant 4 : i32
        %xor3A_1522 = vector.broadcast %xor3A_1521 : i32 to vector<16xi32>
        %xor3A_1523 = arith.xori %iota3A, %xor3A_1522 : vector<16xi32>
        %broadcast_in_dim3A_1524 = vector.shape_cast %xor3A_1523 : vector<16xi32> to vector<16x1xi32>
        %gather3A_1525 = vector.shape_cast %broadcast_in_dim3A_1524 : vector<16x1xi32> to vector<16xi32>
        %gather3A_1526 = tpu.dynamic_gather %add3A_1520[%gather3A_1525] in [0] : vector<16xf32>, vector<16xi32> -> vector<16xf32>
        %add3A_1527 = arith.addf %add3A_1520, %gather3A_1526 : vector<16xf32>
        %xor3A_1528 = arith.constant 8 : i32
        %xor3A_1529 = vector.broadcast %xor3A_1528 : i32 to vector<16xi32>
        %xor3A_1530 = arith.xori %iota3A, %xor3A_1529 : vector<16xi32>
        %broadcast_in_dim3A_1531 = vector.shape_cast %xor3A_1530 : vector<16xi32> to vector<16x1xi32>
        %gather3A_1532 = vector.shape_cast %broadcast_in_dim3A_1531 : vector<16x1xi32> to vector<16xi32>
        %gather3A_1533 = tpu.dynamic_gather %add3A_1527[%gather3A_1532] in [0] : vector<16xf32>, vector<16xi32> -> vector<16xf32>
        %add3A_1534 = arith.addf %add3A_1527, %gather3A_1533 : vector<16xf32>
        %eq3A_1535 = arith.constant 15 : i32
        %eq3A_1536 = vector.broadcast %eq3A_1535 : i32 to vector<16xi32>
        %eq3A_1537 = arith.cmpi eq, %iota3A, %eq3A_1536 : vector<16xi32>
        %select_n3A_1538 = arith.select %eq3A_1537, %add3A_1534, %broadcast_in_dim3A_1 : vector<16xi1>, vector<16xf32>
        %add3A_1539 = arith.addf %add3A_1455, %select_n3A_1538 : vector<16xf32>
        %mul3A_1540 = arith.constant 16 : i32
        %mul3A_1541 = arith.muli %scan3A_199, %mul3A_1540 : i32
        %add3A_1542 = arith.addi %mul3A_179, %mul3A_1541 : i32
        %swap3A = arith.index_cast %add3A_1542 : i32 to index
        %swap3A_1543 = tpu.vector_load %arg14[%swap3A] {strides = array<i32>} : memref<2048xf32, #tpu.memory_space<vmem>>, vector<16xf32>,
        %swap3A_1544 = vector.shape_cast %swap3A_1543 : vector<16xf32> to vector<16xf32>
        %swap3A_1545 = vector.shape_cast %add3A_1539 : vector<16xf32> to vector<16xf32>
        tpu.vector_store %arg14[%swap3A], %swap3A_1545 {strides = array<i32>} : memref<2048xf32, #tpu.memory_space<vmem>>, vector<16xf32>,
      }
      %scan3A_185 = arith.constant 8 : i32
      %add3A_186 = arith.constant 2 : i32
      %add3A_187 = arith.addi %scan3A_166, %add3A_186 : i32
      %lt3A = arith.constant 96 : i32
      %lt3A_188 = arith.cmpi slt, %add3A_187, %lt3A : i32
      %convert_element_type3A_189 = arith.extui %lt3A_188 : i1 to i32
      %cond3A_190 = arith.constant 0 : i32
      %cond3A_191 = arith.cmpi ne, %convert_element_type3A_189, %cond3A_190 : i32
      scf.if %cond3A_191 {
        %eq3A_199 = arith.constant 0 : i32
        %eq3A_200 = arith.cmpi eq, %rem3A_168, %eq3A_199 : i32
        %convert_element_type3A_201 = arith.extui %eq3A_200 : i1 to i32
        %cond3A_202 = arith.constant 0 : i32
        %cond3A_203 = arith.cmpi ne, %convert_element_type3A_201, %cond3A_202 : i32
        scf.if %cond3A_203 {
          %add3A_209 = arith.constant 2 : i32
          %add3A_210 = arith.addi %scan3A_166, %add3A_209 : i32
          %mul3A_211 = arith.constant 128 : i32
          %mul3A_212 = arith.muli %add3A_210, %mul3A_211 : i32
          %dma_start3A_213 = arith.constant 0 : i32
          %dma_start3A_214 = arith.constant 0 : i32
          %dma_start3A_215 = arith.constant 0 : i32
          %dma_start3A_216 = tpu.memref_slice %arg11[%dma_start3A_213, %dma_start3A_214, %dma_start3A_215] : memref<2x128x128xf32, #tpu.memory_space<vmem>> -> memref<1x128x128xf32, #tpu.memory_space<vmem>>
          %dma_start3A_217 = tpu.memref_squeeze %dma_start3A_216 : memref<1x128x128xf32, #tpu.memory_space<vmem>> -> memref<128x128xf32, #tpu.memory_space<vmem>>
          %dma_start3A_218 = tpu.memref_slice %arg9[%mul3A_212] : memref<12288xi32, #tpu.memory_space<vmem>> -> memref<128xi32, #tpu.memory_space<vmem>>
          %dma_start3A_219 = arith.constant 0 : i32
          %dma_start3A_220 = arith.constant 0 : i32
          %dma_start3A_221 = tpu.memref_slice %arg2[%dma_start3A_219, %dma_start3A_220] : memref<150000x128xf32, #tpu.memory_space<hbm>> -> memref<150000x128xf32, #tpu.memory_space<hbm>>
          tpu.enqueue_indirect_dma source(%dma_start3A_221 : memref<150000x128xf32, #tpu.memory_space<hbm>>) target(%dma_start3A_217 : memref<128x128xf32, #tpu.memory_space<vmem>>) offsets(%dma_start3A_218 : memref<128xi32, #tpu.memory_space<vmem>>) semaphore(%arg15 : memref<!tpu.dma_semaphore, #tpu.memory_space<semaphore_mem>>)
          %mul3A_222 = arith.constant 128 : i32
          %mul3A_223 = arith.muli %add3A_210, %mul3A_222 : i32
          %dma_start3A_224 = arith.constant 0 : i32
          %dma_start3A_225 = arith.constant 0 : i32
          %dma_start3A_226 = arith.constant 0 : i32
          %dma_start3A_227 = tpu.memref_slice %arg12[%dma_start3A_224, %dma_start3A_225, %dma_start3A_226] : memref<2x128x128xf32, #tpu.memory_space<vmem>> -> memref<1x128x128xf32, #tpu.memory_space<vmem>>
          %dma_start3A_228 = tpu.memref_squeeze %dma_start3A_227 : memref<1x128x128xf32, #tpu.memory_space<vmem>> -> memref<128x128xf32, #tpu.memory_space<vmem>>
          %dma_start3A_229 = tpu.memref_slice %arg10[%mul3A_223] : memref<12288xi32, #tpu.memory_space<vmem>> -> memref<128xi32, #tpu.memory_space<vmem>>
          %dma_start3A_230 = arith.constant 0 : i32
          %dma_start3A_231 = arith.constant 0 : i32
          %dma_start3A_232 = tpu.memref_slice %arg2[%dma_start3A_230, %dma_start3A_231] : memref<150000x128xf32, #tpu.memory_space<hbm>> -> memref<150000x128xf32, #tpu.memory_space<hbm>>
          tpu.enqueue_indirect_dma source(%dma_start3A_232 : memref<150000x128xf32, #tpu.memory_space<hbm>>) target(%dma_start3A_228 : memref<128x128xf32, #tpu.memory_space<vmem>>) offsets(%dma_start3A_229 : memref<128xi32, #tpu.memory_space<vmem>>) semaphore(%arg15 : memref<!tpu.dma_semaphore, #tpu.memory_space<semaphore_mem>>)
        } else {
        }
        %eq3A_204 = arith.constant 1 : i32
        %eq3A_205 = arith.cmpi eq, %rem3A_168, %eq3A_204 : i32
        %convert_element_type3A_206 = arith.extui %eq3A_205 : i1 to i32
        %cond3A_207 = arith.constant 0 : i32
        %cond3A_208 = arith.cmpi ne, %convert_element_type3A_206, %cond3A_207 : i32
        scf.if %cond3A_208 {
          %add3A_209 = arith.constant 2 : i32
          %add3A_210 = arith.addi %scan3A_166, %add3A_209 : i32
          %mul3A_211 = arith.constant 128 : i32
          %mul3A_212 = arith.muli %add3A_210, %mul3A_211 : i32
          %dma_start3A_213 = arith.constant 1 : i32
          %dma_start3A_214 = arith.constant 0 : i32
          %dma_start3A_215 = arith.constant 0 : i32
          %dma_start3A_216 = tpu.memref_slice %arg11[%dma_start3A_213, %dma_start3A_214, %dma_start3A_215] : memref<2x128x128xf32, #tpu.memory_space<vmem>> -> memref<1x128x128xf32, #tpu.memory_space<vmem>>
          %dma_start3A_217 = tpu.memref_squeeze %dma_start3A_216 : memref<1x128x128xf32, #tpu.memory_space<vmem>> -> memref<128x128xf32, #tpu.memory_space<vmem>>
          %dma_start3A_218 = tpu.memref_slice %arg9[%mul3A_212] : memref<12288xi32, #tpu.memory_space<vmem>> -> memref<128xi32, #tpu.memory_space<vmem>>
          %dma_start3A_219 = arith.constant 0 : i32
          %dma_start3A_220 = arith.constant 0 : i32
          %dma_start3A_221 = tpu.memref_slice %arg2[%dma_start3A_219, %dma_start3A_220] : memref<150000x128xf32, #tpu.memory_space<hbm>> -> memref<150000x128xf32, #tpu.memory_space<hbm>>
          tpu.enqueue_indirect_dma source(%dma_start3A_221 : memref<150000x128xf32, #tpu.memory_space<hbm>>) target(%dma_start3A_217 : memref<128x128xf32, #tpu.memory_space<vmem>>) offsets(%dma_start3A_218 : memref<128xi32, #tpu.memory_space<vmem>>) semaphore(%arg16 : memref<!tpu.dma_semaphore, #tpu.memory_space<semaphore_mem>>)
          %mul3A_222 = arith.constant 128 : i32
          %mul3A_223 = arith.muli %add3A_210, %mul3A_222 : i32
          %dma_start3A_224 = arith.constant 1 : i32
          %dma_start3A_225 = arith.constant 0 : i32
          %dma_start3A_226 = arith.constant 0 : i32
          %dma_start3A_227 = tpu.memref_slice %arg12[%dma_start3A_224, %dma_start3A_225, %dma_start3A_226] : memref<2x128x128xf32, #tpu.memory_space<vmem>> -> memref<1x128x128xf32, #tpu.memory_space<vmem>>
          %dma_start3A_228 = tpu.memref_squeeze %dma_start3A_227 : memref<1x128x128xf32, #tpu.memory_space<vmem>> -> memref<128x128xf32, #tpu.memory_space<vmem>>
          %dma_start3A_229 = tpu.memref_slice %arg10[%mul3A_223] : memref<12288xi32, #tpu.memory_space<vmem>> -> memref<128xi32, #tpu.memory_space<vmem>>
          %dma_start3A_230 = arith.constant 0 : i32
          %dma_start3A_231 = arith.constant 0 : i32
          %dma_start3A_232 = tpu.memref_slice %arg2[%dma_start3A_230, %dma_start3A_231] : memref<150000x128xf32, #tpu.memory_space<hbm>> -> memref<150000x128xf32, #tpu.memory_space<hbm>>
          tpu.enqueue_indirect_dma source(%dma_start3A_232 : memref<150000x128xf32, #tpu.memory_space<hbm>>) target(%dma_start3A_228 : memref<128x128xf32, #tpu.memory_space<vmem>>) offsets(%dma_start3A_229 : memref<128xi32, #tpu.memory_space<vmem>>) semaphore(%arg16 : memref<!tpu.dma_semaphore, #tpu.memory_space<semaphore_mem>>)
        } else {
        }
      } else {
      }
      %rem3A_192 = arith.constant 16 : i32
      %rem3A_193 = arith.remsi %scan3A_166, %rem3A_192 : i32
      %eq3A_194 = arith.constant 15 : i32
      %eq3A_195 = arith.cmpi eq, %rem3A_193, %eq3A_194 : i32
      %convert_element_type3A_196 = arith.extui %eq3A_195 : i1 to i32
      %cond3A_197 = arith.constant 0 : i32
      %cond3A_198 = arith.cmpi ne, %convert_element_type3A_196, %cond3A_197 : i32
      scf.if %cond3A_198 {
        %jit3A = arith.constant 16 : i32
        %div3A = arith.divsi %scan3A_166, %jit3A : i32
        %sign3A = arith.constant 0 : i32
        %sign3A_199 = arith.cmpi sgt, %scan3A_166, %sign3A : i32
        %sign3A_200 = arith.extui %sign3A_199 : i1 to i32
        %sign3A_201 = arith.constant 0 : i32
        %sign3A_202 = arith.cmpi slt, %scan3A_166, %sign3A_201 : i32
        %sign3A_203 = arith.extui %sign3A_202 : i1 to i32
        %sign3A_204 = arith.subi %sign3A_200, %sign3A_203 : i32
        %sign3A_205 = arith.constant 0 : i32
        %sign3A_206 = arith.cmpi sgt, %jit3A, %sign3A_205 : i32
        %sign3A_207 = arith.extui %sign3A_206 : i1 to i32
        %sign3A_208 = arith.constant 0 : i32
        %sign3A_209 = arith.cmpi slt, %jit3A, %sign3A_208 : i32
        %sign3A_210 = arith.extui %sign3A_209 : i1 to i32
        %sign3A_211 = arith.subi %sign3A_207, %sign3A_210 : i32
        %ne3A = arith.cmpi ne, %sign3A_204, %sign3A_211 : i32
        %rem3A_212 = arith.remsi %scan3A_166, %jit3A : i32
        %ne3A_213 = arith.constant 0 : i32
        %ne3A_214 = arith.cmpi ne, %rem3A_212, %ne3A_213 : i32
        %and3A = arith.andi %ne3A, %ne3A_214 : i1
        %sub3A = arith.constant 1 : i32
        %sub3A_215 = arith.subi %div3A, %sub3A : i32
        %select_n3A = arith.select %and3A, %sub3A_215, %div3A : i32
        %jit3A_216 = arith.constant 3 : i32
        %eq3A_217 = arith.constant 0 : i32
        %eq3A_218 = arith.cmpi eq, %jit3A_216, %eq3A_217 : i32
        %jit3A_219 = arith.constant 1 : i32
        %select_n3A_220 = arith.select %eq3A_218, %jit3A_219, %jit3A_216 : i32
        %rem3A_221 = arith.remsi %select_n3A, %select_n3A_220 : i32
        %ne3A_222 = arith.constant 0 : i32
        %ne3A_223 = arith.cmpi ne, %rem3A_221, %ne3A_222 : i32
        %lt3A_224 = arith.constant 0 : i32
        %lt3A_225 = arith.cmpi slt, %rem3A_221, %lt3A_224 : i32
        %lt3A_226 = arith.constant 0 : i32
        %lt3A_227 = arith.cmpi slt, %select_n3A_220, %lt3A_226 : i32
        %ne3A_228 = arith.xori %lt3A_225, %lt3A_227 : i1
        %and3A_229 = arith.andi %ne3A_228, %ne3A_223 : i1
        %add3A_230 = arith.addi %rem3A_221, %select_n3A_220 : i32
        %select_n3A_231 = arith.select %and3A_229, %add3A_230, %rem3A_221 : i32
        %mul3A_232 = arith.constant 65536 : i32
        %mul3A_233 = arith.muli %select_n3A_231, %mul3A_232 : i32
        %jit3A_234 = arith.constant 3 : i32
        %div3A_235 = arith.divsi %select_n3A, %jit3A_234 : i32
        %sign3A_236 = arith.constant 0 : i32
        %sign3A_237 = arith.cmpi sgt, %select_n3A, %sign3A_236 : i32
        %sign3A_238 = arith.extui %sign3A_237 : i1 to i32
        %sign3A_239 = arith.constant 0 : i32
        %sign3A_240 = arith.cmpi slt, %select_n3A, %sign3A_239 : i32
        %sign3A_241 = arith.extui %sign3A_240 : i1 to i32
        %sign3A_242 = arith.subi %sign3A_238, %sign3A_241 : i32
        %sign3A_243 = arith.constant 0 : i32
        %sign3A_244 = arith.cmpi sgt, %jit3A_234, %sign3A_243 : i32
        %sign3A_245 = arith.extui %sign3A_244 : i1 to i32
        %sign3A_246 = arith.constant 0 : i32
        %sign3A_247 = arith.cmpi slt, %jit3A_234, %sign3A_246 : i32
        %sign3A_248 = arith.extui %sign3A_247 : i1 to i32
        %sign3A_249 = arith.subi %sign3A_245, %sign3A_248 : i32
        %ne3A_250 = arith.cmpi ne, %sign3A_242, %sign3A_249 : i32
        %rem3A_251 = arith.remsi %select_n3A, %jit3A_234 : i32
        %ne3A_252 = arith.constant 0 : i32
        %ne3A_253 = arith.cmpi ne, %rem3A_251, %ne3A_252 : i32
        %and3A_254 = arith.andi %ne3A_250, %ne3A_253 : i1
        %sub3A_255 = arith.constant 1 : i32
        %sub3A_256 = arith.subi %div3A_235, %sub3A_255 : i32
        %select_n3A_257 = arith.select %and3A_254, %sub3A_256, %div3A_235 : i32
        %mul3A_258 = arith.constant 196608 : i32
        %mul3A_259 = arith.muli %select_n3A_257, %mul3A_258 : i32
        %add3A_260 = arith.addi %mul3A_233, %mul3A_259 : i32
        %mul3A_261 = arith.constant 2048 : i32
        %mul3A_262 = arith.muli %add3A, %mul3A_261 : i32
        %add3A_263 = arith.addi %add3A_260, %mul3A_262 : i32
        "tpu.region"() ({
          %run_scoped3A = tpu.sem_alloc : memref<!tpu.dma_semaphore, #tpu.memory_space<semaphore_mem>>
          %dma_start3A_264 = tpu.memref_slice %arg7[%add3A_263] : memref<393216xf32, #tpu.memory_space<hbm>> -> memref<2048xf32, #tpu.memory_space<hbm>>
          %dma_start3A_265 = tpu.memref_slice %arg7[%add3A_263] : memref<393216xf32, #tpu.memory_space<hbm>> -> memref<2048xf32, #tpu.memory_space<hbm>>
          tpu.enqueue_dma source(%arg14 : memref<2048xf32, #tpu.memory_space<vmem>>) target(%dma_start3A_265 : memref<2048xf32, #tpu.memory_space<hbm>>) target_semaphore(%run_scoped3A : memref<!tpu.dma_semaphore, #tpu.memory_space<semaphore_mem>>)
          %dma_wait3A = tpu.memref_slice %arg7[%add3A_263] : memref<393216xf32, #tpu.memory_space<hbm>> -> memref<2048xf32, #tpu.memory_space<hbm>>
          %dma_wait3A_266 = tpu.memref_slice %arg7[%add3A_263] : memref<393216xf32, #tpu.memory_space<hbm>> -> memref<2048xf32, #tpu.memory_space<hbm>>
          tpu.wait_dma2 semaphore(%run_scoped3A : memref<!tpu.dma_semaphore, #tpu.memory_space<semaphore_mem>>) src(%arg14 : memref<2048xf32, #tpu.memory_space<vmem>>) dst(%dma_wait3A_266 : memref<2048xf32, #tpu.memory_space<hbm>>)
          tpu.yield
        }) : () -> ()
      } else {
      }
    }
    %scan3A_75 = arith.constant 96 : i32
    %mul3A_76 = arith.constant 2048 : i32
    %mul3A_77 = arith.muli %add3A, %mul3A_76 : i32
    %add3A_78 = arith.constant 0 : i32
    %add3A_79 = arith.addi %add3A_78, %mul3A_77 : i32
    "tpu.region"() ({
      %run_scoped3A = tpu.sem_alloc : memref<!tpu.dma_semaphore, #tpu.memory_space<semaphore_mem>>
      %dma_start3A_166 = arith.constant 0 : i32
      %dma_start3A_167 = tpu.memref_slice %arg9[%dma_start3A_166] : memref<12288xi32, #tpu.memory_space<vmem>> -> memref<2048xi32, #tpu.memory_space<vmem>>
      %dma_start3A_168 = tpu.memref_slice %arg6[%add3A_79] : memref<196608xi32, #tpu.memory_space<hbm>> -> memref<2048xi32, #tpu.memory_space<hbm>>
      %dma_start3A_169 = arith.constant 0 : i32
      %dma_start3A_170 = tpu.memref_slice %arg9[%dma_start3A_169] : memref<12288xi32, #tpu.memory_space<vmem>> -> memref<2048xi32, #tpu.memory_space<vmem>>
      %dma_start3A_171 = tpu.memref_slice %arg6[%add3A_79] : memref<196608xi32, #tpu.memory_space<hbm>> -> memref<2048xi32, #tpu.memory_space<hbm>>
      tpu.enqueue_dma source(%dma_start3A_171 : memref<2048xi32, #tpu.memory_space<hbm>>) target(%dma_start3A_170 : memref<2048xi32, #tpu.memory_space<vmem>>) target_semaphore(%run_scoped3A : memref<!tpu.dma_semaphore, #tpu.memory_space<semaphore_mem>>)
      %dma_wait3A = arith.constant 0 : i32
      %dma_wait3A_172 = tpu.memref_slice %arg9[%dma_wait3A] : memref<12288xi32, #tpu.memory_space<vmem>> -> memref<2048xi32, #tpu.memory_space<vmem>>
      %dma_wait3A_173 = tpu.memref_slice %arg6[%add3A_79] : memref<196608xi32, #tpu.memory_space<hbm>> -> memref<2048xi32, #tpu.memory_space<hbm>>
      %dma_wait3A_174 = arith.constant 0 : i32
      %dma_wait3A_175 = tpu.memref_slice %arg9[%dma_wait3A_174] : memref<12288xi32, #tpu.memory_space<vmem>> -> memref<2048xi32, #tpu.memory_space<vmem>>
      %dma_wait3A_176 = tpu.memref_slice %arg6[%add3A_79] : memref<196608xi32, #tpu.memory_space<hbm>> -> memref<2048xi32, #tpu.memory_space<hbm>>
      tpu.wait_dma2 semaphore(%run_scoped3A : memref<!tpu.dma_semaphore, #tpu.memory_space<semaphore_mem>>) src(%dma_wait3A_176 : memref<2048xi32, #tpu.memory_space<hbm>>) dst(%dma_wait3A_175 : memref<2048xi32, #tpu.memory_space<vmem>>)
      tpu.yield
    }) : () -> ()
    %mul3A_80 = arith.constant 2048 : i32
    %mul3A_81 = arith.muli %add3A, %mul3A_80 : i32
    %add3A_82 = arith.constant 65536 : i32
    %add3A_83 = arith.addi %add3A_82, %mul3A_81 : i32
    "tpu.region"() ({
      %run_scoped3A = tpu.sem_alloc : memref<!tpu.dma_semaphore, #tpu.memory_space<semaphore_mem>>
      %dma_start3A_166 = arith.constant 2048 : i32
      %dma_start3A_167 = tpu.memref_slice %arg9[%dma_start3A_166] : memref<12288xi32, #tpu.memory_space<vmem>> -> memref<2048xi32, #tpu.memory_space<vmem>>
      %dma_start3A_168 = tpu.memref_slice %arg6[%add3A_83] : memref<196608xi32, #tpu.memory_space<hbm>> -> memref<2048xi32, #tpu.memory_space<hbm>>
      %dma_start3A_169 = arith.constant 2048 : i32
      %dma_start3A_170 = tpu.memref_slice %arg9[%dma_start3A_169] : memref<12288xi32, #tpu.memory_space<vmem>> -> memref<2048xi32, #tpu.memory_space<vmem>>
      %dma_start3A_171 = tpu.memref_slice %arg6[%add3A_83] : memref<196608xi32, #tpu.memory_space<hbm>> -> memref<2048xi32, #tpu.memory_space<hbm>>
      tpu.enqueue_dma source(%dma_start3A_171 : memref<2048xi32, #tpu.memory_space<hbm>>) target(%dma_start3A_170 : memref<2048xi32, #tpu.memory_space<vmem>>) target_semaphore(%run_scoped3A : memref<!tpu.dma_semaphore, #tpu.memory_space<semaphore_mem>>)
      %dma_wait3A = arith.constant 2048 : i32
      %dma_wait3A_172 = tpu.memref_slice %arg9[%dma_wait3A] : memref<12288xi32, #tpu.memory_space<vmem>> -> memref<2048xi32, #tpu.memory_space<vmem>>
      %dma_wait3A_173 = tpu.memref_slice %arg6[%add3A_83] : memref<196608xi32, #tpu.memory_space<hbm>> -> memref<2048xi32, #tpu.memory_space<hbm>>
      %dma_wait3A_174 = arith.constant 2048 : i32
      %dma_wait3A_175 = tpu.memref_slice %arg9[%dma_wait3A_174] : memref<12288xi32, #tpu.memory_space<vmem>> -> memref<2048xi32, #tpu.memory_space<vmem>>
      %dma_wait3A_176 = tpu.memref_slice %arg6[%add3A_83] : memref<196608xi32, #tpu.memory_space<hbm>> -> memref<2048xi32, #tpu.memory_space<hbm>>
      tpu.wait_dma2 semaphore(%run_scoped3A : memref<!tpu.dma_semaphore, #tpu.memory_space<semaphore_mem>>) src(%dma_wait3A_176 : memref<2048xi32, #tpu.memory_space<hbm>>) dst(%dma_wait3A_175 : memref<2048xi32, #tpu.memory_space<vmem>>)
      tpu.yield
    }) : () -> ()
    %mul3A_84 = arith.constant 2048 : i32
    %mul3A_85 = arith.muli %add3A, %mul3A_84 : i32
    %add3A_86 = arith.constant 131072 : i32
    %add3A_87 = arith.addi %add3A_86, %mul3A_85 : i32
    "tpu.region"() ({
      %run_scoped3A = tpu.sem_alloc : memref<!tpu.dma_semaphore, #tpu.memory_space<semaphore_mem>>
      %dma_start3A_166 = arith.constant 4096 : i32
      %dma_start3A_167 = tpu.memref_slice %arg9[%dma_start3A_166] : memref<12288xi32, #tpu.memory_space<vmem>> -> memref<2048xi32, #tpu.memory_space<vmem>>
      %dma_start3A_168 = tpu.memref_slice %arg6[%add3A_87] : memref<196608xi32, #tpu.memory_space<hbm>> -> memref<2048xi32, #tpu.memory_space<hbm>>
      %dma_start3A_169 = arith.constant 4096 : i32
      %dma_start3A_170 = tpu.memref_slice %arg9[%dma_start3A_169] : memref<12288xi32, #tpu.memory_space<vmem>> -> memref<2048xi32, #tpu.memory_space<vmem>>
      %dma_start3A_171 = tpu.memref_slice %arg6[%add3A_87] : memref<196608xi32, #tpu.memory_space<hbm>> -> memref<2048xi32, #tpu.memory_space<hbm>>
      tpu.enqueue_dma source(%dma_start3A_171 : memref<2048xi32, #tpu.memory_space<hbm>>) target(%dma_start3A_170 : memref<2048xi32, #tpu.memory_space<vmem>>) target_semaphore(%run_scoped3A : memref<!tpu.dma_semaphore, #tpu.memory_space<semaphore_mem>>)
      %dma_wait3A = arith.constant 4096 : i32
      %dma_wait3A_172 = tpu.memref_slice %arg9[%dma_wait3A] : memref<12288xi32, #tpu.memory_space<vmem>> -> memref<2048xi32, #tpu.memory_space<vmem>>
      %dma_wait3A_173 = tpu.memref_slice %arg6[%add3A_87] : memref<196608xi32, #tpu.memory_space<hbm>> -> memref<2048xi32, #tpu.memory_space<hbm>>
      %dma_wait3A_174 = arith.constant 4096 : i32
      %dma_wait3A_175 = tpu.memref_slice %arg9[%dma_wait3A_174] : memref<12288xi32, #tpu.memory_space<vmem>> -> memref<2048xi32, #tpu.memory_space<vmem>>
      %dma_wait3A_176 = tpu.memref_slice %arg6[%add3A_87] : memref<196608xi32, #tpu.memory_space<hbm>> -> memref<2048xi32, #tpu.memory_space<hbm>>
      tpu.wait_dma2 semaphore(%run_scoped3A : memref<!tpu.dma_semaphore, #tpu.memory_space<semaphore_mem>>) src(%dma_wait3A_176 : memref<2048xi32, #tpu.memory_space<hbm>>) dst(%dma_wait3A_175 : memref<2048xi32, #tpu.memory_space<vmem>>)
      tpu.yield
    }) : () -> ()
    %scan3A_88 = arith.constant 0 : i32
    %scan3A_89 = arith.constant 0 : i32
    %scan3A_90 = arith.constant 384 : i32
    %scan3A_91 = arith.addi %scan3A_89, %scan3A_90 : i32
    %scan3A_92 = arith.constant 1 : i32
    scf.for %scan3A_166 = %scan3A_89 to %scan3A_91 step %scan3A_92  : i32 {
      %jit3A = arith.constant 128 : i32
      %div3A = arith.divsi %scan3A_166, %jit3A : i32
      %sign3A = arith.constant 0 : i32
      %sign3A_167 = arith.cmpi sgt, %scan3A_166, %sign3A : i32
      %sign3A_168 = arith.extui %sign3A_167 : i1 to i32
      %sign3A_169 = arith.constant 0 : i32
      %sign3A_170 = arith.cmpi slt, %scan3A_166, %sign3A_169 : i32
      %sign3A_171 = arith.extui %sign3A_170 : i1 to i32
      %sign3A_172 = arith.subi %sign3A_168, %sign3A_171 : i32
      %sign3A_173 = arith.constant 0 : i32
      %sign3A_174 = arith.cmpi sgt, %jit3A, %sign3A_173 : i32
      %sign3A_175 = arith.extui %sign3A_174 : i1 to i32
      %sign3A_176 = arith.constant 0 : i32
      %sign3A_177 = arith.cmpi slt, %jit3A, %sign3A_176 : i32
      %sign3A_178 = arith.extui %sign3A_177 : i1 to i32
      %sign3A_179 = arith.subi %sign3A_175, %sign3A_178 : i32
      %ne3A = arith.cmpi ne, %sign3A_172, %sign3A_179 : i32
      %rem3A_180 = arith.remsi %scan3A_166, %jit3A : i32
      %ne3A_181 = arith.constant 0 : i32
      %ne3A_182 = arith.cmpi ne, %rem3A_180, %ne3A_181 : i32
      %and3A = arith.andi %ne3A, %ne3A_182 : i1
      %sub3A = arith.constant 1 : i32
      %sub3A_183 = arith.subi %div3A, %sub3A : i32
      %select_n3A = arith.select %and3A, %sub3A_183, %div3A : i32
      %mul3A_184 = arith.constant 50000 : i32
      %mul3A_185 = arith.muli %select_n3A, %mul3A_184 : i32
      %mul3A_186 = arith.constant 16 : i32
      %mul3A_187 = arith.muli %scan3A_166, %mul3A_186 : i32
      %get3A = arith.index_cast %mul3A_187 : i32 to index
      %get3A_188 = tpu.vector_load %arg9[%get3A] {strides = array<i32>} : memref<12288xi32, #tpu.memory_space<vmem>>, vector<16xi32>,
      %get3A_189 = vector.shape_cast %get3A_188 : vector<16xi32> to vector<16xi32>
      %add3A_190 = vector.broadcast %mul3A_185 : i32 to vector<16xi32>
      %add3A_191 = arith.addi %get3A_189, %add3A_190 : vector<16xi32>
      %mul3A_192 = arith.constant 16 : i32
      %mul3A_193 = arith.muli %scan3A_166, %mul3A_192 : i32
      %swap3A = arith.index_cast %mul3A_193 : i32 to index
      %swap3A_194 = tpu.vector_load %arg9[%swap3A] {strides = array<i32>} : memref<12288xi32, #tpu.memory_space<vmem>>, vector<16xi32>,
      %swap3A_195 = vector.shape_cast %swap3A_194 : vector<16xi32> to vector<16xi32>
      %swap3A_196 = vector.shape_cast %add3A_191 : vector<16xi32> to vector<16xi32>
      tpu.vector_store %arg9[%swap3A], %swap3A_196 {strides = array<i32>} : memref<12288xi32, #tpu.memory_space<vmem>>, vector<16xi32>,
    }
    %scan3A_93 = arith.constant 384 : i32
    %dma_start3A_94 = arith.constant 0 : i32
    %dma_start3A_95 = arith.constant 0 : i32
    %dma_start3A_96 = arith.constant 0 : i32
    %dma_start3A_97 = tpu.memref_slice %arg11[%dma_start3A_94, %dma_start3A_95, %dma_start3A_96] : memref<2x128x128xf32, #tpu.memory_space<vmem>> -> memref<1x128x128xf32, #tpu.memory_space<vmem>>
    %dma_start3A_98 = tpu.memref_squeeze %dma_start3A_97 : memref<1x128x128xf32, #tpu.memory_space<vmem>> -> memref<128x128xf32, #tpu.memory_space<vmem>>
    %dma_start3A_99 = arith.constant 0 : i32
    %dma_start3A_100 = tpu.memref_slice %arg9[%dma_start3A_99] : memref<12288xi32, #tpu.memory_space<vmem>> -> memref<128xi32, #tpu.memory_space<vmem>>
    %dma_start3A_101 = arith.constant 0 : i32
    %dma_start3A_102 = arith.constant 0 : i32
    %dma_start3A_103 = tpu.memref_slice %arg2[%dma_start3A_101, %dma_start3A_102] : memref<150000x128xf32, #tpu.memory_space<hbm>> -> memref<150000x128xf32, #tpu.memory_space<hbm>>
    tpu.enqueue_indirect_dma source(%dma_start3A_103 : memref<150000x128xf32, #tpu.memory_space<hbm>>) target(%dma_start3A_98 : memref<128x128xf32, #tpu.memory_space<vmem>>) offsets(%dma_start3A_100 : memref<128xi32, #tpu.memory_space<vmem>>) semaphore(%arg15 : memref<!tpu.dma_semaphore, #tpu.memory_space<semaphore_mem>>)
    %mul3A_104 = arith.constant 2048 : i32
    %mul3A_105 = arith.muli %add3A, %mul3A_104 : i32
    %add3A_106 = arith.constant 0 : i32
    %add3A_107 = arith.addi %add3A_106, %mul3A_105 : i32
    %rem3A = arith.constant 0 : i32
    %rem3A_108 = arith.constant 16 : i32
    %rem3A_109 = arith.remsi %rem3A, %rem3A_108 : i32
    %mul3A_110 = arith.constant 128 : i32
    %mul3A_111 = arith.muli %rem3A_109, %mul3A_110 : i32
    %add3A_112 = arith.addi %add3A_107, %mul3A_111 : i32
    %multiple_of3A = tpu.assume_multiple %add3A_112, 8 : i32
    %dma_start3A_113 = arith.constant 0 : i32
    %dma_start3A_114 = arith.constant 0 : i32
    %dma_start3A_115 = arith.constant 0 : i32
    %dma_start3A_116 = tpu.memref_slice %arg13[%dma_start3A_113, %dma_start3A_114, %dma_start3A_115] : memref<2x128x64xf32, #tpu.memory_space<vmem>> -> memref<1x128x64xf32, #tpu.memory_space<vmem>>
    %dma_start3A_117 = tpu.memref_squeeze %dma_start3A_116 : memref<1x128x64xf32, #tpu.memory_space<vmem>> -> memref<128x64xf32, #tpu.memory_space<vmem>>
    %dma_start3A_118 = arith.constant 0 : i32
    %dma_start3A_119 = tpu.memref_slice %arg3[%multiple_of3A, %dma_start3A_118] : memref<196608x64xf32, #tpu.memory_space<hbm>> -> memref<128x64xf32, #tpu.memory_space<hbm>>
    %dma_start3A_120 = arith.constant 0 : i32
    %dma_start3A_121 = arith.constant 0 : i32
    %dma_start3A_122 = tpu.memref_slice %arg13[%dma_start3A_113, %dma_start3A_120, %dma_start3A_121] : memref<2x128x64xf32, #tpu.memory_space<vmem>> -> memref<1x128x64xf32, #tpu.memory_space<vmem>>
    %dma_start3A_123 = tpu.memref_squeeze %dma_start3A_122 : memref<1x128x64xf32, #tpu.memory_space<vmem>> -> memref<128x64xf32, #tpu.memory_space<vmem>>
    %dma_start3A_124 = arith.constant 0 : i32
    %dma_start3A_125 = tpu.memref_slice %arg3[%multiple_of3A, %dma_start3A_124] : memref<196608x64xf32, #tpu.memory_space<hbm>> -> memref<128x64xf32, #tpu.memory_space<hbm>>
    tpu.enqueue_dma source(%dma_start3A_125 : memref<128x64xf32, #tpu.memory_space<hbm>>) target(%dma_start3A_123 : memref<128x64xf32, #tpu.memory_space<vmem>>) target_semaphore(%arg15 : memref<!tpu.dma_semaphore, #tpu.memory_space<semaphore_mem>>)
    %dma_start3A_126 = arith.constant 1 : i32
    %dma_start3A_127 = arith.constant 0 : i32
    %dma_start3A_128 = arith.constant 0 : i32
    %dma_start3A_129 = tpu.memref_slice %arg11[%dma_start3A_126, %dma_start3A_127, %dma_start3A_128] : memref<2x128x128xf32, #tpu.memory_space<vmem>> -> memref<1x128x128xf32, #tpu.memory_space<vmem>>
    %dma_start3A_130 = tpu.memref_squeeze %dma_start3A_129 : memref<1x128x128xf32, #tpu.memory_space<vmem>> -> memref<128x128xf32, #tpu.memory_space<vmem>>
    %dma_start3A_131 = arith.constant 128 : i32
    %dma_start3A_132 = tpu.memref_slice %arg9[%dma_start3A_131] : memref<12288xi32, #tpu.memory_space<vmem>> -> memref<128xi32, #tpu.memory_space<vmem>>
    %dma_start3A_133 = arith.constant 0 : i32
    %dma_start3A_134 = arith.constant 0 : i32
    %dma_start3A_135 = tpu.memref_slice %arg2[%dma_start3A_133, %dma_start3A_134] : memref<150000x128xf32, #tpu.memory_space<hbm>> -> memref<150000x128xf32, #tpu.memory_space<hbm>>
    tpu.enqueue_indirect_dma source(%dma_start3A_135 : memref<150000x128xf32, #tpu.memory_space<hbm>>) target(%dma_start3A_130 : memref<128x128xf32, #tpu.memory_space<vmem>>) offsets(%dma_start3A_132 : memref<128xi32, #tpu.memory_space<vmem>>) semaphore(%arg16 : memref<!tpu.dma_semaphore, #tpu.memory_space<semaphore_mem>>)
    %mul3A_136 = arith.constant 2048 : i32
    %mul3A_137 = arith.muli %add3A, %mul3A_136 : i32
    %add3A_138 = arith.constant 0 : i32
    %add3A_139 = arith.addi %add3A_138, %mul3A_137 : i32
    %rem3A_140 = arith.constant 1 : i32
    %rem3A_141 = arith.constant 16 : i32
    %rem3A_142 = arith.remsi %rem3A_140, %rem3A_141 : i32
    %mul3A_143 = arith.constant 128 : i32
    %mul3A_144 = arith.muli %rem3A_142, %mul3A_143 : i32
    %add3A_145 = arith.addi %add3A_139, %mul3A_144 : i32
    %multiple_of3A_146 = tpu.assume_multiple %add3A_145, 8 : i32
    %dma_start3A_147 = arith.constant 1 : i32
    %dma_start3A_148 = arith.constant 0 : i32
    %dma_start3A_149 = arith.constant 0 : i32
    %dma_start3A_150 = tpu.memref_slice %arg13[%dma_start3A_147, %dma_start3A_148, %dma_start3A_149] : memref<2x128x64xf32, #tpu.memory_space<vmem>> -> memref<1x128x64xf32, #tpu.memory_space<vmem>>
    %dma_start3A_151 = tpu.memref_squeeze %dma_start3A_150 : memref<1x128x64xf32, #tpu.memory_space<vmem>> -> memref<128x64xf32, #tpu.memory_space<vmem>>
    %dma_start3A_152 = arith.constant 0 : i32
    %dma_start3A_153 = tpu.memref_slice %arg3[%multiple_of3A_146, %dma_start3A_152] : memref<196608x64xf32, #tpu.memory_space<hbm>> -> memref<128x64xf32, #tpu.memory_space<hbm>>
    %dma_start3A_154 = arith.constant 0 : i32
    %dma_start3A_155 = arith.constant 0 : i32
    %dma_start3A_156 = tpu.memref_slice %arg13[%dma_start3A_147, %dma_start3A_154, %dma_start3A_155] : memref<2x128x64xf32, #tpu.memory_space<vmem>> -> memref<1x128x64xf32, #tpu.memory_space<vmem>>
    %dma_start3A_157 = tpu.memref_squeeze %dma_start3A_156 : memref<1x128x64xf32, #tpu.memory_space<vmem>> -> memref<128x64xf32, #tpu.memory_space<vmem>>
    %dma_start3A_158 = arith.constant 0 : i32
    %dma_start3A_159 = tpu.memref_slice %arg3[%multiple_of3A_146, %dma_start3A_158] : memref<196608x64xf32, #tpu.memory_space<hbm>> -> memref<128x64xf32, #tpu.memory_space<hbm>>
    tpu.enqueue_dma source(%dma_start3A_159 : memref<128x64xf32, #tpu.memory_space<hbm>>) target(%dma_start3A_157 : memref<128x64xf32, #tpu.memory_space<vmem>>) target_semaphore(%arg16 : memref<!tpu.dma_semaphore, #tpu.memory_space<semaphore_mem>>)
    %scan3A_160 = arith.constant 0 : i32
    %scan3A_161 = arith.constant 0 : i32
    %scan3A_162 = arith.constant 48 : i32
    %scan3A_163 = arith.addi %scan3A_161, %scan3A_162 : i32
    %scan3A_164 = arith.constant 1 : i32
    scf.for %scan3A_166 = %scan3A_161 to %scan3A_163 step %scan3A_164  : i32 {
      %rem3A_167 = arith.constant 2 : i32
      %rem3A_168 = arith.remsi %scan3A_166, %rem3A_167 : i32
      %eq3A = arith.constant 0 : i32
      %eq3A_169 = arith.cmpi eq, %rem3A_168, %eq3A : i32
      %convert_element_type3A = arith.extui %eq3A_169 : i1 to i32
      %cond3A = arith.constant 0 : i32
      %cond3A_170 = arith.cmpi ne, %convert_element_type3A, %cond3A : i32
      scf.if %cond3A_170 {
        %dma_wait3A = arith.constant 0 : i32
        %dma_wait3A_199 = arith.constant 0 : i32
        %dma_wait3A_200 = arith.constant 0 : i32
        %dma_wait3A_201 = tpu.memref_slice %arg11[%dma_wait3A, %dma_wait3A_199, %dma_wait3A_200] : memref<2x128x128xf32, #tpu.memory_space<vmem>> -> memref<1x128x128xf32, #tpu.memory_space<vmem>>
        %dma_wait3A_202 = tpu.memref_squeeze %dma_wait3A_201 : memref<1x128x128xf32, #tpu.memory_space<vmem>> -> memref<128x128xf32, #tpu.memory_space<vmem>>
        %dma_wait3A_203 = arith.constant 0 : i32
        %dma_wait3A_204 = tpu.memref_slice %arg9[%dma_wait3A_203] : memref<12288xi32, #tpu.memory_space<vmem>> -> memref<128xi32, #tpu.memory_space<vmem>>
        %dma_wait3A_205 = arith.constant 0 : i32
        %dma_wait3A_206 = arith.constant 0 : i32
        %dma_wait3A_207 = tpu.memref_slice %arg2[%dma_wait3A_205, %dma_wait3A_206] : memref<150000x128xf32, #tpu.memory_space<hbm>> -> memref<150000x128xf32, #tpu.memory_space<hbm>>
        tpu.wait_indirect_dma semaphore(%arg15 : memref<!tpu.dma_semaphore, #tpu.memory_space<semaphore_mem>>) src(%dma_wait3A_207 : memref<150000x128xf32, #tpu.memory_space<hbm>>) dst(%dma_wait3A_202 : memref<128x128xf32, #tpu.memory_space<vmem>>)
        %dma_wait3A_208 = arith.constant 0 : i32
        %dma_wait3A_209 = arith.constant 0 : i32
        %dma_wait3A_210 = arith.constant 0 : i32
        %dma_wait3A_211 = tpu.memref_slice %arg13[%dma_wait3A_208, %dma_wait3A_209, %dma_wait3A_210] : memref<2x128x64xf32, #tpu.memory_space<vmem>> -> memref<1x128x64xf32, #tpu.memory_space<vmem>>
        %dma_wait3A_212 = tpu.memref_squeeze %dma_wait3A_211 : memref<1x128x64xf32, #tpu.memory_space<vmem>> -> memref<128x64xf32, #tpu.memory_space<vmem>>
        %dma_wait3A_213 = arith.constant 0 : i32
        %dma_wait3A_214 = arith.constant 0 : i32
        %dma_wait3A_215 = tpu.memref_slice %arg3[%dma_wait3A_213, %dma_wait3A_214] : memref<196608x64xf32, #tpu.memory_space<hbm>> -> memref<128x64xf32, #tpu.memory_space<hbm>>
        %dma_wait3A_216 = arith.constant 0 : i32
        %dma_wait3A_217 = arith.constant 0 : i32
        %dma_wait3A_218 = tpu.memref_slice %arg13[%dma_wait3A_208, %dma_wait3A_216, %dma_wait3A_217] : memref<2x128x64xf32, #tpu.memory_space<vmem>> -> memref<1x128x64xf32, #tpu.memory_space<vmem>>
        %dma_wait3A_219 = tpu.memref_squeeze %dma_wait3A_218 : memref<1x128x64xf32, #tpu.memory_space<vmem>> -> memref<128x64xf32, #tpu.memory_space<vmem>>
        %dma_wait3A_220 = arith.constant 0 : i32
        %dma_wait3A_221 = arith.constant 0 : i32
        %dma_wait3A_222 = tpu.memref_slice %arg3[%dma_wait3A_220, %dma_wait3A_221] : memref<196608x64xf32, #tpu.memory_space<hbm>> -> memref<128x64xf32, #tpu.memory_space<hbm>>
        tpu.wait_dma2 semaphore(%arg15 : memref<!tpu.dma_semaphore, #tpu.memory_space<semaphore_mem>>) src(%dma_wait3A_222 : memref<128x64xf32, #tpu.memory_space<hbm>>) dst(%dma_wait3A_219 : memref<128x64xf32, #tpu.memory_space<vmem>>)
      } else {
      }
      %eq3A_171 = arith.constant 1 : i32
      %eq3A_172 = arith.cmpi eq, %rem3A_168, %eq3A_171 : i32
      %convert_element_type3A_173 = arith.extui %eq3A_172 : i1 to i32
      %cond3A_174 = arith.constant 0 : i32
      %cond3A_175 = arith.cmpi ne, %convert_element_type3A_173, %cond3A_174 : i32
      scf.if %cond3A_175 {
        %dma_wait3A = arith.constant 1 : i32
        %dma_wait3A_199 = arith.constant 0 : i32
        %dma_wait3A_200 = arith.constant 0 : i32
        %dma_wait3A_201 = tpu.memref_slice %arg11[%dma_wait3A, %dma_wait3A_199, %dma_wait3A_200] : memref<2x128x128xf32, #tpu.memory_space<vmem>> -> memref<1x128x128xf32, #tpu.memory_space<vmem>>
        %dma_wait3A_202 = tpu.memref_squeeze %dma_wait3A_201 : memref<1x128x128xf32, #tpu.memory_space<vmem>> -> memref<128x128xf32, #tpu.memory_space<vmem>>
        %dma_wait3A_203 = arith.constant 0 : i32
        %dma_wait3A_204 = tpu.memref_slice %arg9[%dma_wait3A_203] : memref<12288xi32, #tpu.memory_space<vmem>> -> memref<128xi32, #tpu.memory_space<vmem>>
        %dma_wait3A_205 = arith.constant 0 : i32
        %dma_wait3A_206 = arith.constant 0 : i32
        %dma_wait3A_207 = tpu.memref_slice %arg2[%dma_wait3A_205, %dma_wait3A_206] : memref<150000x128xf32, #tpu.memory_space<hbm>> -> memref<150000x128xf32, #tpu.memory_space<hbm>>
        tpu.wait_indirect_dma semaphore(%arg16 : memref<!tpu.dma_semaphore, #tpu.memory_space<semaphore_mem>>) src(%dma_wait3A_207 : memref<150000x128xf32, #tpu.memory_space<hbm>>) dst(%dma_wait3A_202 : memref<128x128xf32, #tpu.memory_space<vmem>>)
        %dma_wait3A_208 = arith.constant 1 : i32
        %dma_wait3A_209 = arith.constant 0 : i32
        %dma_wait3A_210 = arith.constant 0 : i32
        %dma_wait3A_211 = tpu.memref_slice %arg13[%dma_wait3A_208, %dma_wait3A_209, %dma_wait3A_210] : memref<2x128x64xf32, #tpu.memory_space<vmem>> -> memref<1x128x64xf32, #tpu.memory_space<vmem>>
        %dma_wait3A_212 = tpu.memref_squeeze %dma_wait3A_211 : memref<1x128x64xf32, #tpu.memory_space<vmem>> -> memref<128x64xf32, #tpu.memory_space<vmem>>
        %dma_wait3A_213 = arith.constant 0 : i32
        %dma_wait3A_214 = arith.constant 0 : i32
        %dma_wait3A_215 = tpu.memref_slice %arg3[%dma_wait3A_213, %dma_wait3A_214] : memref<196608x64xf32, #tpu.memory_space<hbm>> -> memref<128x64xf32, #tpu.memory_space<hbm>>
        %dma_wait3A_216 = arith.constant 0 : i32
        %dma_wait3A_217 = arith.constant 0 : i32
        %dma_wait3A_218 = tpu.memref_slice %arg13[%dma_wait3A_208, %dma_wait3A_216, %dma_wait3A_217] : memref<2x128x64xf32, #tpu.memory_space<vmem>> -> memref<1x128x64xf32, #tpu.memory_space<vmem>>
        %dma_wait3A_219 = tpu.memref_squeeze %dma_wait3A_218 : memref<1x128x64xf32, #tpu.memory_space<vmem>> -> memref<128x64xf32, #tpu.memory_space<vmem>>
        %dma_wait3A_220 = arith.constant 0 : i32
        %dma_wait3A_221 = arith.constant 0 : i32
        %dma_wait3A_222 = tpu.memref_slice %arg3[%dma_wait3A_220, %dma_wait3A_221] : memref<196608x64xf32, #tpu.memory_space<hbm>> -> memref<128x64xf32, #tpu.memory_space<hbm>>
        tpu.wait_dma2 semaphore(%arg16 : memref<!tpu.dma_semaphore, #tpu.memory_space<semaphore_mem>>) src(%dma_wait3A_222 : memref<128x64xf32, #tpu.memory_space<hbm>>) dst(%dma_wait3A_219 : memref<128x64xf32, #tpu.memory_space<vmem>>)
      } else {
      }
      %rem3A_176 = arith.constant 16 : i32
      %rem3A_177 = arith.remsi %scan3A_166, %rem3A_176 : i32
      %mul3A_178 = arith.constant 128 : i32
      %mul3A_179 = arith.muli %rem3A_177, %mul3A_178 : i32
      %scan3A_180 = arith.constant 0 : i32
      %scan3A_181 = arith.constant 0 : i32
      %scan3A_182 = arith.constant 8 : i32
      %scan3A_183 = arith.addi %scan3A_181, %scan3A_182 : i32
      %scan3A_184 = arith.constant 1 : i32
      scf.for %scan3A_199 = %scan3A_181 to %scan3A_183 step %scan3A_184  : i32 {
        %mul3A_200 = arith.constant 16 : i32
        %mul3A_201 = arith.muli %scan3A_199, %mul3A_200 : i32
        %add3A_202 = arith.constant 0 : i32
        %add3A_203 = arith.addi %mul3A_201, %add3A_202 : i32
        %get3A = arith.index_cast %rem3A_168 : i32 to index
        %get3A_204 = arith.index_cast %add3A_203 : i32 to index
        %get3A_205 = arith.constant 0 : index
        %get3A_206 = tpu.vector_load %arg11[%get3A, %get3A_204, %get3A_205] {strides = array<i32>} : memref<2x128x128xf32, #tpu.memory_space<vmem>>, vector<1x1x16xf32>,
        %get3A_207 = vector.shape_cast %get3A_206 : vector<1x1x16xf32> to vector<16xf32>
        %get3A_208 = arith.index_cast %rem3A_168 : i32 to index
        %get3A_209 = arith.index_cast %add3A_203 : i32 to index
        %get3A_210 = arith.constant 0 : index
        %get3A_211 = tpu.vector_load %arg13[%get3A_208, %get3A_209, %get3A_210] {strides = array<i32>} : memref<2x128x64xf32, #tpu.memory_space<vmem>>, vector<1x1x16xf32>,
        %get3A_212 = vector.shape_cast %get3A_211 : vector<1x1x16xf32> to vector<16xf32>
        %mul3A_213 = arith.mulf %get3A_207, %get3A_212 : vector<16xf32>
        %get3A_214 = arith.index_cast %rem3A_168 : i32 to index
        %get3A_215 = arith.index_cast %add3A_203 : i32 to index
        %get3A_216 = arith.constant 16 : index
        %get3A_217 = tpu.vector_load %arg11[%get3A_214, %get3A_215, %get3A_216] {strides = array<i32>} : memref<2x128x128xf32, #tpu.memory_space<vmem>>, vector<1x1x16xf32>,
        %get3A_218 = vector.shape_cast %get3A_217 : vector<1x1x16xf32> to vector<16xf32>
        %get3A_219 = arith.index_cast %rem3A_168 : i32 to index
        %get3A_220 = arith.index_cast %add3A_203 : i32 to index
        %get3A_221 = arith.constant 16 : index
        %get3A_222 = tpu.vector_load %arg13[%get3A_219, %get3A_220, %get3A_221] {strides = array<i32>} : memref<2x128x64xf32, #tpu.memory_space<vmem>>, vector<1x1x16xf32>,
        %get3A_223 = vector.shape_cast %get3A_222 : vector<1x1x16xf32> to vector<16xf32>
        %mul3A_224 = arith.mulf %get3A_218, %get3A_223 : vector<16xf32>
        %add3A_225 = arith.addf %mul3A_213, %mul3A_224 : vector<16xf32>
        %get3A_226 = arith.index_cast %rem3A_168 : i32 to index
        %get3A_227 = arith.index_cast %add3A_203 : i32 to index
        %get3A_228 = arith.constant 32 : index
        %get3A_229 = tpu.vector_load %arg11[%get3A_226, %get3A_227, %get3A_228] {strides = array<i32>} : memref<2x128x128xf32, #tpu.memory_space<vmem>>, vector<1x1x16xf32>,
        %get3A_230 = vector.shape_cast %get3A_229 : vector<1x1x16xf32> to vector<16xf32>
        %get3A_231 = arith.index_cast %rem3A_168 : i32 to index
        %get3A_232 = arith.index_cast %add3A_203 : i32 to index
        %get3A_233 = arith.constant 32 : index
        %get3A_234 = tpu.vector_load %arg13[%get3A_231, %get3A_232, %get3A_233] {strides = array<i32>} : memref<2x128x64xf32, #tpu.memory_space<vmem>>, vector<1x1x16xf32>,
        %get3A_235 = vector.shape_cast %get3A_234 : vector<1x1x16xf32> to vector<16xf32>
        %mul3A_236 = arith.mulf %get3A_230, %get3A_235 : vector<16xf32>
        %add3A_237 = arith.addf %add3A_225, %mul3A_236 : vector<16xf32>
        %get3A_238 = arith.index_cast %rem3A_168 : i32 to index
        %get3A_239 = arith.index_cast %add3A_203 : i32 to index
        %get3A_240 = arith.constant 48 : index
        %get3A_241 = tpu.vector_load %arg11[%get3A_238, %get3A_239, %get3A_240] {strides = array<i32>} : memref<2x128x128xf32, #tpu.memory_space<vmem>>, vector<1x1x16xf32>,
        %get3A_242 = vector.shape_cast %get3A_241 : vector<1x1x16xf32> to vector<16xf32>
        %get3A_243 = arith.index_cast %rem3A_168 : i32 to index
        %get3A_244 = arith.index_cast %add3A_203 : i32 to index
        %get3A_245 = arith.constant 48 : index
        %get3A_246 = tpu.vector_load %arg13[%get3A_243, %get3A_244, %get3A_245] {strides = array<i32>} : memref<2x128x64xf32, #tpu.memory_space<vmem>>, vector<1x1x16xf32>,
        %get3A_247 = vector.shape_cast %get3A_246 : vector<1x1x16xf32> to vector<16xf32>
        %mul3A_248 = arith.mulf %get3A_242, %get3A_247 : vector<16xf32>
        %add3A_249 = arith.addf %add3A_237, %mul3A_248 : vector<16xf32>
        %xor3A = arith.constant 1 : i32
        %xor3A_250 = vector.broadcast %xor3A : i32 to vector<16xi32>
        %xor3A_251 = arith.xori %iota3A, %xor3A_250 : vector<16xi32>
        %broadcast_in_dim3A_252 = vector.shape_cast %xor3A_251 : vector<16xi32> to vector<16x1xi32>
        %gather3A = vector.shape_cast %broadcast_in_dim3A_252 : vector<16x1xi32> to vector<16xi32>
        %gather3A_253 = tpu.dynamic_gather %add3A_249[%gather3A] in [0] : vector<16xf32>, vector<16xi32> -> vector<16xf32>
        %add3A_254 = arith.addf %add3A_249, %gather3A_253 : vector<16xf32>
        %xor3A_255 = arith.constant 2 : i32
        %xor3A_256 = vector.broadcast %xor3A_255 : i32 to vector<16xi32>
        %xor3A_257 = arith.xori %iota3A, %xor3A_256 : vector<16xi32>
        %broadcast_in_dim3A_258 = vector.shape_cast %xor3A_257 : vector<16xi32> to vector<16x1xi32>
        %gather3A_259 = vector.shape_cast %broadcast_in_dim3A_258 : vector<16x1xi32> to vector<16xi32>
        %gather3A_260 = tpu.dynamic_gather %add3A_254[%gather3A_259] in [0] : vector<16xf32>, vector<16xi32> -> vector<16xf32>
        %add3A_261 = arith.addf %add3A_254, %gather3A_260 : vector<16xf32>
        %xor3A_262 = arith.constant 4 : i32
        %xor3A_263 = vector.broadcast %xor3A_262 : i32 to vector<16xi32>
        %xor3A_264 = arith.xori %iota3A, %xor3A_263 : vector<16xi32>
        %broadcast_in_dim3A_265 = vector.shape_cast %xor3A_264 : vector<16xi32> to vector<16x1xi32>
        %gather3A_266 = vector.shape_cast %broadcast_in_dim3A_265 : vector<16x1xi32> to vector<16xi32>
        %gather3A_267 = tpu.dynamic_gather %add3A_261[%gather3A_266] in [0] : vector<16xf32>, vector<16xi32> -> vector<16xf32>
        %add3A_268 = arith.addf %add3A_261, %gather3A_267 : vector<16xf32>
        %xor3A_269 = arith.constant 8 : i32
        %xor3A_270 = vector.broadcast %xor3A_269 : i32 to vector<16xi32>
        %xor3A_271 = arith.xori %iota3A, %xor3A_270 : vector<16xi32>
        %broadcast_in_dim3A_272 = vector.shape_cast %xor3A_271 : vector<16xi32> to vector<16x1xi32>
        %gather3A_273 = vector.shape_cast %broadcast_in_dim3A_272 : vector<16x1xi32> to vector<16xi32>
        %gather3A_274 = tpu.dynamic_gather %add3A_268[%gather3A_273] in [0] : vector<16xf32>, vector<16xi32> -> vector<16xf32>
        %add3A_275 = arith.addf %add3A_268, %gather3A_274 : vector<16xf32>
        %eq3A_276 = arith.constant 0 : i32
        %eq3A_277 = vector.broadcast %eq3A_276 : i32 to vector<16xi32>
        %eq3A_278 = arith.cmpi eq, %iota3A, %eq3A_277 : vector<16xi32>
        %select_n3A = arith.select %eq3A_278, %add3A_275, %broadcast_in_dim3A_1 : vector<16xi1>, vector<16xf32>
        %add3A_279 = arith.addf %broadcast_in_dim3A_1, %select_n3A : vector<16xf32>
        %mul3A_280 = arith.constant 16 : i32
        %mul3A_281 = arith.muli %scan3A_199, %mul3A_280 : i32
        %add3A_282 = arith.constant 1 : i32
        %add3A_283 = arith.addi %mul3A_281, %add3A_282 : i32
        %get3A_284 = arith.index_cast %rem3A_168 : i32 to index
        %get3A_285 = arith.index_cast %add3A_283 : i32 to index
        %get3A_286 = arith.constant 0 : index
        %get3A_287 = tpu.vector_load %arg11[%get3A_284, %get3A_285, %get3A_286] {strides = array<i32>} : memref<2x128x128xf32, #tpu.memory_space<vmem>>, vector<1x1x16xf32>,
        %get3A_288 = vector.shape_cast %get3A_287 : vector<1x1x16xf32> to vector<16xf32>
        %get3A_289 = arith.index_cast %rem3A_168 : i32 to index
        %get3A_290 = arith.index_cast %add3A_283 : i32 to index
        %get3A_291 = arith.constant 0 : index
        %get3A_292 = tpu.vector_load %arg13[%get3A_289, %get3A_290, %get3A_291] {strides = array<i32>} : memref<2x128x64xf32, #tpu.memory_space<vmem>>, vector<1x1x16xf32>,
        %get3A_293 = vector.shape_cast %get3A_292 : vector<1x1x16xf32> to vector<16xf32>
        %mul3A_294 = arith.mulf %get3A_288, %get3A_293 : vector<16xf32>
        %get3A_295 = arith.index_cast %rem3A_168 : i32 to index
        %get3A_296 = arith.index_cast %add3A_283 : i32 to index
        %get3A_297 = arith.constant 16 : index
        %get3A_298 = tpu.vector_load %arg11[%get3A_295, %get3A_296, %get3A_297] {strides = array<i32>} : memref<2x128x128xf32, #tpu.memory_space<vmem>>, vector<1x1x16xf32>,
        %get3A_299 = vector.shape_cast %get3A_298 : vector<1x1x16xf32> to vector<16xf32>
        %get3A_300 = arith.index_cast %rem3A_168 : i32 to index
        %get3A_301 = arith.index_cast %add3A_283 : i32 to index
        %get3A_302 = arith.constant 16 : index
        %get3A_303 = tpu.vector_load %arg13[%get3A_300, %get3A_301, %get3A_302] {strides = array<i32>} : memref<2x128x64xf32, #tpu.memory_space<vmem>>, vector<1x1x16xf32>,
        %get3A_304 = vector.shape_cast %get3A_303 : vector<1x1x16xf32> to vector<16xf32>
        %mul3A_305 = arith.mulf %get3A_299, %get3A_304 : vector<16xf32>
        %add3A_306 = arith.addf %mul3A_294, %mul3A_305 : vector<16xf32>
        %get3A_307 = arith.index_cast %rem3A_168 : i32 to index
        %get3A_308 = arith.index_cast %add3A_283 : i32 to index
        %get3A_309 = arith.constant 32 : index
        %get3A_310 = tpu.vector_load %arg11[%get3A_307, %get3A_308, %get3A_309] {strides = array<i32>} : memref<2x128x128xf32, #tpu.memory_space<vmem>>, vector<1x1x16xf32>,
        %get3A_311 = vector.shape_cast %get3A_310 : vector<1x1x16xf32> to vector<16xf32>
        %get3A_312 = arith.index_cast %rem3A_168 : i32 to index
        %get3A_313 = arith.index_cast %add3A_283 : i32 to index
        %get3A_314 = arith.constant 32 : index
        %get3A_315 = tpu.vector_load %arg13[%get3A_312, %get3A_313, %get3A_314] {strides = array<i32>} : memref<2x128x64xf32, #tpu.memory_space<vmem>>, vector<1x1x16xf32>,
        %get3A_316 = vector.shape_cast %get3A_315 : vector<1x1x16xf32> to vector<16xf32>
        %mul3A_317 = arith.mulf %get3A_311, %get3A_316 : vector<16xf32>
        %add3A_318 = arith.addf %add3A_306, %mul3A_317 : vector<16xf32>
        %get3A_319 = arith.index_cast %rem3A_168 : i32 to index
        %get3A_320 = arith.index_cast %add3A_283 : i32 to index
        %get3A_321 = arith.constant 48 : index
        %get3A_322 = tpu.vector_load %arg11[%get3A_319, %get3A_320, %get3A_321] {strides = array<i32>} : memref<2x128x128xf32, #tpu.memory_space<vmem>>, vector<1x1x16xf32>,
        %get3A_323 = vector.shape_cast %get3A_322 : vector<1x1x16xf32> to vector<16xf32>
        %get3A_324 = arith.index_cast %rem3A_168 : i32 to index
        %get3A_325 = arith.index_cast %add3A_283 : i32 to index
        %get3A_326 = arith.constant 48 : index
        %get3A_327 = tpu.vector_load %arg13[%get3A_324, %get3A_325, %get3A_326] {strides = array<i32>} : memref<2x128x64xf32, #tpu.memory_space<vmem>>, vector<1x1x16xf32>,
        %get3A_328 = vector.shape_cast %get3A_327 : vector<1x1x16xf32> to vector<16xf32>
        %mul3A_329 = arith.mulf %get3A_323, %get3A_328 : vector<16xf32>
        %add3A_330 = arith.addf %add3A_318, %mul3A_329 : vector<16xf32>
        %xor3A_331 = arith.constant 1 : i32
        %xor3A_332 = vector.broadcast %xor3A_331 : i32 to vector<16xi32>
        %xor3A_333 = arith.xori %iota3A, %xor3A_332 : vector<16xi32>
        %broadcast_in_dim3A_334 = vector.shape_cast %xor3A_333 : vector<16xi32> to vector<16x1xi32>
        %gather3A_335 = vector.shape_cast %broadcast_in_dim3A_334 : vector<16x1xi32> to vector<16xi32>
        %gather3A_336 = tpu.dynamic_gather %add3A_330[%gather3A_335] in [0] : vector<16xf32>, vector<16xi32> -> vector<16xf32>
        %add3A_337 = arith.addf %add3A_330, %gather3A_336 : vector<16xf32>
        %xor3A_338 = arith.constant 2 : i32
        %xor3A_339 = vector.broadcast %xor3A_338 : i32 to vector<16xi32>
        %xor3A_340 = arith.xori %iota3A, %xor3A_339 : vector<16xi32>
        %broadcast_in_dim3A_341 = vector.shape_cast %xor3A_340 : vector<16xi32> to vector<16x1xi32>
        %gather3A_342 = vector.shape_cast %broadcast_in_dim3A_341 : vector<16x1xi32> to vector<16xi32>
        %gather3A_343 = tpu.dynamic_gather %add3A_337[%gather3A_342] in [0] : vector<16xf32>, vector<16xi32> -> vector<16xf32>
        %add3A_344 = arith.addf %add3A_337, %gather3A_343 : vector<16xf32>
        %xor3A_345 = arith.constant 4 : i32
        %xor3A_346 = vector.broadcast %xor3A_345 : i32 to vector<16xi32>
        %xor3A_347 = arith.xori %iota3A, %xor3A_346 : vector<16xi32>
        %broadcast_in_dim3A_348 = vector.shape_cast %xor3A_347 : vector<16xi32> to vector<16x1xi32>
        %gather3A_349 = vector.shape_cast %broadcast_in_dim3A_348 : vector<16x1xi32> to vector<16xi32>
        %gather3A_350 = tpu.dynamic_gather %add3A_344[%gather3A_349] in [0] : vector<16xf32>, vector<16xi32> -> vector<16xf32>
        %add3A_351 = arith.addf %add3A_344, %gather3A_350 : vector<16xf32>
        %xor3A_352 = arith.constant 8 : i32
        %xor3A_353 = vector.broadcast %xor3A_352 : i32 to vector<16xi32>
        %xor3A_354 = arith.xori %iota3A, %xor3A_353 : vector<16xi32>
        %broadcast_in_dim3A_355 = vector.shape_cast %xor3A_354 : vector<16xi32> to vector<16x1xi32>
        %gather3A_356 = vector.shape_cast %broadcast_in_dim3A_355 : vector<16x1xi32> to vector<16xi32>
        %gather3A_357 = tpu.dynamic_gather %add3A_351[%gather3A_356] in [0] : vector<16xf32>, vector<16xi32> -> vector<16xf32>
        %add3A_358 = arith.addf %add3A_351, %gather3A_357 : vector<16xf32>
        %eq3A_359 = arith.constant 1 : i32
        %eq3A_360 = vector.broadcast %eq3A_359 : i32 to vector<16xi32>
        %eq3A_361 = arith.cmpi eq, %iota3A, %eq3A_360 : vector<16xi32>
        %select_n3A_362 = arith.select %eq3A_361, %add3A_358, %broadcast_in_dim3A_1 : vector<16xi1>, vector<16xf32>
        %add3A_363 = arith.addf %add3A_279, %select_n3A_362 : vector<16xf32>
        %mul3A_364 = arith.constant 16 : i32
        %mul3A_365 = arith.muli %scan3A_199, %mul3A_364 : i32
        %add3A_366 = arith.constant 2 : i32
        %add3A_367 = arith.addi %mul3A_365, %add3A_366 : i32
        %get3A_368 = arith.index_cast %rem3A_168 : i32 to index
        %get3A_369 = arith.index_cast %add3A_367 : i32 to index
        %get3A_370 = arith.constant 0 : index
        %get3A_371 = tpu.vector_load %arg11[%get3A_368, %get3A_369, %get3A_370] {strides = array<i32>} : memref<2x128x128xf32, #tpu.memory_space<vmem>>, vector<1x1x16xf32>,
        %get3A_372 = vector.shape_cast %get3A_371 : vector<1x1x16xf32> to vector<16xf32>
        %get3A_373 = arith.index_cast %rem3A_168 : i32 to index
        %get3A_374 = arith.index_cast %add3A_367 : i32 to index
        %get3A_375 = arith.constant 0 : index
        %get3A_376 = tpu.vector_load %arg13[%get3A_373, %get3A_374, %get3A_375] {strides = array<i32>} : memref<2x128x64xf32, #tpu.memory_space<vmem>>, vector<1x1x16xf32>,
        %get3A_377 = vector.shape_cast %get3A_376 : vector<1x1x16xf32> to vector<16xf32>
        %mul3A_378 = arith.mulf %get3A_372, %get3A_377 : vector<16xf32>
        %get3A_379 = arith.index_cast %rem3A_168 : i32 to index
        %get3A_380 = arith.index_cast %add3A_367 : i32 to index
        %get3A_381 = arith.constant 16 : index
        %get3A_382 = tpu.vector_load %arg11[%get3A_379, %get3A_380, %get3A_381] {strides = array<i32>} : memref<2x128x128xf32, #tpu.memory_space<vmem>>, vector<1x1x16xf32>,
        %get3A_383 = vector.shape_cast %get3A_382 : vector<1x1x16xf32> to vector<16xf32>
        %get3A_384 = arith.index_cast %rem3A_168 : i32 to index
        %get3A_385 = arith.index_cast %add3A_367 : i32 to index
        %get3A_386 = arith.constant 16 : index
        %get3A_387 = tpu.vector_load %arg13[%get3A_384, %get3A_385, %get3A_386] {strides = array<i32>} : memref<2x128x64xf32, #tpu.memory_space<vmem>>, vector<1x1x16xf32>,
        %get3A_388 = vector.shape_cast %get3A_387 : vector<1x1x16xf32> to vector<16xf32>
        %mul3A_389 = arith.mulf %get3A_383, %get3A_388 : vector<16xf32>
        %add3A_390 = arith.addf %mul3A_378, %mul3A_389 : vector<16xf32>
        %get3A_391 = arith.index_cast %rem3A_168 : i32 to index
        %get3A_392 = arith.index_cast %add3A_367 : i32 to index
        %get3A_393 = arith.constant 32 : index
        %get3A_394 = tpu.vector_load %arg11[%get3A_391, %get3A_392, %get3A_393] {strides = array<i32>} : memref<2x128x128xf32, #tpu.memory_space<vmem>>, vector<1x1x16xf32>,
        %get3A_395 = vector.shape_cast %get3A_394 : vector<1x1x16xf32> to vector<16xf32>
        %get3A_396 = arith.index_cast %rem3A_168 : i32 to index
        %get3A_397 = arith.index_cast %add3A_367 : i32 to index
        %get3A_398 = arith.constant 32 : index
        %get3A_399 = tpu.vector_load %arg13[%get3A_396, %get3A_397, %get3A_398] {strides = array<i32>} : memref<2x128x64xf32, #tpu.memory_space<vmem>>, vector<1x1x16xf32>,
        %get3A_400 = vector.shape_cast %get3A_399 : vector<1x1x16xf32> to vector<16xf32>
        %mul3A_401 = arith.mulf %get3A_395, %get3A_400 : vector<16xf32>
        %add3A_402 = arith.addf %add3A_390, %mul3A_401 : vector<16xf32>
        %get3A_403 = arith.index_cast %rem3A_168 : i32 to index
        %get3A_404 = arith.index_cast %add3A_367 : i32 to index
        %get3A_405 = arith.constant 48 : index
        %get3A_406 = tpu.vector_load %arg11[%get3A_403, %get3A_404, %get3A_405] {strides = array<i32>} : memref<2x128x128xf32, #tpu.memory_space<vmem>>, vector<1x1x16xf32>,
        %get3A_407 = vector.shape_cast %get3A_406 : vector<1x1x16xf32> to vector<16xf32>
        %get3A_408 = arith.index_cast %rem3A_168 : i32 to index
        %get3A_409 = arith.index_cast %add3A_367 : i32 to index
        %get3A_410 = arith.constant 48 : index
        %get3A_411 = tpu.vector_load %arg13[%get3A_408, %get3A_409, %get3A_410] {strides = array<i32>} : memref<2x128x64xf32, #tpu.memory_space<vmem>>, vector<1x1x16xf32>,
        %get3A_412 = vector.shape_cast %get3A_411 : vector<1x1x16xf32> to vector<16xf32>
        %mul3A_413 = arith.mulf %get3A_407, %get3A_412 : vector<16xf32>
        %add3A_414 = arith.addf %add3A_402, %mul3A_413 : vector<16xf32>
        %xor3A_415 = arith.constant 1 : i32
        %xor3A_416 = vector.broadcast %xor3A_415 : i32 to vector<16xi32>
        %xor3A_417 = arith.xori %iota3A, %xor3A_416 : vector<16xi32>
        %broadcast_in_dim3A_418 = vector.shape_cast %xor3A_417 : vector<16xi32> to vector<16x1xi32>
        %gather3A_419 = vector.shape_cast %broadcast_in_dim3A_418 : vector<16x1xi32> to vector<16xi32>
        %gather3A_420 = tpu.dynamic_gather %add3A_414[%gather3A_419] in [0] : vector<16xf32>, vector<16xi32> -> vector<16xf32>
        %add3A_421 = arith.addf %add3A_414, %gather3A_420 : vector<16xf32>
        %xor3A_422 = arith.constant 2 : i32
        %xor3A_423 = vector.broadcast %xor3A_422 : i32 to vector<16xi32>
        %xor3A_424 = arith.xori %iota3A, %xor3A_423 : vector<16xi32>
        %broadcast_in_dim3A_425 = vector.shape_cast %xor3A_424 : vector<16xi32> to vector<16x1xi32>
        %gather3A_426 = vector.shape_cast %broadcast_in_dim3A_425 : vector<16x1xi32> to vector<16xi32>
        %gather3A_427 = tpu.dynamic_gather %add3A_421[%gather3A_426] in [0] : vector<16xf32>, vector<16xi32> -> vector<16xf32>
        %add3A_428 = arith.addf %add3A_421, %gather3A_427 : vector<16xf32>
        %xor3A_429 = arith.constant 4 : i32
        %xor3A_430 = vector.broadcast %xor3A_429 : i32 to vector<16xi32>
        %xor3A_431 = arith.xori %iota3A, %xor3A_430 : vector<16xi32>
        %broadcast_in_dim3A_432 = vector.shape_cast %xor3A_431 : vector<16xi32> to vector<16x1xi32>
        %gather3A_433 = vector.shape_cast %broadcast_in_dim3A_432 : vector<16x1xi32> to vector<16xi32>
        %gather3A_434 = tpu.dynamic_gather %add3A_428[%gather3A_433] in [0] : vector<16xf32>, vector<16xi32> -> vector<16xf32>
        %add3A_435 = arith.addf %add3A_428, %gather3A_434 : vector<16xf32>
        %xor3A_436 = arith.constant 8 : i32
        %xor3A_437 = vector.broadcast %xor3A_436 : i32 to vector<16xi32>
        %xor3A_438 = arith.xori %iota3A, %xor3A_437 : vector<16xi32>
        %broadcast_in_dim3A_439 = vector.shape_cast %xor3A_438 : vector<16xi32> to vector<16x1xi32>
        %gather3A_440 = vector.shape_cast %broadcast_in_dim3A_439 : vector<16x1xi32> to vector<16xi32>
        %gather3A_441 = tpu.dynamic_gather %add3A_435[%gather3A_440] in [0] : vector<16xf32>, vector<16xi32> -> vector<16xf32>
        %add3A_442 = arith.addf %add3A_435, %gather3A_441 : vector<16xf32>
        %eq3A_443 = arith.constant 2 : i32
        %eq3A_444 = vector.broadcast %eq3A_443 : i32 to vector<16xi32>
        %eq3A_445 = arith.cmpi eq, %iota3A, %eq3A_444 : vector<16xi32>
        %select_n3A_446 = arith.select %eq3A_445, %add3A_442, %broadcast_in_dim3A_1 : vector<16xi1>, vector<16xf32>
        %add3A_447 = arith.addf %add3A_363, %select_n3A_446 : vector<16xf32>
        %mul3A_448 = arith.constant 16 : i32
        %mul3A_449 = arith.muli %scan3A_199, %mul3A_448 : i32
        %add3A_450 = arith.constant 3 : i32
        %add3A_451 = arith.addi %mul3A_449, %add3A_450 : i32
        %get3A_452 = arith.index_cast %rem3A_168 : i32 to index
        %get3A_453 = arith.index_cast %add3A_451 : i32 to index
        %get3A_454 = arith.constant 0 : index
        %get3A_455 = tpu.vector_load %arg11[%get3A_452, %get3A_453, %get3A_454] {strides = array<i32>} : memref<2x128x128xf32, #tpu.memory_space<vmem>>, vector<1x1x16xf32>,
        %get3A_456 = vector.shape_cast %get3A_455 : vector<1x1x16xf32> to vector<16xf32>
        %get3A_457 = arith.index_cast %rem3A_168 : i32 to index
        %get3A_458 = arith.index_cast %add3A_451 : i32 to index
        %get3A_459 = arith.constant 0 : index
        %get3A_460 = tpu.vector_load %arg13[%get3A_457, %get3A_458, %get3A_459] {strides = array<i32>} : memref<2x128x64xf32, #tpu.memory_space<vmem>>, vector<1x1x16xf32>,
        %get3A_461 = vector.shape_cast %get3A_460 : vector<1x1x16xf32> to vector<16xf32>
        %mul3A_462 = arith.mulf %get3A_456, %get3A_461 : vector<16xf32>
        %get3A_463 = arith.index_cast %rem3A_168 : i32 to index
        %get3A_464 = arith.index_cast %add3A_451 : i32 to index
        %get3A_465 = arith.constant 16 : index
        %get3A_466 = tpu.vector_load %arg11[%get3A_463, %get3A_464, %get3A_465] {strides = array<i32>} : memref<2x128x128xf32, #tpu.memory_space<vmem>>, vector<1x1x16xf32>,
        %get3A_467 = vector.shape_cast %get3A_466 : vector<1x1x16xf32> to vector<16xf32>
        %get3A_468 = arith.index_cast %rem3A_168 : i32 to index
        %get3A_469 = arith.index_cast %add3A_451 : i32 to index
        %get3A_470 = arith.constant 16 : index
        %get3A_471 = tpu.vector_load %arg13[%get3A_468, %get3A_469, %get3A_470] {strides = array<i32>} : memref<2x128x64xf32, #tpu.memory_space<vmem>>, vector<1x1x16xf32>,
        %get3A_472 = vector.shape_cast %get3A_471 : vector<1x1x16xf32> to vector<16xf32>
        %mul3A_473 = arith.mulf %get3A_467, %get3A_472 : vector<16xf32>
        %add3A_474 = arith.addf %mul3A_462, %mul3A_473 : vector<16xf32>
        %get3A_475 = arith.index_cast %rem3A_168 : i32 to index
        %get3A_476 = arith.index_cast %add3A_451 : i32 to index
        %get3A_477 = arith.constant 32 : index
        %get3A_478 = tpu.vector_load %arg11[%get3A_475, %get3A_476, %get3A_477] {strides = array<i32>} : memref<2x128x128xf32, #tpu.memory_space<vmem>>, vector<1x1x16xf32>,
        %get3A_479 = vector.shape_cast %get3A_478 : vector<1x1x16xf32> to vector<16xf32>
        %get3A_480 = arith.index_cast %rem3A_168 : i32 to index
        %get3A_481 = arith.index_cast %add3A_451 : i32 to index
        %get3A_482 = arith.constant 32 : index
        %get3A_483 = tpu.vector_load %arg13[%get3A_480, %get3A_481, %get3A_482] {strides = array<i32>} : memref<2x128x64xf32, #tpu.memory_space<vmem>>, vector<1x1x16xf32>,
        %get3A_484 = vector.shape_cast %get3A_483 : vector<1x1x16xf32> to vector<16xf32>
        %mul3A_485 = arith.mulf %get3A_479, %get3A_484 : vector<16xf32>
        %add3A_486 = arith.addf %add3A_474, %mul3A_485 : vector<16xf32>
        %get3A_487 = arith.index_cast %rem3A_168 : i32 to index
        %get3A_488 = arith.index_cast %add3A_451 : i32 to index
        %get3A_489 = arith.constant 48 : index
        %get3A_490 = tpu.vector_load %arg11[%get3A_487, %get3A_488, %get3A_489] {strides = array<i32>} : memref<2x128x128xf32, #tpu.memory_space<vmem>>, vector<1x1x16xf32>,
        %get3A_491 = vector.shape_cast %get3A_490 : vector<1x1x16xf32> to vector<16xf32>
        %get3A_492 = arith.index_cast %rem3A_168 : i32 to index
        %get3A_493 = arith.index_cast %add3A_451 : i32 to index
        %get3A_494 = arith.constant 48 : index
        %get3A_495 = tpu.vector_load %arg13[%get3A_492, %get3A_493, %get3A_494] {strides = array<i32>} : memref<2x128x64xf32, #tpu.memory_space<vmem>>, vector<1x1x16xf32>,
        %get3A_496 = vector.shape_cast %get3A_495 : vector<1x1x16xf32> to vector<16xf32>
        %mul3A_497 = arith.mulf %get3A_491, %get3A_496 : vector<16xf32>
        %add3A_498 = arith.addf %add3A_486, %mul3A_497 : vector<16xf32>
        %xor3A_499 = arith.constant 1 : i32
        %xor3A_500 = vector.broadcast %xor3A_499 : i32 to vector<16xi32>
        %xor3A_501 = arith.xori %iota3A, %xor3A_500 : vector<16xi32>
        %broadcast_in_dim3A_502 = vector.shape_cast %xor3A_501 : vector<16xi32> to vector<16x1xi32>
        %gather3A_503 = vector.shape_cast %broadcast_in_dim3A_502 : vector<16x1xi32> to vector<16xi32>
        %gather3A_504 = tpu.dynamic_gather %add3A_498[%gather3A_503] in [0] : vector<16xf32>, vector<16xi32> -> vector<16xf32>
        %add3A_505 = arith.addf %add3A_498, %gather3A_504 : vector<16xf32>
        %xor3A_506 = arith.constant 2 : i32
        %xor3A_507 = vector.broadcast %xor3A_506 : i32 to vector<16xi32>
        %xor3A_508 = arith.xori %iota3A, %xor3A_507 : vector<16xi32>
        %broadcast_in_dim3A_509 = vector.shape_cast %xor3A_508 : vector<16xi32> to vector<16x1xi32>
        %gather3A_510 = vector.shape_cast %broadcast_in_dim3A_509 : vector<16x1xi32> to vector<16xi32>
        %gather3A_511 = tpu.dynamic_gather %add3A_505[%gather3A_510] in [0] : vector<16xf32>, vector<16xi32> -> vector<16xf32>
        %add3A_512 = arith.addf %add3A_505, %gather3A_511 : vector<16xf32>
        %xor3A_513 = arith.constant 4 : i32
        %xor3A_514 = vector.broadcast %xor3A_513 : i32 to vector<16xi32>
        %xor3A_515 = arith.xori %iota3A, %xor3A_514 : vector<16xi32>
        %broadcast_in_dim3A_516 = vector.shape_cast %xor3A_515 : vector<16xi32> to vector<16x1xi32>
        %gather3A_517 = vector.shape_cast %broadcast_in_dim3A_516 : vector<16x1xi32> to vector<16xi32>
        %gather3A_518 = tpu.dynamic_gather %add3A_512[%gather3A_517] in [0] : vector<16xf32>, vector<16xi32> -> vector<16xf32>
        %add3A_519 = arith.addf %add3A_512, %gather3A_518 : vector<16xf32>
        %xor3A_520 = arith.constant 8 : i32
        %xor3A_521 = vector.broadcast %xor3A_520 : i32 to vector<16xi32>
        %xor3A_522 = arith.xori %iota3A, %xor3A_521 : vector<16xi32>
        %broadcast_in_dim3A_523 = vector.shape_cast %xor3A_522 : vector<16xi32> to vector<16x1xi32>
        %gather3A_524 = vector.shape_cast %broadcast_in_dim3A_523 : vector<16x1xi32> to vector<16xi32>
        %gather3A_525 = tpu.dynamic_gather %add3A_519[%gather3A_524] in [0] : vector<16xf32>, vector<16xi32> -> vector<16xf32>
        %add3A_526 = arith.addf %add3A_519, %gather3A_525 : vector<16xf32>
        %eq3A_527 = arith.constant 3 : i32
        %eq3A_528 = vector.broadcast %eq3A_527 : i32 to vector<16xi32>
        %eq3A_529 = arith.cmpi eq, %iota3A, %eq3A_528 : vector<16xi32>
        %select_n3A_530 = arith.select %eq3A_529, %add3A_526, %broadcast_in_dim3A_1 : vector<16xi1>, vector<16xf32>
        %add3A_531 = arith.addf %add3A_447, %select_n3A_530 : vector<16xf32>
        %mul3A_532 = arith.constant 16 : i32
        %mul3A_533 = arith.muli %scan3A_199, %mul3A_532 : i32
        %add3A_534 = arith.constant 4 : i32
        %add3A_535 = arith.addi %mul3A_533, %add3A_534 : i32
        %get3A_536 = arith.index_cast %rem3A_168 : i32 to index
        %get3A_537 = arith.index_cast %add3A_535 : i32 to index
        %get3A_538 = arith.constant 0 : index
        %get3A_539 = tpu.vector_load %arg11[%get3A_536, %get3A_537, %get3A_538] {strides = array<i32>} : memref<2x128x128xf32, #tpu.memory_space<vmem>>, vector<1x1x16xf32>,
        %get3A_540 = vector.shape_cast %get3A_539 : vector<1x1x16xf32> to vector<16xf32>
        %get3A_541 = arith.index_cast %rem3A_168 : i32 to index
        %get3A_542 = arith.index_cast %add3A_535 : i32 to index
        %get3A_543 = arith.constant 0 : index
        %get3A_544 = tpu.vector_load %arg13[%get3A_541, %get3A_542, %get3A_543] {strides = array<i32>} : memref<2x128x64xf32, #tpu.memory_space<vmem>>, vector<1x1x16xf32>,
        %get3A_545 = vector.shape_cast %get3A_544 : vector<1x1x16xf32> to vector<16xf32>
        %mul3A_546 = arith.mulf %get3A_540, %get3A_545 : vector<16xf32>
        %get3A_547 = arith.index_cast %rem3A_168 : i32 to index
        %get3A_548 = arith.index_cast %add3A_535 : i32 to index
        %get3A_549 = arith.constant 16 : index
        %get3A_550 = tpu.vector_load %arg11[%get3A_547, %get3A_548, %get3A_549] {strides = array<i32>} : memref<2x128x128xf32, #tpu.memory_space<vmem>>, vector<1x1x16xf32>,
        %get3A_551 = vector.shape_cast %get3A_550 : vector<1x1x16xf32> to vector<16xf32>
        %get3A_552 = arith.index_cast %rem3A_168 : i32 to index
        %get3A_553 = arith.index_cast %add3A_535 : i32 to index
        %get3A_554 = arith.constant 16 : index
        %get3A_555 = tpu.vector_load %arg13[%get3A_552, %get3A_553, %get3A_554] {strides = array<i32>} : memref<2x128x64xf32, #tpu.memory_space<vmem>>, vector<1x1x16xf32>,
        %get3A_556 = vector.shape_cast %get3A_555 : vector<1x1x16xf32> to vector<16xf32>
        %mul3A_557 = arith.mulf %get3A_551, %get3A_556 : vector<16xf32>
        %add3A_558 = arith.addf %mul3A_546, %mul3A_557 : vector<16xf32>
        %get3A_559 = arith.index_cast %rem3A_168 : i32 to index
        %get3A_560 = arith.index_cast %add3A_535 : i32 to index
        %get3A_561 = arith.constant 32 : index
        %get3A_562 = tpu.vector_load %arg11[%get3A_559, %get3A_560, %get3A_561] {strides = array<i32>} : memref<2x128x128xf32, #tpu.memory_space<vmem>>, vector<1x1x16xf32>,
        %get3A_563 = vector.shape_cast %get3A_562 : vector<1x1x16xf32> to vector<16xf32>
        %get3A_564 = arith.index_cast %rem3A_168 : i32 to index
        %get3A_565 = arith.index_cast %add3A_535 : i32 to index
        %get3A_566 = arith.constant 32 : index
        %get3A_567 = tpu.vector_load %arg13[%get3A_564, %get3A_565, %get3A_566] {strides = array<i32>} : memref<2x128x64xf32, #tpu.memory_space<vmem>>, vector<1x1x16xf32>,
        %get3A_568 = vector.shape_cast %get3A_567 : vector<1x1x16xf32> to vector<16xf32>
        %mul3A_569 = arith.mulf %get3A_563, %get3A_568 : vector<16xf32>
        %add3A_570 = arith.addf %add3A_558, %mul3A_569 : vector<16xf32>
        %get3A_571 = arith.index_cast %rem3A_168 : i32 to index
        %get3A_572 = arith.index_cast %add3A_535 : i32 to index
        %get3A_573 = arith.constant 48 : index
        %get3A_574 = tpu.vector_load %arg11[%get3A_571, %get3A_572, %get3A_573] {strides = array<i32>} : memref<2x128x128xf32, #tpu.memory_space<vmem>>, vector<1x1x16xf32>,
        %get3A_575 = vector.shape_cast %get3A_574 : vector<1x1x16xf32> to vector<16xf32>
        %get3A_576 = arith.index_cast %rem3A_168 : i32 to index
        %get3A_577 = arith.index_cast %add3A_535 : i32 to index
        %get3A_578 = arith.constant 48 : index
        %get3A_579 = tpu.vector_load %arg13[%get3A_576, %get3A_577, %get3A_578] {strides = array<i32>} : memref<2x128x64xf32, #tpu.memory_space<vmem>>, vector<1x1x16xf32>,
        %get3A_580 = vector.shape_cast %get3A_579 : vector<1x1x16xf32> to vector<16xf32>
        %mul3A_581 = arith.mulf %get3A_575, %get3A_580 : vector<16xf32>
        %add3A_582 = arith.addf %add3A_570, %mul3A_581 : vector<16xf32>
        %xor3A_583 = arith.constant 1 : i32
        %xor3A_584 = vector.broadcast %xor3A_583 : i32 to vector<16xi32>
        %xor3A_585 = arith.xori %iota3A, %xor3A_584 : vector<16xi32>
        %broadcast_in_dim3A_586 = vector.shape_cast %xor3A_585 : vector<16xi32> to vector<16x1xi32>
        %gather3A_587 = vector.shape_cast %broadcast_in_dim3A_586 : vector<16x1xi32> to vector<16xi32>
        %gather3A_588 = tpu.dynamic_gather %add3A_582[%gather3A_587] in [0] : vector<16xf32>, vector<16xi32> -> vector<16xf32>
        %add3A_589 = arith.addf %add3A_582, %gather3A_588 : vector<16xf32>
        %xor3A_590 = arith.constant 2 : i32
        %xor3A_591 = vector.broadcast %xor3A_590 : i32 to vector<16xi32>
        %xor3A_592 = arith.xori %iota3A, %xor3A_591 : vector<16xi32>
        %broadcast_in_dim3A_593 = vector.shape_cast %xor3A_592 : vector<16xi32> to vector<16x1xi32>
        %gather3A_594 = vector.shape_cast %broadcast_in_dim3A_593 : vector<16x1xi32> to vector<16xi32>
        %gather3A_595 = tpu.dynamic_gather %add3A_589[%gather3A_594] in [0] : vector<16xf32>, vector<16xi32> -> vector<16xf32>
        %add3A_596 = arith.addf %add3A_589, %gather3A_595 : vector<16xf32>
        %xor3A_597 = arith.constant 4 : i32
        %xor3A_598 = vector.broadcast %xor3A_597 : i32 to vector<16xi32>
        %xor3A_599 = arith.xori %iota3A, %xor3A_598 : vector<16xi32>
        %broadcast_in_dim3A_600 = vector.shape_cast %xor3A_599 : vector<16xi32> to vector<16x1xi32>
        %gather3A_601 = vector.shape_cast %broadcast_in_dim3A_600 : vector<16x1xi32> to vector<16xi32>
        %gather3A_602 = tpu.dynamic_gather %add3A_596[%gather3A_601] in [0] : vector<16xf32>, vector<16xi32> -> vector<16xf32>
        %add3A_603 = arith.addf %add3A_596, %gather3A_602 : vector<16xf32>
        %xor3A_604 = arith.constant 8 : i32
        %xor3A_605 = vector.broadcast %xor3A_604 : i32 to vector<16xi32>
        %xor3A_606 = arith.xori %iota3A, %xor3A_605 : vector<16xi32>
        %broadcast_in_dim3A_607 = vector.shape_cast %xor3A_606 : vector<16xi32> to vector<16x1xi32>
        %gather3A_608 = vector.shape_cast %broadcast_in_dim3A_607 : vector<16x1xi32> to vector<16xi32>
        %gather3A_609 = tpu.dynamic_gather %add3A_603[%gather3A_608] in [0] : vector<16xf32>, vector<16xi32> -> vector<16xf32>
        %add3A_610 = arith.addf %add3A_603, %gather3A_609 : vector<16xf32>
        %eq3A_611 = arith.constant 4 : i32
        %eq3A_612 = vector.broadcast %eq3A_611 : i32 to vector<16xi32>
        %eq3A_613 = arith.cmpi eq, %iota3A, %eq3A_612 : vector<16xi32>
        %select_n3A_614 = arith.select %eq3A_613, %add3A_610, %broadcast_in_dim3A_1 : vector<16xi1>, vector<16xf32>
        %add3A_615 = arith.addf %add3A_531, %select_n3A_614 : vector<16xf32>
        %mul3A_616 = arith.constant 16 : i32
        %mul3A_617 = arith.muli %scan3A_199, %mul3A_616 : i32
        %add3A_618 = arith.constant 5 : i32
        %add3A_619 = arith.addi %mul3A_617, %add3A_618 : i32
        %get3A_620 = arith.index_cast %rem3A_168 : i32 to index
        %get3A_621 = arith.index_cast %add3A_619 : i32 to index
        %get3A_622 = arith.constant 0 : index
        %get3A_623 = tpu.vector_load %arg11[%get3A_620, %get3A_621, %get3A_622] {strides = array<i32>} : memref<2x128x128xf32, #tpu.memory_space<vmem>>, vector<1x1x16xf32>,
        %get3A_624 = vector.shape_cast %get3A_623 : vector<1x1x16xf32> to vector<16xf32>
        %get3A_625 = arith.index_cast %rem3A_168 : i32 to index
        %get3A_626 = arith.index_cast %add3A_619 : i32 to index
        %get3A_627 = arith.constant 0 : index
        %get3A_628 = tpu.vector_load %arg13[%get3A_625, %get3A_626, %get3A_627] {strides = array<i32>} : memref<2x128x64xf32, #tpu.memory_space<vmem>>, vector<1x1x16xf32>,
        %get3A_629 = vector.shape_cast %get3A_628 : vector<1x1x16xf32> to vector<16xf32>
        %mul3A_630 = arith.mulf %get3A_624, %get3A_629 : vector<16xf32>
        %get3A_631 = arith.index_cast %rem3A_168 : i32 to index
        %get3A_632 = arith.index_cast %add3A_619 : i32 to index
        %get3A_633 = arith.constant 16 : index
        %get3A_634 = tpu.vector_load %arg11[%get3A_631, %get3A_632, %get3A_633] {strides = array<i32>} : memref<2x128x128xf32, #tpu.memory_space<vmem>>, vector<1x1x16xf32>,
        %get3A_635 = vector.shape_cast %get3A_634 : vector<1x1x16xf32> to vector<16xf32>
        %get3A_636 = arith.index_cast %rem3A_168 : i32 to index
        %get3A_637 = arith.index_cast %add3A_619 : i32 to index
        %get3A_638 = arith.constant 16 : index
        %get3A_639 = tpu.vector_load %arg13[%get3A_636, %get3A_637, %get3A_638] {strides = array<i32>} : memref<2x128x64xf32, #tpu.memory_space<vmem>>, vector<1x1x16xf32>,
        %get3A_640 = vector.shape_cast %get3A_639 : vector<1x1x16xf32> to vector<16xf32>
        %mul3A_641 = arith.mulf %get3A_635, %get3A_640 : vector<16xf32>
        %add3A_642 = arith.addf %mul3A_630, %mul3A_641 : vector<16xf32>
        %get3A_643 = arith.index_cast %rem3A_168 : i32 to index
        %get3A_644 = arith.index_cast %add3A_619 : i32 to index
        %get3A_645 = arith.constant 32 : index
        %get3A_646 = tpu.vector_load %arg11[%get3A_643, %get3A_644, %get3A_645] {strides = array<i32>} : memref<2x128x128xf32, #tpu.memory_space<vmem>>, vector<1x1x16xf32>,
        %get3A_647 = vector.shape_cast %get3A_646 : vector<1x1x16xf32> to vector<16xf32>
        %get3A_648 = arith.index_cast %rem3A_168 : i32 to index
        %get3A_649 = arith.index_cast %add3A_619 : i32 to index
        %get3A_650 = arith.constant 32 : index
        %get3A_651 = tpu.vector_load %arg13[%get3A_648, %get3A_649, %get3A_650] {strides = array<i32>} : memref<2x128x64xf32, #tpu.memory_space<vmem>>, vector<1x1x16xf32>,
        %get3A_652 = vector.shape_cast %get3A_651 : vector<1x1x16xf32> to vector<16xf32>
        %mul3A_653 = arith.mulf %get3A_647, %get3A_652 : vector<16xf32>
        %add3A_654 = arith.addf %add3A_642, %mul3A_653 : vector<16xf32>
        %get3A_655 = arith.index_cast %rem3A_168 : i32 to index
        %get3A_656 = arith.index_cast %add3A_619 : i32 to index
        %get3A_657 = arith.constant 48 : index
        %get3A_658 = tpu.vector_load %arg11[%get3A_655, %get3A_656, %get3A_657] {strides = array<i32>} : memref<2x128x128xf32, #tpu.memory_space<vmem>>, vector<1x1x16xf32>,
        %get3A_659 = vector.shape_cast %get3A_658 : vector<1x1x16xf32> to vector<16xf32>
        %get3A_660 = arith.index_cast %rem3A_168 : i32 to index
        %get3A_661 = arith.index_cast %add3A_619 : i32 to index
        %get3A_662 = arith.constant 48 : index
        %get3A_663 = tpu.vector_load %arg13[%get3A_660, %get3A_661, %get3A_662] {strides = array<i32>} : memref<2x128x64xf32, #tpu.memory_space<vmem>>, vector<1x1x16xf32>,
        %get3A_664 = vector.shape_cast %get3A_663 : vector<1x1x16xf32> to vector<16xf32>
        %mul3A_665 = arith.mulf %get3A_659, %get3A_664 : vector<16xf32>
        %add3A_666 = arith.addf %add3A_654, %mul3A_665 : vector<16xf32>
        %xor3A_667 = arith.constant 1 : i32
        %xor3A_668 = vector.broadcast %xor3A_667 : i32 to vector<16xi32>
        %xor3A_669 = arith.xori %iota3A, %xor3A_668 : vector<16xi32>
        %broadcast_in_dim3A_670 = vector.shape_cast %xor3A_669 : vector<16xi32> to vector<16x1xi32>
        %gather3A_671 = vector.shape_cast %broadcast_in_dim3A_670 : vector<16x1xi32> to vector<16xi32>
        %gather3A_672 = tpu.dynamic_gather %add3A_666[%gather3A_671] in [0] : vector<16xf32>, vector<16xi32> -> vector<16xf32>
        %add3A_673 = arith.addf %add3A_666, %gather3A_672 : vector<16xf32>
        %xor3A_674 = arith.constant 2 : i32
        %xor3A_675 = vector.broadcast %xor3A_674 : i32 to vector<16xi32>
        %xor3A_676 = arith.xori %iota3A, %xor3A_675 : vector<16xi32>
        %broadcast_in_dim3A_677 = vector.shape_cast %xor3A_676 : vector<16xi32> to vector<16x1xi32>
        %gather3A_678 = vector.shape_cast %broadcast_in_dim3A_677 : vector<16x1xi32> to vector<16xi32>
        %gather3A_679 = tpu.dynamic_gather %add3A_673[%gather3A_678] in [0] : vector<16xf32>, vector<16xi32> -> vector<16xf32>
        %add3A_680 = arith.addf %add3A_673, %gather3A_679 : vector<16xf32>
        %xor3A_681 = arith.constant 4 : i32
        %xor3A_682 = vector.broadcast %xor3A_681 : i32 to vector<16xi32>
        %xor3A_683 = arith.xori %iota3A, %xor3A_682 : vector<16xi32>
        %broadcast_in_dim3A_684 = vector.shape_cast %xor3A_683 : vector<16xi32> to vector<16x1xi32>
        %gather3A_685 = vector.shape_cast %broadcast_in_dim3A_684 : vector<16x1xi32> to vector<16xi32>
        %gather3A_686 = tpu.dynamic_gather %add3A_680[%gather3A_685] in [0] : vector<16xf32>, vector<16xi32> -> vector<16xf32>
        %add3A_687 = arith.addf %add3A_680, %gather3A_686 : vector<16xf32>
        %xor3A_688 = arith.constant 8 : i32
        %xor3A_689 = vector.broadcast %xor3A_688 : i32 to vector<16xi32>
        %xor3A_690 = arith.xori %iota3A, %xor3A_689 : vector<16xi32>
        %broadcast_in_dim3A_691 = vector.shape_cast %xor3A_690 : vector<16xi32> to vector<16x1xi32>
        %gather3A_692 = vector.shape_cast %broadcast_in_dim3A_691 : vector<16x1xi32> to vector<16xi32>
        %gather3A_693 = tpu.dynamic_gather %add3A_687[%gather3A_692] in [0] : vector<16xf32>, vector<16xi32> -> vector<16xf32>
        %add3A_694 = arith.addf %add3A_687, %gather3A_693 : vector<16xf32>
        %eq3A_695 = arith.constant 5 : i32
        %eq3A_696 = vector.broadcast %eq3A_695 : i32 to vector<16xi32>
        %eq3A_697 = arith.cmpi eq, %iota3A, %eq3A_696 : vector<16xi32>
        %select_n3A_698 = arith.select %eq3A_697, %add3A_694, %broadcast_in_dim3A_1 : vector<16xi1>, vector<16xf32>
        %add3A_699 = arith.addf %add3A_615, %select_n3A_698 : vector<16xf32>
        %mul3A_700 = arith.constant 16 : i32
        %mul3A_701 = arith.muli %scan3A_199, %mul3A_700 : i32
        %add3A_702 = arith.constant 6 : i32
        %add3A_703 = arith.addi %mul3A_701, %add3A_702 : i32
        %get3A_704 = arith.index_cast %rem3A_168 : i32 to index
        %get3A_705 = arith.index_cast %add3A_703 : i32 to index
        %get3A_706 = arith.constant 0 : index
        %get3A_707 = tpu.vector_load %arg11[%get3A_704, %get3A_705, %get3A_706] {strides = array<i32>} : memref<2x128x128xf32, #tpu.memory_space<vmem>>, vector<1x1x16xf32>,
        %get3A_708 = vector.shape_cast %get3A_707 : vector<1x1x16xf32> to vector<16xf32>
        %get3A_709 = arith.index_cast %rem3A_168 : i32 to index
        %get3A_710 = arith.index_cast %add3A_703 : i32 to index
        %get3A_711 = arith.constant 0 : index
        %get3A_712 = tpu.vector_load %arg13[%get3A_709, %get3A_710, %get3A_711] {strides = array<i32>} : memref<2x128x64xf32, #tpu.memory_space<vmem>>, vector<1x1x16xf32>,
        %get3A_713 = vector.shape_cast %get3A_712 : vector<1x1x16xf32> to vector<16xf32>
        %mul3A_714 = arith.mulf %get3A_708, %get3A_713 : vector<16xf32>
        %get3A_715 = arith.index_cast %rem3A_168 : i32 to index
        %get3A_716 = arith.index_cast %add3A_703 : i32 to index
        %get3A_717 = arith.constant 16 : index
        %get3A_718 = tpu.vector_load %arg11[%get3A_715, %get3A_716, %get3A_717] {strides = array<i32>} : memref<2x128x128xf32, #tpu.memory_space<vmem>>, vector<1x1x16xf32>,
        %get3A_719 = vector.shape_cast %get3A_718 : vector<1x1x16xf32> to vector<16xf32>
        %get3A_720 = arith.index_cast %rem3A_168 : i32 to index
        %get3A_721 = arith.index_cast %add3A_703 : i32 to index
        %get3A_722 = arith.constant 16 : index
        %get3A_723 = tpu.vector_load %arg13[%get3A_720, %get3A_721, %get3A_722] {strides = array<i32>} : memref<2x128x64xf32, #tpu.memory_space<vmem>>, vector<1x1x16xf32>,
        %get3A_724 = vector.shape_cast %get3A_723 : vector<1x1x16xf32> to vector<16xf32>
        %mul3A_725 = arith.mulf %get3A_719, %get3A_724 : vector<16xf32>
        %add3A_726 = arith.addf %mul3A_714, %mul3A_725 : vector<16xf32>
        %get3A_727 = arith.index_cast %rem3A_168 : i32 to index
        %get3A_728 = arith.index_cast %add3A_703 : i32 to index
        %get3A_729 = arith.constant 32 : index
        %get3A_730 = tpu.vector_load %arg11[%get3A_727, %get3A_728, %get3A_729] {strides = array<i32>} : memref<2x128x128xf32, #tpu.memory_space<vmem>>, vector<1x1x16xf32>,
        %get3A_731 = vector.shape_cast %get3A_730 : vector<1x1x16xf32> to vector<16xf32>
        %get3A_732 = arith.index_cast %rem3A_168 : i32 to index
        %get3A_733 = arith.index_cast %add3A_703 : i32 to index
        %get3A_734 = arith.constant 32 : index
        %get3A_735 = tpu.vector_load %arg13[%get3A_732, %get3A_733, %get3A_734] {strides = array<i32>} : memref<2x128x64xf32, #tpu.memory_space<vmem>>, vector<1x1x16xf32>,
        %get3A_736 = vector.shape_cast %get3A_735 : vector<1x1x16xf32> to vector<16xf32>
        %mul3A_737 = arith.mulf %get3A_731, %get3A_736 : vector<16xf32>
        %add3A_738 = arith.addf %add3A_726, %mul3A_737 : vector<16xf32>
        %get3A_739 = arith.index_cast %rem3A_168 : i32 to index
        %get3A_740 = arith.index_cast %add3A_703 : i32 to index
        %get3A_741 = arith.constant 48 : index
        %get3A_742 = tpu.vector_load %arg11[%get3A_739, %get3A_740, %get3A_741] {strides = array<i32>} : memref<2x128x128xf32, #tpu.memory_space<vmem>>, vector<1x1x16xf32>,
        %get3A_743 = vector.shape_cast %get3A_742 : vector<1x1x16xf32> to vector<16xf32>
        %get3A_744 = arith.index_cast %rem3A_168 : i32 to index
        %get3A_745 = arith.index_cast %add3A_703 : i32 to index
        %get3A_746 = arith.constant 48 : index
        %get3A_747 = tpu.vector_load %arg13[%get3A_744, %get3A_745, %get3A_746] {strides = array<i32>} : memref<2x128x64xf32, #tpu.memory_space<vmem>>, vector<1x1x16xf32>,
        %get3A_748 = vector.shape_cast %get3A_747 : vector<1x1x16xf32> to vector<16xf32>
        %mul3A_749 = arith.mulf %get3A_743, %get3A_748 : vector<16xf32>
        %add3A_750 = arith.addf %add3A_738, %mul3A_749 : vector<16xf32>
        %xor3A_751 = arith.constant 1 : i32
        %xor3A_752 = vector.broadcast %xor3A_751 : i32 to vector<16xi32>
        %xor3A_753 = arith.xori %iota3A, %xor3A_752 : vector<16xi32>
        %broadcast_in_dim3A_754 = vector.shape_cast %xor3A_753 : vector<16xi32> to vector<16x1xi32>
        %gather3A_755 = vector.shape_cast %broadcast_in_dim3A_754 : vector<16x1xi32> to vector<16xi32>
        %gather3A_756 = tpu.dynamic_gather %add3A_750[%gather3A_755] in [0] : vector<16xf32>, vector<16xi32> -> vector<16xf32>
        %add3A_757 = arith.addf %add3A_750, %gather3A_756 : vector<16xf32>
        %xor3A_758 = arith.constant 2 : i32
        %xor3A_759 = vector.broadcast %xor3A_758 : i32 to vector<16xi32>
        %xor3A_760 = arith.xori %iota3A, %xor3A_759 : vector<16xi32>
        %broadcast_in_dim3A_761 = vector.shape_cast %xor3A_760 : vector<16xi32> to vector<16x1xi32>
        %gather3A_762 = vector.shape_cast %broadcast_in_dim3A_761 : vector<16x1xi32> to vector<16xi32>
        %gather3A_763 = tpu.dynamic_gather %add3A_757[%gather3A_762] in [0] : vector<16xf32>, vector<16xi32> -> vector<16xf32>
        %add3A_764 = arith.addf %add3A_757, %gather3A_763 : vector<16xf32>
        %xor3A_765 = arith.constant 4 : i32
        %xor3A_766 = vector.broadcast %xor3A_765 : i32 to vector<16xi32>
        %xor3A_767 = arith.xori %iota3A, %xor3A_766 : vector<16xi32>
        %broadcast_in_dim3A_768 = vector.shape_cast %xor3A_767 : vector<16xi32> to vector<16x1xi32>
        %gather3A_769 = vector.shape_cast %broadcast_in_dim3A_768 : vector<16x1xi32> to vector<16xi32>
        %gather3A_770 = tpu.dynamic_gather %add3A_764[%gather3A_769] in [0] : vector<16xf32>, vector<16xi32> -> vector<16xf32>
        %add3A_771 = arith.addf %add3A_764, %gather3A_770 : vector<16xf32>
        %xor3A_772 = arith.constant 8 : i32
        %xor3A_773 = vector.broadcast %xor3A_772 : i32 to vector<16xi32>
        %xor3A_774 = arith.xori %iota3A, %xor3A_773 : vector<16xi32>
        %broadcast_in_dim3A_775 = vector.shape_cast %xor3A_774 : vector<16xi32> to vector<16x1xi32>
        %gather3A_776 = vector.shape_cast %broadcast_in_dim3A_775 : vector<16x1xi32> to vector<16xi32>
        %gather3A_777 = tpu.dynamic_gather %add3A_771[%gather3A_776] in [0] : vector<16xf32>, vector<16xi32> -> vector<16xf32>
        %add3A_778 = arith.addf %add3A_771, %gather3A_777 : vector<16xf32>
        %eq3A_779 = arith.constant 6 : i32
        %eq3A_780 = vector.broadcast %eq3A_779 : i32 to vector<16xi32>
        %eq3A_781 = arith.cmpi eq, %iota3A, %eq3A_780 : vector<16xi32>
        %select_n3A_782 = arith.select %eq3A_781, %add3A_778, %broadcast_in_dim3A_1 : vector<16xi1>, vector<16xf32>
        %add3A_783 = arith.addf %add3A_699, %select_n3A_782 : vector<16xf32>
        %mul3A_784 = arith.constant 16 : i32
        %mul3A_785 = arith.muli %scan3A_199, %mul3A_784 : i32
        %add3A_786 = arith.constant 7 : i32
        %add3A_787 = arith.addi %mul3A_785, %add3A_786 : i32
        %get3A_788 = arith.index_cast %rem3A_168 : i32 to index
        %get3A_789 = arith.index_cast %add3A_787 : i32 to index
        %get3A_790 = arith.constant 0 : index
        %get3A_791 = tpu.vector_load %arg11[%get3A_788, %get3A_789, %get3A_790] {strides = array<i32>} : memref<2x128x128xf32, #tpu.memory_space<vmem>>, vector<1x1x16xf32>,
        %get3A_792 = vector.shape_cast %get3A_791 : vector<1x1x16xf32> to vector<16xf32>
        %get3A_793 = arith.index_cast %rem3A_168 : i32 to index
        %get3A_794 = arith.index_cast %add3A_787 : i32 to index
        %get3A_795 = arith.constant 0 : index
        %get3A_796 = tpu.vector_load %arg13[%get3A_793, %get3A_794, %get3A_795] {strides = array<i32>} : memref<2x128x64xf32, #tpu.memory_space<vmem>>, vector<1x1x16xf32>,
        %get3A_797 = vector.shape_cast %get3A_796 : vector<1x1x16xf32> to vector<16xf32>
        %mul3A_798 = arith.mulf %get3A_792, %get3A_797 : vector<16xf32>
        %get3A_799 = arith.index_cast %rem3A_168 : i32 to index
        %get3A_800 = arith.index_cast %add3A_787 : i32 to index
        %get3A_801 = arith.constant 16 : index
        %get3A_802 = tpu.vector_load %arg11[%get3A_799, %get3A_800, %get3A_801] {strides = array<i32>} : memref<2x128x128xf32, #tpu.memory_space<vmem>>, vector<1x1x16xf32>,
        %get3A_803 = vector.shape_cast %get3A_802 : vector<1x1x16xf32> to vector<16xf32>
        %get3A_804 = arith.index_cast %rem3A_168 : i32 to index
        %get3A_805 = arith.index_cast %add3A_787 : i32 to index
        %get3A_806 = arith.constant 16 : index
        %get3A_807 = tpu.vector_load %arg13[%get3A_804, %get3A_805, %get3A_806] {strides = array<i32>} : memref<2x128x64xf32, #tpu.memory_space<vmem>>, vector<1x1x16xf32>,
        %get3A_808 = vector.shape_cast %get3A_807 : vector<1x1x16xf32> to vector<16xf32>
        %mul3A_809 = arith.mulf %get3A_803, %get3A_808 : vector<16xf32>
        %add3A_810 = arith.addf %mul3A_798, %mul3A_809 : vector<16xf32>
        %get3A_811 = arith.index_cast %rem3A_168 : i32 to index
        %get3A_812 = arith.index_cast %add3A_787 : i32 to index
        %get3A_813 = arith.constant 32 : index
        %get3A_814 = tpu.vector_load %arg11[%get3A_811, %get3A_812, %get3A_813] {strides = array<i32>} : memref<2x128x128xf32, #tpu.memory_space<vmem>>, vector<1x1x16xf32>,
        %get3A_815 = vector.shape_cast %get3A_814 : vector<1x1x16xf32> to vector<16xf32>
        %get3A_816 = arith.index_cast %rem3A_168 : i32 to index
        %get3A_817 = arith.index_cast %add3A_787 : i32 to index
        %get3A_818 = arith.constant 32 : index
        %get3A_819 = tpu.vector_load %arg13[%get3A_816, %get3A_817, %get3A_818] {strides = array<i32>} : memref<2x128x64xf32, #tpu.memory_space<vmem>>, vector<1x1x16xf32>,
        %get3A_820 = vector.shape_cast %get3A_819 : vector<1x1x16xf32> to vector<16xf32>
        %mul3A_821 = arith.mulf %get3A_815, %get3A_820 : vector<16xf32>
        %add3A_822 = arith.addf %add3A_810, %mul3A_821 : vector<16xf32>
        %get3A_823 = arith.index_cast %rem3A_168 : i32 to index
        %get3A_824 = arith.index_cast %add3A_787 : i32 to index
        %get3A_825 = arith.constant 48 : index
        %get3A_826 = tpu.vector_load %arg11[%get3A_823, %get3A_824, %get3A_825] {strides = array<i32>} : memref<2x128x128xf32, #tpu.memory_space<vmem>>, vector<1x1x16xf32>,
        %get3A_827 = vector.shape_cast %get3A_826 : vector<1x1x16xf32> to vector<16xf32>
        %get3A_828 = arith.index_cast %rem3A_168 : i32 to index
        %get3A_829 = arith.index_cast %add3A_787 : i32 to index
        %get3A_830 = arith.constant 48 : index
        %get3A_831 = tpu.vector_load %arg13[%get3A_828, %get3A_829, %get3A_830] {strides = array<i32>} : memref<2x128x64xf32, #tpu.memory_space<vmem>>, vector<1x1x16xf32>,
        %get3A_832 = vector.shape_cast %get3A_831 : vector<1x1x16xf32> to vector<16xf32>
        %mul3A_833 = arith.mulf %get3A_827, %get3A_832 : vector<16xf32>
        %add3A_834 = arith.addf %add3A_822, %mul3A_833 : vector<16xf32>
        %xor3A_835 = arith.constant 1 : i32
        %xor3A_836 = vector.broadcast %xor3A_835 : i32 to vector<16xi32>
        %xor3A_837 = arith.xori %iota3A, %xor3A_836 : vector<16xi32>
        %broadcast_in_dim3A_838 = vector.shape_cast %xor3A_837 : vector<16xi32> to vector<16x1xi32>
        %gather3A_839 = vector.shape_cast %broadcast_in_dim3A_838 : vector<16x1xi32> to vector<16xi32>
        %gather3A_840 = tpu.dynamic_gather %add3A_834[%gather3A_839] in [0] : vector<16xf32>, vector<16xi32> -> vector<16xf32>
        %add3A_841 = arith.addf %add3A_834, %gather3A_840 : vector<16xf32>
        %xor3A_842 = arith.constant 2 : i32
        %xor3A_843 = vector.broadcast %xor3A_842 : i32 to vector<16xi32>
        %xor3A_844 = arith.xori %iota3A, %xor3A_843 : vector<16xi32>
        %broadcast_in_dim3A_845 = vector.shape_cast %xor3A_844 : vector<16xi32> to vector<16x1xi32>
        %gather3A_846 = vector.shape_cast %broadcast_in_dim3A_845 : vector<16x1xi32> to vector<16xi32>
        %gather3A_847 = tpu.dynamic_gather %add3A_841[%gather3A_846] in [0] : vector<16xf32>, vector<16xi32> -> vector<16xf32>
        %add3A_848 = arith.addf %add3A_841, %gather3A_847 : vector<16xf32>
        %xor3A_849 = arith.constant 4 : i32
        %xor3A_850 = vector.broadcast %xor3A_849 : i32 to vector<16xi32>
        %xor3A_851 = arith.xori %iota3A, %xor3A_850 : vector<16xi32>
        %broadcast_in_dim3A_852 = vector.shape_cast %xor3A_851 : vector<16xi32> to vector<16x1xi32>
        %gather3A_853 = vector.shape_cast %broadcast_in_dim3A_852 : vector<16x1xi32> to vector<16xi32>
        %gather3A_854 = tpu.dynamic_gather %add3A_848[%gather3A_853] in [0] : vector<16xf32>, vector<16xi32> -> vector<16xf32>
        %add3A_855 = arith.addf %add3A_848, %gather3A_854 : vector<16xf32>
        %xor3A_856 = arith.constant 8 : i32
        %xor3A_857 = vector.broadcast %xor3A_856 : i32 to vector<16xi32>
        %xor3A_858 = arith.xori %iota3A, %xor3A_857 : vector<16xi32>
        %broadcast_in_dim3A_859 = vector.shape_cast %xor3A_858 : vector<16xi32> to vector<16x1xi32>
        %gather3A_860 = vector.shape_cast %broadcast_in_dim3A_859 : vector<16x1xi32> to vector<16xi32>
        %gather3A_861 = tpu.dynamic_gather %add3A_855[%gather3A_860] in [0] : vector<16xf32>, vector<16xi32> -> vector<16xf32>
        %add3A_862 = arith.addf %add3A_855, %gather3A_861 : vector<16xf32>
        %eq3A_863 = arith.constant 7 : i32
        %eq3A_864 = vector.broadcast %eq3A_863 : i32 to vector<16xi32>
        %eq3A_865 = arith.cmpi eq, %iota3A, %eq3A_864 : vector<16xi32>
        %select_n3A_866 = arith.select %eq3A_865, %add3A_862, %broadcast_in_dim3A_1 : vector<16xi1>, vector<16xf32>
        %add3A_867 = arith.addf %add3A_783, %select_n3A_866 : vector<16xf32>
        %mul3A_868 = arith.constant 16 : i32
        %mul3A_869 = arith.muli %scan3A_199, %mul3A_868 : i32
        %add3A_870 = arith.constant 8 : i32
        %add3A_871 = arith.addi %mul3A_869, %add3A_870 : i32
        %get3A_872 = arith.index_cast %rem3A_168 : i32 to index
        %get3A_873 = arith.index_cast %add3A_871 : i32 to index
        %get3A_874 = arith.constant 0 : index
        %get3A_875 = tpu.vector_load %arg11[%get3A_872, %get3A_873, %get3A_874] {strides = array<i32>} : memref<2x128x128xf32, #tpu.memory_space<vmem>>, vector<1x1x16xf32>,
        %get3A_876 = vector.shape_cast %get3A_875 : vector<1x1x16xf32> to vector<16xf32>
        %get3A_877 = arith.index_cast %rem3A_168 : i32 to index
        %get3A_878 = arith.index_cast %add3A_871 : i32 to index
        %get3A_879 = arith.constant 0 : index
        %get3A_880 = tpu.vector_load %arg13[%get3A_877, %get3A_878, %get3A_879] {strides = array<i32>} : memref<2x128x64xf32, #tpu.memory_space<vmem>>, vector<1x1x16xf32>,
        %get3A_881 = vector.shape_cast %get3A_880 : vector<1x1x16xf32> to vector<16xf32>
        %mul3A_882 = arith.mulf %get3A_876, %get3A_881 : vector<16xf32>
        %get3A_883 = arith.index_cast %rem3A_168 : i32 to index
        %get3A_884 = arith.index_cast %add3A_871 : i32 to index
        %get3A_885 = arith.constant 16 : index
        %get3A_886 = tpu.vector_load %arg11[%get3A_883, %get3A_884, %get3A_885] {strides = array<i32>} : memref<2x128x128xf32, #tpu.memory_space<vmem>>, vector<1x1x16xf32>,
        %get3A_887 = vector.shape_cast %get3A_886 : vector<1x1x16xf32> to vector<16xf32>
        %get3A_888 = arith.index_cast %rem3A_168 : i32 to index
        %get3A_889 = arith.index_cast %add3A_871 : i32 to index
        %get3A_890 = arith.constant 16 : index
        %get3A_891 = tpu.vector_load %arg13[%get3A_888, %get3A_889, %get3A_890] {strides = array<i32>} : memref<2x128x64xf32, #tpu.memory_space<vmem>>, vector<1x1x16xf32>,
        %get3A_892 = vector.shape_cast %get3A_891 : vector<1x1x16xf32> to vector<16xf32>
        %mul3A_893 = arith.mulf %get3A_887, %get3A_892 : vector<16xf32>
        %add3A_894 = arith.addf %mul3A_882, %mul3A_893 : vector<16xf32>
        %get3A_895 = arith.index_cast %rem3A_168 : i32 to index
        %get3A_896 = arith.index_cast %add3A_871 : i32 to index
        %get3A_897 = arith.constant 32 : index
        %get3A_898 = tpu.vector_load %arg11[%get3A_895, %get3A_896, %get3A_897] {strides = array<i32>} : memref<2x128x128xf32, #tpu.memory_space<vmem>>, vector<1x1x16xf32>,
        %get3A_899 = vector.shape_cast %get3A_898 : vector<1x1x16xf32> to vector<16xf32>
        %get3A_900 = arith.index_cast %rem3A_168 : i32 to index
        %get3A_901 = arith.index_cast %add3A_871 : i32 to index
        %get3A_902 = arith.constant 32 : index
        %get3A_903 = tpu.vector_load %arg13[%get3A_900, %get3A_901, %get3A_902] {strides = array<i32>} : memref<2x128x64xf32, #tpu.memory_space<vmem>>, vector<1x1x16xf32>,
        %get3A_904 = vector.shape_cast %get3A_903 : vector<1x1x16xf32> to vector<16xf32>
        %mul3A_905 = arith.mulf %get3A_899, %get3A_904 : vector<16xf32>
        %add3A_906 = arith.addf %add3A_894, %mul3A_905 : vector<16xf32>
        %get3A_907 = arith.index_cast %rem3A_168 : i32 to index
        %get3A_908 = arith.index_cast %add3A_871 : i32 to index
        %get3A_909 = arith.constant 48 : index
        %get3A_910 = tpu.vector_load %arg11[%get3A_907, %get3A_908, %get3A_909] {strides = array<i32>} : memref<2x128x128xf32, #tpu.memory_space<vmem>>, vector<1x1x16xf32>,
        %get3A_911 = vector.shape_cast %get3A_910 : vector<1x1x16xf32> to vector<16xf32>
        %get3A_912 = arith.index_cast %rem3A_168 : i32 to index
        %get3A_913 = arith.index_cast %add3A_871 : i32 to index
        %get3A_914 = arith.constant 48 : index
        %get3A_915 = tpu.vector_load %arg13[%get3A_912, %get3A_913, %get3A_914] {strides = array<i32>} : memref<2x128x64xf32, #tpu.memory_space<vmem>>, vector<1x1x16xf32>,
        %get3A_916 = vector.shape_cast %get3A_915 : vector<1x1x16xf32> to vector<16xf32>
        %mul3A_917 = arith.mulf %get3A_911, %get3A_916 : vector<16xf32>
        %add3A_918 = arith.addf %add3A_906, %mul3A_917 : vector<16xf32>
        %xor3A_919 = arith.constant 1 : i32
        %xor3A_920 = vector.broadcast %xor3A_919 : i32 to vector<16xi32>
        %xor3A_921 = arith.xori %iota3A, %xor3A_920 : vector<16xi32>
        %broadcast_in_dim3A_922 = vector.shape_cast %xor3A_921 : vector<16xi32> to vector<16x1xi32>
        %gather3A_923 = vector.shape_cast %broadcast_in_dim3A_922 : vector<16x1xi32> to vector<16xi32>
        %gather3A_924 = tpu.dynamic_gather %add3A_918[%gather3A_923] in [0] : vector<16xf32>, vector<16xi32> -> vector<16xf32>
        %add3A_925 = arith.addf %add3A_918, %gather3A_924 : vector<16xf32>
        %xor3A_926 = arith.constant 2 : i32
        %xor3A_927 = vector.broadcast %xor3A_926 : i32 to vector<16xi32>
        %xor3A_928 = arith.xori %iota3A, %xor3A_927 : vector<16xi32>
        %broadcast_in_dim3A_929 = vector.shape_cast %xor3A_928 : vector<16xi32> to vector<16x1xi32>
        %gather3A_930 = vector.shape_cast %broadcast_in_dim3A_929 : vector<16x1xi32> to vector<16xi32>
        %gather3A_931 = tpu.dynamic_gather %add3A_925[%gather3A_930] in [0] : vector<16xf32>, vector<16xi32> -> vector<16xf32>
        %add3A_932 = arith.addf %add3A_925, %gather3A_931 : vector<16xf32>
        %xor3A_933 = arith.constant 4 : i32
        %xor3A_934 = vector.broadcast %xor3A_933 : i32 to vector<16xi32>
        %xor3A_935 = arith.xori %iota3A, %xor3A_934 : vector<16xi32>
        %broadcast_in_dim3A_936 = vector.shape_cast %xor3A_935 : vector<16xi32> to vector<16x1xi32>
        %gather3A_937 = vector.shape_cast %broadcast_in_dim3A_936 : vector<16x1xi32> to vector<16xi32>
        %gather3A_938 = tpu.dynamic_gather %add3A_932[%gather3A_937] in [0] : vector<16xf32>, vector<16xi32> -> vector<16xf32>
        %add3A_939 = arith.addf %add3A_932, %gather3A_938 : vector<16xf32>
        %xor3A_940 = arith.constant 8 : i32
        %xor3A_941 = vector.broadcast %xor3A_940 : i32 to vector<16xi32>
        %xor3A_942 = arith.xori %iota3A, %xor3A_941 : vector<16xi32>
        %broadcast_in_dim3A_943 = vector.shape_cast %xor3A_942 : vector<16xi32> to vector<16x1xi32>
        %gather3A_944 = vector.shape_cast %broadcast_in_dim3A_943 : vector<16x1xi32> to vector<16xi32>
        %gather3A_945 = tpu.dynamic_gather %add3A_939[%gather3A_944] in [0] : vector<16xf32>, vector<16xi32> -> vector<16xf32>
        %add3A_946 = arith.addf %add3A_939, %gather3A_945 : vector<16xf32>
        %eq3A_947 = arith.constant 8 : i32
        %eq3A_948 = vector.broadcast %eq3A_947 : i32 to vector<16xi32>
        %eq3A_949 = arith.cmpi eq, %iota3A, %eq3A_948 : vector<16xi32>
        %select_n3A_950 = arith.select %eq3A_949, %add3A_946, %broadcast_in_dim3A_1 : vector<16xi1>, vector<16xf32>
        %add3A_951 = arith.addf %add3A_867, %select_n3A_950 : vector<16xf32>
        %mul3A_952 = arith.constant 16 : i32
        %mul3A_953 = arith.muli %scan3A_199, %mul3A_952 : i32
        %add3A_954 = arith.constant 9 : i32
        %add3A_955 = arith.addi %mul3A_953, %add3A_954 : i32
        %get3A_956 = arith.index_cast %rem3A_168 : i32 to index
        %get3A_957 = arith.index_cast %add3A_955 : i32 to index
        %get3A_958 = arith.constant 0 : index
        %get3A_959 = tpu.vector_load %arg11[%get3A_956, %get3A_957, %get3A_958] {strides = array<i32>} : memref<2x128x128xf32, #tpu.memory_space<vmem>>, vector<1x1x16xf32>,
        %get3A_960 = vector.shape_cast %get3A_959 : vector<1x1x16xf32> to vector<16xf32>
        %get3A_961 = arith.index_cast %rem3A_168 : i32 to index
        %get3A_962 = arith.index_cast %add3A_955 : i32 to index
        %get3A_963 = arith.constant 0 : index
        %get3A_964 = tpu.vector_load %arg13[%get3A_961, %get3A_962, %get3A_963] {strides = array<i32>} : memref<2x128x64xf32, #tpu.memory_space<vmem>>, vector<1x1x16xf32>,
        %get3A_965 = vector.shape_cast %get3A_964 : vector<1x1x16xf32> to vector<16xf32>
        %mul3A_966 = arith.mulf %get3A_960, %get3A_965 : vector<16xf32>
        %get3A_967 = arith.index_cast %rem3A_168 : i32 to index
        %get3A_968 = arith.index_cast %add3A_955 : i32 to index
        %get3A_969 = arith.constant 16 : index
        %get3A_970 = tpu.vector_load %arg11[%get3A_967, %get3A_968, %get3A_969] {strides = array<i32>} : memref<2x128x128xf32, #tpu.memory_space<vmem>>, vector<1x1x16xf32>,
        %get3A_971 = vector.shape_cast %get3A_970 : vector<1x1x16xf32> to vector<16xf32>
        %get3A_972 = arith.index_cast %rem3A_168 : i32 to index
        %get3A_973 = arith.index_cast %add3A_955 : i32 to index
        %get3A_974 = arith.constant 16 : index
        %get3A_975 = tpu.vector_load %arg13[%get3A_972, %get3A_973, %get3A_974] {strides = array<i32>} : memref<2x128x64xf32, #tpu.memory_space<vmem>>, vector<1x1x16xf32>,
        %get3A_976 = vector.shape_cast %get3A_975 : vector<1x1x16xf32> to vector<16xf32>
        %mul3A_977 = arith.mulf %get3A_971, %get3A_976 : vector<16xf32>
        %add3A_978 = arith.addf %mul3A_966, %mul3A_977 : vector<16xf32>
        %get3A_979 = arith.index_cast %rem3A_168 : i32 to index
        %get3A_980 = arith.index_cast %add3A_955 : i32 to index
        %get3A_981 = arith.constant 32 : index
        %get3A_982 = tpu.vector_load %arg11[%get3A_979, %get3A_980, %get3A_981] {strides = array<i32>} : memref<2x128x128xf32, #tpu.memory_space<vmem>>, vector<1x1x16xf32>,
        %get3A_983 = vector.shape_cast %get3A_982 : vector<1x1x16xf32> to vector<16xf32>
        %get3A_984 = arith.index_cast %rem3A_168 : i32 to index
        %get3A_985 = arith.index_cast %add3A_955 : i32 to index
        %get3A_986 = arith.constant 32 : index
        %get3A_987 = tpu.vector_load %arg13[%get3A_984, %get3A_985, %get3A_986] {strides = array<i32>} : memref<2x128x64xf32, #tpu.memory_space<vmem>>, vector<1x1x16xf32>,
        %get3A_988 = vector.shape_cast %get3A_987 : vector<1x1x16xf32> to vector<16xf32>
        %mul3A_989 = arith.mulf %get3A_983, %get3A_988 : vector<16xf32>
        %add3A_990 = arith.addf %add3A_978, %mul3A_989 : vector<16xf32>
        %get3A_991 = arith.index_cast %rem3A_168 : i32 to index
        %get3A_992 = arith.index_cast %add3A_955 : i32 to index
        %get3A_993 = arith.constant 48 : index
        %get3A_994 = tpu.vector_load %arg11[%get3A_991, %get3A_992, %get3A_993] {strides = array<i32>} : memref<2x128x128xf32, #tpu.memory_space<vmem>>, vector<1x1x16xf32>,
        %get3A_995 = vector.shape_cast %get3A_994 : vector<1x1x16xf32> to vector<16xf32>
        %get3A_996 = arith.index_cast %rem3A_168 : i32 to index
        %get3A_997 = arith.index_cast %add3A_955 : i32 to index
        %get3A_998 = arith.constant 48 : index
        %get3A_999 = tpu.vector_load %arg13[%get3A_996, %get3A_997, %get3A_998] {strides = array<i32>} : memref<2x128x64xf32, #tpu.memory_space<vmem>>, vector<1x1x16xf32>,
        %get3A_1000 = vector.shape_cast %get3A_999 : vector<1x1x16xf32> to vector<16xf32>
        %mul3A_1001 = arith.mulf %get3A_995, %get3A_1000 : vector<16xf32>
        %add3A_1002 = arith.addf %add3A_990, %mul3A_1001 : vector<16xf32>
        %xor3A_1003 = arith.constant 1 : i32
        %xor3A_1004 = vector.broadcast %xor3A_1003 : i32 to vector<16xi32>
        %xor3A_1005 = arith.xori %iota3A, %xor3A_1004 : vector<16xi32>
        %broadcast_in_dim3A_1006 = vector.shape_cast %xor3A_1005 : vector<16xi32> to vector<16x1xi32>
        %gather3A_1007 = vector.shape_cast %broadcast_in_dim3A_1006 : vector<16x1xi32> to vector<16xi32>
        %gather3A_1008 = tpu.dynamic_gather %add3A_1002[%gather3A_1007] in [0] : vector<16xf32>, vector<16xi32> -> vector<16xf32>
        %add3A_1009 = arith.addf %add3A_1002, %gather3A_1008 : vector<16xf32>
        %xor3A_1010 = arith.constant 2 : i32
        %xor3A_1011 = vector.broadcast %xor3A_1010 : i32 to vector<16xi32>
        %xor3A_1012 = arith.xori %iota3A, %xor3A_1011 : vector<16xi32>
        %broadcast_in_dim3A_1013 = vector.shape_cast %xor3A_1012 : vector<16xi32> to vector<16x1xi32>
        %gather3A_1014 = vector.shape_cast %broadcast_in_dim3A_1013 : vector<16x1xi32> to vector<16xi32>
        %gather3A_1015 = tpu.dynamic_gather %add3A_1009[%gather3A_1014] in [0] : vector<16xf32>, vector<16xi32> -> vector<16xf32>
        %add3A_1016 = arith.addf %add3A_1009, %gather3A_1015 : vector<16xf32>
        %xor3A_1017 = arith.constant 4 : i32
        %xor3A_1018 = vector.broadcast %xor3A_1017 : i32 to vector<16xi32>
        %xor3A_1019 = arith.xori %iota3A, %xor3A_1018 : vector<16xi32>
        %broadcast_in_dim3A_1020 = vector.shape_cast %xor3A_1019 : vector<16xi32> to vector<16x1xi32>
        %gather3A_1021 = vector.shape_cast %broadcast_in_dim3A_1020 : vector<16x1xi32> to vector<16xi32>
        %gather3A_1022 = tpu.dynamic_gather %add3A_1016[%gather3A_1021] in [0] : vector<16xf32>, vector<16xi32> -> vector<16xf32>
        %add3A_1023 = arith.addf %add3A_1016, %gather3A_1022 : vector<16xf32>
        %xor3A_1024 = arith.constant 8 : i32
        %xor3A_1025 = vector.broadcast %xor3A_1024 : i32 to vector<16xi32>
        %xor3A_1026 = arith.xori %iota3A, %xor3A_1025 : vector<16xi32>
        %broadcast_in_dim3A_1027 = vector.shape_cast %xor3A_1026 : vector<16xi32> to vector<16x1xi32>
        %gather3A_1028 = vector.shape_cast %broadcast_in_dim3A_1027 : vector<16x1xi32> to vector<16xi32>
        %gather3A_1029 = tpu.dynamic_gather %add3A_1023[%gather3A_1028] in [0] : vector<16xf32>, vector<16xi32> -> vector<16xf32>
        %add3A_1030 = arith.addf %add3A_1023, %gather3A_1029 : vector<16xf32>
        %eq3A_1031 = arith.constant 9 : i32
        %eq3A_1032 = vector.broadcast %eq3A_1031 : i32 to vector<16xi32>
        %eq3A_1033 = arith.cmpi eq, %iota3A, %eq3A_1032 : vector<16xi32>
        %select_n3A_1034 = arith.select %eq3A_1033, %add3A_1030, %broadcast_in_dim3A_1 : vector<16xi1>, vector<16xf32>
        %add3A_1035 = arith.addf %add3A_951, %select_n3A_1034 : vector<16xf32>
        %mul3A_1036 = arith.constant 16 : i32
        %mul3A_1037 = arith.muli %scan3A_199, %mul3A_1036 : i32
        %add3A_1038 = arith.constant 10 : i32
        %add3A_1039 = arith.addi %mul3A_1037, %add3A_1038 : i32
        %get3A_1040 = arith.index_cast %rem3A_168 : i32 to index
        %get3A_1041 = arith.index_cast %add3A_1039 : i32 to index
        %get3A_1042 = arith.constant 0 : index
        %get3A_1043 = tpu.vector_load %arg11[%get3A_1040, %get3A_1041, %get3A_1042] {strides = array<i32>} : memref<2x128x128xf32, #tpu.memory_space<vmem>>, vector<1x1x16xf32>,
        %get3A_1044 = vector.shape_cast %get3A_1043 : vector<1x1x16xf32> to vector<16xf32>
        %get3A_1045 = arith.index_cast %rem3A_168 : i32 to index
        %get3A_1046 = arith.index_cast %add3A_1039 : i32 to index
        %get3A_1047 = arith.constant 0 : index
        %get3A_1048 = tpu.vector_load %arg13[%get3A_1045, %get3A_1046, %get3A_1047] {strides = array<i32>} : memref<2x128x64xf32, #tpu.memory_space<vmem>>, vector<1x1x16xf32>,
        %get3A_1049 = vector.shape_cast %get3A_1048 : vector<1x1x16xf32> to vector<16xf32>
        %mul3A_1050 = arith.mulf %get3A_1044, %get3A_1049 : vector<16xf32>
        %get3A_1051 = arith.index_cast %rem3A_168 : i32 to index
        %get3A_1052 = arith.index_cast %add3A_1039 : i32 to index
        %get3A_1053 = arith.constant 16 : index
        %get3A_1054 = tpu.vector_load %arg11[%get3A_1051, %get3A_1052, %get3A_1053] {strides = array<i32>} : memref<2x128x128xf32, #tpu.memory_space<vmem>>, vector<1x1x16xf32>,
        %get3A_1055 = vector.shape_cast %get3A_1054 : vector<1x1x16xf32> to vector<16xf32>
        %get3A_1056 = arith.index_cast %rem3A_168 : i32 to index
        %get3A_1057 = arith.index_cast %add3A_1039 : i32 to index
        %get3A_1058 = arith.constant 16 : index
        %get3A_1059 = tpu.vector_load %arg13[%get3A_1056, %get3A_1057, %get3A_1058] {strides = array<i32>} : memref<2x128x64xf32, #tpu.memory_space<vmem>>, vector<1x1x16xf32>,
        %get3A_1060 = vector.shape_cast %get3A_1059 : vector<1x1x16xf32> to vector<16xf32>
        %mul3A_1061 = arith.mulf %get3A_1055, %get3A_1060 : vector<16xf32>
        %add3A_1062 = arith.addf %mul3A_1050, %mul3A_1061 : vector<16xf32>
        %get3A_1063 = arith.index_cast %rem3A_168 : i32 to index
        %get3A_1064 = arith.index_cast %add3A_1039 : i32 to index
        %get3A_1065 = arith.constant 32 : index
        %get3A_1066 = tpu.vector_load %arg11[%get3A_1063, %get3A_1064, %get3A_1065] {strides = array<i32>} : memref<2x128x128xf32, #tpu.memory_space<vmem>>, vector<1x1x16xf32>,
        %get3A_1067 = vector.shape_cast %get3A_1066 : vector<1x1x16xf32> to vector<16xf32>
        %get3A_1068 = arith.index_cast %rem3A_168 : i32 to index
        %get3A_1069 = arith.index_cast %add3A_1039 : i32 to index
        %get3A_1070 = arith.constant 32 : index
        %get3A_1071 = tpu.vector_load %arg13[%get3A_1068, %get3A_1069, %get3A_1070] {strides = array<i32>} : memref<2x128x64xf32, #tpu.memory_space<vmem>>, vector<1x1x16xf32>,
        %get3A_1072 = vector.shape_cast %get3A_1071 : vector<1x1x16xf32> to vector<16xf32>
        %mul3A_1073 = arith.mulf %get3A_1067, %get3A_1072 : vector<16xf32>
        %add3A_1074 = arith.addf %add3A_1062, %mul3A_1073 : vector<16xf32>
        %get3A_1075 = arith.index_cast %rem3A_168 : i32 to index
        %get3A_1076 = arith.index_cast %add3A_1039 : i32 to index
        %get3A_1077 = arith.constant 48 : index
        %get3A_1078 = tpu.vector_load %arg11[%get3A_1075, %get3A_1076, %get3A_1077] {strides = array<i32>} : memref<2x128x128xf32, #tpu.memory_space<vmem>>, vector<1x1x16xf32>,
        %get3A_1079 = vector.shape_cast %get3A_1078 : vector<1x1x16xf32> to vector<16xf32>
        %get3A_1080 = arith.index_cast %rem3A_168 : i32 to index
        %get3A_1081 = arith.index_cast %add3A_1039 : i32 to index
        %get3A_1082 = arith.constant 48 : index
        %get3A_1083 = tpu.vector_load %arg13[%get3A_1080, %get3A_1081, %get3A_1082] {strides = array<i32>} : memref<2x128x64xf32, #tpu.memory_space<vmem>>, vector<1x1x16xf32>,
        %get3A_1084 = vector.shape_cast %get3A_1083 : vector<1x1x16xf32> to vector<16xf32>
        %mul3A_1085 = arith.mulf %get3A_1079, %get3A_1084 : vector<16xf32>
        %add3A_1086 = arith.addf %add3A_1074, %mul3A_1085 : vector<16xf32>
        %xor3A_1087 = arith.constant 1 : i32
        %xor3A_1088 = vector.broadcast %xor3A_1087 : i32 to vector<16xi32>
        %xor3A_1089 = arith.xori %iota3A, %xor3A_1088 : vector<16xi32>
        %broadcast_in_dim3A_1090 = vector.shape_cast %xor3A_1089 : vector<16xi32> to vector<16x1xi32>
        %gather3A_1091 = vector.shape_cast %broadcast_in_dim3A_1090 : vector<16x1xi32> to vector<16xi32>
        %gather3A_1092 = tpu.dynamic_gather %add3A_1086[%gather3A_1091] in [0] : vector<16xf32>, vector<16xi32> -> vector<16xf32>
        %add3A_1093 = arith.addf %add3A_1086, %gather3A_1092 : vector<16xf32>
        %xor3A_1094 = arith.constant 2 : i32
        %xor3A_1095 = vector.broadcast %xor3A_1094 : i32 to vector<16xi32>
        %xor3A_1096 = arith.xori %iota3A, %xor3A_1095 : vector<16xi32>
        %broadcast_in_dim3A_1097 = vector.shape_cast %xor3A_1096 : vector<16xi32> to vector<16x1xi32>
        %gather3A_1098 = vector.shape_cast %broadcast_in_dim3A_1097 : vector<16x1xi32> to vector<16xi32>
        %gather3A_1099 = tpu.dynamic_gather %add3A_1093[%gather3A_1098] in [0] : vector<16xf32>, vector<16xi32> -> vector<16xf32>
        %add3A_1100 = arith.addf %add3A_1093, %gather3A_1099 : vector<16xf32>
        %xor3A_1101 = arith.constant 4 : i32
        %xor3A_1102 = vector.broadcast %xor3A_1101 : i32 to vector<16xi32>
        %xor3A_1103 = arith.xori %iota3A, %xor3A_1102 : vector<16xi32>
        %broadcast_in_dim3A_1104 = vector.shape_cast %xor3A_1103 : vector<16xi32> to vector<16x1xi32>
        %gather3A_1105 = vector.shape_cast %broadcast_in_dim3A_1104 : vector<16x1xi32> to vector<16xi32>
        %gather3A_1106 = tpu.dynamic_gather %add3A_1100[%gather3A_1105] in [0] : vector<16xf32>, vector<16xi32> -> vector<16xf32>
        %add3A_1107 = arith.addf %add3A_1100, %gather3A_1106 : vector<16xf32>
        %xor3A_1108 = arith.constant 8 : i32
        %xor3A_1109 = vector.broadcast %xor3A_1108 : i32 to vector<16xi32>
        %xor3A_1110 = arith.xori %iota3A, %xor3A_1109 : vector<16xi32>
        %broadcast_in_dim3A_1111 = vector.shape_cast %xor3A_1110 : vector<16xi32> to vector<16x1xi32>
        %gather3A_1112 = vector.shape_cast %broadcast_in_dim3A_1111 : vector<16x1xi32> to vector<16xi32>
        %gather3A_1113 = tpu.dynamic_gather %add3A_1107[%gather3A_1112] in [0] : vector<16xf32>, vector<16xi32> -> vector<16xf32>
        %add3A_1114 = arith.addf %add3A_1107, %gather3A_1113 : vector<16xf32>
        %eq3A_1115 = arith.constant 10 : i32
        %eq3A_1116 = vector.broadcast %eq3A_1115 : i32 to vector<16xi32>
        %eq3A_1117 = arith.cmpi eq, %iota3A, %eq3A_1116 : vector<16xi32>
        %select_n3A_1118 = arith.select %eq3A_1117, %add3A_1114, %broadcast_in_dim3A_1 : vector<16xi1>, vector<16xf32>
        %add3A_1119 = arith.addf %add3A_1035, %select_n3A_1118 : vector<16xf32>
        %mul3A_1120 = arith.constant 16 : i32
        %mul3A_1121 = arith.muli %scan3A_199, %mul3A_1120 : i32
        %add3A_1122 = arith.constant 11 : i32
        %add3A_1123 = arith.addi %mul3A_1121, %add3A_1122 : i32
        %get3A_1124 = arith.index_cast %rem3A_168 : i32 to index
        %get3A_1125 = arith.index_cast %add3A_1123 : i32 to index
        %get3A_1126 = arith.constant 0 : index
        %get3A_1127 = tpu.vector_load %arg11[%get3A_1124, %get3A_1125, %get3A_1126] {strides = array<i32>} : memref<2x128x128xf32, #tpu.memory_space<vmem>>, vector<1x1x16xf32>,
        %get3A_1128 = vector.shape_cast %get3A_1127 : vector<1x1x16xf32> to vector<16xf32>
        %get3A_1129 = arith.index_cast %rem3A_168 : i32 to index
        %get3A_1130 = arith.index_cast %add3A_1123 : i32 to index
        %get3A_1131 = arith.constant 0 : index
        %get3A_1132 = tpu.vector_load %arg13[%get3A_1129, %get3A_1130, %get3A_1131] {strides = array<i32>} : memref<2x128x64xf32, #tpu.memory_space<vmem>>, vector<1x1x16xf32>,
        %get3A_1133 = vector.shape_cast %get3A_1132 : vector<1x1x16xf32> to vector<16xf32>
        %mul3A_1134 = arith.mulf %get3A_1128, %get3A_1133 : vector<16xf32>
        %get3A_1135 = arith.index_cast %rem3A_168 : i32 to index
        %get3A_1136 = arith.index_cast %add3A_1123 : i32 to index
        %get3A_1137 = arith.constant 16 : index
        %get3A_1138 = tpu.vector_load %arg11[%get3A_1135, %get3A_1136, %get3A_1137] {strides = array<i32>} : memref<2x128x128xf32, #tpu.memory_space<vmem>>, vector<1x1x16xf32>,
        %get3A_1139 = vector.shape_cast %get3A_1138 : vector<1x1x16xf32> to vector<16xf32>
        %get3A_1140 = arith.index_cast %rem3A_168 : i32 to index
        %get3A_1141 = arith.index_cast %add3A_1123 : i32 to index
        %get3A_1142 = arith.constant 16 : index
        %get3A_1143 = tpu.vector_load %arg13[%get3A_1140, %get3A_1141, %get3A_1142] {strides = array<i32>} : memref<2x128x64xf32, #tpu.memory_space<vmem>>, vector<1x1x16xf32>,
        %get3A_1144 = vector.shape_cast %get3A_1143 : vector<1x1x16xf32> to vector<16xf32>
        %mul3A_1145 = arith.mulf %get3A_1139, %get3A_1144 : vector<16xf32>
        %add3A_1146 = arith.addf %mul3A_1134, %mul3A_1145 : vector<16xf32>
        %get3A_1147 = arith.index_cast %rem3A_168 : i32 to index
        %get3A_1148 = arith.index_cast %add3A_1123 : i32 to index
        %get3A_1149 = arith.constant 32 : index
        %get3A_1150 = tpu.vector_load %arg11[%get3A_1147, %get3A_1148, %get3A_1149] {strides = array<i32>} : memref<2x128x128xf32, #tpu.memory_space<vmem>>, vector<1x1x16xf32>,
        %get3A_1151 = vector.shape_cast %get3A_1150 : vector<1x1x16xf32> to vector<16xf32>
        %get3A_1152 = arith.index_cast %rem3A_168 : i32 to index
        %get3A_1153 = arith.index_cast %add3A_1123 : i32 to index
        %get3A_1154 = arith.constant 32 : index
        %get3A_1155 = tpu.vector_load %arg13[%get3A_1152, %get3A_1153, %get3A_1154] {strides = array<i32>} : memref<2x128x64xf32, #tpu.memory_space<vmem>>, vector<1x1x16xf32>,
        %get3A_1156 = vector.shape_cast %get3A_1155 : vector<1x1x16xf32> to vector<16xf32>
        %mul3A_1157 = arith.mulf %get3A_1151, %get3A_1156 : vector<16xf32>
        %add3A_1158 = arith.addf %add3A_1146, %mul3A_1157 : vector<16xf32>
        %get3A_1159 = arith.index_cast %rem3A_168 : i32 to index
        %get3A_1160 = arith.index_cast %add3A_1123 : i32 to index
        %get3A_1161 = arith.constant 48 : index
        %get3A_1162 = tpu.vector_load %arg11[%get3A_1159, %get3A_1160, %get3A_1161] {strides = array<i32>} : memref<2x128x128xf32, #tpu.memory_space<vmem>>, vector<1x1x16xf32>,
        %get3A_1163 = vector.shape_cast %get3A_1162 : vector<1x1x16xf32> to vector<16xf32>
        %get3A_1164 = arith.index_cast %rem3A_168 : i32 to index
        %get3A_1165 = arith.index_cast %add3A_1123 : i32 to index
        %get3A_1166 = arith.constant 48 : index
        %get3A_1167 = tpu.vector_load %arg13[%get3A_1164, %get3A_1165, %get3A_1166] {strides = array<i32>} : memref<2x128x64xf32, #tpu.memory_space<vmem>>, vector<1x1x16xf32>,
        %get3A_1168 = vector.shape_cast %get3A_1167 : vector<1x1x16xf32> to vector<16xf32>
        %mul3A_1169 = arith.mulf %get3A_1163, %get3A_1168 : vector<16xf32>
        %add3A_1170 = arith.addf %add3A_1158, %mul3A_1169 : vector<16xf32>
        %xor3A_1171 = arith.constant 1 : i32
        %xor3A_1172 = vector.broadcast %xor3A_1171 : i32 to vector<16xi32>
        %xor3A_1173 = arith.xori %iota3A, %xor3A_1172 : vector<16xi32>
        %broadcast_in_dim3A_1174 = vector.shape_cast %xor3A_1173 : vector<16xi32> to vector<16x1xi32>
        %gather3A_1175 = vector.shape_cast %broadcast_in_dim3A_1174 : vector<16x1xi32> to vector<16xi32>
        %gather3A_1176 = tpu.dynamic_gather %add3A_1170[%gather3A_1175] in [0] : vector<16xf32>, vector<16xi32> -> vector<16xf32>
        %add3A_1177 = arith.addf %add3A_1170, %gather3A_1176 : vector<16xf32>
        %xor3A_1178 = arith.constant 2 : i32
        %xor3A_1179 = vector.broadcast %xor3A_1178 : i32 to vector<16xi32>
        %xor3A_1180 = arith.xori %iota3A, %xor3A_1179 : vector<16xi32>
        %broadcast_in_dim3A_1181 = vector.shape_cast %xor3A_1180 : vector<16xi32> to vector<16x1xi32>
        %gather3A_1182 = vector.shape_cast %broadcast_in_dim3A_1181 : vector<16x1xi32> to vector<16xi32>
        %gather3A_1183 = tpu.dynamic_gather %add3A_1177[%gather3A_1182] in [0] : vector<16xf32>, vector<16xi32> -> vector<16xf32>
        %add3A_1184 = arith.addf %add3A_1177, %gather3A_1183 : vector<16xf32>
        %xor3A_1185 = arith.constant 4 : i32
        %xor3A_1186 = vector.broadcast %xor3A_1185 : i32 to vector<16xi32>
        %xor3A_1187 = arith.xori %iota3A, %xor3A_1186 : vector<16xi32>
        %broadcast_in_dim3A_1188 = vector.shape_cast %xor3A_1187 : vector<16xi32> to vector<16x1xi32>
        %gather3A_1189 = vector.shape_cast %broadcast_in_dim3A_1188 : vector<16x1xi32> to vector<16xi32>
        %gather3A_1190 = tpu.dynamic_gather %add3A_1184[%gather3A_1189] in [0] : vector<16xf32>, vector<16xi32> -> vector<16xf32>
        %add3A_1191 = arith.addf %add3A_1184, %gather3A_1190 : vector<16xf32>
        %xor3A_1192 = arith.constant 8 : i32
        %xor3A_1193 = vector.broadcast %xor3A_1192 : i32 to vector<16xi32>
        %xor3A_1194 = arith.xori %iota3A, %xor3A_1193 : vector<16xi32>
        %broadcast_in_dim3A_1195 = vector.shape_cast %xor3A_1194 : vector<16xi32> to vector<16x1xi32>
        %gather3A_1196 = vector.shape_cast %broadcast_in_dim3A_1195 : vector<16x1xi32> to vector<16xi32>
        %gather3A_1197 = tpu.dynamic_gather %add3A_1191[%gather3A_1196] in [0] : vector<16xf32>, vector<16xi32> -> vector<16xf32>
        %add3A_1198 = arith.addf %add3A_1191, %gather3A_1197 : vector<16xf32>
        %eq3A_1199 = arith.constant 11 : i32
        %eq3A_1200 = vector.broadcast %eq3A_1199 : i32 to vector<16xi32>
        %eq3A_1201 = arith.cmpi eq, %iota3A, %eq3A_1200 : vector<16xi32>
        %select_n3A_1202 = arith.select %eq3A_1201, %add3A_1198, %broadcast_in_dim3A_1 : vector<16xi1>, vector<16xf32>
        %add3A_1203 = arith.addf %add3A_1119, %select_n3A_1202 : vector<16xf32>
        %mul3A_1204 = arith.constant 16 : i32
        %mul3A_1205 = arith.muli %scan3A_199, %mul3A_1204 : i32
        %add3A_1206 = arith.constant 12 : i32
        %add3A_1207 = arith.addi %mul3A_1205, %add3A_1206 : i32
        %get3A_1208 = arith.index_cast %rem3A_168 : i32 to index
        %get3A_1209 = arith.index_cast %add3A_1207 : i32 to index
        %get3A_1210 = arith.constant 0 : index
        %get3A_1211 = tpu.vector_load %arg11[%get3A_1208, %get3A_1209, %get3A_1210] {strides = array<i32>} : memref<2x128x128xf32, #tpu.memory_space<vmem>>, vector<1x1x16xf32>,
        %get3A_1212 = vector.shape_cast %get3A_1211 : vector<1x1x16xf32> to vector<16xf32>
        %get3A_1213 = arith.index_cast %rem3A_168 : i32 to index
        %get3A_1214 = arith.index_cast %add3A_1207 : i32 to index
        %get3A_1215 = arith.constant 0 : index
        %get3A_1216 = tpu.vector_load %arg13[%get3A_1213, %get3A_1214, %get3A_1215] {strides = array<i32>} : memref<2x128x64xf32, #tpu.memory_space<vmem>>, vector<1x1x16xf32>,
        %get3A_1217 = vector.shape_cast %get3A_1216 : vector<1x1x16xf32> to vector<16xf32>
        %mul3A_1218 = arith.mulf %get3A_1212, %get3A_1217 : vector<16xf32>
        %get3A_1219 = arith.index_cast %rem3A_168 : i32 to index
        %get3A_1220 = arith.index_cast %add3A_1207 : i32 to index
        %get3A_1221 = arith.constant 16 : index
        %get3A_1222 = tpu.vector_load %arg11[%get3A_1219, %get3A_1220, %get3A_1221] {strides = array<i32>} : memref<2x128x128xf32, #tpu.memory_space<vmem>>, vector<1x1x16xf32>,
        %get3A_1223 = vector.shape_cast %get3A_1222 : vector<1x1x16xf32> to vector<16xf32>
        %get3A_1224 = arith.index_cast %rem3A_168 : i32 to index
        %get3A_1225 = arith.index_cast %add3A_1207 : i32 to index
        %get3A_1226 = arith.constant 16 : index
        %get3A_1227 = tpu.vector_load %arg13[%get3A_1224, %get3A_1225, %get3A_1226] {strides = array<i32>} : memref<2x128x64xf32, #tpu.memory_space<vmem>>, vector<1x1x16xf32>,
        %get3A_1228 = vector.shape_cast %get3A_1227 : vector<1x1x16xf32> to vector<16xf32>
        %mul3A_1229 = arith.mulf %get3A_1223, %get3A_1228 : vector<16xf32>
        %add3A_1230 = arith.addf %mul3A_1218, %mul3A_1229 : vector<16xf32>
        %get3A_1231 = arith.index_cast %rem3A_168 : i32 to index
        %get3A_1232 = arith.index_cast %add3A_1207 : i32 to index
        %get3A_1233 = arith.constant 32 : index
        %get3A_1234 = tpu.vector_load %arg11[%get3A_1231, %get3A_1232, %get3A_1233] {strides = array<i32>} : memref<2x128x128xf32, #tpu.memory_space<vmem>>, vector<1x1x16xf32>,
        %get3A_1235 = vector.shape_cast %get3A_1234 : vector<1x1x16xf32> to vector<16xf32>
        %get3A_1236 = arith.index_cast %rem3A_168 : i32 to index
        %get3A_1237 = arith.index_cast %add3A_1207 : i32 to index
        %get3A_1238 = arith.constant 32 : index
        %get3A_1239 = tpu.vector_load %arg13[%get3A_1236, %get3A_1237, %get3A_1238] {strides = array<i32>} : memref<2x128x64xf32, #tpu.memory_space<vmem>>, vector<1x1x16xf32>,
        %get3A_1240 = vector.shape_cast %get3A_1239 : vector<1x1x16xf32> to vector<16xf32>
        %mul3A_1241 = arith.mulf %get3A_1235, %get3A_1240 : vector<16xf32>
        %add3A_1242 = arith.addf %add3A_1230, %mul3A_1241 : vector<16xf32>
        %get3A_1243 = arith.index_cast %rem3A_168 : i32 to index
        %get3A_1244 = arith.index_cast %add3A_1207 : i32 to index
        %get3A_1245 = arith.constant 48 : index
        %get3A_1246 = tpu.vector_load %arg11[%get3A_1243, %get3A_1244, %get3A_1245] {strides = array<i32>} : memref<2x128x128xf32, #tpu.memory_space<vmem>>, vector<1x1x16xf32>,
        %get3A_1247 = vector.shape_cast %get3A_1246 : vector<1x1x16xf32> to vector<16xf32>
        %get3A_1248 = arith.index_cast %rem3A_168 : i32 to index
        %get3A_1249 = arith.index_cast %add3A_1207 : i32 to index
        %get3A_1250 = arith.constant 48 : index
        %get3A_1251 = tpu.vector_load %arg13[%get3A_1248, %get3A_1249, %get3A_1250] {strides = array<i32>} : memref<2x128x64xf32, #tpu.memory_space<vmem>>, vector<1x1x16xf32>,
        %get3A_1252 = vector.shape_cast %get3A_1251 : vector<1x1x16xf32> to vector<16xf32>
        %mul3A_1253 = arith.mulf %get3A_1247, %get3A_1252 : vector<16xf32>
        %add3A_1254 = arith.addf %add3A_1242, %mul3A_1253 : vector<16xf32>
        %xor3A_1255 = arith.constant 1 : i32
        %xor3A_1256 = vector.broadcast %xor3A_1255 : i32 to vector<16xi32>
        %xor3A_1257 = arith.xori %iota3A, %xor3A_1256 : vector<16xi32>
        %broadcast_in_dim3A_1258 = vector.shape_cast %xor3A_1257 : vector<16xi32> to vector<16x1xi32>
        %gather3A_1259 = vector.shape_cast %broadcast_in_dim3A_1258 : vector<16x1xi32> to vector<16xi32>
        %gather3A_1260 = tpu.dynamic_gather %add3A_1254[%gather3A_1259] in [0] : vector<16xf32>, vector<16xi32> -> vector<16xf32>
        %add3A_1261 = arith.addf %add3A_1254, %gather3A_1260 : vector<16xf32>
        %xor3A_1262 = arith.constant 2 : i32
        %xor3A_1263 = vector.broadcast %xor3A_1262 : i32 to vector<16xi32>
        %xor3A_1264 = arith.xori %iota3A, %xor3A_1263 : vector<16xi32>
        %broadcast_in_dim3A_1265 = vector.shape_cast %xor3A_1264 : vector<16xi32> to vector<16x1xi32>
        %gather3A_1266 = vector.shape_cast %broadcast_in_dim3A_1265 : vector<16x1xi32> to vector<16xi32>
        %gather3A_1267 = tpu.dynamic_gather %add3A_1261[%gather3A_1266] in [0] : vector<16xf32>, vector<16xi32> -> vector<16xf32>
        %add3A_1268 = arith.addf %add3A_1261, %gather3A_1267 : vector<16xf32>
        %xor3A_1269 = arith.constant 4 : i32
        %xor3A_1270 = vector.broadcast %xor3A_1269 : i32 to vector<16xi32>
        %xor3A_1271 = arith.xori %iota3A, %xor3A_1270 : vector<16xi32>
        %broadcast_in_dim3A_1272 = vector.shape_cast %xor3A_1271 : vector<16xi32> to vector<16x1xi32>
        %gather3A_1273 = vector.shape_cast %broadcast_in_dim3A_1272 : vector<16x1xi32> to vector<16xi32>
        %gather3A_1274 = tpu.dynamic_gather %add3A_1268[%gather3A_1273] in [0] : vector<16xf32>, vector<16xi32> -> vector<16xf32>
        %add3A_1275 = arith.addf %add3A_1268, %gather3A_1274 : vector<16xf32>
        %xor3A_1276 = arith.constant 8 : i32
        %xor3A_1277 = vector.broadcast %xor3A_1276 : i32 to vector<16xi32>
        %xor3A_1278 = arith.xori %iota3A, %xor3A_1277 : vector<16xi32>
        %broadcast_in_dim3A_1279 = vector.shape_cast %xor3A_1278 : vector<16xi32> to vector<16x1xi32>
        %gather3A_1280 = vector.shape_cast %broadcast_in_dim3A_1279 : vector<16x1xi32> to vector<16xi32>
        %gather3A_1281 = tpu.dynamic_gather %add3A_1275[%gather3A_1280] in [0] : vector<16xf32>, vector<16xi32> -> vector<16xf32>
        %add3A_1282 = arith.addf %add3A_1275, %gather3A_1281 : vector<16xf32>
        %eq3A_1283 = arith.constant 12 : i32
        %eq3A_1284 = vector.broadcast %eq3A_1283 : i32 to vector<16xi32>
        %eq3A_1285 = arith.cmpi eq, %iota3A, %eq3A_1284 : vector<16xi32>
        %select_n3A_1286 = arith.select %eq3A_1285, %add3A_1282, %broadcast_in_dim3A_1 : vector<16xi1>, vector<16xf32>
        %add3A_1287 = arith.addf %add3A_1203, %select_n3A_1286 : vector<16xf32>
        %mul3A_1288 = arith.constant 16 : i32
        %mul3A_1289 = arith.muli %scan3A_199, %mul3A_1288 : i32
        %add3A_1290 = arith.constant 13 : i32
        %add3A_1291 = arith.addi %mul3A_1289, %add3A_1290 : i32
        %get3A_1292 = arith.index_cast %rem3A_168 : i32 to index
        %get3A_1293 = arith.index_cast %add3A_1291 : i32 to index
        %get3A_1294 = arith.constant 0 : index
        %get3A_1295 = tpu.vector_load %arg11[%get3A_1292, %get3A_1293, %get3A_1294] {strides = array<i32>} : memref<2x128x128xf32, #tpu.memory_space<vmem>>, vector<1x1x16xf32>,
        %get3A_1296 = vector.shape_cast %get3A_1295 : vector<1x1x16xf32> to vector<16xf32>
        %get3A_1297 = arith.index_cast %rem3A_168 : i32 to index
        %get3A_1298 = arith.index_cast %add3A_1291 : i32 to index
        %get3A_1299 = arith.constant 0 : index
        %get3A_1300 = tpu.vector_load %arg13[%get3A_1297, %get3A_1298, %get3A_1299] {strides = array<i32>} : memref<2x128x64xf32, #tpu.memory_space<vmem>>, vector<1x1x16xf32>,
        %get3A_1301 = vector.shape_cast %get3A_1300 : vector<1x1x16xf32> to vector<16xf32>
        %mul3A_1302 = arith.mulf %get3A_1296, %get3A_1301 : vector<16xf32>
        %get3A_1303 = arith.index_cast %rem3A_168 : i32 to index
        %get3A_1304 = arith.index_cast %add3A_1291 : i32 to index
        %get3A_1305 = arith.constant 16 : index
        %get3A_1306 = tpu.vector_load %arg11[%get3A_1303, %get3A_1304, %get3A_1305] {strides = array<i32>} : memref<2x128x128xf32, #tpu.memory_space<vmem>>, vector<1x1x16xf32>,
        %get3A_1307 = vector.shape_cast %get3A_1306 : vector<1x1x16xf32> to vector<16xf32>
        %get3A_1308 = arith.index_cast %rem3A_168 : i32 to index
        %get3A_1309 = arith.index_cast %add3A_1291 : i32 to index
        %get3A_1310 = arith.constant 16 : index
        %get3A_1311 = tpu.vector_load %arg13[%get3A_1308, %get3A_1309, %get3A_1310] {strides = array<i32>} : memref<2x128x64xf32, #tpu.memory_space<vmem>>, vector<1x1x16xf32>,
        %get3A_1312 = vector.shape_cast %get3A_1311 : vector<1x1x16xf32> to vector<16xf32>
        %mul3A_1313 = arith.mulf %get3A_1307, %get3A_1312 : vector<16xf32>
        %add3A_1314 = arith.addf %mul3A_1302, %mul3A_1313 : vector<16xf32>
        %get3A_1315 = arith.index_cast %rem3A_168 : i32 to index
        %get3A_1316 = arith.index_cast %add3A_1291 : i32 to index
        %get3A_1317 = arith.constant 32 : index
        %get3A_1318 = tpu.vector_load %arg11[%get3A_1315, %get3A_1316, %get3A_1317] {strides = array<i32>} : memref<2x128x128xf32, #tpu.memory_space<vmem>>, vector<1x1x16xf32>,
        %get3A_1319 = vector.shape_cast %get3A_1318 : vector<1x1x16xf32> to vector<16xf32>
        %get3A_1320 = arith.index_cast %rem3A_168 : i32 to index
        %get3A_1321 = arith.index_cast %add3A_1291 : i32 to index
        %get3A_1322 = arith.constant 32 : index
        %get3A_1323 = tpu.vector_load %arg13[%get3A_1320, %get3A_1321, %get3A_1322] {strides = array<i32>} : memref<2x128x64xf32, #tpu.memory_space<vmem>>, vector<1x1x16xf32>,
        %get3A_1324 = vector.shape_cast %get3A_1323 : vector<1x1x16xf32> to vector<16xf32>
        %mul3A_1325 = arith.mulf %get3A_1319, %get3A_1324 : vector<16xf32>
        %add3A_1326 = arith.addf %add3A_1314, %mul3A_1325 : vector<16xf32>
        %get3A_1327 = arith.index_cast %rem3A_168 : i32 to index
        %get3A_1328 = arith.index_cast %add3A_1291 : i32 to index
        %get3A_1329 = arith.constant 48 : index
        %get3A_1330 = tpu.vector_load %arg11[%get3A_1327, %get3A_1328, %get3A_1329] {strides = array<i32>} : memref<2x128x128xf32, #tpu.memory_space<vmem>>, vector<1x1x16xf32>,
        %get3A_1331 = vector.shape_cast %get3A_1330 : vector<1x1x16xf32> to vector<16xf32>
        %get3A_1332 = arith.index_cast %rem3A_168 : i32 to index
        %get3A_1333 = arith.index_cast %add3A_1291 : i32 to index
        %get3A_1334 = arith.constant 48 : index
        %get3A_1335 = tpu.vector_load %arg13[%get3A_1332, %get3A_1333, %get3A_1334] {strides = array<i32>} : memref<2x128x64xf32, #tpu.memory_space<vmem>>, vector<1x1x16xf32>,
        %get3A_1336 = vector.shape_cast %get3A_1335 : vector<1x1x16xf32> to vector<16xf32>
        %mul3A_1337 = arith.mulf %get3A_1331, %get3A_1336 : vector<16xf32>
        %add3A_1338 = arith.addf %add3A_1326, %mul3A_1337 : vector<16xf32>
        %xor3A_1339 = arith.constant 1 : i32
        %xor3A_1340 = vector.broadcast %xor3A_1339 : i32 to vector<16xi32>
        %xor3A_1341 = arith.xori %iota3A, %xor3A_1340 : vector<16xi32>
        %broadcast_in_dim3A_1342 = vector.shape_cast %xor3A_1341 : vector<16xi32> to vector<16x1xi32>
        %gather3A_1343 = vector.shape_cast %broadcast_in_dim3A_1342 : vector<16x1xi32> to vector<16xi32>
        %gather3A_1344 = tpu.dynamic_gather %add3A_1338[%gather3A_1343] in [0] : vector<16xf32>, vector<16xi32> -> vector<16xf32>
        %add3A_1345 = arith.addf %add3A_1338, %gather3A_1344 : vector<16xf32>
        %xor3A_1346 = arith.constant 2 : i32
        %xor3A_1347 = vector.broadcast %xor3A_1346 : i32 to vector<16xi32>
        %xor3A_1348 = arith.xori %iota3A, %xor3A_1347 : vector<16xi32>
        %broadcast_in_dim3A_1349 = vector.shape_cast %xor3A_1348 : vector<16xi32> to vector<16x1xi32>
        %gather3A_1350 = vector.shape_cast %broadcast_in_dim3A_1349 : vector<16x1xi32> to vector<16xi32>
        %gather3A_1351 = tpu.dynamic_gather %add3A_1345[%gather3A_1350] in [0] : vector<16xf32>, vector<16xi32> -> vector<16xf32>
        %add3A_1352 = arith.addf %add3A_1345, %gather3A_1351 : vector<16xf32>
        %xor3A_1353 = arith.constant 4 : i32
        %xor3A_1354 = vector.broadcast %xor3A_1353 : i32 to vector<16xi32>
        %xor3A_1355 = arith.xori %iota3A, %xor3A_1354 : vector<16xi32>
        %broadcast_in_dim3A_1356 = vector.shape_cast %xor3A_1355 : vector<16xi32> to vector<16x1xi32>
        %gather3A_1357 = vector.shape_cast %broadcast_in_dim3A_1356 : vector<16x1xi32> to vector<16xi32>
        %gather3A_1358 = tpu.dynamic_gather %add3A_1352[%gather3A_1357] in [0] : vector<16xf32>, vector<16xi32> -> vector<16xf32>
        %add3A_1359 = arith.addf %add3A_1352, %gather3A_1358 : vector<16xf32>
        %xor3A_1360 = arith.constant 8 : i32
        %xor3A_1361 = vector.broadcast %xor3A_1360 : i32 to vector<16xi32>
        %xor3A_1362 = arith.xori %iota3A, %xor3A_1361 : vector<16xi32>
        %broadcast_in_dim3A_1363 = vector.shape_cast %xor3A_1362 : vector<16xi32> to vector<16x1xi32>
        %gather3A_1364 = vector.shape_cast %broadcast_in_dim3A_1363 : vector<16x1xi32> to vector<16xi32>
        %gather3A_1365 = tpu.dynamic_gather %add3A_1359[%gather3A_1364] in [0] : vector<16xf32>, vector<16xi32> -> vector<16xf32>
        %add3A_1366 = arith.addf %add3A_1359, %gather3A_1365 : vector<16xf32>
        %eq3A_1367 = arith.constant 13 : i32
        %eq3A_1368 = vector.broadcast %eq3A_1367 : i32 to vector<16xi32>
        %eq3A_1369 = arith.cmpi eq, %iota3A, %eq3A_1368 : vector<16xi32>
        %select_n3A_1370 = arith.select %eq3A_1369, %add3A_1366, %broadcast_in_dim3A_1 : vector<16xi1>, vector<16xf32>
        %add3A_1371 = arith.addf %add3A_1287, %select_n3A_1370 : vector<16xf32>
        %mul3A_1372 = arith.constant 16 : i32
        %mul3A_1373 = arith.muli %scan3A_199, %mul3A_1372 : i32
        %add3A_1374 = arith.constant 14 : i32
        %add3A_1375 = arith.addi %mul3A_1373, %add3A_1374 : i32
        %get3A_1376 = arith.index_cast %rem3A_168 : i32 to index
        %get3A_1377 = arith.index_cast %add3A_1375 : i32 to index
        %get3A_1378 = arith.constant 0 : index
        %get3A_1379 = tpu.vector_load %arg11[%get3A_1376, %get3A_1377, %get3A_1378] {strides = array<i32>} : memref<2x128x128xf32, #tpu.memory_space<vmem>>, vector<1x1x16xf32>,
        %get3A_1380 = vector.shape_cast %get3A_1379 : vector<1x1x16xf32> to vector<16xf32>
        %get3A_1381 = arith.index_cast %rem3A_168 : i32 to index
        %get3A_1382 = arith.index_cast %add3A_1375 : i32 to index
        %get3A_1383 = arith.constant 0 : index
        %get3A_1384 = tpu.vector_load %arg13[%get3A_1381, %get3A_1382, %get3A_1383] {strides = array<i32>} : memref<2x128x64xf32, #tpu.memory_space<vmem>>, vector<1x1x16xf32>,
        %get3A_1385 = vector.shape_cast %get3A_1384 : vector<1x1x16xf32> to vector<16xf32>
        %mul3A_1386 = arith.mulf %get3A_1380, %get3A_1385 : vector<16xf32>
        %get3A_1387 = arith.index_cast %rem3A_168 : i32 to index
        %get3A_1388 = arith.index_cast %add3A_1375 : i32 to index
        %get3A_1389 = arith.constant 16 : index
        %get3A_1390 = tpu.vector_load %arg11[%get3A_1387, %get3A_1388, %get3A_1389] {strides = array<i32>} : memref<2x128x128xf32, #tpu.memory_space<vmem>>, vector<1x1x16xf32>,
        %get3A_1391 = vector.shape_cast %get3A_1390 : vector<1x1x16xf32> to vector<16xf32>
        %get3A_1392 = arith.index_cast %rem3A_168 : i32 to index
        %get3A_1393 = arith.index_cast %add3A_1375 : i32 to index
        %get3A_1394 = arith.constant 16 : index
        %get3A_1395 = tpu.vector_load %arg13[%get3A_1392, %get3A_1393, %get3A_1394] {strides = array<i32>} : memref<2x128x64xf32, #tpu.memory_space<vmem>>, vector<1x1x16xf32>,
        %get3A_1396 = vector.shape_cast %get3A_1395 : vector<1x1x16xf32> to vector<16xf32>
        %mul3A_1397 = arith.mulf %get3A_1391, %get3A_1396 : vector<16xf32>
        %add3A_1398 = arith.addf %mul3A_1386, %mul3A_1397 : vector<16xf32>
        %get3A_1399 = arith.index_cast %rem3A_168 : i32 to index
        %get3A_1400 = arith.index_cast %add3A_1375 : i32 to index
        %get3A_1401 = arith.constant 32 : index
        %get3A_1402 = tpu.vector_load %arg11[%get3A_1399, %get3A_1400, %get3A_1401] {strides = array<i32>} : memref<2x128x128xf32, #tpu.memory_space<vmem>>, vector<1x1x16xf32>,
        %get3A_1403 = vector.shape_cast %get3A_1402 : vector<1x1x16xf32> to vector<16xf32>
        %get3A_1404 = arith.index_cast %rem3A_168 : i32 to index
        %get3A_1405 = arith.index_cast %add3A_1375 : i32 to index
        %get3A_1406 = arith.constant 32 : index
        %get3A_1407 = tpu.vector_load %arg13[%get3A_1404, %get3A_1405, %get3A_1406] {strides = array<i32>} : memref<2x128x64xf32, #tpu.memory_space<vmem>>, vector<1x1x16xf32>,
        %get3A_1408 = vector.shape_cast %get3A_1407 : vector<1x1x16xf32> to vector<16xf32>
        %mul3A_1409 = arith.mulf %get3A_1403, %get3A_1408 : vector<16xf32>
        %add3A_1410 = arith.addf %add3A_1398, %mul3A_1409 : vector<16xf32>
        %get3A_1411 = arith.index_cast %rem3A_168 : i32 to index
        %get3A_1412 = arith.index_cast %add3A_1375 : i32 to index
        %get3A_1413 = arith.constant 48 : index
        %get3A_1414 = tpu.vector_load %arg11[%get3A_1411, %get3A_1412, %get3A_1413] {strides = array<i32>} : memref<2x128x128xf32, #tpu.memory_space<vmem>>, vector<1x1x16xf32>,
        %get3A_1415 = vector.shape_cast %get3A_1414 : vector<1x1x16xf32> to vector<16xf32>
        %get3A_1416 = arith.index_cast %rem3A_168 : i32 to index
        %get3A_1417 = arith.index_cast %add3A_1375 : i32 to index
        %get3A_1418 = arith.constant 48 : index
        %get3A_1419 = tpu.vector_load %arg13[%get3A_1416, %get3A_1417, %get3A_1418] {strides = array<i32>} : memref<2x128x64xf32, #tpu.memory_space<vmem>>, vector<1x1x16xf32>,
        %get3A_1420 = vector.shape_cast %get3A_1419 : vector<1x1x16xf32> to vector<16xf32>
        %mul3A_1421 = arith.mulf %get3A_1415, %get3A_1420 : vector<16xf32>
        %add3A_1422 = arith.addf %add3A_1410, %mul3A_1421 : vector<16xf32>
        %xor3A_1423 = arith.constant 1 : i32
        %xor3A_1424 = vector.broadcast %xor3A_1423 : i32 to vector<16xi32>
        %xor3A_1425 = arith.xori %iota3A, %xor3A_1424 : vector<16xi32>
        %broadcast_in_dim3A_1426 = vector.shape_cast %xor3A_1425 : vector<16xi32> to vector<16x1xi32>
        %gather3A_1427 = vector.shape_cast %broadcast_in_dim3A_1426 : vector<16x1xi32> to vector<16xi32>
        %gather3A_1428 = tpu.dynamic_gather %add3A_1422[%gather3A_1427] in [0] : vector<16xf32>, vector<16xi32> -> vector<16xf32>
        %add3A_1429 = arith.addf %add3A_1422, %gather3A_1428 : vector<16xf32>
        %xor3A_1430 = arith.constant 2 : i32
        %xor3A_1431 = vector.broadcast %xor3A_1430 : i32 to vector<16xi32>
        %xor3A_1432 = arith.xori %iota3A, %xor3A_1431 : vector<16xi32>
        %broadcast_in_dim3A_1433 = vector.shape_cast %xor3A_1432 : vector<16xi32> to vector<16x1xi32>
        %gather3A_1434 = vector.shape_cast %broadcast_in_dim3A_1433 : vector<16x1xi32> to vector<16xi32>
        %gather3A_1435 = tpu.dynamic_gather %add3A_1429[%gather3A_1434] in [0] : vector<16xf32>, vector<16xi32> -> vector<16xf32>
        %add3A_1436 = arith.addf %add3A_1429, %gather3A_1435 : vector<16xf32>
        %xor3A_1437 = arith.constant 4 : i32
        %xor3A_1438 = vector.broadcast %xor3A_1437 : i32 to vector<16xi32>
        %xor3A_1439 = arith.xori %iota3A, %xor3A_1438 : vector<16xi32>
        %broadcast_in_dim3A_1440 = vector.shape_cast %xor3A_1439 : vector<16xi32> to vector<16x1xi32>
        %gather3A_1441 = vector.shape_cast %broadcast_in_dim3A_1440 : vector<16x1xi32> to vector<16xi32>
        %gather3A_1442 = tpu.dynamic_gather %add3A_1436[%gather3A_1441] in [0] : vector<16xf32>, vector<16xi32> -> vector<16xf32>
        %add3A_1443 = arith.addf %add3A_1436, %gather3A_1442 : vector<16xf32>
        %xor3A_1444 = arith.constant 8 : i32
        %xor3A_1445 = vector.broadcast %xor3A_1444 : i32 to vector<16xi32>
        %xor3A_1446 = arith.xori %iota3A, %xor3A_1445 : vector<16xi32>
        %broadcast_in_dim3A_1447 = vector.shape_cast %xor3A_1446 : vector<16xi32> to vector<16x1xi32>
        %gather3A_1448 = vector.shape_cast %broadcast_in_dim3A_1447 : vector<16x1xi32> to vector<16xi32>
        %gather3A_1449 = tpu.dynamic_gather %add3A_1443[%gather3A_1448] in [0] : vector<16xf32>, vector<16xi32> -> vector<16xf32>
        %add3A_1450 = arith.addf %add3A_1443, %gather3A_1449 : vector<16xf32>
        %eq3A_1451 = arith.constant 14 : i32
        %eq3A_1452 = vector.broadcast %eq3A_1451 : i32 to vector<16xi32>
        %eq3A_1453 = arith.cmpi eq, %iota3A, %eq3A_1452 : vector<16xi32>
        %select_n3A_1454 = arith.select %eq3A_1453, %add3A_1450, %broadcast_in_dim3A_1 : vector<16xi1>, vector<16xf32>
        %add3A_1455 = arith.addf %add3A_1371, %select_n3A_1454 : vector<16xf32>
        %mul3A_1456 = arith.constant 16 : i32
        %mul3A_1457 = arith.muli %scan3A_199, %mul3A_1456 : i32
        %add3A_1458 = arith.constant 15 : i32
        %add3A_1459 = arith.addi %mul3A_1457, %add3A_1458 : i32
        %get3A_1460 = arith.index_cast %rem3A_168 : i32 to index
        %get3A_1461 = arith.index_cast %add3A_1459 : i32 to index
        %get3A_1462 = arith.constant 0 : index
        %get3A_1463 = tpu.vector_load %arg11[%get3A_1460, %get3A_1461, %get3A_1462] {strides = array<i32>} : memref<2x128x128xf32, #tpu.memory_space<vmem>>, vector<1x1x16xf32>,
        %get3A_1464 = vector.shape_cast %get3A_1463 : vector<1x1x16xf32> to vector<16xf32>
        %get3A_1465 = arith.index_cast %rem3A_168 : i32 to index
        %get3A_1466 = arith.index_cast %add3A_1459 : i32 to index
        %get3A_1467 = arith.constant 0 : index
        %get3A_1468 = tpu.vector_load %arg13[%get3A_1465, %get3A_1466, %get3A_1467] {strides = array<i32>} : memref<2x128x64xf32, #tpu.memory_space<vmem>>, vector<1x1x16xf32>,
        %get3A_1469 = vector.shape_cast %get3A_1468 : vector<1x1x16xf32> to vector<16xf32>
        %mul3A_1470 = arith.mulf %get3A_1464, %get3A_1469 : vector<16xf32>
        %get3A_1471 = arith.index_cast %rem3A_168 : i32 to index
        %get3A_1472 = arith.index_cast %add3A_1459 : i32 to index
        %get3A_1473 = arith.constant 16 : index
        %get3A_1474 = tpu.vector_load %arg11[%get3A_1471, %get3A_1472, %get3A_1473] {strides = array<i32>} : memref<2x128x128xf32, #tpu.memory_space<vmem>>, vector<1x1x16xf32>,
        %get3A_1475 = vector.shape_cast %get3A_1474 : vector<1x1x16xf32> to vector<16xf32>
        %get3A_1476 = arith.index_cast %rem3A_168 : i32 to index
        %get3A_1477 = arith.index_cast %add3A_1459 : i32 to index
        %get3A_1478 = arith.constant 16 : index
        %get3A_1479 = tpu.vector_load %arg13[%get3A_1476, %get3A_1477, %get3A_1478] {strides = array<i32>} : memref<2x128x64xf32, #tpu.memory_space<vmem>>, vector<1x1x16xf32>,
        %get3A_1480 = vector.shape_cast %get3A_1479 : vector<1x1x16xf32> to vector<16xf32>
        %mul3A_1481 = arith.mulf %get3A_1475, %get3A_1480 : vector<16xf32>
        %add3A_1482 = arith.addf %mul3A_1470, %mul3A_1481 : vector<16xf32>
        %get3A_1483 = arith.index_cast %rem3A_168 : i32 to index
        %get3A_1484 = arith.index_cast %add3A_1459 : i32 to index
        %get3A_1485 = arith.constant 32 : index
        %get3A_1486 = tpu.vector_load %arg11[%get3A_1483, %get3A_1484, %get3A_1485] {strides = array<i32>} : memref<2x128x128xf32, #tpu.memory_space<vmem>>, vector<1x1x16xf32>,
        %get3A_1487 = vector.shape_cast %get3A_1486 : vector<1x1x16xf32> to vector<16xf32>
        %get3A_1488 = arith.index_cast %rem3A_168 : i32 to index
        %get3A_1489 = arith.index_cast %add3A_1459 : i32 to index
        %get3A_1490 = arith.constant 32 : index
        %get3A_1491 = tpu.vector_load %arg13[%get3A_1488, %get3A_1489, %get3A_1490] {strides = array<i32>} : memref<2x128x64xf32, #tpu.memory_space<vmem>>, vector<1x1x16xf32>,
        %get3A_1492 = vector.shape_cast %get3A_1491 : vector<1x1x16xf32> to vector<16xf32>
        %mul3A_1493 = arith.mulf %get3A_1487, %get3A_1492 : vector<16xf32>
        %add3A_1494 = arith.addf %add3A_1482, %mul3A_1493 : vector<16xf32>
        %get3A_1495 = arith.index_cast %rem3A_168 : i32 to index
        %get3A_1496 = arith.index_cast %add3A_1459 : i32 to index
        %get3A_1497 = arith.constant 48 : index
        %get3A_1498 = tpu.vector_load %arg11[%get3A_1495, %get3A_1496, %get3A_1497] {strides = array<i32>} : memref<2x128x128xf32, #tpu.memory_space<vmem>>, vector<1x1x16xf32>,
        %get3A_1499 = vector.shape_cast %get3A_1498 : vector<1x1x16xf32> to vector<16xf32>
        %get3A_1500 = arith.index_cast %rem3A_168 : i32 to index
        %get3A_1501 = arith.index_cast %add3A_1459 : i32 to index
        %get3A_1502 = arith.constant 48 : index
        %get3A_1503 = tpu.vector_load %arg13[%get3A_1500, %get3A_1501, %get3A_1502] {strides = array<i32>} : memref<2x128x64xf32, #tpu.memory_space<vmem>>, vector<1x1x16xf32>,
        %get3A_1504 = vector.shape_cast %get3A_1503 : vector<1x1x16xf32> to vector<16xf32>
        %mul3A_1505 = arith.mulf %get3A_1499, %get3A_1504 : vector<16xf32>
        %add3A_1506 = arith.addf %add3A_1494, %mul3A_1505 : vector<16xf32>
        %xor3A_1507 = arith.constant 1 : i32
        %xor3A_1508 = vector.broadcast %xor3A_1507 : i32 to vector<16xi32>
        %xor3A_1509 = arith.xori %iota3A, %xor3A_1508 : vector<16xi32>
        %broadcast_in_dim3A_1510 = vector.shape_cast %xor3A_1509 : vector<16xi32> to vector<16x1xi32>
        %gather3A_1511 = vector.shape_cast %broadcast_in_dim3A_1510 : vector<16x1xi32> to vector<16xi32>
        %gather3A_1512 = tpu.dynamic_gather %add3A_1506[%gather3A_1511] in [0] : vector<16xf32>, vector<16xi32> -> vector<16xf32>
        %add3A_1513 = arith.addf %add3A_1506, %gather3A_1512 : vector<16xf32>
        %xor3A_1514 = arith.constant 2 : i32
        %xor3A_1515 = vector.broadcast %xor3A_1514 : i32 to vector<16xi32>
        %xor3A_1516 = arith.xori %iota3A, %xor3A_1515 : vector<16xi32>
        %broadcast_in_dim3A_1517 = vector.shape_cast %xor3A_1516 : vector<16xi32> to vector<16x1xi32>
        %gather3A_1518 = vector.shape_cast %broadcast_in_dim3A_1517 : vector<16x1xi32> to vector<16xi32>
        %gather3A_1519 = tpu.dynamic_gather %add3A_1513[%gather3A_1518] in [0] : vector<16xf32>, vector<16xi32> -> vector<16xf32>
        %add3A_1520 = arith.addf %add3A_1513, %gather3A_1519 : vector<16xf32>
        %xor3A_1521 = arith.constant 4 : i32
        %xor3A_1522 = vector.broadcast %xor3A_1521 : i32 to vector<16xi32>
        %xor3A_1523 = arith.xori %iota3A, %xor3A_1522 : vector<16xi32>
        %broadcast_in_dim3A_1524 = vector.shape_cast %xor3A_1523 : vector<16xi32> to vector<16x1xi32>
        %gather3A_1525 = vector.shape_cast %broadcast_in_dim3A_1524 : vector<16x1xi32> to vector<16xi32>
        %gather3A_1526 = tpu.dynamic_gather %add3A_1520[%gather3A_1525] in [0] : vector<16xf32>, vector<16xi32> -> vector<16xf32>
        %add3A_1527 = arith.addf %add3A_1520, %gather3A_1526 : vector<16xf32>
        %xor3A_1528 = arith.constant 8 : i32
        %xor3A_1529 = vector.broadcast %xor3A_1528 : i32 to vector<16xi32>
        %xor3A_1530 = arith.xori %iota3A, %xor3A_1529 : vector<16xi32>
        %broadcast_in_dim3A_1531 = vector.shape_cast %xor3A_1530 : vector<16xi32> to vector<16x1xi32>
        %gather3A_1532 = vector.shape_cast %broadcast_in_dim3A_1531 : vector<16x1xi32> to vector<16xi32>
        %gather3A_1533 = tpu.dynamic_gather %add3A_1527[%gather3A_1532] in [0] : vector<16xf32>, vector<16xi32> -> vector<16xf32>
        %add3A_1534 = arith.addf %add3A_1527, %gather3A_1533 : vector<16xf32>
        %eq3A_1535 = arith.constant 15 : i32
        %eq3A_1536 = vector.broadcast %eq3A_1535 : i32 to vector<16xi32>
        %eq3A_1537 = arith.cmpi eq, %iota3A, %eq3A_1536 : vector<16xi32>
        %select_n3A_1538 = arith.select %eq3A_1537, %add3A_1534, %broadcast_in_dim3A_1 : vector<16xi1>, vector<16xf32>
        %add3A_1539 = arith.addf %add3A_1455, %select_n3A_1538 : vector<16xf32>
        %mul3A_1540 = arith.constant 16 : i32
        %mul3A_1541 = arith.muli %scan3A_199, %mul3A_1540 : i32
        %add3A_1542 = arith.addi %mul3A_179, %mul3A_1541 : i32
        %swap3A = arith.index_cast %add3A_1542 : i32 to index
        %swap3A_1543 = tpu.vector_load %arg14[%swap3A] {strides = array<i32>} : memref<2048xf32, #tpu.memory_space<vmem>>, vector<16xf32>,
        %swap3A_1544 = vector.shape_cast %swap3A_1543 : vector<16xf32> to vector<16xf32>
        %swap3A_1545 = vector.shape_cast %add3A_1539 : vector<16xf32> to vector<16xf32>
        tpu.vector_store %arg14[%swap3A], %swap3A_1545 {strides = array<i32>} : memref<2048xf32, #tpu.memory_space<vmem>>, vector<16xf32>,
      }
      %scan3A_185 = arith.constant 8 : i32
      %add3A_186 = arith.constant 2 : i32
      %add3A_187 = arith.addi %scan3A_166, %add3A_186 : i32
      %lt3A = arith.constant 48 : i32
      %lt3A_188 = arith.cmpi slt, %add3A_187, %lt3A : i32
      %convert_element_type3A_189 = arith.extui %lt3A_188 : i1 to i32
      %cond3A_190 = arith.constant 0 : i32
      %cond3A_191 = arith.cmpi ne, %convert_element_type3A_189, %cond3A_190 : i32
      scf.if %cond3A_191 {
        %eq3A_199 = arith.constant 0 : i32
        %eq3A_200 = arith.cmpi eq, %rem3A_168, %eq3A_199 : i32
        %convert_element_type3A_201 = arith.extui %eq3A_200 : i1 to i32
        %cond3A_202 = arith.constant 0 : i32
        %cond3A_203 = arith.cmpi ne, %convert_element_type3A_201, %cond3A_202 : i32
        scf.if %cond3A_203 {
          %add3A_209 = arith.constant 2 : i32
          %add3A_210 = arith.addi %scan3A_166, %add3A_209 : i32
          %mul3A_211 = arith.constant 128 : i32
          %mul3A_212 = arith.muli %add3A_210, %mul3A_211 : i32
          %dma_start3A_213 = arith.constant 0 : i32
          %dma_start3A_214 = arith.constant 0 : i32
          %dma_start3A_215 = arith.constant 0 : i32
          %dma_start3A_216 = tpu.memref_slice %arg11[%dma_start3A_213, %dma_start3A_214, %dma_start3A_215] : memref<2x128x128xf32, #tpu.memory_space<vmem>> -> memref<1x128x128xf32, #tpu.memory_space<vmem>>
          %dma_start3A_217 = tpu.memref_squeeze %dma_start3A_216 : memref<1x128x128xf32, #tpu.memory_space<vmem>> -> memref<128x128xf32, #tpu.memory_space<vmem>>
          %dma_start3A_218 = tpu.memref_slice %arg9[%mul3A_212] : memref<12288xi32, #tpu.memory_space<vmem>> -> memref<128xi32, #tpu.memory_space<vmem>>
          %dma_start3A_219 = arith.constant 0 : i32
          %dma_start3A_220 = arith.constant 0 : i32
          %dma_start3A_221 = tpu.memref_slice %arg2[%dma_start3A_219, %dma_start3A_220] : memref<150000x128xf32, #tpu.memory_space<hbm>> -> memref<150000x128xf32, #tpu.memory_space<hbm>>
          tpu.enqueue_indirect_dma source(%dma_start3A_221 : memref<150000x128xf32, #tpu.memory_space<hbm>>) target(%dma_start3A_217 : memref<128x128xf32, #tpu.memory_space<vmem>>) offsets(%dma_start3A_218 : memref<128xi32, #tpu.memory_space<vmem>>) semaphore(%arg15 : memref<!tpu.dma_semaphore, #tpu.memory_space<semaphore_mem>>)
          %jit3A = arith.constant 16 : i32
          %div3A = arith.divsi %add3A_210, %jit3A : i32
          %sign3A = arith.constant 0 : i32
          %sign3A_222 = arith.cmpi sgt, %add3A_210, %sign3A : i32
          %sign3A_223 = arith.extui %sign3A_222 : i1 to i32
          %sign3A_224 = arith.constant 0 : i32
          %sign3A_225 = arith.cmpi slt, %add3A_210, %sign3A_224 : i32
          %sign3A_226 = arith.extui %sign3A_225 : i1 to i32
          %sign3A_227 = arith.subi %sign3A_223, %sign3A_226 : i32
          %sign3A_228 = arith.constant 0 : i32
          %sign3A_229 = arith.cmpi sgt, %jit3A, %sign3A_228 : i32
          %sign3A_230 = arith.extui %sign3A_229 : i1 to i32
          %sign3A_231 = arith.constant 0 : i32
          %sign3A_232 = arith.cmpi slt, %jit3A, %sign3A_231 : i32
          %sign3A_233 = arith.extui %sign3A_232 : i1 to i32
          %sign3A_234 = arith.subi %sign3A_230, %sign3A_233 : i32
          %ne3A = arith.cmpi ne, %sign3A_227, %sign3A_234 : i32
          %rem3A_235 = arith.remsi %add3A_210, %jit3A : i32
          %ne3A_236 = arith.constant 0 : i32
          %ne3A_237 = arith.cmpi ne, %rem3A_235, %ne3A_236 : i32
          %and3A = arith.andi %ne3A, %ne3A_237 : i1
          %sub3A = arith.constant 1 : i32
          %sub3A_238 = arith.subi %div3A, %sub3A : i32
          %select_n3A = arith.select %and3A, %sub3A_238, %div3A : i32
          %mul3A_239 = arith.constant 65536 : i32
          %mul3A_240 = arith.muli %select_n3A, %mul3A_239 : i32
          %mul3A_241 = arith.constant 2048 : i32
          %mul3A_242 = arith.muli %add3A, %mul3A_241 : i32
          %add3A_243 = arith.addi %mul3A_240, %mul3A_242 : i32
          %rem3A_244 = arith.constant 16 : i32
          %rem3A_245 = arith.remsi %add3A_210, %rem3A_244 : i32
          %mul3A_246 = arith.constant 128 : i32
          %mul3A_247 = arith.muli %rem3A_245, %mul3A_246 : i32
          %add3A_248 = arith.addi %add3A_243, %mul3A_247 : i32
          %multiple_of3A_249 = tpu.assume_multiple %add3A_248, 8 : i32
          %dma_start3A_250 = arith.constant 0 : i32
          %dma_start3A_251 = arith.constant 0 : i32
          %dma_start3A_252 = arith.constant 0 : i32
          %dma_start3A_253 = tpu.memref_slice %arg13[%dma_start3A_250, %dma_start3A_251, %dma_start3A_252] : memref<2x128x64xf32, #tpu.memory_space<vmem>> -> memref<1x128x64xf32, #tpu.memory_space<vmem>>
          %dma_start3A_254 = tpu.memref_squeeze %dma_start3A_253 : memref<1x128x64xf32, #tpu.memory_space<vmem>> -> memref<128x64xf32, #tpu.memory_space<vmem>>
          %dma_start3A_255 = arith.constant 0 : i32
          %dma_start3A_256 = tpu.memref_slice %arg3[%multiple_of3A_249, %dma_start3A_255] : memref<196608x64xf32, #tpu.memory_space<hbm>> -> memref<128x64xf32, #tpu.memory_space<hbm>>
          %dma_start3A_257 = arith.constant 0 : i32
          %dma_start3A_258 = arith.constant 0 : i32
          %dma_start3A_259 = tpu.memref_slice %arg13[%dma_start3A_250, %dma_start3A_257, %dma_start3A_258] : memref<2x128x64xf32, #tpu.memory_space<vmem>> -> memref<1x128x64xf32, #tpu.memory_space<vmem>>
          %dma_start3A_260 = tpu.memref_squeeze %dma_start3A_259 : memref<1x128x64xf32, #tpu.memory_space<vmem>> -> memref<128x64xf32, #tpu.memory_space<vmem>>
          %dma_start3A_261 = arith.constant 0 : i32
          %dma_start3A_262 = tpu.memref_slice %arg3[%multiple_of3A_249, %dma_start3A_261] : memref<196608x64xf32, #tpu.memory_space<hbm>> -> memref<128x64xf32, #tpu.memory_space<hbm>>
          tpu.enqueue_dma source(%dma_start3A_262 : memref<128x64xf32, #tpu.memory_space<hbm>>) target(%dma_start3A_260 : memref<128x64xf32, #tpu.memory_space<vmem>>) target_semaphore(%arg15 : memref<!tpu.dma_semaphore, #tpu.memory_space<semaphore_mem>>)
        } else {
        }
        %eq3A_204 = arith.constant 1 : i32
        %eq3A_205 = arith.cmpi eq, %rem3A_168, %eq3A_204 : i32
        %convert_element_type3A_206 = arith.extui %eq3A_205 : i1 to i32
        %cond3A_207 = arith.constant 0 : i32
        %cond3A_208 = arith.cmpi ne, %convert_element_type3A_206, %cond3A_207 : i32
        scf.if %cond3A_208 {
          %add3A_209 = arith.constant 2 : i32
          %add3A_210 = arith.addi %scan3A_166, %add3A_209 : i32
          %mul3A_211 = arith.constant 128 : i32
          %mul3A_212 = arith.muli %add3A_210, %mul3A_211 : i32
          %dma_start3A_213 = arith.constant 1 : i32
          %dma_start3A_214 = arith.constant 0 : i32
          %dma_start3A_215 = arith.constant 0 : i32
          %dma_start3A_216 = tpu.memref_slice %arg11[%dma_start3A_213, %dma_start3A_214, %dma_start3A_215] : memref<2x128x128xf32, #tpu.memory_space<vmem>> -> memref<1x128x128xf32, #tpu.memory_space<vmem>>
          %dma_start3A_217 = tpu.memref_squeeze %dma_start3A_216 : memref<1x128x128xf32, #tpu.memory_space<vmem>> -> memref<128x128xf32, #tpu.memory_space<vmem>>
          %dma_start3A_218 = tpu.memref_slice %arg9[%mul3A_212] : memref<12288xi32, #tpu.memory_space<vmem>> -> memref<128xi32, #tpu.memory_space<vmem>>
          %dma_start3A_219 = arith.constant 0 : i32
          %dma_start3A_220 = arith.constant 0 : i32
          %dma_start3A_221 = tpu.memref_slice %arg2[%dma_start3A_219, %dma_start3A_220] : memref<150000x128xf32, #tpu.memory_space<hbm>> -> memref<150000x128xf32, #tpu.memory_space<hbm>>
          tpu.enqueue_indirect_dma source(%dma_start3A_221 : memref<150000x128xf32, #tpu.memory_space<hbm>>) target(%dma_start3A_217 : memref<128x128xf32, #tpu.memory_space<vmem>>) offsets(%dma_start3A_218 : memref<128xi32, #tpu.memory_space<vmem>>) semaphore(%arg16 : memref<!tpu.dma_semaphore, #tpu.memory_space<semaphore_mem>>)
          %jit3A = arith.constant 16 : i32
          %div3A = arith.divsi %add3A_210, %jit3A : i32
          %sign3A = arith.constant 0 : i32
          %sign3A_222 = arith.cmpi sgt, %add3A_210, %sign3A : i32
          %sign3A_223 = arith.extui %sign3A_222 : i1 to i32
          %sign3A_224 = arith.constant 0 : i32
          %sign3A_225 = arith.cmpi slt, %add3A_210, %sign3A_224 : i32
          %sign3A_226 = arith.extui %sign3A_225 : i1 to i32
          %sign3A_227 = arith.subi %sign3A_223, %sign3A_226 : i32
          %sign3A_228 = arith.constant 0 : i32
          %sign3A_229 = arith.cmpi sgt, %jit3A, %sign3A_228 : i32
          %sign3A_230 = arith.extui %sign3A_229 : i1 to i32
          %sign3A_231 = arith.constant 0 : i32
          %sign3A_232 = arith.cmpi slt, %jit3A, %sign3A_231 : i32
          %sign3A_233 = arith.extui %sign3A_232 : i1 to i32
          %sign3A_234 = arith.subi %sign3A_230, %sign3A_233 : i32
          %ne3A = arith.cmpi ne, %sign3A_227, %sign3A_234 : i32
          %rem3A_235 = arith.remsi %add3A_210, %jit3A : i32
          %ne3A_236 = arith.constant 0 : i32
          %ne3A_237 = arith.cmpi ne, %rem3A_235, %ne3A_236 : i32
          %and3A = arith.andi %ne3A, %ne3A_237 : i1
          %sub3A = arith.constant 1 : i32
          %sub3A_238 = arith.subi %div3A, %sub3A : i32
          %select_n3A = arith.select %and3A, %sub3A_238, %div3A : i32
          %mul3A_239 = arith.constant 65536 : i32
          %mul3A_240 = arith.muli %select_n3A, %mul3A_239 : i32
          %mul3A_241 = arith.constant 2048 : i32
          %mul3A_242 = arith.muli %add3A, %mul3A_241 : i32
          %add3A_243 = arith.addi %mul3A_240, %mul3A_242 : i32
          %rem3A_244 = arith.constant 16 : i32
          %rem3A_245 = arith.remsi %add3A_210, %rem3A_244 : i32
          %mul3A_246 = arith.constant 128 : i32
          %mul3A_247 = arith.muli %rem3A_245, %mul3A_246 : i32
          %add3A_248 = arith.addi %add3A_243, %mul3A_247 : i32
          %multiple_of3A_249 = tpu.assume_multiple %add3A_248, 8 : i32
          %dma_start3A_250 = arith.constant 1 : i32
          %dma_start3A_251 = arith.constant 0 : i32
          %dma_start3A_252 = arith.constant 0 : i32
          %dma_start3A_253 = tpu.memref_slice %arg13[%dma_start3A_250, %dma_start3A_251, %dma_start3A_252] : memref<2x128x64xf32, #tpu.memory_space<vmem>> -> memref<1x128x64xf32, #tpu.memory_space<vmem>>
          %dma_start3A_254 = tpu.memref_squeeze %dma_start3A_253 : memref<1x128x64xf32, #tpu.memory_space<vmem>> -> memref<128x64xf32, #tpu.memory_space<vmem>>
          %dma_start3A_255 = arith.constant 0 : i32
          %dma_start3A_256 = tpu.memref_slice %arg3[%multiple_of3A_249, %dma_start3A_255] : memref<196608x64xf32, #tpu.memory_space<hbm>> -> memref<128x64xf32, #tpu.memory_space<hbm>>
          %dma_start3A_257 = arith.constant 0 : i32
          %dma_start3A_258 = arith.constant 0 : i32
          %dma_start3A_259 = tpu.memref_slice %arg13[%dma_start3A_250, %dma_start3A_257, %dma_start3A_258] : memref<2x128x64xf32, #tpu.memory_space<vmem>> -> memref<1x128x64xf32, #tpu.memory_space<vmem>>
          %dma_start3A_260 = tpu.memref_squeeze %dma_start3A_259 : memref<1x128x64xf32, #tpu.memory_space<vmem>> -> memref<128x64xf32, #tpu.memory_space<vmem>>
          %dma_start3A_261 = arith.constant 0 : i32
          %dma_start3A_262 = tpu.memref_slice %arg3[%multiple_of3A_249, %dma_start3A_261] : memref<196608x64xf32, #tpu.memory_space<hbm>> -> memref<128x64xf32, #tpu.memory_space<hbm>>
          tpu.enqueue_dma source(%dma_start3A_262 : memref<128x64xf32, #tpu.memory_space<hbm>>) target(%dma_start3A_260 : memref<128x64xf32, #tpu.memory_space<vmem>>) target_semaphore(%arg16 : memref<!tpu.dma_semaphore, #tpu.memory_space<semaphore_mem>>)
        } else {
        }
      } else {
      }
      %rem3A_192 = arith.constant 16 : i32
      %rem3A_193 = arith.remsi %scan3A_166, %rem3A_192 : i32
      %eq3A_194 = arith.constant 15 : i32
      %eq3A_195 = arith.cmpi eq, %rem3A_193, %eq3A_194 : i32
      %convert_element_type3A_196 = arith.extui %eq3A_195 : i1 to i32
      %cond3A_197 = arith.constant 0 : i32
      %cond3A_198 = arith.cmpi ne, %convert_element_type3A_196, %cond3A_197 : i32
      scf.if %cond3A_198 {
        %jit3A = arith.constant 16 : i32
        %div3A = arith.divsi %scan3A_166, %jit3A : i32
        %sign3A = arith.constant 0 : i32
        %sign3A_199 = arith.cmpi sgt, %scan3A_166, %sign3A : i32
        %sign3A_200 = arith.extui %sign3A_199 : i1 to i32
        %sign3A_201 = arith.constant 0 : i32
        %sign3A_202 = arith.cmpi slt, %scan3A_166, %sign3A_201 : i32
        %sign3A_203 = arith.extui %sign3A_202 : i1 to i32
        %sign3A_204 = arith.subi %sign3A_200, %sign3A_203 : i32
        %sign3A_205 = arith.constant 0 : i32
        %sign3A_206 = arith.cmpi sgt, %jit3A, %sign3A_205 : i32
        %sign3A_207 = arith.extui %sign3A_206 : i1 to i32
        %sign3A_208 = arith.constant 0 : i32
        %sign3A_209 = arith.cmpi slt, %jit3A, %sign3A_208 : i32
        %sign3A_210 = arith.extui %sign3A_209 : i1 to i32
        %sign3A_211 = arith.subi %sign3A_207, %sign3A_210 : i32
        %ne3A = arith.cmpi ne, %sign3A_204, %sign3A_211 : i32
        %rem3A_212 = arith.remsi %scan3A_166, %jit3A : i32
        %ne3A_213 = arith.constant 0 : i32
        %ne3A_214 = arith.cmpi ne, %rem3A_212, %ne3A_213 : i32
        %and3A = arith.andi %ne3A, %ne3A_214 : i1
        %sub3A = arith.constant 1 : i32
        %sub3A_215 = arith.subi %div3A, %sub3A : i32
        %select_n3A = arith.select %and3A, %sub3A_215, %div3A : i32
        %mul3A_216 = arith.constant 65536 : i32
        %mul3A_217 = arith.muli %select_n3A, %mul3A_216 : i32
        %mul3A_218 = arith.constant 2048 : i32
        %mul3A_219 = arith.muli %add3A, %mul3A_218 : i32
        %add3A_220 = arith.addi %mul3A_217, %mul3A_219 : i32
        "tpu.region"() ({
          %run_scoped3A = tpu.sem_alloc : memref<!tpu.dma_semaphore, #tpu.memory_space<semaphore_mem>>
          %dma_start3A_221 = tpu.memref_slice %arg8[%add3A_220] : memref<196608xf32, #tpu.memory_space<hbm>> -> memref<2048xf32, #tpu.memory_space<hbm>>
          %dma_start3A_222 = tpu.memref_slice %arg8[%add3A_220] : memref<196608xf32, #tpu.memory_space<hbm>> -> memref<2048xf32, #tpu.memory_space<hbm>>
          tpu.enqueue_dma source(%arg14 : memref<2048xf32, #tpu.memory_space<vmem>>) target(%dma_start3A_222 : memref<2048xf32, #tpu.memory_space<hbm>>) target_semaphore(%run_scoped3A : memref<!tpu.dma_semaphore, #tpu.memory_space<semaphore_mem>>)
          %dma_wait3A = tpu.memref_slice %arg8[%add3A_220] : memref<196608xf32, #tpu.memory_space<hbm>> -> memref<2048xf32, #tpu.memory_space<hbm>>
          %dma_wait3A_223 = tpu.memref_slice %arg8[%add3A_220] : memref<196608xf32, #tpu.memory_space<hbm>> -> memref<2048xf32, #tpu.memory_space<hbm>>
          tpu.wait_dma2 semaphore(%run_scoped3A : memref<!tpu.dma_semaphore, #tpu.memory_space<semaphore_mem>>) src(%arg14 : memref<2048xf32, #tpu.memory_space<vmem>>) dst(%dma_wait3A_223 : memref<2048xf32, #tpu.memory_space<hbm>>)
          tpu.yield
        }) : () -> ()
      } else {
      }
    }
    %scan3A_165 = arith.constant 48 : i32
    return
  }
}

module attributes {stable_mosaic.version = 14 : i64} {
  func.func @_combo_body(%arg0: i32, %arg1: i32, %arg2: memref<2000x64xf32, #tpu.memory_space<vmem>>, %arg3: memref<1x64x64xf32, #tpu.memory_space<vmem>>, %arg4: memref<2000x128xf32, #tpu.memory_space<vmem>>) attributes {dimension_semantics = [#tpu.dimension_semantics<arbitrary>, #tpu.dimension_semantics<arbitrary>], iteration_bounds = array<i64: 3, 25>, scalar_prefetch = 0 : i64, scratch_operands = 0 : i64, tpu.core_type = #tpu.core_type<tc>, window_params = [{transform_indices = @transform_0, window_bounds = array<i64: 2000, 64>}, {transform_indices = @transform_1, window_bounds = array<i64: 1, 64, 64>}, {transform_indices = @transform_2, window_bounds = array<i64: 2000, 128>}]} {
    %get3A = arith.constant 0 : index
    %get3A_0 = arith.constant 0 : index
    %get3A_1 = vector.load %arg2[%get3A, %get3A_0] : memref<2000x64xf32, #tpu.memory_space<vmem>>, vector<2000x64xf32>
    %get3A_2 = arith.constant 0 : index
    %get3A_3 = arith.constant 0 : index
    %get3A_4 = arith.constant 0 : index
    %get3A_5 = vector.load %arg3[%get3A_2, %get3A_3, %get3A_4] : memref<1x64x64xf32, #tpu.memory_space<vmem>>, vector<1x64x64xf32>
    %get3A_6 = vector.shape_cast %get3A_5 : vector<1x64x64xf32> to vector<64x64xf32>
    %dot_general3A = arith.constant dense<0.000000e+00> : vector<2000x64xf32>
    %dot_general3A_7 = tpu.matmul %get3A_1, %get3A_6, %dot_general3A {dimension_numbers = #tpu.dot_dimension_numbers<[1], [0], [0], [1], [0, 0, 1, 1], [], []>, transpose_lhs_hint = false} : vector<2000x64xf32>, vector<64x64xf32>, vector<2000x64xf32> -> vector<2000x64xf32>
    %swap3A = arith.constant 0 : index
    %swap3A_8 = arith.constant 0 : index
    %swap3A_9 = vector.load %arg4[%swap3A, %swap3A_8] : memref<2000x128xf32, #tpu.memory_space<vmem>>, vector<2000x64xf32>
    tpu.vector_store %arg4[%swap3A, %swap3A_8], %dot_general3A_7 {strides = array<i32>} : memref<2000x128xf32, #tpu.memory_space<vmem>>, vector<2000x64xf32>,
    %get3A_10 = arith.constant 0 : index
    %get3A_11 = arith.constant 0 : index
    %get3A_12 = vector.load %arg2[%get3A_10, %get3A_11] : memref<2000x64xf32, #tpu.memory_space<vmem>>, vector<2000x64xf32>
    %swap3A_13 = arith.constant 0 : index
    %swap3A_14 = arith.constant 64 : index
    %swap3A_15 = vector.load %arg4[%swap3A_13, %swap3A_14] : memref<2000x128xf32, #tpu.memory_space<vmem>>, vector<2000x64xf32>
    tpu.vector_store %arg4[%swap3A_13, %swap3A_14], %get3A_12 {strides = array<i32>} : memref<2000x128xf32, #tpu.memory_space<vmem>>, vector<2000x64xf32>,
    return
  }
  func.func @transform_0(%arg0: i32, %arg1: i32) -> (i32, i32) {
    %c0_i32 = arith.constant 0 : i32
    %c0_i32_0 = arith.constant 0 : i32
    return %arg1, %c0_i32 : i32, i32
  }
  func.func @transform_1(%arg0: i32, %arg1: i32) -> (i32, i32, i32) {
    %c0_i32 = arith.constant 0 : i32
    %c0_i32_0 = arith.constant 0 : i32
    %c0_i32_1 = arith.constant 0 : i32
    return %arg0, %c0_i32, %c0_i32_0 : i32, i32, i32
  }
  func.func @transform_2(%arg0: i32, %arg1: i32) -> (i32, i32) {
    %mul3A = arith.constant 25 : i32
    %mul3A_0 = arith.muli %arg0, %mul3A : i32
    %add3A = arith.addi %mul3A_0, %arg1 : i32
    %c0_i32 = arith.constant 0 : i32
    %c0_i32_1 = arith.constant 0 : i32
    return %add3A, %c0_i32 : i32, i32
  }
}

</mosaic_0001>

<sc_bundles>
// kernel: kernel.4.cloned.1.call-start
scs
__scs_entry_jumppad:
0x0: {  	(pc) =	sbr.rel $0x88, $3  }
0x1: {  	(tag) =	ssettag $0x0;
	lr =	simm.s32 $0x1  }
0x2: {  	[smem:$0x3F99] =	sst lr;
	_ =	strace $0xD0000000  }
0x3: {  	_ = 	snop  }
0x4: {  	_ = 	snop  }
0x5: {  	_ = 	snop  }
0x6: {  	_ = 	snop  }
0x7: {  	_ = 	snop  }
__scs_overlays_trampoline_lowered:
0x8: {  	[smem:$0x3FA8] =	sst s0  }
0x9: {  	[smem:$0x3FA9] =	sst s1  }
0xa: {  	[smem:$0x3FAA] =	sst s2  }
0xb: {  	[smem:$0x3FAB] =	sst s3  }
0xc: {  	[smem:$0x3FAC] =	sst s4  }
0xd: {  	[smem:$0x3FAD] =	sst s5  }
0xe: {  	[smem:$0x3FAE] =	sst s6  }
0xf: {  	[smem:$0x3FAF] =	sst s7  }
0x10: {  	[smem:$0x3FB0] =	sst s8  }
0x11: {  	[smem:$0x3FB1] =	sst s9;
	s0 =	simm.s32 @!p0 $0x0  }
0x12: {  	s1 =	sld [smem:$0x3F97];
	s0 =	simm.s32 @p0 $0x1  }
0x13: {  	[smem:$0x3FB2] =	sst s0;
	s0 =	simm.s32 @!p1 $0x0  }
0x14: {  	s2 =	sld [smem:$0x3F96];
	s0 =	simm.s32 @p1 $0x1  }
0x15: {  	[smem:$0x3FB3] =	sst s0;
	s0 =	simm.s32 @!p2 $0x0  }
0x16: {  	s3 =	sld [smem:$0x3FDB];
	s0 =	simm.s32 @p2 $0x1  }
0x17: {  	s4 =	simm.s32 $0x1BF5;
	[smem:$0x3FB5] =	sst s0  }
0x18: {  	s0 =	sld [smem:$0x3F98];
	_ =	swait.ge [sflag:s4], $0x0  }
0x19: {  	s7 =	sld [smem:$0x3F99]  }
0x1a: {  	s8 =	sadd.s32 $0xFFFFE003, lr  }
0x1b: {  	s9 =	sadd.s32 $0xFFFFFEF7, lr;
	s5 =	simm.s32 $0xFFFFFFFF;
	p2 =	slt.u32 s8, $0xFFFFF086  }
0x1c: {  	p1 =	slt.u32 s9, $0xF7A;
	s5 =	simm.s32 @!p2 $0x0  }
0x1d: {  	s5 =	simm.s32 @p1 $0x1;
	p0 =	seq.s32 s7, s2  }
0x1e: {  	s7 =	smul.u32 @!p0 $0xF7A, s2;
	p2 =	seq.s32 @!p0 s5, $0x0  }
0x1f: {  	s9 =	smul.u32 $0xF7A, s1;
	s8 =	simm.s32 @!p0 $0x1BF5;
	p2 =	por !p2, p0  }
0x20: {  	[sflag:s8] =	ssyncset.s32 @!p0 $0xFFFFF086;
	s6 =	sadd.s32 @!p0 s3, s7;
	s7 =	simm.s32 @!p0 $0x108  }
0x21: {  	s3 =	sadd.s32 s3, s9;
	s6 =	sadd.s32 @!p0 $0x88, s6;
	s7 =	simm.s32 @p2 $0x1082  }
0x22: {  	[simem:s7], [sflag:s8] =	dma.local @!p0 [hbm:s6], $0xF7A  }
0x23: {  	s9 =	sor.u32 $0xD0000000, s2;
	s6 =	simm.s32 $0x108;
	_ =	swait.ge @!p0 [sflag:s8], $0x0  }
0x24: {  	s3 =	sadd.s32 $0x88, s3;
	s6 =	simm.s32 @!p1 $0x1082;
	[sflag:s4] =	ssyncset.s32 $0xFFFFF086  }
0x25: {  	[simem:s6], [sflag:s4] =	dma.local [hbm:s3], $0xF7A  }
0x26: {  	[smem:$0x3F99] =	sst s1;
	(tag) =	ssettag s2;
	_ =	strace s9  }
0x27: {  	s1 =	sld [smem:$0x3FA9]  }
0x28: {  	s2 =	sld [smem:$0x3FAA]  }
0x29: {  	s4 =	sld [smem:$0x3FAC]  }
0x2a: {  	p0 =	seq.s32 s5, $0x0;
	s5 =	sld [smem:$0x3FAD]  }
0x2b: {  	s6 =	sld [smem:$0x3FAE]  }
0x2c: {  	s7 =	sld [smem:$0x3FAF]  }
0x2d: {  	s3 =	simm.s32 $0x108;
	s8 =	sld [smem:$0x3FB0]  }
0x2e: {  	s3 =	simm.s32 @!p0 $0x1082;
	s9 =	sld [smem:$0x3FB1]  }
0x2f: {  	lr =	sadd.s32 s0, s3;
	s0 =	sld [smem:$0x3FA8]  }
0x30: {  	s3 =	sld [smem:$0x3FAB]  }
0x31: {  	[smem:$0x3FB4] =	sst s10  }
0x32: {  	s10 =	sld [smem:$0x3FB2];
	_ =	sdelay $0x3  }
0x33: {  	p0 =	seq.s32 s10, $0x1;
	s10 =	sld [smem:$0x3FB4];
	_ =	sdelay $0x3  }
0x34: {  	[smem:$0x3FB4] =	sst s10  }
0x35: {  	s10 =	sld [smem:$0x3FB3];
	_ =	sdelay $0x3  }
0x36: {  	p1 =	seq.s32 s10, $0x1;
	s10 =	sld [smem:$0x3FB4];
	_ =	sdelay $0x3  }
0x37: {  	[smem:$0x3FB4] =	sst s10  }
0x38: {  	s10 =	sld [smem:$0x3FB5]  }
0x39: {  	_ = 	snop;
	(pc) =	sbr.ind lr, $3  }
0x3a: {  	_ = 	snop  }
0x3b: {  	_ = 	snop  }
0x3c: {  	p2 =	seq.s32 s10, $0x1;
	s10 =	sld [smem:$0x3FB4]  }
0x3d: {  	_ =	shalt  }
0x3e: {  	_ =	shalt  }
0x3f: {  	_ =	shalt  }
0x40: {  	_ =	shalt  }
0x41: {  	_ =	shalt  }
0x42: {  	_ =	shalt  }
0x43: {  	_ =	shalt  }
0x44: {  	_ =	shalt  }
0x45: {  	_ =	shalt  }
0x46: {  	_ =	shalt  }
0x47: {  	_ =	shalt  }
0x48: {  	_ =	shalt  }
0x49: {  	_ =	shalt  }
0x4a: {  	_ =	shalt  }
0x4b: {  	_ =	shalt  }
0x4c: {  	_ =	shalt  }
0x4d: {  	_ =	shalt  }
0x4e: {  	_ =	shalt  }
0x4f: {  	_ =	shalt  }
0x50: {  	_ =	shalt  }
0x51: {  	_ =	shalt  }
0x52: {  	_ =	shalt  }
0x53: {  	_ =	shalt  }
0x54: {  	_ =	shalt  }
0x55: {  	_ =	shalt  }
0x56: {  	_ =	shalt  }
0x57: {  	_ =	shalt  }
0x58: {  	_ =	shalt  }
0x59: {  	_ =	shalt  }
0x5a: {  	_ =	shalt  }
0x5b: {  	_ =	shalt  }
0x5c: {  	_ =	shalt  }
0x5d: {  	_ =	shalt  }
0x5e: {  	_ =	shalt  }
0x5f: {  	_ =	shalt  }
0x60: {  	_ =	shalt  }
0x61: {  	_ =	shalt  }
0x62: {  	_ =	shalt  }
0x63: {  	_ =	shalt  }
0x64: {  	_ =	shalt  }
0x65: {  	_ =	shalt  }
0x66: {  	_ =	shalt  }
0x67: {  	_ =	shalt  }
0x68: {  	_ =	shalt  }
0x69: {  	_ =	shalt  }
0x6a: {  	_ =	shalt  }
0x6b: {  	_ =	shalt  }
0x6c: {  	_ =	shalt  }
0x6d: {  	_ =	shalt  }
0x6e: {  	_ =	shalt  }
0x6f: {  	_ =	shalt  }
0x70: {  	_ =	shalt  }
0x71: {  	_ =	shalt  }
0x72: {  	_ =	shalt  }
0x73: {  	_ =	shalt  }
0x74: {  	_ =	shalt  }
0x75: {  	_ =	shalt  }
0x76: {  	_ =	shalt  }
0x77: {  	_ =	shalt  }
0x78: {  	_ =	shalt  }
0x79: {  	_ =	shalt  }
0x7a: {  	_ =	shalt  }
0x7b: {  	_ =	shalt  }
0x7c: {  	_ =	shalt  }
0x7d: {  	_ =	shalt  }
0x7e: {  	_ =	shalt  }
0x7f: {  	_ =	shalt  }
0x80: {  	_ =	shalt  }
0x81: {  	_ =	shalt  }
0x82: {  	_ =	shalt  }
0x83: {  	_ =	shalt  }
0x84: {  	_ =	shalt  }
0x85: {  	_ =	shalt  }
0x86: {  	_ =	shalt  }
0x87: {  	_ =	shalt  }
.Lfunc_end0:
.L_simem_size_0:
called_computation_lowered:
.L_overlay_start_0:
0x88: {  	s2 =	sld [smem:$0x3FD9]  }
0x89: {  	s3 =	sld [smem:$0x3FFE];
	_ =	sdelay $0x1  }
0x8a: {  	s1 =	srdreg.scid  }
0x8b: {  	s0 =	sand.u32 $0x1, s1  }
0x8c: {  	s14 =	sshll.u32 s0, $0xA;
	s2 =	sadd.s32 s3, s2  }
0x8d: {  	s2 =	sadd.s32 s2, s14  }
0x8e: {  	[smem:$0x3FC0] =	sst s2  }
0x8f: {  	_ = 	snop  }
0x90: {  	s2 =	sld [smem:$0x3FD0];
	_ =	sdelay $0x2  }
0x91: {  	s15 =	simm.s32 $0xA;
	s4 =	simm.s32 $0x10  }
0x92: {  	[smem:s4], [sflag:s15] =	dma.local [hbm:s2], $0x1  }
0x93: {  	_ =	swait.eq [sflag:s15], $0x1  }
0x94: {  	[sflag:s15] =	ssyncset.done $0x0  }
0x95: {  	s16 =	sld [smem:$0x10];
	[sflag:s15] =	ssyncadd.s32 $0xFFFFFFFF  }
0x96: {  	s17 =	sld [smem:$0x12];
	(tm) =	ssettm $0x1  }
0x97: {  	s18 =	sld [smem:$0x3FFB];
	_ =	sdelay $0x3  }
0x98: {  	_ =	strace s18  }
0x99: {  	s4 =	sld [smem:$0x3FFC];
	_ =	sdelay $0x3  }
0x9a: {  	_ =	strace s4  }
0x9b: {  	s4 =	sld [smem:$0x3FFD];
	_ =	sdelay $0x3  }
0x9c: {  	_ =	strace s4  }
0x9d: {  	_ =	strace $0x8FFFFFFF  }
0x9e: {  	s19 =	sld [smem:$0x3FDB];
	_ =	sdelay $0x1  }
0x9f: {  	s5 =	simm.s32 $_scs_section_size  }
0xa0: {  	s6 =	simm.s32 $_size__tile_overlayer_lowered;
	s7 =	simm.s32 $_tile_overlayer_lowered  }
0xa1: {  	s22 =	simm.s32 $0x1BFF;
	s21 =	sshll.u32 s7, $0x1;
	s4 =	sadd.s32 s5, s19  }
0xa2: {  	s8 =	simm.s32 $0x0;
	s20 =	sshll.u32 s6, $0x1;
	s6 =	sadd.s32 s21, s4  }
0xa3: {  	[timem:s8], [sflag:s22] =	dma.local [hbm:s6], s20  }
0xa4: {  	_ =	swait.ge [sflag:s22], s20  }
0xa5: {  	s5 =	ssub.s32 $0x0, s20;
	[sflag:s22] =	ssyncset.done $0x0  }
0xa6: {  	[sflag:s22] =	ssyncadd.s32 s5;
	_ =	sdelay $0x1  }
0xa7: {  	s23 =	simm.s32 $0x1B8B  }
0xa8: {  	_ =	swait.ge [sflag:s23], $0x1  }
0xa9: {  	[sflag:s23] =	ssyncset.done $0x0  }
0xaa: {  	s25 =	simm.s32 $0x1B8E;
	s24 =	sld [smem:$0x3FFE];
	[sflag:s23] =	ssyncadd.s32 $0xFFFFFFFF  }
0xab: {  	s26 =	simm.s32 $execute0_lowered;
	[smem:$0x3FD2] =	sst s25  }
0xac: {  	s6 =	sshll.u32 s26, $0x1;
	_ =	strace $0x80000046;
	[dreg:$0x1] =	wrdreg $0xFFFFFFFF  }
0xad: {  	s28 =	simm.s32 $_size_execute0_lowered;
	s4 =	sadd.s32 s4, s6;
	[dreg:$0x0] =	wrdreg $0x0  }
0xae: {  	s6 =	sshll.u32 s28, $0x1;
	[dreg:$0x2] =	wrdreg s4  }
0xaf: {  	[dreg:$0x3] =	wrdreg s6  }
0xb0: {  	[dreg:$0x4] =	wrdreg $0xC0  }
0xb1: {  	_ =	task [dreg:s8], $0x5FFFF  }
0xb2: {  	[dreg:$0x1] =	wrdreg $0xFFFFFFFF  }
0xb3: {  	[dreg:$0x0] =	wrdreg $0x60  }
0xb4: {  	[dreg:$0x2] =	wrdreg s24  }
0xb5: {  	[dreg:$0x3] =	wrdreg s16  }
0xb6: {  	[dreg:$0x4] =	wrdreg s17  }
0xb7: {  	[dreg:$0x5] =	wrdreg $0x9  }
0xb8: {  	_ =	task.clear_ibuf [dreg:s8], $0x6FFFF;
	_ =	strace $0x90000046  }
0xb9: {  	s29 =	simm.s32 $0x9;
	_ =	strace $0x80000048  }
0xba: {  	_ =	swait.ge [sflag:s29], $0x1  }
0xbb: {  	[sflag:s29] =	ssyncadd.s32 $0xFFFFFFFF  }
0xbc: {  	_ =	strace $0x90000048  }
0xbd: {  	_ =	sfence  }
0xbe: {  	s30 =	sld [smem:$0x0];
	_ =	sdelay $0x2  }
0xbf: {  	s31 =	sshll.u32 s1, $0xD;
	s1 =	sshrl.u32 s1, $0x2  }
0xc0: {  	s3 =	sand.u32 $0x4000, s31;
	s1 =	sadd.s32 s1, s30  }
0xc1: {  	s0 =	sor.u32 s3, s0;
	s1 =	sshll.u32 s1, $0x11  }
0xc2: {  	s0 =	sor.u32 s1, s0  }
0xc3: {  	s0 =	sadd.s32 $0x8F2B, s0  }
0xc4: {  	[sflag:s0] =	ssyncadd.remote.s32 $0x1  }
0xc5: {  	_ =	sfence.sel $0xFFFF  }
0xc6: {  	[dreg:$0x0] =	wrdreg $0xFFFFFFFF;
	(pc) =	sbr.abs _section_cstart, $3  }
0xc7: {  	[dreg:$0x1] =	wrdreg $0xFFFFFFFF  }
0xc8: {  	_ =	task.clear_ibuf [dreg:s8], $0x2FFFF;
	_ =	strace $0x9FFFFFFF  }
0xc9: {  	(tm) =	ssettm $0x7FFFFFFF  }
tec
execute0_lowered:
.L_overlay_start_1:
0x0: {  	(tag) =	ssettag $0x1  }
0x1: {  	s1 =	rddreg [dreg:$0x0]  }
0x2: {  	s2 =	srdreg.scid;
	s0 =	rddreg [dreg:$0x1]  }
0x3: {  	s3 =	stileid.u32;
	s13 =	simm.s32 $0x1000;
	s28 =	simm.s32 $0x3000  }
0x4: {  	v0 =	vimm.s32 $0xEFCDAB89;
	v1 =	vimm.s32 $0x67452301;
	s31 =	simm.s32 $0xA000;
	s30 =	simm.s32 $0x0;
	s6 =	sand.u32 $0x1, s2  }
0x5: {  	v2 =	vimm.s32 $0xDCFE98BA;
	v3 =	vimm.s32 $0x54761032;
	s2 =	rddreg [dreg:$0x2];
	s4 =	sshll.u32 s3, $0xC;
	s3 =	simm.s32 $0x0  }
0x6: {  	v4 =	vimm.s32 $0xBA98FEDC;
	s8 =	sadd.s32 $0x1600, s1;
	s9 =	sadd.s32 $0xD600, s1;
	s5 =	sshll.u32 s6, $0xB  }
0x7: {  	v5 =	vimm.s32 $0x32107654;
	v6 =	vimm.s32 $0xFEDCBA98;
	[smem:$0x7FF] =	sst s3;
	s10 =	ssub.s32 $0x2, s6;
	s6 =	sadd.s32 $0x19600, s1  }
0x8: {  	v7 =	vimm.s32 $0x76543210;
	vm0 =	vmmov $0x1;
	s4 =	sor.u32 s5, s4;
	_ =	strace $0x80000047;
	s5 =	sadd.s32 $0x3C4C00, s1  }
0x9: {  	vm1 =	vcmask $0x308;
	vm2 =	vcmask $0x70C;
	vm3 =	vcmask $0xB10;
	s20 =	sshrl.u32 s10, $0x1;
	s7 =	sshll.u32 s4, $0x4;
	s11 =	sshrl.u32 s4, $0x3  }
0xa: {  	vm4 =	vcmask $0xF14;
	vm5 =	vcmask $0x1318;
	vm6 =	vcmask $0x171C;
	s7 =	sadd.s32 s7, s1;
	s1 =	ssub.s32 s10, s20;
	s21 =	sadd.s32 s8, s11  }
0xb: {  	v0 =	vunpack.c.l.s4.s8 v0;
	v1 =	vunpack.c.l.s4.s8 v1;
	v2 =	vunpack.c.l.s4.s8 v2;
	s22 =	sor.u32 $0x2000, s11;
	s12 =	sadd.s32 s9, s11;
	s14 =	sor.u32 $0x6000, s11  }
0xc: {  	v3 =	vunpack.c.l.s4.s8 v3;
	v4 =	vunpack.c.l.s4.s8 v4;
	v5 =	vunpack.c.l.s4.s8 v5;
	s16 =	sor.u32 $0x8000, s11;
	s18 =	sor.u32 $0xA000, s11;
	[dreg:$0x4] =	wrdreg s21  }
0xd: {  	v6 =	vunpack.c.l.s4.s8 v6;
	v0 =	vunpack.c.0.s8.s32 v0;
	v1 =	vunpack.c.0.s8.s32 v1;
	s19 =	sadd.s32 s0, s11;
	[dreg:$0x5] =	wrdreg s12;
	s23 =	sadd.s32 s8, s22  }
0xe: {  	v7 =	vunpack.c.l.s4.s8 v7;
	v2 =	vunpack.c.0.s8.s32 v2;
	v3 =	vunpack.c.0.s8.s32 v3;
	s21 =	sor.u32 $0x4000, s11;
	s24 =	sadd.s32 s9, s22;
	s29 =	sadd.s32 s8, s14  }
0xf: {  	v4 =	vunpack.c.0.s8.s32 v4;
	v5 =	vunpack.c.0.s8.s32 v5;
	v0 =	vcombine.low v1, v0;
	s14 =	sadd.s32 s9, s14;
	s15 =	sadd.s32 s8, s16;
	s16 =	sadd.s32 s9, s16  }
0x10: {  	vm7 =	vcmask $0x1B20;
	v60 =	vunpack.c.0.s8.s32 v6;
	v55 =	vcombine.low v3, v2;
	s17 =	sadd.s32 s8, s18;
	s18 =	sadd.s32 s9, s18;
	s20 =	sadd.s32 s0, s22  }
0x11: {  	v62 =	vunpack.c.0.s8.s32 v7;
	v61 =	vcombine.low v5, v4;
	s22 =	sadd.s32 $0xC4C00, s7;
	s12 =	simm.s32 $0x800;
	[dreg:$0x6] =	wrdreg s23;
	v59 =	vand.u32 $0xF, v0  }
0x12: {  	vm8 =	vcmask $0x1F24;
	v63 =	vand.u32 $0xF, v60;
	[dreg:$0x7] =	wrdreg s24;
	s25 =	sadd.s32 s8, s21;
	s26 =	sadd.s32 s9, s21;
	v53 =	vand.u32 $0xF, v55;
	[tilespmem:$0x1FFC0] =	vst v59  }
0x13: {  	vm9 =	vcmask $0x2328;
	v32 =	vcombine.low v63, v62;
	[dreg:$0xa] =	wrdreg s29;
	s21 =	sadd.s32 s0, s21;
	s23 =	sadd.s32 $0xC5400, s7;
	v25 =	vand.u32 $0xF, v61;
	[tilespmem:$0x1FFD0] =	vst v53  }
0x14: {  	vm10 =	vcmask $0x272C;
	vm11 =	vcmask $0x2B30;
	vm12 =	vcmask $0x2F34;
	s24 =	smax.u32 s1, $0x1;
	s1 =	simm.s32 $0x80;
	[dreg:$0x8] =	wrdreg s25;
	[tilespmem:$0x1FFE0] =	vst v25  }
0x15: {  	vm13 =	vcmask $0x3338;
	vm14 =	vcmask $0x373C;
	vm15 =	vmmov $0x7fff;
	s0 =	simm.s32 $0x6000;
	[dreg:$0x9] =	wrdreg s26;
	s25 =	simm.s32 $0x3;
	[tilespmem:$0x1FFF0] =	vst v32  }
.LBB2_1:
0x16: {  	s7 =	rddreg [dreg:$0x4]  }
0x17: {  	[tilespmem:s3], [sflag:$0x3] =	stream.linear.gather [hbm4b:s7+s3], $0x800, $0x38;
	[tilespmem:$0x1E800] =	vst v63  }
0x18: {  	_ =	swait.ge [sflag:s25], $0x800  }
0x19: {  	[sflag:s25] =	ssyncset.done $0x0  }
0x1a: {  	s11 =	rddreg [dreg:$0x5];
	[sflag:s25] =	ssyncadd.s32 $0xFFFFF800  }
0x1b: {  	[tilespmem:s28], [sflag:$0x3] =	stream.linear.gather [hbm4b:s11+s3], $0x800, $0x38;
	[tilespmem:$0x1E800] =	vst v63  }
0x1c: {  	_ =	swait.ge [sflag:s25], $0x800  }
0x1d: {  	[sflag:s25] =	ssyncset.done $0x0  }
0x1e: {  	s26 =	rddreg [dreg:$0x6];
	[sflag:s25] =	ssyncadd.s32 $0xFFFFF800  }
0x1f: {  	[tilespmem:s12], [sflag:$0x3] =	stream.linear.gather [hbm4b:s26+s3], $0x800, $0x38;
	[tilespmem:$0x1E800] =	vst v63  }
0x20: {  	_ =	swait.ge [sflag:s25], $0x800  }
0x21: {  	[sflag:s25] =	ssyncset.done $0x0  }
0x22: {  	s8 =	simm.s32 $0x3800;
	s29 =	rddreg [dreg:$0x7];
	[sflag:s25] =	ssyncadd.s32 $0xFFFFF800  }
0x23: {  	[tilespmem:s8], [sflag:$0x3] =	stream.linear.gather [hbm4b:s29+s3], $0x800, $0x38;
	[tilespmem:$0x1E800] =	vst v63  }
0x24: {  	_ =	swait.ge [sflag:s25], $0x800  }
0x25: {  	[sflag:s25] =	ssyncset.done $0x0  }
0x26: {  	s9 =	rddreg [dreg:$0x8];
	[sflag:s25] =	ssyncadd.s32 $0xFFFFF800  }
0x27: {  	[tilespmem:s13], [sflag:$0x3] =	stream.linear.gather [hbm4b:s9+s3], $0x800, $0x38;
	[tilespmem:$0x1E800] =	vst v63  }
0x28: {  	_ =	swait.ge [sflag:s25], $0x800  }
0x29: {  	[sflag:s25] =	ssyncset.done $0x0  }
0x2a: {  	s11 =	simm.s32 $0x4000;
	s10 =	rddreg [dreg:$0x9];
	[sflag:s25] =	ssyncadd.s32 $0xFFFFF800  }
0x2b: {  	[tilespmem:s11], [sflag:$0x3] =	stream.linear.gather [hbm4b:s10+s3], $0x800, $0x38;
	[tilespmem:$0x1E800] =	vst v63  }
0x2c: {  	_ =	swait.ge [sflag:s25], $0x800  }
0x2d: {  	[sflag:s25] =	ssyncset.done $0x0  }
0x2e: {  	s29 =	simm.s32 $0x1800;
	s26 =	rddreg [dreg:$0xa];
	[sflag:s25] =	ssyncadd.s32 $0xFFFFF800  }
0x2f: {  	[tilespmem:s29], [sflag:$0x3] =	stream.linear.gather [hbm4b:s26+s3], $0x800, $0x38;
	[tilespmem:$0x1E800] =	vst v63  }
0x30: {  	_ =	swait.ge [sflag:s25], $0x800  }
0x31: {  	[sflag:s25] =	ssyncset.done $0x0  }
0x32: {  	s9 =	simm.s32 $0x4800;
	[sflag:s25] =	ssyncadd.s32 $0xFFFFF800  }
0x33: {  	[tilespmem:s9], [sflag:$0x3] =	stream.linear.gather [hbm4b:s14+s3], $0x800, $0x38;
	[tilespmem:$0x1E800] =	vst v63  }
0x34: {  	_ =	swait.ge [sflag:s25], $0x800  }
0x35: {  	[sflag:s25] =	ssyncset.done $0x0  }
0x36: {  	s10 =	simm.s32 $0x2000;
	[sflag:s25] =	ssyncadd.s32 $0xFFFFF800  }
0x37: {  	[tilespmem:s10], [sflag:$0x3] =	stream.linear.gather [hbm4b:s15+s3], $0x800, $0x38;
	[tilespmem:$0x1E800] =	vst v63  }
0x38: {  	_ =	swait.ge [sflag:s25], $0x800  }
0x39: {  	[sflag:s25] =	ssyncset.done $0x0  }
0x3a: {  	s11 =	simm.s32 $0x5000;
	[sflag:s25] =	ssyncadd.s32 $0xFFFFF800  }
0x3b: {  	[tilespmem:s11], [sflag:$0x3] =	stream.linear.gather [hbm4b:s16+s3], $0x800, $0x38;
	[tilespmem:$0x1E800] =	vst v63  }
0x3c: {  	_ =	swait.ge [sflag:s25], $0x800  }
0x3d: {  	[sflag:s25] =	ssyncset.done $0x0  }
0x3e: {  	s26 =	simm.s32 $0x2800;
	[sflag:s25] =	ssyncadd.s32 $0xFFFFF800  }
0x3f: {  	[tilespmem:s26], [sflag:$0x3] =	stream.linear.gather [hbm4b:s17+s3], $0x800, $0x38;
	[tilespmem:$0x1E800] =	vst v63  }
0x40: {  	_ =	swait.ge [sflag:s25], $0x800  }
0x41: {  	[sflag:s25] =	ssyncset.done $0x0  }
0x42: {  	s29 =	simm.s32 $0x5800;
	[sflag:s25] =	ssyncadd.s32 $0xFFFFF800  }
0x43: {  	[tilespmem:s29], [sflag:$0x3] =	stream.linear.gather [hbm4b:s18+s3], $0x800, $0x38;
	[tilespmem:$0x1E800] =	vst v63  }
0x44: {  	_ =	swait.ge [sflag:s25], $0x800  }
0x45: {  	[sflag:s25] =	ssyncset.done $0x0  }
0x46: {  	[sflag:s25] =	ssyncadd.s32 $0xFFFFF800  }
0x47: {  	v0 =	vld [tilespmem:s3+$0x0]  }
0x48: {  	p0 =	por $0x1, $0x1;
	s7 =	simm.s32 $0x0;
	s8 =	simm.s32 $0xFFFFFFFD  }
0x49: {  	s8 =	smov.u32 @p0 s7  }
0x4a: {  	s8 =	smul.u32 $0xC350, s8;
	_ =	sdelay $0x1  }
0x4b: {  	v0 =	vadd.s32 s8, v0  }
0x4c: {  	[tilespmem:s3+$0x0] =	vst v0  }
0x4d: {  	v0 =	vld [tilespmem:s28+$0x0];
	_ =	sdelay $0x4  }
0x4e: {  	s7 =	simm.s32 $0x1;
	s9 =	simm.s32 $0x0;
	v0 =	vadd.s32 s8, v0;
	s8 =	simm.s32 $0x3000  }
.LBB2_2:
0x4f: {  	p0 =	sne.s32 s7, $0x2FF;
	[tilespmem:s8+$0x0] =	vst v0;
	s9 =	sadd.s32 $0x10, s9;
	s8 =	sadd.s32 $0x10, s8  }
0x50: {  	s10 =	sshrl.u32 s7, $0x7;
	s11 =	smov.u32 s7;
	s7 =	sadd.s32 $0x1, s7;
	v0 =	vld [tilespmem:s9+$0x0]  }
0x51: {  	s26 =	sadd.s32 $0xFFFFFFFD, s10;
	p1 =	slt.u32 s11, $0x180  }
0x52: {  	s26 =	smov.u32 @p1 s10  }
0x53: {  	s10 =	smul.u32 $0xC350, s26;
	_ =	sdelay $0x1  }
0x54: {  	v0 =	vadd.s32 s10, v0  }
0x55: {  	[tilespmem:s9+$0x0] =	vst v0  }
0x56: {  	v0 =	vld [tilespmem:s8+$0x0]  }
.Ltmp0:
0x57: {  	(pc) =	sbr.rel @p0 .LBB2_2-.Ltmp0, $2  }
0x58: {  	_ =	sdelay $0x2  }
0x59: {  	v0 =	vadd.s32 s10, v0  }
0x5a: {  	[tilespmem:s8+$0x0] =	vst v0;
	s26 =	simm.s32 $0x0  }
0x5b: {  	[tilespmem:s0], [sflag:$0x1] =	stream.indirect.gather [hbm4b:s5+s1], $0x80, s26, s1, $0xb8;
	[tilespmem:$0x1E800] =	vst v63  }
0x5c: {  	s7 =	simm.s32 $0xE000  }
0x5d: {  	[tilespmem:s7], [sflag:$0x1] =	stream.indirect.gather [hbm4b:s5+s1], $0x80, s28, s1, $0xb8;
	[tilespmem:$0x1E800] =	vst v63  }
0x5e: {  	s11 =	simm.s32 $0x3080  }
0x5f: {  	[tilespmem:s31], [sflag:$0x2] =	stream.indirect.gather [hbm4b:s5+s1], $0x80, s1, s1, $0xb8;
	[tilespmem:$0x1E800] =	vst v63  }
0x60: {  	s29 =	simm.s32 $0x12000;
	p0 =	por $0x0, $0x0;
	s7 =	simm.s32 $0x0  }
0x61: {  	[tilespmem:s29], [sflag:$0x2] =	stream.indirect.gather [hbm4b:s5+s1], $0x80, s11, s1, $0xb8;
	[tilespmem:$0x1E800] =	vst v63  }
.LBB2_4:
0x62: {  	s9 =	simm.s32 $0x1;
	s8 =	sand.u32 $0x1, s7  }
0x63: {  	s10 =	simm.s32 $0x1;
	s9 =	simm.s32 @!p0 $0x0;
	p1 =	seq.s32 s8, $0x0  }
0x64: {  	s9 =	sshll.u32 s9, $0xE;
	s10 =	simm.s32 @!p1 $0x2  }
0x65: {  	s11 =	sadd.s32 $0x67B0, s9;
	_ =	swait.ge [sflag:s10], $0x4000  }
0x66: {  	s9 =	sadd.s32 $0xE440, s9;
	[sflag:s10] =	ssyncset.done $0x0;
	v5 =	vmov s11  }
0x67: {  	v4 =	vmov s9;
	[sflag:s10] =	ssyncadd.s32 $0xFFFFC000  }
0x68: {  	_ =	swait.ge [sflag:s10], $0x4000  }
0x69: {  	[sflag:s10] =	ssyncset.done $0x0  }
0x6a: {  	[sflag:s10] =	ssyncadd.s32 $0xFFFFC000;
	s10 =	simm.s32 $0x0  }
0x6b: {  	v0 =	vld.idx.msk [tilespmem:v5+s10+$0x0 ss:$0x1], $0xffff  }
0x6c: {  	v1 =	vld.idx.msk [tilespmem:v4+s10+$0x3B0 ss:$0x1], $0xffff  }
0x6d: {  	v10 =	vld.idx.msk [tilespmem:v5+s10+$0xFFFFFF80 ss:$0x1], $0xffff  }
0x6e: {  	v9 =	vld.idx.msk [tilespmem:v4+s10+$0x330 ss:$0x1], $0xffff  }
0x6f: {  	v8 =	vld.idx.msk [tilespmem:v5+s10+$0xFFFFFFF0 ss:$0x1], $0xffff  }
0x70: {  	v12 =	vld.idx.msk [tilespmem:v4+s10+$0x3A0 ss:$0x1], $0xffff  }
0x71: {  	v14 =	vld.idx.msk [tilespmem:v5+s10+$0xFFFFFF00 ss:$0x1], $0xffff  }
0x72: {  	v15 =	vld.idx.msk [tilespmem:v4+s10+$0x2B0 ss:$0x1], $0xffff  }
0x73: {  	v16 =	vld.idx.msk [tilespmem:v5+s10+$0xFFFFFF70 ss:$0x1], $0xffff  }
0x74: {  	v17 =	vld.idx.msk [tilespmem:v4+s10+$0x320 ss:$0x1], $0xffff  }
0x75: {  	v18 =	vld.idx.msk [tilespmem:v5+s10+$0xFFFFFFD0 ss:$0x1], $0xffff  }
0x76: {  	v19 =	vld.idx.msk [tilespmem:v4+s10+$0x380 ss:$0x1], $0xffff  }
0x77: {  	v20 =	vld.idx.msk [tilespmem:v5+s10+$0xFFFFFFE0 ss:$0x1], $0xffff  }
0x78: {  	v21 =	vld.idx.msk [tilespmem:v4+s10+$0x390 ss:$0x1], $0xffff  }
0x79: {  	v47 =	vld.idx.msk [tilespmem:v5+s10+$0xFFFFFE80 ss:$0x1], $0xffff  }
0x7a: {  	v41 =	vld.idx.msk [tilespmem:v4+s10+$0x230 ss:$0x1], $0xffff  }
0x7b: {  	v24 =	vld.idx.msk [tilespmem:v5+s10+$0xFFFFFEF0 ss:$0x1], $0xffff  }
0x7c: {  	v2 =	vld.idx.msk [tilespmem:v4+s10+$0x2A0 ss:$0x1], $0xffff  }
0x7d: {  	v26 =	vld.idx.msk [tilespmem:v5+s10+$0xFFFFFF50 ss:$0x1], $0xffff  }
0x7e: {  	v27 =	vld.idx.msk [tilespmem:v4+s10+$0x300 ss:$0x1], $0xffff  }
0x7f: {  	v28 =	vld.idx.msk [tilespmem:v5+s10+$0xFFFFFF60 ss:$0x1], $0xffff  }
0x80: {  	v29 =	vld.idx.msk [tilespmem:v4+s10+$0x310 ss:$0x1], $0xffff  }
0x81: {  	v3 =	vld.idx.msk [tilespmem:v5+s10+$0xFFFFFE00 ss:$0x1], $0xffff  }
0x82: {  	v56 =	vld.idx.msk [tilespmem:v4+s10+$0x1B0 ss:$0x1], $0xffff  }
0x83: {  	v33 =	vld.idx.msk [tilespmem:v4+s10+$0x220 ss:$0x1], $0xffff  }
0x84: {  	v34 =	vld.idx.msk [tilespmem:v5+s10+$0xFFFFFED0 ss:$0x1], $0xffff  }
0x85: {  	v35 =	vld.idx.msk [tilespmem:v4+s10+$0x280 ss:$0x1], $0xffff  }
0x86: {  	v36 =	vld.idx.msk [tilespmem:v5+s10+$0xFFFFFEE0 ss:$0x1], $0xffff  }
0x87: {  	v37 =	vld.idx.msk [tilespmem:v4+s10+$0x290 ss:$0x1], $0xffff  }
0x88: {  	v6 =	vld.idx.msk [tilespmem:v5+s10+$0xFFFFFD80 ss:$0x1], $0xffff  }
0x89: {  	v42 =	vld.idx.msk [tilespmem:v5+s10+$0xFFFFFE50 ss:$0x1], $0xffff  }
0x8a: {  	v43 =	vld.idx.msk [tilespmem:v4+s10+$0x200 ss:$0x1], $0xffff  }
0x8b: {  	v44 =	vld.idx.msk [tilespmem:v5+s10+$0xFFFFFE60 ss:$0x1], $0xffff  }
0x8c: {  	v45 =	vld.idx.msk [tilespmem:v4+s10+$0x210 ss:$0x1], $0xffff  }
0x8d: {  	v49 =	vld.idx.msk [tilespmem:v4+s10+$0x120 ss:$0x1], $0xffff  }
0x8e: {  	v50 =	vld.idx.msk [tilespmem:v5+s10+$0xFFFFFDD0 ss:$0x1], $0xffff  }
0x8f: {  	v51 =	vld.idx.msk [tilespmem:v4+s10+$0x180 ss:$0x1], $0xffff  }
0x90: {  	v52 =	vld.idx.msk [tilespmem:v5+s10+$0xFFFFFDE0 ss:$0x1], $0xffff  }
0x91: {  	[tilespmem:$0x1FCD0] =	vst v6;
	v6 =	vld.idx.msk [tilespmem:v4+s10+$0x130 ss:$0x1], $0xffff  }
0x92: {  	v53 =	vld.idx.msk [tilespmem:v4+s10+$0x190 ss:$0x1], $0xffff  }
0x93: {  	v54 =	vld.idx.msk [tilespmem:v5+s10+$0xFFFFFC80 ss:$0x1], $0xffff  }
0x94: {  	v55 =	vld.idx.msk [tilespmem:v4+s10+$0x30 ss:$0x1], $0xffff  }
0x95: {  	v57 =	vld.idx.msk [tilespmem:v4+s10+$0xA0 ss:$0x1], $0xffff  }
0x96: {  	[tilespmem:$0x1FCE0] =	vst v6;
	v6 =	vld.idx.msk [tilespmem:v5+s10+$0xFFFFFDF0 ss:$0x1], $0xffff  }
0x97: {  	v58 =	vld.idx.msk [tilespmem:v5+s10+$0xFFFFFD50 ss:$0x1], $0xffff  }
0x98: {  	v59 =	vld.idx.msk [tilespmem:v4+s10+$0x100 ss:$0x1], $0xffff  }
0x99: {  	v60 =	vld.idx.msk [tilespmem:v5+s10+$0xFFFFFD60 ss:$0x1], $0xffff  }
0x9a: {  	v61 =	vld.idx.msk [tilespmem:v4+s10+$0x110 ss:$0x1], $0xffff  }
0x9b: {  	[tilespmem:$0x1FCF0] =	vst v6;
	v6 =	vld.idx.msk [tilespmem:v4+s10+$0x1A0 ss:$0x1], $0xffff  }
0x9c: {  	v62 =	vld.idx.msk [tilespmem:v5+s10+$0xFFFFFC70 ss:$0x1], $0xffff  }
0x9d: {  	v63 =	vld.idx.msk [tilespmem:v4+s10+$0x20 ss:$0x1], $0xffff  }
0x9e: {  	v46 =	vld.idx.msk [tilespmem:v5+s10+$0xFFFFFCD0 ss:$0x1], $0xffff  }
0x9f: {  	v38 =	vld.idx.msk [tilespmem:v4+s10+$0x80 ss:$0x1], $0xffff  }
0xa0: {  	[tilespmem:$0x1FD00] =	vst v6;
	v6 =	vld.idx.msk [tilespmem:v5+s10+$0xFFFFFD00 ss:$0x1], $0xffff  }
0xa1: {  	v31 =	vld.idx.msk [tilespmem:v5+s10+$0xFFFFFCE0 ss:$0x1], $0xffff  }
0xa2: {  	v30 =	vld.idx.msk [tilespmem:v4+s10+$0x90 ss:$0x1], $0xffff  }
0xa3: {  	v40 =	vld.idx.msk [tilespmem:v5+s10+$0xFFFFFC50 ss:$0x1], $0xffff  }
0xa4: {  	v22 =	vld.idx.msk [tilespmem:v4+s10+$0x0 ss:$0x1], $0xffff  }
0xa5: {  	[tilespmem:$0x1FD20] =	vst v6;
	v6 =	vld.idx.msk [tilespmem:v4+s10+$0xB0 ss:$0x1], $0xffff  }
0xa6: {  	v13 =	vld.idx.msk [tilespmem:v5+s10+$0xFFFFFC60 ss:$0x1], $0xffff  }
0xa7: {  	v11 =	vld.idx.msk [tilespmem:v4+s10+$0x10 ss:$0x1], $0xffff  }
0xa8: {  	v39 =	vld.idx.msk [tilespmem:v5+s10+$0xFFFFFBD0 ss:$0x1], $0xffff  }
0xa9: {  	v23 =	vld.idx.msk [tilespmem:v5+s10+$0xFFFFFBE0 ss:$0x1], $0xffff  }
0xaa: {  	[tilespmem:$0x1FD30] =	vst v6;
	v6 =	vld.idx.msk [tilespmem:v5+s10+$0xFFFFFD70 ss:$0x1], $0xffff  }
0xab: {  	v7 =	vld.idx.msk [tilespmem:v4+s10+$0xFFFFFF90 ss:$0x1], $0xffff  }
0xac: {  	v48 =	vld.idx.msk [tilespmem:v5+s10+$0xFFFFFA80 ss:$0x1], $0xffff  }
0xad: {  	[tilespmem:$0x1FCC0] =	vst v3;
	v3 =	vld.idx.msk [tilespmem:v5+s10+$0xFFFFFE70 ss:$0x1], $0xffff  }
0xae: {  	v8 =	vmul.f32 v12, v8;
	v12 =	vld.idx.msk [tilespmem:v4+s10+$0xFFFFFE30 ss:$0x1], $0xffff  }
0xaf: {  	[tilespmem:$0x1FD10] =	vst v6;
	v6 =	vld.idx.msk [tilespmem:v5+s10+$0xFFFFFCF0 ss:$0x1], $0xffff  }
0xb0: {  	v18 =	vmul.f32 v19, v18;
	v19 =	vmul.f32 v21, v20;
	v20 =	vld.idx.msk [tilespmem:v5+s10+$0xFFFFFB50 ss:$0x1], $0xffff  }
0xb1: {  	v21 =	vmul.f32 v27, v26;
	v27 =	vld.idx.msk [tilespmem:v4+s10+$0xFFFFFF00 ss:$0x1], $0xffff  }
0xb2: {  	v16 =	vmul.f32 v17, v16;
	v17 =	vld.idx.msk [tilespmem:v4+s10+$0xFFFFFF10 ss:$0x1], $0xffff  }
0xb3: {  	v24 =	vmul.f32 v2, v24;
	v2 =	vld.idx.msk [tilespmem:v5+s10+$0xFFFFFAE0 ss:$0x1], $0xffff  }
0xb4: {  	[tilespmem:$0x1FD40] =	vst v6;
	v6 =	vld.idx.msk [tilespmem:v5+s10+$0xFFFFFC00 ss:$0x1], $0xffff  }
0xb5: {  	v9 =	vmul.f32 v9, v10;
	v10 =	vmul.f32 v15, v14;
	v15 =	vld [tilespmem:$0x1FFC0]  }
0xb6: {  	v14 =	vmul.f32 v45, v44;
	v44 =	vld.idx.msk [tilespmem:v5+s10+$0xFFFFF9F0 ss:$0x1], $0xffff  }
0xb7: {  	v26 =	vmul.f32 v29, v28;
	v28 =	vmul.f32 v35, v34;
	v34 =	vld.idx.msk [tilespmem:v4+s10+$0xFFFFFDA0 ss:$0x1], $0xffff  }
0xb8: {  	v45 =	vmul.f32 v55, v54;
	v54 =	vld.idx.msk [tilespmem:v5+s10+$0xFFFFF9D0 ss:$0x1], $0xffff  }
0xb9: {  	[tilespmem:$0x1FD90] =	vst v6;
	v6 =	vld.idx.msk [tilespmem:v4+s10+$0xFFFFFFB0 ss:$0x1], $0xffff  }
0xba: {  	v29 =	vmul.f32 v37, v36;
	v37 =	vld.idx.msk [tilespmem:v4+s10+$0xFFFFFD80 ss:$0x1], $0xffff  }
0xbb: {  	v11 =	vmul.f32 v11, v13;
	v13 =	vld.idx.msk [tilespmem:v4+s10+$0xFFFFFC30 ss:$0x1], $0xffff  }
0xbc: {  	v22 =	vmul.f32 v22, v40;
	v40 =	vld [tilespmem:$0x1FFC0]  }
0xbd: {  	v51 =	vmul.f32 v51, v50;
	v50 =	vld [tilespmem:$0x1FFD0]  }
0xbe: {  	[tilespmem:$0x1FDA0] =	vst v6;
	v6 =	vld.idx.msk [tilespmem:v5+s10+$0xFFFFFB80 ss:$0x1], $0xffff  }
0xbf: {  	v53 =	vmul.f32 v53, v52;
	v52 =	vld [tilespmem:$0x1FFD0]  }
0xc0: {  	v18 =	vadd.f32 v19, v18;
	v19 =	vld.idx.msk [tilespmem:v5+s10+$0xFFFFFB60 ss:$0x1], $0xffff  }
0xc1: {  	v21 =	vadd.f32 v26, v21;
	v26 =	vld.idx.msk [tilespmem:v4+s10+$0xFFFFFE90 ss:$0x1], $0xffff  }
0xc2: {  	v0 =	vmul.f32 v1, v0;
	v1 =	vadd.f32 v29, v28;
	v28 =	vld.idx.msk [tilespmem:v5+s10+$0xFFFFF980 ss:$0x1], $0xffff  }
0xc3: {  	[tilespmem:$0x1FDB0] =	vst v6;
	v6 =	vld.idx.msk [tilespmem:v4+s10+$0xFFFFFF30 ss:$0x1], $0xffff  }
0xc4: {  	v29 =	vld.idx.msk [tilespmem:v4+s10+$0xFFFFFD30 ss:$0x1], $0xffff  }
0xc5: {  	v8 =	vadd.f32 v8, v18;
	v18 =	vld.idx.msk [tilespmem:v5+s10+$0xFFFFFA00 ss:$0x1], $0xffff  }
0xc6: {  	v16 =	vadd.f32 v16, v21;
	v21 =	vld.idx.msk [tilespmem:v4+s10+$0xFFFFFDB0 ss:$0x1], $0xffff  }
0xc7: {  	v1 =	vadd.f32 v24, v1;
	v24 =	vld.idx.msk [tilespmem:v5+s10+$0xFFFFFAD0 ss:$0x1], $0xffff  }
0xc8: {  	[tilespmem:$0x1FDC0] =	vst v6;
	v6 =	vld.idx.msk [tilespmem:v5+s10+$0xFFFFFBF0 ss:$0x1], $0xffff  }
0xc9: {  	[tilespmem:$0x1FE00] =	vst v2;
	v2 =	vld [tilespmem:$0x1FCC0]  }
0xca: {  	v9 =	vadd.f32 v9, v16;
	v16 =	vld.idx.msk [tilespmem:v4+s10+$0xFFFFFE80 ss:$0x1], $0xffff  }
0xcb: {  	v1 =	vadd.f32 v10, v1;
	v10 =	vld [tilespmem:$0x1FFC0]  }
0xcc: {  	v0 =	vadd.f32 v0, v8;
	v8 =	vmul.f32 v43, v42;
	v43 =	vld.idx.msk [tilespmem:v4+s10+$0xFFFFFCB0 ss:$0x1], $0xffff  }
0xcd: {  	[tilespmem:$0x1FD50] =	vst v6;
	v6 =	vld.idx.msk [tilespmem:v4+s10+$0xFFFFFFA0 ss:$0x1], $0xffff  }
0xce: {  	v17 =	vmul.f32 v17, v19;
	v19 =	vld.idx.msk [tilespmem:v5+s10+$0xFFFFF950 ss:$0x1], $0xffff  }
0xcf: {  	v8 =	vadd.f32 v14, v8;
	v14 =	vmul.f32 v33, v3;
	v3 =	vld [tilespmem:$0x1FCE0]  }
0xd0: {  	v35 =	vmul.f32 v56, v2;
	v2 =	vld [tilespmem:$0x1FCD0]  }
0xd1: {  	v33 =	vld.idx.msk [tilespmem:v5+s10+$0xFFFFF900 ss:$0x1], $0xffff  }
0xd2: {  	[tilespmem:$0x1FD60] =	vst v6;
	v6 =	vld.idx.msk [tilespmem:v5+s10+$0xFFFFFB00 ss:$0x1], $0xffff  }
0xd3: {  	v18 =	vmul.f32 v21, v18;
	v21 =	vld.idx.msk [tilespmem:v4+s10+$0xFFFFFD10 ss:$0x1], $0xffff  }
0xd4: {  	v56 =	vld.idx.msk [tilespmem:v5+s10+$0xFFFFFA60 ss:$0x1], $0xffff  }
0xd5: {  	v42 =	vmul.f32 v3, v2;
	v2 =	vld [tilespmem:$0x1FCF0]  }
0xd6: {  	v3 =	vld [tilespmem:$0x1FD00]  }
0xd7: {  	[tilespmem:$0x1FDD0] =	vst v6;
	v6 =	vld.idx.msk [tilespmem:v4+s10+$0xFFFFFEB0 ss:$0x1], $0xffff  }
0xd8: {  	v8 =	vadd.f32 v14, v8;
	v14 =	vmul.f32 v41, v47;
	v47 =	vld [tilespmem:$0x1FFC0];
	v10 =	vperm.xlane v0, v10  }
0xd9: {  	v16 =	vmul.f32 v16, v24;
	v24 =	vmul.f32 v29, v28;
	v28 =	vld [tilespmem:$0x1FE00]  }
0xda: {  	v0 =	vadd.f32 v0, v10;
	v10 =	vld [tilespmem:$0x1FFC0]  }
0xdb: {  	v60 =	vmul.f32 v61, v60;
	v61 =	vmul.f32 v3, v2;
	v2 =	vld [tilespmem:$0x1FD10]  }
0xdc: {  	[tilespmem:$0x1FDE0] =	vst v6;
	v6 =	vld.idx.msk [tilespmem:v5+s10+$0xFFFFFB70 ss:$0x1], $0xffff  }
0xdd: {  	[tilespmem:$0x1FDF0] =	vst v48;
	v48 =	vadd.f32 v14, v8;
	v8 =	vld [tilespmem:$0x1FFD0]  }
0xde: {  	v15 =	vperm.xlane v9, v15;
	v14 =	vld [tilespmem:$0x1FFD0]  }
0xdf: {  	v3 =	vld [tilespmem:$0x1FD30]  }
0xe0: {  	v9 =	vadd.f32 v9, v15;
	v10 =	vperm.xlane v1, v10;
	v41 =	vmul.f32 v49, v2;
	v2 =	vld [tilespmem:$0x1FD20]  }
0xe1: {  	v38 =	vmul.f32 v38, v46;
	[tilespmem:$0x1FD70] =	vst v6;
	v6 =	vld.idx.msk [tilespmem:v4+s10+$0xFFFFFF20 ss:$0x1], $0xffff  }
0xe2: {  	v46 =	vmul.f32 v26, v28;
	v26 =	vld.idx.msk [tilespmem:v4+s10+$0xFFFFFCA0 ss:$0x1], $0xffff;
	v8 =	vperm.xlane v9, v8;
	v10 =	vadd.f32 v1, v10  }
0xe3: {  	v1 =	vld [tilespmem:$0x1FFD0]  }
0xe4: {  	v15 =	vperm.xlane v10, v14;
	v14 =	vadd.f32 v9, v8;
	v9 =	vld [tilespmem:$0x1FFC0]  }
0xe5: {  	v36 =	vadd.f32 v53, v51;
	v55 =	vmul.f32 v3, v2;
	v2 =	vld [tilespmem:$0x1FD40]  }
0xe6: {  	[tilespmem:$0x1FD80] =	vst v6;
	v6 =	vld.idx.msk [tilespmem:v4+s10+$0xFFFFFF80 ss:$0x1], $0xffff  }
0xe7: {  	v36 =	vadd.f32 v61, v36;
	v15 =	vadd.f32 v10, v15;
	v10 =	vmul.f32 v59, v58;
	v58 =	vld.idx.msk [tilespmem:v5+s10+$0xFFFFF970 ss:$0x1], $0xffff  }
0xe8: {  	v59 =	vld [tilespmem:$0x1FFD0]  }
0xe9: {  	v30 =	vmul.f32 v30, v31;
	v20 =	vmul.f32 v27, v20;
	v31 =	vadd.f32 v35, v36;
	v35 =	vld.idx.msk [tilespmem:v5+s10+$0xFFFFF880 ss:$0x1], $0xffff  }
0xea: {  	v11 =	vadd.f32 v11, v22;
	v61 =	vmul.f32 v57, v2;
	v22 =	vld [tilespmem:$0x1FD60]  }
0xeb: {  	v17 =	vadd.f32 v17, v20;
	v2 =	vmul.f32 v7, v23;
	v20 =	vld [tilespmem:$0x1FD70];
	v6 =	vmul.f32 v6, v39  }
0xec: {  	v23 =	vld [tilespmem:$0x1FD80]  }
0xed: {  	v2 =	vadd.f32 v2, v6;
	v6 =	vld [tilespmem:$0x1FD50]  }
0xee: {  	v10 =	vadd.f32 v60, v10;
	v60 =	vmul.f32 v63, v62;
	v62 =	vld [tilespmem:$0x1FFC0]  }
0xef: {  	v63 =	vld [tilespmem:$0x1FFC0]  }
0xf0: {  	v11 =	vadd.f32 v60, v11;
	v60 =	vld.idx.msk [tilespmem:v5+s10+$0xFFFFF8E0 ss:$0x1], $0xffff  }
0xf1: {  	v27 =	vld [tilespmem:$0x1FDA0];
	v20 =	vmul.f32 v23, v20  }
0xf2: {  	v3 =	vadd.f32 v30, v38;
	v30 =	vld [tilespmem:$0x1FDC0];
	v6 =	vmul.f32 v22, v6  }
0xf3: {  	v9 =	vperm.xlane v48, v9;
	v17 =	vadd.f32 v20, v17;
	v20 =	vld [tilespmem:$0x1FDB0]  }
0xf4: {  	v2 =	vadd.f32 v6, v2;
	v6 =	vld [tilespmem:$0x1FD90]  }
0xf5: {  	v9 =	vadd.f32 v48, v9;
	v48 =	vld [tilespmem:$0x1FFD0]  }
0xf6: {  	v36 =	vperm.xlane v31, v62;
	v62 =	vld [tilespmem:$0x1FFD0]  }
0xf7: {  	v49 =	vperm.xlane v9, v59;
	v59 =	vld [tilespmem:$0x1FFD0];
	v10 =	vadd.f32 v41, v10  }
0xf8: {  	v41 =	vld.idx.msk [tilespmem:v5+s10+$0xFFFFF9E0 ss:$0x1], $0xffff;
	v20 =	vmul.f32 v30, v20  }
0xf9: {  	v10 =	vadd.f32 v42, v10;
	v42 =	vld.idx.msk [tilespmem:v4+s10+$0xFFFFFC80 ss:$0x1], $0xffff;
	v6 =	vmul.f32 v27, v6  }
0xfa: {  	v17 =	vadd.f32 v20, v17;
	v20 =	vld [tilespmem:$0x1FFC0]  }
0xfb: {  	v2 =	vadd.f32 v6, v2;
	v6 =	vld [tilespmem:$0x1FFC0]  }
0xfc: {  	v38 =	vld.idx.msk [tilespmem:v5+s10+$0xFFFFF8D0 ss:$0x1], $0xffff  }
0xfd: {  	v11 =	vadd.f32 v45, v11;
	v7 =	vld.idx.msk [tilespmem:v5+s10+$0xFFFFF8F0 ss:$0x1], $0xffff;
	v3 =	vadd.f32 v61, v3  }
0xfe: {  	v23 =	vld.idx.msk [tilespmem:v5+s10+$0xFFFFF960 ss:$0x1], $0xffff  }
0xff: {  	v3 =	vadd.f32 v55, v3;
	v22 =	vld.idx.msk [tilespmem:v4+s10+$0xFFFFFD00 ss:$0x1], $0xffff;
	v20 =	vperm.xlane v11, v20  }
0x100: {  	v30 =	vld.idx.msk [tilespmem:v4+s10+$0xFFFFFC20 ss:$0x1], $0xffff;
	v6 =	vperm.xlane v10, v6  }
0x101: {  	v39 =	vperm.xlane v3, v63;
	v11 =	vadd.f32 v11, v20;
	v20 =	vld.idx.msk [tilespmem:v5+s10+$0xFFFFF850 ss:$0x1], $0xffff  }
0x102: {  	v45 =	vperm.xlane v2, v40;
	v6 =	vadd.f32 v10, v6;
	v10 =	vadd.f32 v31, v36;
	v31 =	vld.idx.msk [tilespmem:v4+s10+$0xFFFFFC00 ss:$0x1], $0xffff  }
0x103: {  	v3 =	vadd.f32 v3, v39;
	v36 =	vperm.xlane v17, v47;
	v47 =	vld.idx.msk [tilespmem:v5+s10+$0xFFFFF860 ss:$0x1], $0xffff  }
0x104: {  	v2 =	vadd.f32 v2, v45;
	v45 =	vperm.xlane v10, v50;
	v50 =	vld.idx.msk [tilespmem:v4+s10+$0xFFFFFC10 ss:$0x1], $0xffff  }
0x105: {  	v27 =	vld.idx.msk [tilespmem:v5+s10+$0xFFFFF870 ss:$0x1], $0xffff;
	v39 =	vperm.xlane v6, v48;
	v48 =	vperm.xlane v3, v52  }
0x106: {  	v29 =	vmul.f32 v34, v44;
	v1 =	vperm.xlane v0, v1;
	v63 =	vld.idx.msk [tilespmem:v4+s10+$0xFFFFFC90 ss:$0x1], $0xffff  }
0x107: {  	v7 =	vmul.f32 v26, v7;
	v21 =	vmul.f32 v21, v23;
	v3 =	vadd.f32 v3, v48;
	v48 =	vld.idx.msk [tilespmem:v4+s10+$0xFFFFFD90 ss:$0x1], $0xffff  }
0x108: {  	v53 =	vld [tilespmem:$0x1FDD0];
	v19 =	vmul.f32 v22, v19;
	v52 =	vperm.xlane v2, v59  }
0x109: {  	v0 =	vadd.f32 v0, v1;
	v55 =	vld [tilespmem:$0x1FDE0];
	v20 =	vmul.f32 v31, v20;
	v31 =	vmul.f32 v50, v47  }
0x10a: {  	v19 =	vadd.f32 v21, v19;
	v27 =	vmul.f32 v30, v27;
	v2 =	vadd.f32 v2, v52;
	v50 =	vld.idx.msk [tilespmem:v4+s10+$0xFFFFFD20 ss:$0x1], $0xffff  }
0x10b: {  	v8 =	vld.idx.msk [tilespmem:v4+s10+$0xFFFFFE00 ss:$0x1], $0xffff;
	v52 =	vmul.f32 v63, v60;
	v20 =	vadd.f32 v31, v20;
	v31 =	vmul.f32 v42, v38  }
0x10c: {  	v1 =	vld.idx.msk [tilespmem:v5+s10+$0xFFFFFA50 ss:$0x1], $0xffff;
	v21 =	vmul.f32 v37, v54;
	v17 =	vadd.f32 v17, v36;
	v26 =	vmul.f32 v48, v41  }
0x10d: {  	v13 =	vmul.f32 v13, v35;
	v61 =	vld [tilespmem:$0x1FDF0];
	v20 =	vadd.f32 v27, v20;
	v23 =	vadd.f32 v52, v31  }
0x10e: {  	v57 =	vmul.f32 v55, v53;
	v30 =	vld.idx.msk [tilespmem:v4+s10+$0xFFFFFE10 ss:$0x1], $0xffff;
	v53 =	vperm.xlane v17, v62;
	v21 =	vadd.f32 v26, v21  }
0x10f: {  	v13 =	vadd.f32 v13, v20;
	v7 =	vadd.f32 v7, v23;
	v20 =	vmul.f32 v50, v58;
	v23 =	vld [tilespmem:$0x1FFC0]  }
0x110: {  	v22 =	vld.idx.msk [tilespmem:v4+s10+$0xFFFFFE20 ss:$0x1], $0xffff;
	v17 =	vadd.f32 v17, v53  }
0x111: {  	v53 =	vld.idx.msk [tilespmem:v5+s10+$0xFFFFFA70 ss:$0x1], $0xffff;
	v19 =	vadd.f32 v20, v19;
	v20 =	vadd.f32 v29, v21  }
0x112: {  	v21 =	vld [tilespmem:$0x1FFC0]  }
0x113: {  	v28 =	vmul.f32 v43, v33;
	v1 =	vmul.f32 v8, v1;
	v18 =	vadd.f32 v18, v20;
	v20 =	vld [tilespmem:$0x1FFD0]  }
0x114: {  	v8 =	vmul.f32 v30, v56;
	v23 =	vperm.xlane v13, v23  }
0x115: {  	v7 =	vadd.f32 v28, v7  }
0x116: {  	v1 =	vadd.f32 v8, v1;
	v8 =	vmul.f32 v22, v53;
	v13 =	vadd.f32 v13, v23  }
0x117: {  	v31 =	vld.idx.msk [tilespmem:v5+s10+$0xFFFFFAF0 ss:$0x1], $0xffff;
	v21 =	vperm.xlane v7, v21  }
0x118: {  	v12 =	vmul.f32 v12, v61;
	v27 =	vld.idx.msk [tilespmem:v4+s10+$0xFFFFFEA0 ss:$0x1], $0xffff;
	v1 =	vadd.f32 v8, v1;
	v20 =	vperm.xlane v13, v20  }
0x119: {  	v7 =	vadd.f32 v7, v21;
	v21 =	vld [tilespmem:$0x1FFC0]  }
0x11a: {  	v1 =	vadd.f32 v12, v1;
	v12 =	vadd.f32 v13, v20;
	v13 =	vld [tilespmem:$0x1FFD0];
	_ =	sdelay $0x1  }
0x11b: {  	v19 =	vadd.f32 v24, v19  }
0x11c: {  	v22 =	vld [tilespmem:$0x1FFC0]  }
0x11d: {  	v16 =	vadd.f32 v46, v16;
	v8 =	vmul.f32 v27, v31;
	v21 =	vperm.xlane v19, v21  }
0x11e: {  	v13 =	vperm.xlane v7, v13  }
0x11f: {  	v8 =	vadd.f32 v8, v16;
	v16 =	vadd.f32 v19, v21;
	v21 =	vld [tilespmem:$0x1FFD0]  }
0x120: {  	v7 =	vadd.f32 v7, v13;
	v13 =	vld [tilespmem:$0x1FFD0]  }
0x121: {  	v22 =	vperm.xlane v18, v22;
	_ =	sdelay $0x1  }
0x122: {  	v18 =	vadd.f32 v18, v22;
	v19 =	vld [tilespmem:$0x1FFC0];
	_ =	sdelay $0x1  }
0x123: {  	v21 =	vperm.xlane v18, v21;
	v13 =	vperm.xlane v16, v13;
	_ =	sdelay $0x1  }
0x124: {  	v13 =	vadd.f32 v16, v13;
	v16 =	vadd.f32 v18, v21;
	v18 =	vld [tilespmem:$0x1FFD0]  }
0x125: {  	v19 =	vperm.xlane v1, v19;
	_ =	sdelay $0x1  }
0x126: {  	v1 =	vadd.f32 v1, v19;
	v19 =	vld [tilespmem:$0x1FFC0];
	_ =	sdelay $0x1  }
0x127: {  	v51 =	vld [tilespmem:$0x1FFD0];
	v18 =	vperm.xlane v1, v18  }
0x128: {  	v8 =	vadd.f32 v57, v8  }
0x129: {  	v20 =	vperm.xlane v12, v25;
	v1 =	vadd.f32 v1, v18;
	v18 =	vld [tilespmem:$0x1FFD0]  }
0x12a: {  	v9 =	vadd.f32 v9, v49;
	v19 =	vperm.xlane v8, v19  }
0x12b: {  	v10 =	vadd.f32 v10, v45;
	v12 =	vadd.f32 v12, v20;
	v20 =	vperm.xlane v7, v25  }
0x12c: {  	v36 =	vperm.xlane v11, v51;
	v6 =	vadd.f32 v6, v39;
	v8 =	vadd.f32 v8, v19  }
0x12d: {  	v7 =	vadd.f32 v7, v20;
	v20 =	vperm.xlane v13, v25;
	v19 =	vperm.xlane v12, v32  }
0x12e: {  	v11 =	vadd.f32 v11, v36;
	v21 =	vperm.xlane v16, v25;
	v18 =	vperm.xlane v8, v18  }
0x12f: {  	v13 =	vadd.f32 v13, v20;
	v12 =	vadd.f32 v12, v19;
	v19 =	vperm.xlane v7, v32  }
0x130: {  	v16 =	vadd.f32 v16, v21;
	v20 =	vperm.xlane v1, v25;
	v8 =	vadd.f32 v8, v18  }
0x131: {  	v12 =	vnsel vm0, $0x0, v12;
	v7 =	vadd.f32 v7, v19;
	v18 =	vperm.xlane v13, v32  }
0x132: {  	v12 =	vadd.f32 $0.0e+00, v12;
	v1 =	vadd.f32 v1, v20;
	v19 =	vperm.xlane v8, v25  }
0x133: {  	v7 =	vsel vm1, $0x0, v7;
	v13 =	vadd.f32 v13, v18;
	v18 =	vperm.xlane v16, v32  }
0x134: {  	v7 =	vadd.f32 v7, v12;
	v12 =	vperm.xlane v17, v25;
	v8 =	vadd.f32 v8, v19  }
0x135: {  	v13 =	vsel vm2, $0x0, v13;
	v16 =	vadd.f32 v16, v18;
	v18 =	vperm.xlane v1, v32  }
0x136: {  	v12 =	vadd.f32 v17, v12;
	v7 =	vadd.f32 v13, v7;
	v13 =	vperm.xlane v2, v25  }
0x137: {  	v16 =	vsel vm3, $0x0, v16;
	v1 =	vadd.f32 v1, v18;
	v17 =	vperm.xlane v8, v32  }
0x138: {  	v7 =	vadd.f32 v16, v7;
	v2 =	vadd.f32 v2, v13;
	v13 =	vperm.xlane v11, v25  }
0x139: {  	v16 =	vperm.xlane v12, v32;
	v1 =	vsel vm4, $0x0, v1;
	v8 =	vadd.f32 v8, v17  }
0x13a: {  	v1 =	vadd.f32 v1, v7;
	v7 =	vadd.f32 v11, v13;
	v11 =	vperm.xlane v3, v25  }
0x13b: {  	v12 =	vadd.f32 v12, v16;
	v13 =	vperm.xlane v2, v32;
	v8 =	vsel vm5, $0x0, v8  }
0x13c: {  	v1 =	vadd.f32 v8, v1;
	v3 =	vadd.f32 v3, v11;
	v8 =	vperm.xlane v6, v25  }
0x13d: {  	v11 =	vsel vm6, $0x0, v12;
	v2 =	vadd.f32 v2, v13;
	v12 =	vperm.xlane v7, v32  }
0x13e: {  	v1 =	vadd.f32 v11, v1;
	v6 =	vadd.f32 v6, v8;
	v8 =	vperm.xlane v10, v25  }
0x13f: {  	v2 =	vsel vm7, $0x0, v2;
	v7 =	vadd.f32 v7, v12;
	v11 =	vperm.xlane v3, v32  }
0x140: {  	v1 =	vadd.f32 v2, v1;
	v2 =	vadd.f32 v10, v8;
	v8 =	vperm.xlane v9, v25  }
0x141: {  	v7 =	vsel vm8, $0x0, v7;
	v3 =	vadd.f32 v3, v11;
	v10 =	vperm.xlane v6, v32  }
0x142: {  	v1 =	vadd.f32 v7, v1;
	v7 =	vadd.f32 v9, v8;
	v8 =	vperm.xlane v15, v25  }
0x143: {  	v3 =	vsel vm9, $0x0, v3;
	v6 =	vadd.f32 v6, v10;
	v9 =	vperm.xlane v2, v32  }
0x144: {  	v1 =	vadd.f32 v3, v1;
	v3 =	vadd.f32 v15, v8;
	v8 =	vperm.xlane v14, v25  }
0x145: {  	v6 =	vsel vm10, $0x0, v6;
	v2 =	vadd.f32 v2, v9;
	v9 =	vperm.xlane v7, v32  }
0x146: {  	v1 =	vadd.f32 v6, v1;
	v6 =	vadd.f32 v14, v8;
	v8 =	vperm.xlane v0, v25  }
0x147: {  	v2 =	vsel vm11, $0x0, v2;
	v7 =	vadd.f32 v7, v9;
	v9 =	vperm.xlane v3, v32  }
0x148: {  	v1 =	vadd.f32 v2, v1;
	v0 =	vadd.f32 v0, v8  }
0x149: {  	v2 =	vsel vm12, $0x0, v7;
	v3 =	vadd.f32 v3, v9;
	v7 =	vperm.xlane v6, v32  }
0x14a: {  	v1 =	vadd.f32 v2, v1  }
0x14b: {  	v2 =	vsel vm13, $0x0, v3;
	v3 =	vadd.f32 v6, v7;
	v6 =	vperm.xlane v0, v32  }
0x14c: {  	v1 =	vadd.f32 v2, v1  }
0x14d: {  	v2 =	vsel vm14, $0x0, v3;
	v0 =	vadd.f32 v0, v6  }
0x14e: {  	v1 =	vadd.f32 v2, v1  }
0x14f: {  	s11 =	sand.u32 $0xF, s26;
	v0 =	vsel vm15, $0x0, v0  }
0x150: {  	s9 =	sshll.u32 s11, $0x7;
	v0 =	vadd.f32 v0, v1  }
0x151: {  	s9 =	sor.u32 $0x1E000, s9  }
0x152: {  	s10 =	simm.s32 $0x800;
	[tilespmem:s9+$0x0] =	vst v0  }
0x153: {  	v1 =	vld.idx.msk [tilespmem:v4+s10+$0x230 ss:$0x1], $0xffff;
	_ =	sdelay $0x4  }
0x154: {  	[tilespmem:$0x1FE50] =	vst v1;
	v1 =	vld.idx.msk [tilespmem:v5+s10+$0xFFFFFE00 ss:$0x1], $0xffff;
	_ =	sdelay $0x4  }
0x155: {  	[tilespmem:$0x1FE60] =	vst v1;
	v1 =	vld.idx.msk [tilespmem:v5+s10+$0xFFFFFD80 ss:$0x1], $0xffff;
	_ =	sdelay $0x1  }
0x156: {  	v13 =	vld.idx.msk [tilespmem:v5+s10+$0x0 ss:$0x1], $0xffff  }
0x157: {  	v0 =	vld.idx.msk [tilespmem:v4+s10+$0x3B0 ss:$0x1], $0xffff  }
0x158: {  	v27 =	vld.idx.msk [tilespmem:v5+s10+$0xFFFFFF80 ss:$0x1], $0xffff  }
0x159: {  	[tilespmem:$0x1FE90] =	vst v1;
	v1 =	vld.idx.msk [tilespmem:v4+s10+$0x130 ss:$0x1], $0xffff  }
0x15a: {  	v26 =	vld.idx.msk [tilespmem:v4+s10+$0x330 ss:$0x1], $0xffff  }
0x15b: {  	v14 =	vld.idx.msk [tilespmem:v5+s10+$0xFFFFFFF0 ss:$0x1], $0xffff  }
0x15c: {  	v15 =	vld.idx.msk [tilespmem:v4+s10+$0x3A0 ss:$0x1], $0xffff  }
0x15d: {  	v59 =	vld.idx.msk [tilespmem:v5+s10+$0xFFFFFF00 ss:$0x1], $0xffff  }
0x15e: {  	[tilespmem:$0x1FEA0] =	vst v1;
	v1 =	vld.idx.msk [tilespmem:v5+s10+$0xFFFFFDF0 ss:$0x1], $0xffff  }
0x15f: {  	v20 =	vld.idx.msk [tilespmem:v4+s10+$0x2B0 ss:$0x1], $0xffff  }
0x160: {  	v17 =	vld.idx.msk [tilespmem:v5+s10+$0xFFFFFF70 ss:$0x1], $0xffff  }
0x161: {  	v18 =	vld.idx.msk [tilespmem:v4+s10+$0x320 ss:$0x1], $0xffff  }
0x162: {  	v19 =	vld.idx.msk [tilespmem:v5+s10+$0xFFFFFFD0 ss:$0x1], $0xffff  }
0x163: {  	[tilespmem:$0x1FEB0] =	vst v1;
	v1 =	vld.idx.msk [tilespmem:v4+s10+$0x1A0 ss:$0x1], $0xffff  }
0x164: {  	v21 =	vld.idx.msk [tilespmem:v4+s10+$0x380 ss:$0x1], $0xffff  }
0x165: {  	v22 =	vld.idx.msk [tilespmem:v5+s10+$0xFFFFFFE0 ss:$0x1], $0xffff  }
0x166: {  	v23 =	vld.idx.msk [tilespmem:v4+s10+$0x390 ss:$0x1], $0xffff  }
0x167: {  	v61 =	vld.idx.msk [tilespmem:v5+s10+$0xFFFFFE80 ss:$0x1], $0xffff  }
0x168: {  	[tilespmem:$0x1FEC0] =	vst v1;
	v1 =	vld.idx.msk [tilespmem:v5+s10+$0xFFFFFD00 ss:$0x1], $0xffff  }
0x169: {  	v24 =	vld.idx.msk [tilespmem:v5+s10+$0xFFFFFEF0 ss:$0x1], $0xffff  }
0x16a: {  	v25 =	vld.idx.msk [tilespmem:v4+s10+$0x2A0 ss:$0x1], $0xffff  }
0x16b: {  	v28 =	vld.idx.msk [tilespmem:v5+s10+$0xFFFFFF50 ss:$0x1], $0xffff  }
0x16c: {  	v29 =	vld.idx.msk [tilespmem:v4+s10+$0x300 ss:$0x1], $0xffff  }
0x16d: {  	[tilespmem:$0x1FF00] =	vst v1;
	v1 =	vld.idx.msk [tilespmem:v4+s10+$0xB0 ss:$0x1], $0xffff  }
0x16e: {  	v30 =	vld.idx.msk [tilespmem:v5+s10+$0xFFFFFF60 ss:$0x1], $0xffff  }
0x16f: {  	v31 =	vld.idx.msk [tilespmem:v4+s10+$0x310 ss:$0x1], $0xffff  }
0x170: {  	v58 =	vld.idx.msk [tilespmem:v4+s10+$0x1B0 ss:$0x1], $0xffff  }
0x171: {  	v34 =	vld.idx.msk [tilespmem:v5+s10+$0xFFFFFE70 ss:$0x1], $0xffff  }
0x172: {  	[tilespmem:$0x1FF10] =	vst v1;
	v1 =	vld.idx.msk [tilespmem:v5+s10+$0xFFFFFD70 ss:$0x1], $0xffff  }
0x173: {  	v35 =	vld.idx.msk [tilespmem:v4+s10+$0x220 ss:$0x1], $0xffff  }
0x174: {  	v36 =	vld.idx.msk [tilespmem:v5+s10+$0xFFFFFED0 ss:$0x1], $0xffff  }
0x175: {  	v37 =	vld.idx.msk [tilespmem:v4+s10+$0x280 ss:$0x1], $0xffff  }
0x176: {  	v38 =	vld.idx.msk [tilespmem:v5+s10+$0xFFFFFEE0 ss:$0x1], $0xffff  }
0x177: {  	[tilespmem:$0x1FED0] =	vst v1;
	v1 =	vld.idx.msk [tilespmem:v4+s10+$0x120 ss:$0x1], $0xffff  }
0x178: {  	v39 =	vld.idx.msk [tilespmem:v4+s10+$0x290 ss:$0x1], $0xffff  }
0x179: {  	v44 =	vld.idx.msk [tilespmem:v5+s10+$0xFFFFFE50 ss:$0x1], $0xffff  }
0x17a: {  	v45 =	vld.idx.msk [tilespmem:v4+s10+$0x200 ss:$0x1], $0xffff  }
0x17b: {  	v46 =	vld.idx.msk [tilespmem:v5+s10+$0xFFFFFE60 ss:$0x1], $0xffff  }
0x17c: {  	[tilespmem:$0x1FEE0] =	vst v1;
	v1 =	vld.idx.msk [tilespmem:v5+s10+$0xFFFFFC80 ss:$0x1], $0xffff  }
0x17d: {  	v47 =	vld.idx.msk [tilespmem:v4+s10+$0x210 ss:$0x1], $0xffff  }
0x17e: {  	v50 =	vld.idx.msk [tilespmem:v5+s10+$0xFFFFFDD0 ss:$0x1], $0xffff  }
0x17f: {  	v53 =	vld.idx.msk [tilespmem:v4+s10+$0x180 ss:$0x1], $0xffff  }
0x180: {  	v54 =	vld.idx.msk [tilespmem:v5+s10+$0xFFFFFDE0 ss:$0x1], $0xffff  }
0x181: {  	[tilespmem:$0x1FEF0] =	vst v1;
	v1 =	vld.idx.msk [tilespmem:v5+s10+$0xFFFFFCF0 ss:$0x1], $0xffff  }
0x182: {  	v55 =	vld.idx.msk [tilespmem:v4+s10+$0x190 ss:$0x1], $0xffff  }
0x183: {  	v60 =	vld.idx.msk [tilespmem:v4+s10+$0x30 ss:$0x1], $0xffff  }
0x184: {  	v10 =	vld.idx.msk [tilespmem:v5+s10+$0xFFFFFD50 ss:$0x1], $0xffff  }
0x185: {  	v62 =	vld.idx.msk [tilespmem:v4+s10+$0x100 ss:$0x1], $0xffff  }
0x186: {  	[tilespmem:$0x1FF20] =	vst v1;
	v1 =	vld.idx.msk [tilespmem:v4+s10+$0xA0 ss:$0x1], $0xffff  }
0x187: {  	v63 =	vld.idx.msk [tilespmem:v5+s10+$0xFFFFFD60 ss:$0x1], $0xffff  }
0x188: {  	v3 =	vld.idx.msk [tilespmem:v4+s10+$0x110 ss:$0x1], $0xffff  }
0x189: {  	v52 =	vld.idx.msk [tilespmem:v5+s10+$0xFFFFFC70 ss:$0x1], $0xffff  }
0x18a: {  	v49 =	vld.idx.msk [tilespmem:v4+s10+$0x20 ss:$0x1], $0xffff  }
0x18b: {  	[tilespmem:$0x1FF30] =	vst v1;
	v1 =	vld.idx.msk [tilespmem:v5+s10+$0xFFFFFC00 ss:$0x1], $0xffff  }
0x18c: {  	v9 =	vld.idx.msk [tilespmem:v5+s10+$0xFFFFFCD0 ss:$0x1], $0xffff  }
0x18d: {  	v57 =	vld.idx.msk [tilespmem:v4+s10+$0x80 ss:$0x1], $0xffff  }
0x18e: {  	v56 =	vld.idx.msk [tilespmem:v5+s10+$0xFFFFFCE0 ss:$0x1], $0xffff  }
0x18f: {  	v51 =	vld.idx.msk [tilespmem:v4+s10+$0x90 ss:$0x1], $0xffff  }
0x190: {  	[tilespmem:$0x1FF80] =	vst v1;
	v1 =	vld.idx.msk [tilespmem:v4+s10+$0xFFFFFFB0 ss:$0x1], $0xffff  }
0x191: {  	v48 =	vld.idx.msk [tilespmem:v5+s10+$0xFFFFFC50 ss:$0x1], $0xffff  }
0x192: {  	v42 =	vld.idx.msk [tilespmem:v4+s10+$0x0 ss:$0x1], $0xffff  }
0x193: {  	v43 =	vld.idx.msk [tilespmem:v5+s10+$0xFFFFFC60 ss:$0x1], $0xffff  }
0x194: {  	v41 =	vld.idx.msk [tilespmem:v4+s10+$0x10 ss:$0x1], $0xffff  }
0x195: {  	[tilespmem:$0x1FF90] =	vst v1;
	v1 =	vld.idx.msk [tilespmem:v5+s10+$0xFFFFFB80 ss:$0x1], $0xffff  }
0x196: {  	v40 =	vld.idx.msk [tilespmem:v5+s10+$0xFFFFFBD0 ss:$0x1], $0xffff;
	v15 =	vmul.f32 v15, v14  }
0x197: {  	v32 =	vld.idx.msk [tilespmem:v4+s10+$0xFFFFFF80 ss:$0x1], $0xffff;
	v14 =	vmul.f32 v21, v19;
	v19 =	vmul.f32 v23, v22  }
0x198: {  	v8 =	vld.idx.msk [tilespmem:v5+s10+$0xFFFFFBE0 ss:$0x1], $0xffff;
	v21 =	vmul.f32 v29, v28;
	v23 =	vmul.f32 v37, v36  }
0x199: {  	v28 =	vmul.f32 v39, v38;
	v19 =	vadd.f32 v19, v14;
	v14 =	vmul.f32 v20, v59;
	v59 =	vld [tilespmem:$0x1FFC0]  }
0x19a: {  	v0 =	vmul.f32 v0, v13;
	[tilespmem:$0x1FFA0] =	vst v1;
	v1 =	vld.idx.msk [tilespmem:v4+s10+$0xFFFFFF30 ss:$0x1], $0xffff  }
0x19b: {  	v7 =	vld.idx.msk [tilespmem:v4+s10+$0xFFFFFF90 ss:$0x1], $0xffff;
	v13 =	vadd.f32 v28, v23;
	v23 =	vmul.f32 v25, v24;
	v15 =	vadd.f32 v15, v19  }
0x19c: {  	v33 =	vld.idx.msk [tilespmem:v5+s10+$0xFFFFFB50 ss:$0x1], $0xffff  }
0x19d: {  	v6 =	vld.idx.msk [tilespmem:v4+s10+$0xFFFFFF00 ss:$0x1], $0xffff;
	v13 =	vadd.f32 v23, v13;
	v0 =	vadd.f32 v0, v15  }
0x19e: {  	v2 =	vld.idx.msk [tilespmem:v5+s10+$0xFFFFFB60 ss:$0x1], $0xffff  }
0x19f: {  	v13 =	vadd.f32 v14, v13;
	v14 =	vperm.xlane v0, v59;
	[tilespmem:$0x1FFB0] =	vst v1;
	v1 =	vld.idx.msk [tilespmem:v5+s10+$0xFFFFFBF0 ss:$0x1], $0xffff  }
0x1a0: {  	v11 =	vld.idx.msk [tilespmem:v5+s10+$0xFFFFFA00 ss:$0x1], $0xffff  }
0x1a1: {  	v12 =	vld.idx.msk [tilespmem:v4+s10+$0xFFFFFDB0 ss:$0x1], $0xffff;
	v22 =	vmul.f32 v31, v30;
	v0 =	vadd.f32 v0, v14;
	v14 =	vperm.xlane v13, v59  }
0x1a2: {  	v16 =	vld.idx.msk [tilespmem:v5+s10+$0xFFFFFAD0 ss:$0x1], $0xffff  }
0x1a3: {  	v21 =	vadd.f32 v22, v21;
	v22 =	vmul.f32 v18, v17;
	v28 =	vadd.f32 v13, v14;
	v13 =	vld [tilespmem:$0x1FE60]  }
0x1a4: {  	[tilespmem:$0x1FF40] =	vst v1;
	v1 =	vld.idx.msk [tilespmem:v4+s10+$0xFFFFFFA0 ss:$0x1], $0xffff  }
0x1a5: {  	v40 =	vmul.f32 v32, v40;
	v36 =	vld.idx.msk [tilespmem:v4+s10+$0xFFFFFC30 ss:$0x1], $0xffff;
	v21 =	vadd.f32 v22, v21;
	v22 =	vmul.f32 v26, v27  }
0x1a6: {  	v32 =	vld.idx.msk [tilespmem:v5+s10+$0xFFFFF8F0 ss:$0x1], $0xffff;
	v23 =	vmul.f32 v47, v46;
	v15 =	vmul.f32 v45, v44  }
0x1a7: {  	v26 =	vadd.f32 v22, v21;
	v14 =	vld [tilespmem:$0x1FFD0]  }
0x1a8: {  	v15 =	vadd.f32 v23, v15;
	v23 =	vmul.f32 v35, v34;
	v34 =	vmul.f32 v58, v13;
	v13 =	vld [tilespmem:$0x1FFD0]  }
0x1a9: {  	v27 =	vperm.xlane v26, v59;
	[tilespmem:$0x1FF50] =	vst v1;
	v1 =	vld.idx.msk [tilespmem:v5+s10+$0xFFFFFB00 ss:$0x1], $0xffff  }
0x1aa: {  	v6 =	vmul.f32 v6, v33;
	v33 =	vld.idx.msk [tilespmem:v4+s10+$0xFFFFFC20 ss:$0x1], $0xffff  }
0x1ab: {  	v39 =	vld.idx.msk [tilespmem:v5+s10+$0xFFFFF860 ss:$0x1], $0xffff;
	v27 =	vadd.f32 v26, v27  }
0x1ac: {  	v20 =	vld.idx.msk [tilespmem:v5+s10+$0xFFFFFAE0 ss:$0x1], $0xffff  }
0x1ad: {  	v25 =	vld.idx.msk [tilespmem:v4+s10+$0xFFFFFD30 ss:$0x1], $0xffff;
	v30 =	vperm.xlane v27, v14;
	v13 =	vperm.xlane v0, v13  }
0x1ae: {  	[tilespmem:$0x1FE10] =	vst v1;
	v1 =	vld.idx.msk [tilespmem:v4+s10+$0xFFFFFEB0 ss:$0x1], $0xffff  }
0x1af: {  	v24 =	vld.idx.msk [tilespmem:v5+s10+$0xFFFFF9F0 ss:$0x1], $0xffff;
	v0 =	vadd.f32 v0, v13;
	v13 =	vadd.f32 v27, v30  }
0x1b0: {  	v62 =	vmul.f32 v62, v10;
	v10 =	vld [tilespmem:$0x1FE90]  }
0x1b1: {  	[tilespmem:$0x1FE80] =	vst v13;
	v13 =	vld [tilespmem:$0x1FEA0]  }
0x1b2: {  	v42 =	vmul.f32 v42, v48;
	v41 =	vmul.f32 v41, v43;
	v17 =	vld [tilespmem:$0x1FE50]  }
0x1b3: {  	[tilespmem:$0x1FE20] =	vst v1;
	v1 =	vld.idx.msk [tilespmem:v5+s10+$0xFFFFFB70 ss:$0x1], $0xffff  }
0x1b4: {  	v48 =	vadd.f32 v41, v42;
	v41 =	vld.idx.msk [tilespmem:v4+s10+$0xFFFFFD00 ss:$0x1], $0xffff  }
0x1b5: {  	v42 =	vld.idx.msk [tilespmem:v5+s10+$0xFFFFF960 ss:$0x1], $0xffff  }
0x1b6: {  	v37 =	vmul.f32 v13, v10;
	v10 =	vld [tilespmem:$0x1FEB0]  }
0x1b7: {  	v13 =	vld [tilespmem:$0x1FEC0]  }
0x1b8: {  	[tilespmem:$0x1FF60] =	vst v1;
	v1 =	vld.idx.msk [tilespmem:v4+s10+$0xFFFFFF20 ss:$0x1], $0xffff  }
0x1b9: {  	v19 =	vld.idx.msk [tilespmem:v4+s10+$0xFFFFFE80 ss:$0x1], $0xffff  }
0x1ba: {  	v21 =	vld.idx.msk [tilespmem:v4+s10+$0xFFFFFE90 ss:$0x1], $0xffff  }
0x1bb: {  	v22 =	vld.idx.msk [tilespmem:v5+s10+$0xFFFFF980 ss:$0x1], $0xffff  }
0x1bc: {  	v29 =	vmul.f32 v53, v50;
	v53 =	vmul.f32 v13, v10;
	v10 =	vld [tilespmem:$0x1FED0]  }
0x1bd: {  	[tilespmem:$0x1FF70] =	vst v1;
	v1 =	vld.idx.msk [tilespmem:v5+s10+$0xFFFFFA80 ss:$0x1], $0xffff  }
0x1be: {  	v13 =	vld [tilespmem:$0x1FEE0]  }
0x1bf: {  	v35 =	vld.idx.msk [tilespmem:v5+s10+$0xFFFFF880 ss:$0x1], $0xffff  }
0x1c0: {  	v26 =	vld.idx.msk [tilespmem:v4+s10+$0xFFFFFDA0 ss:$0x1], $0xffff  }
0x1c1: {  	v15 =	vadd.f32 v23, v15;
	v23 =	vmul.f32 v17, v61;
	v61 =	vld.idx.msk [tilespmem:v4+s10+$0xFFFFFE00 ss:$0x1], $0xffff  }
0x1c2: {  	[tilespmem:$0x1FE30] =	vst v1;
	v1 =	vld.idx.msk [tilespmem:v4+s10+$0xFFFFFE30 ss:$0x1], $0xffff  }
0x1c3: {  	v55 =	vmul.f32 v55, v54;
	v54 =	vmul.f32 v13, v10;
	v10 =	vld [tilespmem:$0x1FEF0]  }
0x1c4: {  	v3 =	vmul.f32 v3, v63;
	v58 =	vld.idx.msk [tilespmem:v5+s10+$0xFFFFFA50 ss:$0x1], $0xffff  }
0x1c5: {  	v30 =	vld.idx.msk [tilespmem:v5+s10+$0xFFFFF900 ss:$0x1], $0xffff  }
0x1c6: {  	v3 =	vadd.f32 v3, v62;
	v23 =	vadd.f32 v23, v15;
	v13 =	vld [tilespmem:$0x1FF10]  }
0x1c7: {  	v63 =	vmul.f32 v57, v9;
	[tilespmem:$0x1FE40] =	vst v1;
	v1 =	vld.idx.msk [tilespmem:v4+s10+$0xFFFFFF10 ss:$0x1], $0xffff  }
0x1c8: {  	v27 =	vperm.xlane v23, v59;
	v3 =	vadd.f32 v54, v3;
	v45 =	vmul.f32 v60, v10;
	v10 =	vld [tilespmem:$0x1FF00]  }
0x1c9: {  	v51 =	vmul.f32 v51, v56;
	v7 =	vmul.f32 v7, v8;
	[tilespmem:$0x1FE70] =	vst v0;
	v0 =	vld [tilespmem:$0x1FFD0]  }
0x1ca: {  	v38 =	vadd.f32 v23, v27;
	v23 =	vld.idx.msk [tilespmem:v5+s10+$0xFFFFF970 ss:$0x1], $0xffff;
	v8 =	vadd.f32 v37, v3  }
0x1cb: {  	v3 =	vadd.f32 v51, v63;
	v51 =	vadd.f32 v7, v40;
	v7 =	vld [tilespmem:$0x1FF50]  }
0x1cc: {  	v1 =	vmul.f32 v1, v2;
	v2 =	vld [tilespmem:$0x1FF40]  }
0x1cd: {  	v46 =	vmul.f32 v13, v10;
	v10 =	vld [tilespmem:$0x1FF20]  }
0x1ce: {  	v13 =	vld [tilespmem:$0x1FF30]  }
0x1cf: {  	v27 =	vld.idx.msk [tilespmem:v5+s10+$0xFFFFF9D0 ss:$0x1], $0xffff  }
0x1d0: {  	v29 =	vadd.f32 v55, v29;
	v55 =	vmul.f32 v49, v52;
	v1 =	vadd.f32 v1, v6;
	v6 =	vld [tilespmem:$0x1FF60]  }
0x1d1: {  	v31 =	vperm.xlane v28, v0;
	v52 =	vmul.f32 v7, v2;
	v7 =	vld [tilespmem:$0x1FF70]  }
0x1d2: {  	v0 =	vld.idx.msk [tilespmem:v5+s10+$0xFFFFFA60 ss:$0x1], $0xffff  }
0x1d3: {  	v50 =	vadd.f32 v28, v31;
	v31 =	vld.idx.msk [tilespmem:v4+s10+$0xFFFFFCB0 ss:$0x1], $0xffff;
	v60 =	vmul.f32 v13, v10  }
0x1d4: {  	v28 =	vld.idx.msk [tilespmem:v4+s10+$0xFFFFFD80 ss:$0x1], $0xffff  }
0x1d5: {  	v9 =	vld [tilespmem:$0x1FF80];
	v3 =	vadd.f32 v60, v3  }
0x1d6: {  	v10 =	vld [tilespmem:$0x1FF90];
	v6 =	vmul.f32 v7, v6  }
0x1d7: {  	v62 =	vadd.f32 v53, v29;
	v44 =	vadd.f32 v46, v3;
	v3 =	vld [tilespmem:$0x1FFB0]  }
0x1d8: {  	v53 =	vadd.f32 v55, v48;
	v6 =	vadd.f32 v6, v1;
	v1 =	vld [tilespmem:$0x1FFA0]  }
0x1d9: {  	v29 =	vld.idx.msk [tilespmem:v5+s10+$0xFFFFF9E0 ss:$0x1], $0xffff  }
0x1da: {  	v34 =	vadd.f32 v34, v62;
	v48 =	vadd.f32 v45, v53;
	v53 =	vld [tilespmem:$0x1FFD0]  }
0x1db: {  	v40 =	vld.idx.msk [tilespmem:v5+s10+$0xFFFFF950 ss:$0x1], $0xffff;
	v56 =	vperm.xlane v8, v59;
	v54 =	vmul.f32 v10, v9;
	v37 =	vadd.f32 v52, v51  }
0x1dc: {  	v57 =	vperm.xlane v34, v59;
	v2 =	vld [tilespmem:$0x1FFD0]  }
0x1dd: {  	v43 =	vadd.f32 v8, v56;
	v8 =	vld.idx.msk [tilespmem:v5+s10+$0xFFFFF850 ss:$0x1], $0xffff;
	v51 =	vadd.f32 v54, v37;
	v55 =	vmul.f32 v3, v1  }
0x1de: {  	v45 =	vadd.f32 v34, v57;
	v60 =	vperm.xlane v48, v59;
	v62 =	vperm.xlane v44, v59;
	v7 =	vld.idx.msk [tilespmem:v5+s10+$0xFFFFF870 ss:$0x1], $0xffff  }
0x1df: {  	v46 =	vperm.xlane v43, v53;
	v63 =	vperm.xlane v51, v59;
	v1 =	vld.idx.msk [tilespmem:v5+s10+$0xFFFFF8D0 ss:$0x1], $0xffff;
	v47 =	vadd.f32 v55, v6  }
0x1e0: {  	v44 =	vadd.f32 v44, v62;
	v37 =	vadd.f32 v48, v60;
	v48 =	vperm.xlane v45, v53;
	v3 =	vld.idx.msk [tilespmem:v4+s10+$0xFFFFFC80 ss:$0x1], $0xffff  }
0x1e1: {  	s29 =	sand.u32 $0xF, s7;
	s11 =	simm.s32 $0x4000;
	v2 =	vperm.xlane v38, v2;
	v34 =	vadd.f32 v51, v63;
	v6 =	vld.idx.msk [tilespmem:v4+s10+$0xFFFFFC00 ss:$0x1], $0xffff;
	v49 =	vperm.xlane v47, v59  }
.LBB2_5:
0x1e2: {  	v9 =	vld [tilespmem:$0x1FE10]  }
0x1e3: {  	v10 =	vld [tilespmem:$0x1FE20];
	_ =	sdelay $0x2  }
0x1e4: {  	v51 =	vld.idx.msk [tilespmem:v4+s10+$0xFFFFFC10 ss:$0x1], $0xffff  }
0x1e5: {  	v13 =	vld [tilespmem:$0x1FE40]  }
0x1e6: {  	v54 =	vmul.f32 v10, v9;
	v9 =	vld [tilespmem:$0x1FFD0]  }
0x1e7: {  	v10 =	vld [tilespmem:$0x1FE30];
	_ =	sdelay $0x2  }
0x1e8: {  	v62 =	vld.idx.msk [tilespmem:v5+s10+$0xFFFFF8E0 ss:$0x1], $0xffff;
	v52 =	vperm.xlane v44, v53  }
0x1e9: {  	v6 =	vmul.f32 v6, v8;
	v55 =	vperm.xlane v34, v9;
	v9 =	vadd.f32 v38, v2;
	v2 =	vld.idx.msk [tilespmem:v4+s10+$0xFFFFFC90 ss:$0x1], $0xffff  }
0x1ea: {  	v8 =	vmul.f32 v51, v39;
	v63 =	vmul.f32 v13, v10;
	v10 =	vld [tilespmem:$0x1FFD0]  }
0x1eb: {  	v17 =	vmul.f32 v12, v11;
	v18 =	vmul.f32 v19, v16;
	v12 =	vadd.f32 v44, v52;
	v52 =	vld.idx.msk [tilespmem:v4+s10+$0xFFFFFE10 ss:$0x1], $0xffff  }
0x1ec: {  	v19 =	vld.idx.msk [tilespmem:v4+s10+$0xFFFFFCA0 ss:$0x1], $0xffff;
	v22 =	vmul.f32 v25, v22;
	v7 =	vmul.f32 v33, v7;
	v6 =	vadd.f32 v8, v6  }
0x1ed: {  	v57 =	vld.idx.msk [tilespmem:v4+s10+$0xFFFFFE20 ss:$0x1], $0xffff;
	v47 =	vadd.f32 v47, v49;
	v20 =	vmul.f32 v21, v20;
	v21 =	vmul.f32 v31, v30  }
0x1ee: {  	v31 =	vmul.f32 v36, v35;
	v1 =	vmul.f32 v3, v1;
	v3 =	vld.idx.msk [tilespmem:v5+s10+$0xFFFFFA70 ss:$0x1], $0xffff;
	v6 =	vadd.f32 v7, v6  }
0x1ef: {  	v56 =	vperm.xlane v47, v10;
	v10 =	vadd.f32 v45, v48;
	v48 =	vld.idx.msk [tilespmem:v4+s10+$0xFFFFFD10 ss:$0x1], $0xffff;
	v2 =	vmul.f32 v2, v62  }
0x1f0: {  	v24 =	vmul.f32 v26, v24;
	v26 =	vld.idx.msk [tilespmem:v4+s10+$0xFFFFFD20 ss:$0x1], $0xffff;
	v15 =	vmul.f32 v52, v0;
	v6 =	vadd.f32 v31, v6  }
0x1f1: {  	v0 =	vld [tilespmem:$0x1FFD0];
	v13 =	vmul.f32 v61, v58;
	v1 =	vadd.f32 v2, v1;
	v2 =	vmul.f32 v19, v32  }
0x1f2: {  	v8 =	vmul.f32 v41, v40;
	v30 =	vadd.f32 v34, v55;
	v16 =	vperm.xlane v6, v59  }
0x1f3: {  	v3 =	vmul.f32 v57, v3;
	v13 =	vadd.f32 v15, v13;
	v1 =	vadd.f32 v2, v1  }
0x1f4: {  	v25 =	vld.idx.msk [tilespmem:v4+s10+$0xFFFFFD90 ss:$0x1], $0xffff;
	v6 =	vadd.f32 v6, v16;
	v55 =	vadd.f32 v47, v56;
	v56 =	vmul.f32 v48, v42  }
0x1f5: {  	v3 =	vadd.f32 v3, v13;
	v1 =	vadd.f32 v21, v1  }
0x1f6: {  	v13 =	vperm.xlane v6, v0;
	v0 =	vld [tilespmem:$0x1FFD0];
	v2 =	vmul.f32 v26, v23;
	v8 =	vadd.f32 v56, v8  }
0x1f7: {  	v15 =	vperm.xlane v1, v59  }
0x1f8: {  	v18 =	vadd.f32 v20, v18;
	v2 =	vadd.f32 v2, v8  }
0x1f9: {  	v20 =	vmul.f32 v25, v29;
	v19 =	vmul.f32 v28, v27;
	v1 =	vadd.f32 v1, v15  }
0x1fa: {  	v7 =	vld.idx.msk [tilespmem:v5+s10+$0xFFFFFAF0 ss:$0x1], $0xffff;
	v2 =	vadd.f32 v22, v2  }
0x1fb: {  	v19 =	vadd.f32 v20, v19;
	v6 =	vadd.f32 v6, v13;
	v13 =	vperm.xlane v1, v0;
	v0 =	vld [tilespmem:$0x1FFD0]  }
0x1fc: {  	v25 =	vld.idx.msk [tilespmem:v4+s10+$0xFFFFFEA0 ss:$0x1], $0xffff;
	v15 =	vperm.xlane v2, v59  }
0x1fd: {  	v8 =	vadd.f32 v24, v19  }
0x1fe: {  	v2 =	vadd.f32 v2, v15  }
0x1ff: {  	v8 =	vadd.f32 v17, v8  }
0x200: {  	v1 =	vadd.f32 v1, v13;
	v13 =	vperm.xlane v2, v0;
	v0 =	vld [tilespmem:$0x1FFD0]  }
0x201: {  	v7 =	vmul.f32 v25, v7;
	v16 =	vperm.xlane v8, v59;
	_ =	sdelay $0x1  }
0x202: {  	v7 =	vadd.f32 v7, v18;
	v18 =	vld [tilespmem:$0x1FFE0];
	v8 =	vadd.f32 v8, v16  }
0x203: {  	v3 =	vadd.f32 v63, v3  }
0x204: {  	v17 =	vperm.xlane v8, v0;
	v0 =	vld [tilespmem:$0x1FFD0]  }
0x205: {  	v15 =	vperm.xlane v3, v59  }
0x206: {  	v7 =	vadd.f32 v54, v7;
	v19 =	vld [tilespmem:$0x1FFF0]  }
0x207: {  	v16 =	vperm.xlane v6, v18;
	v3 =	vadd.f32 v3, v15  }
0x208: {  	v15 =	vperm.xlane v7, v59  }
0x209: {  	v6 =	vadd.f32 v6, v16;
	v2 =	vadd.f32 v2, v13;
	v13 =	vperm.xlane v3, v0;
	v0 =	vld [tilespmem:$0x1FFD0]  }
0x20a: {  	v60 =	vperm.xlane v37, v53;
	v16 =	vperm.xlane v1, v18  }
0x20b: {  	v7 =	vadd.f32 v7, v15;
	v15 =	vperm.xlane v6, v19  }
0x20c: {  	v14 =	vadd.f32 v37, v60;
	v1 =	vadd.f32 v1, v16  }
0x20d: {  	v16 =	vperm.xlane v2, v18;
	v6 =	vadd.f32 v6, v15;
	v8 =	vadd.f32 v8, v17  }
0x20e: {  	v15 =	vperm.xlane v1, v19;
	v3 =	vadd.f32 v3, v13;
	v13 =	vperm.xlane v7, v0  }
0x20f: {  	v11 =	vadd.f32 v43, v46;
	v2 =	vadd.f32 v2, v16;
	v17 =	vperm.xlane v8, v18  }
0x210: {  	v6 =	vnsel vm0, $0x0, v6;
	v1 =	vadd.f32 v1, v15;
	v7 =	vadd.f32 v7, v13  }
0x211: {  	v8 =	vadd.f32 v8, v17;
	v16 =	vperm.xlane v3, v18;
	v13 =	vperm.xlane v2, v19  }
0x212: {  	v6 =	vadd.f32 $0.0e+00, v6;
	v1 =	vsel vm1, $0x0, v1;
	v15 =	vperm.xlane v7, v18  }
0x213: {  	v3 =	vadd.f32 v3, v16;
	v2 =	vadd.f32 v2, v13;
	v13 =	vperm.xlane v8, v19  }
0x214: {  	v1 =	vadd.f32 v1, v6;
	v6 =	vadd.f32 v7, v15;
	v7 =	vperm.xlane v55, v18  }
0x215: {  	v2 =	vsel vm2, $0x0, v2;
	v8 =	vadd.f32 v8, v13;
	v13 =	vperm.xlane v3, v19  }
0x216: {  	v1 =	vadd.f32 v2, v1;
	v2 =	vadd.f32 v55, v7;
	v7 =	vperm.xlane v30, v18  }
0x217: {  	v8 =	vsel vm3, $0x0, v8;
	v3 =	vadd.f32 v3, v13;
	v13 =	vperm.xlane v6, v19  }
0x218: {  	v1 =	vadd.f32 v8, v1;
	v8 =	vperm.xlane v14, v18;
	v7 =	vadd.f32 v30, v7  }
0x219: {  	v3 =	vsel vm4, $0x0, v3;
	v6 =	vadd.f32 v6, v13;
	v13 =	vperm.xlane v2, v19  }
0x21a: {  	v1 =	vadd.f32 v3, v1;
	v3 =	vadd.f32 v14, v8;
	v8 =	vperm.xlane v12, v18  }
0x21b: {  	v6 =	vsel vm5, $0x0, v6;
	v2 =	vadd.f32 v2, v13;
	v13 =	vperm.xlane v7, v19  }
0x21c: {  	v1 =	vadd.f32 v6, v1;
	v6 =	vadd.f32 v12, v8;
	v8 =	vperm.xlane v11, v18  }
0x21d: {  	v12 =	vperm.xlane v3, v19;
	v2 =	vsel vm6, $0x0, v2;
	v7 =	vadd.f32 v7, v13  }
0x21e: {  	v1 =	vadd.f32 v2, v1;
	v2 =	vadd.f32 v11, v8;
	v8 =	vperm.xlane v10, v18  }
0x21f: {  	v0 =	vld [tilespmem:$0x1FE80];
	v3 =	vadd.f32 v3, v12;
	v11 =	vperm.xlane v6, v19;
	v7 =	vsel vm7, $0x0, v7  }
0x220: {  	v1 =	vadd.f32 v7, v1;
	v7 =	vadd.f32 v10, v8;
	v8 =	vperm.xlane v9, v18  }
0x221: {  	v3 =	vsel vm8, $0x0, v3;
	v6 =	vadd.f32 v6, v11;
	v10 =	vperm.xlane v2, v19  }
0x222: {  	v1 =	vadd.f32 v3, v1;
	v3 =	vadd.f32 v9, v8;
	v8 =	vperm.xlane v50, v18  }
0x223: {  	v6 =	vsel vm9, $0x0, v6;
	v2 =	vadd.f32 v2, v10  }
0x224: {  	v1 =	vadd.f32 v6, v1;
	v6 =	vadd.f32 v50, v8;
	v8 =	vperm.xlane v0, v18  }
0x225: {  	v2 =	vsel vm10, $0x0, v2  }
0x226: {  	v9 =	vperm.xlane v7, v19;
	v1 =	vadd.f32 v2, v1;
	v2 =	vadd.f32 v0, v8;
	v0 =	vld [tilespmem:$0x1FE70];
	_ =	sdelay $0x1  }
0x227: {  	v7 =	vadd.f32 v7, v9;
	v9 =	vperm.xlane v3, v19;
	_ =	sdelay $0x1  }
0x228: {  	v3 =	vadd.f32 v3, v9  }
0x229: {  	v7 =	vsel vm11, $0x0, v7;
	v9 =	vperm.xlane v6, v19;
	v8 =	vperm.xlane v0, v18  }
0x22a: {  	v1 =	vadd.f32 v7, v1;
	v3 =	vsel vm12, $0x0, v3  }
0x22b: {  	v6 =	vadd.f32 v6, v9;
	v7 =	vperm.xlane v2, v19;
	v0 =	vadd.f32 v0, v8  }
0x22c: {  	v1 =	vadd.f32 v3, v1  }
0x22d: {  	v3 =	vsel vm13, $0x0, v6;
	v2 =	vadd.f32 v2, v7;
	v6 =	vperm.xlane v0, v19  }
0x22e: {  	v1 =	vadd.f32 v3, v1  }
0x22f: {  	v2 =	vsel vm14, $0x0, v2;
	v0 =	vadd.f32 v0, v6  }
0x230: {  	v1 =	vadd.f32 v2, v1  }
0x231: {  	v0 =	vsel vm15, $0x0, v0  }
0x232: {  	v0 =	vadd.f32 v0, v1  }
0x233: {  	s9 =	sadd.s32 $0x10, s9  }
0x234: {  	s10 =	sshra.s32 s11, $0x2;
	[tilespmem:s9+$0x0] =	vst v0  }
0x235: {  	v35 =	vld.idx.msk [tilespmem:v5+s10+$0x0 ss:$0x1], $0xffff  }
0x236: {  	v28 =	vld.idx.msk [tilespmem:v4+s10+$0x3B0 ss:$0x1], $0xffff  }
0x237: {  	v0 =	vld.idx.msk [tilespmem:v5+s10+$0xFFFFFF80 ss:$0x1], $0xffff  }
0x238: {  	v20 =	vld.idx.msk [tilespmem:v5+s10+$0xFFFFFFF0 ss:$0x1], $0xffff  }
0x239: {  	v1 =	vld.idx.msk [tilespmem:v4+s10+$0x3A0 ss:$0x1], $0xffff  }
0x23a: {  	v29 =	vld.idx.msk [tilespmem:v4+s10+$0x2B0 ss:$0x1], $0xffff  }
0x23b: {  	v21 =	vld.idx.msk [tilespmem:v5+s10+$0xFFFFFF70 ss:$0x1], $0xffff  }
0x23c: {  	v22 =	vld.idx.msk [tilespmem:v4+s10+$0x320 ss:$0x1], $0xffff  }
0x23d: {  	v58 =	vld.idx.msk [tilespmem:v5+s10+$0xFFFFFFD0 ss:$0x1], $0xffff  }
0x23e: {  	v59 =	vld.idx.msk [tilespmem:v4+s10+$0x380 ss:$0x1], $0xffff  }
0x23f: {  	v61 =	vld.idx.msk [tilespmem:v5+s10+$0xFFFFFFE0 ss:$0x1], $0xffff  }
0x240: {  	v19 =	vld.idx.msk [tilespmem:v4+s10+$0x390 ss:$0x1], $0xffff  }
0x241: {  	v25 =	vld.idx.msk [tilespmem:v5+s10+$0xFFFFFEF0 ss:$0x1], $0xffff  }
0x242: {  	v30 =	vld.idx.msk [tilespmem:v4+s10+$0x2A0 ss:$0x1], $0xffff  }
0x243: {  	v17 =	vld.idx.msk [tilespmem:v5+s10+$0xFFFFFF50 ss:$0x1], $0xffff  }
0x244: {  	v16 =	vld.idx.msk [tilespmem:v4+s10+$0x300 ss:$0x1], $0xffff  }
0x245: {  	v39 =	vld.idx.msk [tilespmem:v5+s10+$0xFFFFFF60 ss:$0x1], $0xffff  }
0x246: {  	v26 =	vld.idx.msk [tilespmem:v4+s10+$0x310 ss:$0x1], $0xffff  }
0x247: {  	v27 =	vld.idx.msk [tilespmem:v5+s10+$0xFFFFFE70 ss:$0x1], $0xffff  }
0x248: {  	v24 =	vld.idx.msk [tilespmem:v4+s10+$0x220 ss:$0x1], $0xffff  }
0x249: {  	v10 =	vld.idx.msk [tilespmem:v5+s10+$0xFFFFFED0 ss:$0x1], $0xffff  }
0x24a: {  	v11 =	vld.idx.msk [tilespmem:v4+s10+$0x280 ss:$0x1], $0xffff  }
0x24b: {  	v12 =	vld.idx.msk [tilespmem:v5+s10+$0xFFFFFEE0 ss:$0x1], $0xffff  }
0x24c: {  	v2 =	vld.idx.msk [tilespmem:v5+s10+$0xFFFFFD80 ss:$0x1], $0xffff  }
0x24d: {  	v14 =	vld.idx.msk [tilespmem:v5+s10+$0xFFFFFE50 ss:$0x1], $0xffff  }
0x24e: {  	v9 =	vld.idx.msk [tilespmem:v4+s10+$0x200 ss:$0x1], $0xffff  }
0x24f: {  	v7 =	vld.idx.msk [tilespmem:v5+s10+$0xFFFFFE60 ss:$0x1], $0xffff  }
0x250: {  	v3 =	vld.idx.msk [tilespmem:v5+s10+$0xFFFFFD00 ss:$0x1], $0xffff  }
0x251: {  	v36 =	vld.idx.msk [tilespmem:v4+s10+$0xB0 ss:$0x1], $0xffff  }
0x252: {  	v40 =	vld.idx.msk [tilespmem:v5+s10+$0xFFFFFD70 ss:$0x1], $0xffff  }
0x253: {  	v41 =	vld.idx.msk [tilespmem:v4+s10+$0x120 ss:$0x1], $0xffff  }
0x254: {  	v31 =	vld.idx.msk [tilespmem:v5+s10+$0xFFFFFDD0 ss:$0x1], $0xffff  }
0x255: {  	v38 =	vld.idx.msk [tilespmem:v4+s10+$0x180 ss:$0x1], $0xffff  }
0x256: {  	v50 =	vld.idx.msk [tilespmem:v5+s10+$0xFFFFFDE0 ss:$0x1], $0xffff  }
0x257: {  	v55 =	vld.idx.msk [tilespmem:v4+s10+$0x190 ss:$0x1], $0xffff  }
0x258: {  	v43 =	vld.idx.msk [tilespmem:v5+s10+$0xFFFFFC80 ss:$0x1], $0xffff  }
0x259: {  	v45 =	vld.idx.msk [tilespmem:v4+s10+$0x30 ss:$0x1], $0xffff  }
0x25a: {  	v42 =	vld.idx.msk [tilespmem:v5+s10+$0xFFFFFCF0 ss:$0x1], $0xffff  }
0x25b: {  	v44 =	vld.idx.msk [tilespmem:v4+s10+$0xA0 ss:$0x1], $0xffff  }
0x25c: {  	v60 =	vld.idx.msk [tilespmem:v5+s10+$0xFFFFFD50 ss:$0x1], $0xffff  }
0x25d: {  	v63 =	vld.idx.msk [tilespmem:v4+s10+$0x100 ss:$0x1], $0xffff  }
0x25e: {  	v23 =	vld.idx.msk [tilespmem:v5+s10+$0xFFFFFD60 ss:$0x1], $0xffff  }
0x25f: {  	v37 =	vld.idx.msk [tilespmem:v4+s10+$0x110 ss:$0x1], $0xffff  }
0x260: {  	v49 =	vld.idx.msk [tilespmem:v5+s10+$0xFFFFFC70 ss:$0x1], $0xffff  }
0x261: {  	v53 =	vld.idx.msk [tilespmem:v4+s10+$0x20 ss:$0x1], $0xffff  }
0x262: {  	v48 =	vld.idx.msk [tilespmem:v5+s10+$0xFFFFFCD0 ss:$0x1], $0xffff  }
0x263: {  	[tilespmem:$0x1FBD0] =	vst v0;
	v0 =	vld.idx.msk [tilespmem:v4+s10+$0x330 ss:$0x1], $0xffff  }
0x264: {  	v52 =	vld.idx.msk [tilespmem:v4+s10+$0x80 ss:$0x1], $0xffff  }
0x265: {  	v54 =	vld.idx.msk [tilespmem:v5+s10+$0xFFFFFCE0 ss:$0x1], $0xffff  }
0x266: {  	v57 =	vld.idx.msk [tilespmem:v4+s10+$0x90 ss:$0x1], $0xffff  }
0x267: {  	v34 =	vld.idx.msk [tilespmem:v4+s10+$0xFFFFFF30 ss:$0x1], $0xffff  }
0x268: {  	[tilespmem:$0x1FBE0] =	vst v0;
	v0 =	vld.idx.msk [tilespmem:v5+s10+$0xFFFFFF00 ss:$0x1], $0xffff  }
0x269: {  	v46 =	vld.idx.msk [tilespmem:v5+s10+$0xFFFFFBF0 ss:$0x1], $0xffff  }
0x26a: {  	v47 =	vld.idx.msk [tilespmem:v4+s10+$0xFFFFFFA0 ss:$0x1], $0xffff  }
0x26b: {  	v62 =	vld.idx.msk [tilespmem:v5+s10+$0xFFFFFC50 ss:$0x1], $0xffff  }
0x26c: {  	v33 =	vld.idx.msk [tilespmem:v4+s10+$0x0 ss:$0x1], $0xffff  }
0x26d: {  	[tilespmem:$0x1FBF0] =	vst v0;
	v0 =	vld.idx.msk [tilespmem:v5+s10+$0xFFFFFE80 ss:$0x1], $0xffff  }
0x26e: {  	v32 =	vld.idx.msk [tilespmem:v5+s10+$0xFFFFFC60 ss:$0x1], $0xffff  }
0x26f: {  	v18 =	vld.idx.msk [tilespmem:v4+s10+$0x10 ss:$0x1], $0xffff  }
0x270: {  	v51 =	vld.idx.msk [tilespmem:v5+s10+$0xFFFFFB70 ss:$0x1], $0xffff  }
0x271: {  	v56 =	vld.idx.msk [tilespmem:v4+s10+$0xFFFFFF20 ss:$0x1], $0xffff  }
0x272: {  	[tilespmem:$0x1FC00] =	vst v0;
	v0 =	vld.idx.msk [tilespmem:v4+s10+$0x230 ss:$0x1], $0xffff  }
0x273: {  	v15 =	vld.idx.msk [tilespmem:v5+s10+$0xFFFFFBD0 ss:$0x1], $0xffff  }
0x274: {  	v13 =	vld.idx.msk [tilespmem:v4+s10+$0xFFFFFF80 ss:$0x1], $0xffff  }
0x275: {  	v8 =	vld.idx.msk [tilespmem:v5+s10+$0xFFFFFBE0 ss:$0x1], $0xffff  }
0x276: {  	v6 =	vld.idx.msk [tilespmem:v4+s10+$0xFFFFFF90 ss:$0x1], $0xffff  }
0x277: {  	[tilespmem:$0x1FC10] =	vst v0;
	v0 =	vld.idx.msk [tilespmem:v5+s10+$0xFFFFFE00 ss:$0x1], $0xffff  }
0x278: {  	[tilespmem:$0x1FC40] =	vst v2;
	v2 =	vld.idx.msk [tilespmem:v4+s10+$0x130 ss:$0x1], $0xffff  }
0x279: {  	[tilespmem:$0x1FC80] =	vst v3;
	v3 =	vld.idx.msk [tilespmem:v5+s10+$0xFFFFFC00 ss:$0x1], $0xffff  }
0x27a: {  	v20 =	vmul.f32 v1, v20;
	v1 =	vld.idx.msk [tilespmem:v4+s10+$0xFFFFFF00 ss:$0x1], $0xffff  }
0x27b: {  	v58 =	vmul.f32 v59, v58;
	v59 =	vld.idx.msk [tilespmem:v5+s10+$0xFFFFFB60 ss:$0x1], $0xffff  }
0x27c: {  	[tilespmem:$0x1FC20] =	vst v0;
	v0 =	vld.idx.msk [tilespmem:v4+s10+$0x1B0 ss:$0x1], $0xffff  }
0x27d: {  	v16 =	vmul.f32 v16, v17;
	v17 =	vmul.f32 v26, v39;
	v39 =	vld.idx.msk [tilespmem:v4+s10+$0xFFFFFF10 ss:$0x1], $0xffff  }
0x27e: {  	v10 =	vmul.f32 v11, v10;
	v11 =	vld.idx.msk [tilespmem:v5+s10+$0xFFFFFA00 ss:$0x1], $0xffff  }
0x27f: {  	[tilespmem:$0x1FC50] =	vst v2;
	v2 =	vld.idx.msk [tilespmem:v5+s10+$0xFFFFFDF0 ss:$0x1], $0xffff  }
0x280: {  	v9 =	vmul.f32 v9, v14;
	v14 =	vld [tilespmem:$0x1FFC0]  }
0x281: {  	[tilespmem:$0x1FC30] =	vst v0;
	v0 =	vld.idx.msk [tilespmem:v4+s10+$0x290 ss:$0x1], $0xffff  }
0x282: {  	v19 =	vmul.f32 v19, v61;
	v61 =	vld.idx.msk [tilespmem:v4+s10+$0xFFFFFE00 ss:$0x1], $0xffff  }
0x283: {  	[tilespmem:$0x1FC90] =	vst v3;
	v3 =	vld.idx.msk [tilespmem:v4+s10+$0xFFFFFFB0 ss:$0x1], $0xffff  }
0x284: {  	v19 =	vadd.f32 v19, v58;
	[tilespmem:$0x1FC60] =	vst v2;
	v2 =	vld.idx.msk [tilespmem:v4+s10+$0x1A0 ss:$0x1], $0xffff  }
0x285: {  	v21 =	vmul.f32 v22, v21;
	v22 =	vmul.f32 v28, v35;
	v28 =	vld.idx.msk [tilespmem:v4+s10+$0xFFFFFD80 ss:$0x1], $0xffff;
	v17 =	vadd.f32 v17, v16  }
0x286: {  	v20 =	vadd.f32 v20, v19;
	v19 =	vld [tilespmem:$0x1FBD0];
	v0 =	vmul.f32 v0, v12  }
0x287: {  	v17 =	vadd.f32 v21, v17;
	v21 =	vld [tilespmem:$0x1FBE0]  }
0x288: {  	[tilespmem:$0x1FCA0] =	vst v3;
	v3 =	vld.idx.msk [tilespmem:v5+s10+$0xFFFFFB80 ss:$0x1], $0xffff;
	v0 =	vadd.f32 v0, v10;
	v10 =	vmul.f32 v30, v25  }
0x289: {  	[tilespmem:$0x1FC70] =	vst v2;
	v2 =	vld.idx.msk [tilespmem:v4+s10+$0x210 ss:$0x1], $0xffff  }
0x28a: {  	v0 =	vadd.f32 v10, v0;
	v10 =	vld [tilespmem:$0x1FBF0]  }
0x28b: {  	v35 =	vld.idx.msk [tilespmem:v5+s10+$0xFFFFF880 ss:$0x1], $0xffff  }
0x28c: {  	v18 =	vmul.f32 v18, v32;
	v32 =	vld.idx.msk [tilespmem:v5+s10+$0xFFFFF8F0 ss:$0x1], $0xffff;
	v21 =	vmul.f32 v21, v19  }
0x28d: {  	v16 =	vld.idx.msk [tilespmem:v5+s10+$0xFFFFFAD0 ss:$0x1], $0xffff  }
0x28e: {  	v13 =	vmul.f32 v13, v15;
	v2 =	vmul.f32 v2, v7;
	v7 =	vadd.f32 v21, v17;
	v17 =	vld [tilespmem:$0x1FFC0]  }
0x28f: {  	v6 =	vmul.f32 v6, v8;
	[tilespmem:$0x1FCB0] =	vst v3;
	v3 =	vld.idx.msk [tilespmem:v5+s10+$0xFFFFFB00 ss:$0x1], $0xffff;
	v10 =	vmul.f32 v29, v10  }
0x290: {  	v58 =	vld.idx.msk [tilespmem:v5+s10+$0xFFFFFA50 ss:$0x1], $0xffff  }
0x291: {  	v6 =	vadd.f32 v6, v13;
	v13 =	vmul.f32 v47, v46;
	v0 =	vadd.f32 v10, v0;
	v10 =	vld [tilespmem:$0x1FFC0]  }
0x292: {  	v26 =	vadd.f32 v22, v20;
	v20 =	vld.idx.msk [tilespmem:v5+s10+$0xFFFFFAE0 ss:$0x1], $0xffff  }
0x293: {  	v6 =	vadd.f32 v13, v6;
	v13 =	vld [tilespmem:$0x1FC90];
	v14 =	vperm.xlane v7, v14;
	v17 =	vperm.xlane v0, v17  }
0x294: {  	[tilespmem:$0x1FE10] =	vst v3;
	v3 =	vld.idx.msk [tilespmem:v4+s10+$0xFFFFFEB0 ss:$0x1], $0xffff;
	v2 =	vadd.f32 v2, v9  }
0x295: {  	v9 =	vmul.f32 v24, v27;
	v7 =	vadd.f32 v7, v14;
	v14 =	vadd.f32 v0, v17;
	v0 =	vld [tilespmem:$0x1FFD0]  }
0x296: {  	v15 =	vld [tilespmem:$0x1FCA0];
	v10 =	vperm.xlane v26, v10  }
0x297: {  	v2 =	vadd.f32 v9, v2;
	v9 =	vld [tilespmem:$0x1FC00]  }
0x298: {  	v10 =	vadd.f32 v26, v10;
	v26 =	vld [tilespmem:$0x1FC10]  }
0x299: {  	[tilespmem:$0x1FE20] =	vst v3;
	v3 =	vld.idx.msk [tilespmem:v5+s10+$0xFFFFFA80 ss:$0x1], $0xffff  }
0x29a: {  	v22 =	vld.idx.msk [tilespmem:v5+s10+$0xFFFFF980 ss:$0x1], $0xffff;
	v0 =	vperm.xlane v10, v0  }
0x29b: {  	v27 =	vld [tilespmem:$0x1FC30]  }
0x29c: {  	v0 =	vadd.f32 v10, v0;
	v10 =	vld [tilespmem:$0x1FC20]  }
0x29d: {  	v19 =	vld.idx.msk [tilespmem:v4+s10+$0xFFFFFE80 ss:$0x1], $0xffff;
	v9 =	vmul.f32 v26, v9  }
0x29e: {  	v13 =	vmul.f32 v15, v13;
	[tilespmem:$0x1FE30] =	vst v3;
	v3 =	vld.idx.msk [tilespmem:v4+s10+$0xFFFFFE30 ss:$0x1], $0xffff  }
0x29f: {  	v2 =	vadd.f32 v9, v2;
	v9 =	vld [tilespmem:$0x1FFD0]  }
0x2a0: {  	v13 =	vadd.f32 v13, v6;
	v6 =	vld.idx.msk [tilespmem:v4+s10+$0xFFFFFC00 ss:$0x1], $0xffff  }
0x2a1: {  	v10 =	vmul.f32 v27, v10;
	v27 =	vld [tilespmem:$0x1FFC0]  }
0x2a2: {  	v21 =	vld.idx.msk [tilespmem:v4+s10+$0xFFFFFE90 ss:$0x1], $0xffff  }
0x2a3: {  	v24 =	vld.idx.msk [tilespmem:v5+s10+$0xFFFFF9F0 ss:$0x1], $0xffff  }
0x2a4: {  	[tilespmem:$0x1FE40] =	vst v3;
	v3 =	vld.idx.msk [tilespmem:v5+s10+$0xFFFFFB50 ss:$0x1], $0xffff;
	v9 =	vperm.xlane v7, v9  }
0x2a5: {  	v17 =	vld [tilespmem:$0x1FFD0]  }
0x2a6: {  	v12 =	vld.idx.msk [tilespmem:v4+s10+$0xFFFFFDB0 ss:$0x1], $0xffff;
	v27 =	vperm.xlane v2, v27;
	v7 =	vadd.f32 v7, v9  }
0x2a7: {  	v25 =	vld.idx.msk [tilespmem:v4+s10+$0xFFFFFD30 ss:$0x1], $0xffff  }
0x2a8: {  	[tilespmem:$0x1FE80] =	vst v7;
	v7 =	vmul.f32 v38, v31;
	v38 =	vadd.f32 v2, v27;
	v2 =	vld [tilespmem:$0x1FC40]  }
0x2a9: {  	v27 =	vld [tilespmem:$0x1FC50]  }
0x2aa: {  	v30 =	vld.idx.msk [tilespmem:v5+s10+$0xFFFFF900 ss:$0x1], $0xffff;
	v1 =	vmul.f32 v1, v3;
	v17 =	vperm.xlane v14, v17  }
0x2ab: {  	v3 =	vmul.f32 v39, v59;
	v59 =	vld [tilespmem:$0x1FFC0];
	v9 =	vmul.f32 v55, v50  }
0x2ac: {  	v29 =	vld [tilespmem:$0x1FC80];
	v50 =	vadd.f32 v14, v17;
	v14 =	vmul.f32 v63, v60;
	v17 =	vmul.f32 v37, v23  }
0x2ad: {  	v7 =	vadd.f32 v9, v7;
	v9 =	vld [tilespmem:$0x1FC70]  }
0x2ae: {  	v14 =	vadd.f32 v17, v14;
	v17 =	vmul.f32 v41, v40;
	v60 =	vmul.f32 v27, v2;
	v2 =	vld [tilespmem:$0x1FC60]  }
0x2af: {  	v39 =	vld.idx.msk [tilespmem:v5+s10+$0xFFFFF860 ss:$0x1], $0xffff  }
0x2b0: {  	v57 =	vmul.f32 v57, v54;
	v26 =	vld.idx.msk [tilespmem:v4+s10+$0xFFFFFDA0 ss:$0x1], $0xffff;
	v14 =	vadd.f32 v17, v14;
	v17 =	vmul.f32 v52, v48  }
0x2b1: {  	[tilespmem:$0x1FE70] =	vst v0;
	v0 =	vld.idx.msk [tilespmem:v5+s10+$0xFFFFFA60 ss:$0x1], $0xffff  }
0x2b2: {  	v42 =	vmul.f32 v44, v42;
	v23 =	vld.idx.msk [tilespmem:v5+s10+$0xFFFFF970 ss:$0x1], $0xffff;
	v8 =	vadd.f32 v57, v17  }
0x2b3: {  	v63 =	vmul.f32 v36, v29;
	v29 =	vld.idx.msk [tilespmem:v5+s10+$0xFFFFF9E0 ss:$0x1], $0xffff;
	v9 =	vmul.f32 v9, v2  }
0x2b4: {  	v36 =	vld.idx.msk [tilespmem:v4+s10+$0xFFFFFC30 ss:$0x1], $0xffff;
	v8 =	vadd.f32 v42, v8  }
0x2b5: {  	v1 =	vadd.f32 v3, v1;
	v3 =	vmul.f32 v56, v51;
	v31 =	vld.idx.msk [tilespmem:v4+s10+$0xFFFFFCB0 ss:$0x1], $0xffff;
	v7 =	vadd.f32 v9, v7  }
0x2b6: {  	v40 =	vld.idx.msk [tilespmem:v5+s10+$0xFFFFF950 ss:$0x1], $0xffff;
	v15 =	vadd.f32 v63, v8  }
0x2b7: {  	v8 =	vadd.f32 v3, v1;
	v1 =	vld [tilespmem:$0x1FCB0];
	v10 =	vadd.f32 v10, v7;
	v7 =	vmul.f32 v33, v62  }
0x2b8: {  	v41 =	vld.idx.msk [tilespmem:v4+s10+$0xFFFFFD00 ss:$0x1], $0xffff  }
0x2b9: {  	v27 =	vld.idx.msk [tilespmem:v5+s10+$0xFFFFF9D0 ss:$0x1], $0xffff;
	v9 =	vmul.f32 v53, v49;
	v7 =	vadd.f32 v18, v7  }
0x2ba: {  	v42 =	vld.idx.msk [tilespmem:v5+s10+$0xFFFFF960 ss:$0x1], $0xffff  }
0x2bb: {  	v43 =	vmul.f32 v45, v43;
	v14 =	vadd.f32 v60, v14;
	v2 =	vld [tilespmem:$0x1FFD0];
	v9 =	vadd.f32 v9, v7  }
0x2bc: {  	p1 =	sne.s32 s11, $0xE000;
	v63 =	vperm.xlane v13, v59;
	v53 =	vld [tilespmem:$0x1FFD0];
	v17 =	vmul.f32 v34, v1  }
.Ltmp1:
0x2bd: {  	v3 =	vld.idx.msk [tilespmem:v4+s10+$0xFFFFFC80 ss:$0x1], $0xffff;
	v18 =	vperm.xlane v14, v59;
	v60 =	vperm.xlane v10, v59;
	v9 =	vadd.f32 v43, v9;
	(pc) =	sbr.rel @p1 .LBB2_5-.Ltmp1, $4  }
0x2be: {  	v1 =	vld.idx.msk [tilespmem:v5+s10+$0xFFFFF8D0 ss:$0x1], $0xffff;
	v34 =	vadd.f32 v13, v63;
	v62 =	vperm.xlane v15, v59;
	v47 =	vadd.f32 v17, v8  }
0x2bf: {  	v33 =	vld.idx.msk [tilespmem:v4+s10+$0xFFFFFC20 ss:$0x1], $0xffff;
	v45 =	vadd.f32 v10, v60;
	v43 =	vadd.f32 v14, v18;
	v17 =	vperm.xlane v9, v59  }
0x2c0: {  	v2 =	vperm.xlane v38, v2;
	v8 =	vld.idx.msk [tilespmem:v5+s10+$0xFFFFF850 ss:$0x1], $0xffff;
	v44 =	vadd.f32 v15, v62;
	v49 =	vperm.xlane v47, v59  }
0x2c1: {  	s11 =	sadd.s32 $0x2000, s11;
	v7 =	vld.idx.msk [tilespmem:v5+s10+$0xFFFFF870 ss:$0x1], $0xffff;
	v48 =	vperm.xlane v45, v53;
	v46 =	vperm.xlane v43, v53;
	v37 =	vadd.f32 v9, v17  }
0x2c2: {  	_ =	sdelay $0x3  }
0x2c3: {  	v17 =	vld.idx.msk [tilespmem:v4+s10+$0xFFFFFC10 ss:$0x1], $0xffff  }
0x2c4: {  	v9 =	vld [tilespmem:$0x1FE10]  }
0x2c5: {  	v15 =	vperm.xlane v44, v53;
	v10 =	vld [tilespmem:$0x1FE20];
	v57 =	vperm.xlane v34, v53  }
0x2c6: {  	v60 =	vld [tilespmem:$0x1FE30];
	v11 =	vmul.f32 v12, v11;
	v22 =	vmul.f32 v25, v22  }
0x2c7: {  	v62 =	vld [tilespmem:$0x1FE40];
	v20 =	vmul.f32 v21, v20;
	v25 =	vmul.f32 v31, v30  }
0x2c8: {  	v13 =	vadd.f32 v47, v49;
	v63 =	vld.idx.msk [tilespmem:v4+s10+$0xFFFFFC90 ss:$0x1], $0xffff;
	v24 =	vmul.f32 v26, v24;
	v56 =	vmul.f32 v36, v35  }
0x2c9: {  	v26 =	vld.idx.msk [tilespmem:v4+s10+$0xFFFFFD90 ss:$0x1], $0xffff;
	v14 =	vperm.xlane v37, v53;
	v1 =	vmul.f32 v3, v1  }
0x2ca: {  	v49 =	vperm.xlane v13, v53;
	v18 =	vmul.f32 v10, v9;
	v9 =	vadd.f32 v38, v2;
	v2 =	vld.idx.msk [tilespmem:v5+s10+$0xFFFFF8E0 ss:$0x1], $0xffff  }
0x2cb: {  	v51 =	vld.idx.msk [tilespmem:v4+s10+$0xFFFFFD10 ss:$0x1], $0xffff;
	v15 =	vadd.f32 v44, v15;
	v14 =	vadd.f32 v37, v14;
	v6 =	vmul.f32 v6, v8  }
0x2cc: {  	v52 =	vld.idx.msk [tilespmem:v4+s10+$0xFFFFFCA0 ss:$0x1], $0xffff;
	v37 =	vmul.f32 v28, v27;
	v7 =	vmul.f32 v33, v7;
	v13 =	vadd.f32 v13, v49  }
0x2cd: {  	v55 =	vld.idx.msk [tilespmem:v4+s10+$0xFFFFFD20 ss:$0x1], $0xffff;
	v38 =	vmul.f32 v62, v60;
	v10 =	vadd.f32 v45, v48;
	v54 =	vmul.f32 v17, v39  }
0x2ce: {  	v48 =	vmul.f32 v19, v16;
	v16 =	vadd.f32 v43, v46;
	v39 =	vmul.f32 v26, v29  }
0x2cf: {  	v17 =	vadd.f32 v34, v57;
	v57 =	vld.idx.msk [tilespmem:v4+s10+$0xFFFFFE10 ss:$0x1], $0xffff;
	v6 =	vadd.f32 v54, v6;
	v2 =	vmul.f32 v63, v2  }
0x2d0: {  	v35 =	vld.idx.msk [tilespmem:v5+s10+$0xFFFFFAF0 ss:$0x1], $0xffff;
	v62 =	vmul.f32 v41, v40;
	v19 =	vmul.f32 v51, v42;
	v8 =	vadd.f32 v39, v37  }
0x2d1: {  	v60 =	vld.idx.msk [tilespmem:v5+s10+$0xFFFFFA70 ss:$0x1], $0xffff;
	v34 =	vmul.f32 v52, v32;
	v6 =	vadd.f32 v7, v6;
	v1 =	vadd.f32 v2, v1  }
0x2d2: {  	v41 =	vmul.f32 v55, v23;
	v36 =	vadd.f32 v19, v62;
	v44 =	vadd.f32 v24, v8;
	v63 =	vld.idx.msk [tilespmem:v4+s10+$0xFFFFFE20 ss:$0x1], $0xffff  }
0x2d3: {  	v40 =	vld.idx.msk [tilespmem:v4+s10+$0xFFFFFEA0 ss:$0x1], $0xffff;
	v42 =	vmul.f32 v61, v58;
	v6 =	vadd.f32 v56, v6;
	v1 =	vadd.f32 v34, v1  }
0x2d4: {  	v0 =	vmul.f32 v57, v0;
	v7 =	vadd.f32 v11, v44;
	v2 =	vadd.f32 v41, v36  }
0x2d5: {  	v12 =	vadd.f32 v20, v48;
	v43 =	vperm.xlane v6, v59;
	v1 =	vadd.f32 v25, v1  }
0x2d6: {  	v0 =	vadd.f32 v0, v42;
	v49 =	vperm.xlane v7, v59;
	v2 =	vadd.f32 v22, v2  }
0x2d7: {  	v3 =	vmul.f32 v63, v60;
	v6 =	vadd.f32 v6, v43;
	v45 =	vperm.xlane v1, v59  }
0x2d8: {  	v46 =	vmul.f32 v40, v35;
	v52 =	vadd.f32 v7, v49;
	v48 =	vperm.xlane v2, v59;
	v25 =	vld [tilespmem:$0x1FFE0]  }
0x2d9: {  	v0 =	vadd.f32 v3, v0;
	v47 =	vperm.xlane v6, v53;
	v1 =	vadd.f32 v1, v45  }
0x2da: {  	v3 =	vadd.f32 v46, v12;
	v57 =	vperm.xlane v52, v53;
	v2 =	vadd.f32 v2, v48  }
0x2db: {  	v0 =	vadd.f32 v38, v0;
	v4 =	vadd.f32 v6, v47;
	v51 =	vperm.xlane v1, v53  }
0x2dc: {  	v32 =	vld [tilespmem:$0x1FFF0];
	v3 =	vadd.f32 v18, v3;
	v5 =	vadd.f32 v52, v57;
	v56 =	vperm.xlane v2, v53  }
0x2dd: {  	v54 =	vperm.xlane v0, v59;
	v55 =	vperm.xlane v4, v25;
	v1 =	vadd.f32 v1, v51  }
0x2de: {  	v58 =	vperm.xlane v3, v59;
	v11 =	vperm.xlane v5, v25;
	v2 =	vadd.f32 v2, v56  }
0x2df: {  	v0 =	vadd.f32 v0, v54;
	v4 =	vadd.f32 v4, v55;
	v59 =	vperm.xlane v1, v25  }
0x2e0: {  	v22 =	vperm.xlane v13, v25;
	v3 =	vadd.f32 v3, v58;
	v62 =	vperm.xlane v2, v25  }
0x2e1: {  	v60 =	vperm.xlane v0, v53;
	v61 =	vperm.xlane v4, v32;
	v1 =	vadd.f32 v1, v59  }
0x2e2: {  	v29 =	vperm.xlane v17, v25;
	v63 =	vperm.xlane v3, v53;
	v2 =	vadd.f32 v2, v62  }
0x2e3: {  	v0 =	vadd.f32 v0, v60;
	v4 =	vadd.f32 v4, v61;
	v12 =	vperm.xlane v1, v32  }
0x2e4: {  	v5 =	vadd.f32 v5, v11;
	v3 =	vadd.f32 v3, v63;
	v19 =	vperm.xlane v2, v32  }
0x2e5: {  	v18 =	vperm.xlane v0, v25;
	v4 =	vnsel vm0, $0x0, v4;
	v1 =	vadd.f32 v1, v12  }
0x2e6: {  	v21 =	vperm.xlane v5, v32;
	v20 =	vperm.xlane v3, v25;
	v4 =	vadd.f32 $0.0e+00, v4  }
0x2e7: {  	v2 =	vadd.f32 v2, v19;
	v0 =	vadd.f32 v0, v18;
	v1 =	vsel vm1, $0x0, v1  }
0x2e8: {  	v31 =	vperm.xlane v14, v25;
	v5 =	vadd.f32 v5, v21;
	v1 =	vadd.f32 v1, v4  }
0x2e9: {  	v3 =	vadd.f32 v3, v20;
	v2 =	vsel vm2, $0x0, v2;
	v23 =	vperm.xlane v0, v32  }
0x2ea: {  	v35 =	vperm.xlane v15, v25;
	v28 =	vadd.f32 v13, v22;
	v1 =	vadd.f32 v2, v1  }
0x2eb: {  	v5 =	vsel vm3, $0x0, v5;
	v30 =	vperm.xlane v3, v32;
	v0 =	vadd.f32 v0, v23  }
0x2ec: {  	v34 =	vadd.f32 v14, v31;
	v33 =	vperm.xlane v28, v32;
	v1 =	vadd.f32 v5, v1  }
0x2ed: {  	v4 =	vadd.f32 v17, v29;
	v3 =	vadd.f32 v3, v30;
	v0 =	vsel vm4, $0x0, v0  }
0x2ee: {  	v38 =	vperm.xlane v16, v25;
	v37 =	vadd.f32 v15, v35;
	v0 =	vadd.f32 v0, v1  }
0x2ef: {  	v3 =	vsel vm5, $0x0, v3;
	v2 =	vadd.f32 v28, v33;
	v36 =	vperm.xlane v4, v32  }
0x2f0: {  	v41 =	vperm.xlane v10, v25;
	v40 =	vadd.f32 v16, v38;
	v0 =	vadd.f32 v3, v0  }
0x2f1: {  	v39 =	vperm.xlane v34, v32;
	v2 =	vsel vm6, $0x0, v2;
	v4 =	vadd.f32 v4, v36  }
0x2f2: {  	v47 =	vperm.xlane v50, v25;
	v43 =	vadd.f32 v10, v41;
	v0 =	vadd.f32 v2, v0  }
0x2f3: {  	v42 =	vperm.xlane v37, v32;
	v4 =	vsel vm7, $0x0, v4;
	v1 =	vadd.f32 v34, v39  }
0x2f4: {  	v44 =	vperm.xlane v9, v25;
	v49 =	vadd.f32 v50, v47;
	v50 =	vld [tilespmem:$0x1FE80];
	v0 =	vadd.f32 v4, v0  }
0x2f5: {  	v54 =	vld [tilespmem:$0x1FE70];
	v45 =	vperm.xlane v40, v32;
	v1 =	vsel vm8, $0x0, v1;
	v3 =	vadd.f32 v37, v42  }
0x2f6: {  	v46 =	vadd.f32 v9, v44;
	v0 =	vadd.f32 v1, v0  }
0x2f7: {  	v48 =	vperm.xlane v43, v32;
	v3 =	vsel vm9, $0x0, v3;
	v2 =	vadd.f32 v40, v45  }
0x2f8: {  	v52 =	vperm.xlane v46, v32;
	v0 =	vadd.f32 v3, v0  }
0x2f9: {  	v51 =	vperm.xlane v50, v25;
	v2 =	vsel vm10, $0x0, v2;
	v4 =	vadd.f32 v43, v48  }
0x2fa: {  	v56 =	vperm.xlane v49, v32;
	v55 =	vperm.xlane v54, v25;
	v0 =	vadd.f32 v2, v0  }
0x2fb: {  	v53 =	vadd.f32 v50, v51;
	v4 =	vsel vm11, $0x0, v4;
	v1 =	vadd.f32 v46, v52  }
0x2fc: {  	v57 =	vadd.f32 v54, v55;
	v0 =	vadd.f32 v4, v0  }
0x2fd: {  	v58 =	vperm.xlane v53, v32;
	v1 =	vsel vm12, $0x0, v1;
	v3 =	vadd.f32 v49, v56  }
0x2fe: {  	v0 =	vadd.f32 v1, v0  }
0x2ff: {  	v60 =	vperm.xlane v57, v32;
	v59 =	vsel vm13, $0x0, v3;
	v2 =	vadd.f32 v53, v58  }
0x300: {  	v0 =	vadd.f32 v59, v0  }
0x301: {  	v62 =	vadd.f32 v57, v60;
	v61 =	vsel vm14, $0x0, v2  }
0x302: {  	v0 =	vadd.f32 v61, v0  }
0x303: {  	p1 =	sgt.u32 s7, $0x5D;
	v63 =	vsel vm15, $0x0, v62  }
0x304: {  	p2 =	sne.s32 @!p1 s8, $0x0;
	v0 =	vadd.f32 v63, v0  }
0x305: {  	s11 =	sadd.s32 $0x10, s9;
	s9 =	sshll.u32 @!p1 s7, $0x7;
	p3 =	por !p2, p1  }
0x306: {  	s8 =	sadd.s32 @!p1 $0x100, s9;
	s10 =	simm.s32 @!p3 $0x80;
	[tilespmem:s11+$0x0] =	vst v0;
	s11 =	simm.s32 @!p3 $0xA000  }
0x307: {  	[tilespmem:s11], [sflag:$0x2] =	stream.indirect.gather @!p3 [hbm4b:s5+s10], $0x80, s8, s10, $0xb8;
	[tilespmem:$0x1E800] =	vst v63  }
0x308: {  	s9 =	sadd.s32 @!p1 $0x3100, s9;
	p1 =	por p2, p1;
	s11 =	simm.s32 @!p3 $0x12000  }
0x309: {  	[tilespmem:s11], [sflag:$0x2] =	stream.indirect.gather @!p3 [hbm4b:s5+s10], $0x80, s9, s10, $0xb8;
	[tilespmem:$0x1E800] =	vst v63  }
0x30a: {  	s10 =	simm.s32 @!p1 $0x80;
	s11 =	simm.s32 @!p1 $0x6000  }
0x30b: {  	[tilespmem:s11], [sflag:$0x1] =	stream.indirect.gather @!p1 [hbm4b:s5+s10], $0x80, s8, s10, $0xb8;
	[tilespmem:$0x1E800] =	vst v63  }
0x30c: {  	s8 =	simm.s32 @!p1 $0xE000  }
0x30d: {  	[tilespmem:s8], [sflag:$0x1] =	stream.indirect.gather @!p1 [hbm4b:s5+s10], $0x80, s9, s10, $0xb8;
	[tilespmem:$0x1E800] =	vst v63  }
0x30e: {  	p1 =	sne.s32 s29, $0xF  }
0x30f: {  	s8 =	sshrl.u32 @!p1 s7, $0x4  }
0x310: {  	s9 =	smulhi.u32 @!p1 $0x55555556, s8  }
0x311: {  	s10 =	smulhi.u32 @!p1 $0xAAAAAAAB, s7  }
0x312: {  	s9 =	smul.u32 @!p1 $0x3, s9  }
0x313: {  	s10 =	sshrl.u32 @!p1 s10, $0x5  }
0x314: {  	s8 =	ssub.s32 @!p1 s8, s9;
	s9 =	smul.u32 @!p1 $0x30000, s10  }
0x315: {  	s8 =	sshll.u32 @!p1 s8, $0x10  }
0x316: {  	s8 =	sadd.s32 @!p1 s9, s8  }
0x317: {  	s7 =	sadd.s32 $0x1, s7;
	s8 =	sor.u32 @!p1 s4, s8  }
0x318: {  	p2 =	sne.s32 s7, $0x60;
	s8 =	sshrl.u32 @!p1 s8, $0x3  }
0x319: {  	s10 =	simm.s32 @!p1 $0x1E000;
	s9 =	simm.s32 @!p1 $0x0;
	s8 =	sadd.s32 @!p1 s6, s8  }
0x31a: {  	[hbm4b:s8+s9] =	stream.linear.scatter @!p1 [tilespmem:s10], [sflag:$0x3], $0x800, $0x38;
	[tilespmem:$0x1E800] =	vst v63  }
.Ltmp2:
0x31b: {  	_ = 	snop;
	(pc) =	sbr.rel @p2 .LBB2_4-.Ltmp2, $4  }
0x31c: {  	s8 =	simm.s32 @!p1 $0x3  }
0x31d: {  	_ =	swait.ge @!p1 [sflag:s8], $0x800  }
0x31e: {  	[sflag:s8] =	ssyncset.done @!p1 $0x0  }
0x31f: {  	s26 =	sadd.s32 $0x1, s26;
	p0 =	por !p0, !p0;
	[sflag:s8] =	ssyncadd.s32 @!p1 $0xFFFFF800  }
0x320: {  	s7 =	simm.s32 $0x0  }
0x321: {  	[tilespmem:s7], [sflag:$0x3] =	stream.linear.gather [hbm4b:s19+s7], $0x800, $0x38;
	[tilespmem:$0x1E800] =	vst v63  }
0x322: {  	_ =	swait.ge [sflag:s25], $0x800  }
0x323: {  	[sflag:s25] =	ssyncset.done $0x0  }
0x324: {  	[sflag:s25] =	ssyncadd.s32 $0xFFFFF800  }
0x325: {  	[tilespmem:s12], [sflag:$0x3] =	stream.linear.gather [hbm4b:s20+s7], $0x800, $0x38;
	[tilespmem:$0x1E800] =	vst v63  }
0x326: {  	_ =	swait.ge [sflag:s25], $0x800  }
0x327: {  	[sflag:s25] =	ssyncset.done $0x0  }
0x328: {  	[sflag:s25] =	ssyncadd.s32 $0xFFFFF800  }
0x329: {  	[tilespmem:s13], [sflag:$0x3] =	stream.linear.gather [hbm4b:s21+s7], $0x800, $0x38;
	[tilespmem:$0x1E800] =	vst v63  }
0x32a: {  	_ =	swait.ge [sflag:s25], $0x800  }
0x32b: {  	[sflag:s25] =	ssyncset.done $0x0  }
0x32c: {  	[sflag:s25] =	ssyncadd.s32 $0xFFFFF800  }
0x32d: {  	s9 =	simm.s32 $0x1;
	s8 =	simm.s32 $0x0;
	v0 =	vld [tilespmem:s7+$0x0]  }
.LBB2_8:
0x32e: {  	p0 =	sne.s32 s9, $0x17F;
	s10 =	sshrl.u32 s7, $0x7  }
0x32f: {  	s7 =	smov.u32 s9;
	s10 =	smul.u32 $0xC350, s10  }
.Ltmp3:
0x330: {  	(pc) =	sbr.rel @p0 .LBB2_8-.Ltmp3, $4  }
0x331: {  	_ = 	snop  }
0x332: {  	v0 =	vadd.s32 s10, v0  }
0x333: {  	[tilespmem:s8+$0x0] =	vst v0;
	s8 =	sadd.s32 $0x10, s8  }
0x334: {  	s9 =	sadd.s32 $0x1, s9;
	v0 =	vld [tilespmem:s8+$0x0]  }
0x335: {  	_ = 	snop  }
0x336: {  	s7 =	sshrl.u32 s7, $0x7  }
0x337: {  	s7 =	smul.u32 $0xC350, s7;
	_ =	sdelay $0x1  }
0x338: {  	v0 =	vadd.s32 s7, v0  }
0x339: {  	s26 =	simm.s32 $0x0;
	[tilespmem:s8+$0x0] =	vst v0  }
0x33a: {  	[tilespmem:s0], [sflag:$0x1] =	stream.indirect.gather [hbm4b:s5+s1], $0x80, s26, s1, $0xb8;
	[tilespmem:$0x1E800] =	vst v63  }
0x33b: {  	s13 =	simm.s32 $0x16000  }
0x33c: {  	[tilespmem:s13], [sflag:$0x1] =	stream.linear.gather [hbm4b:s22+s26], $0x4000, $0x38;
	[tilespmem:$0x1E800] =	vst v63  }
0x33d: {  	_ = 	snop  }
0x33e: {  	[tilespmem:s31], [sflag:$0x2] =	stream.indirect.gather [hbm4b:s5+s1], $0x80, s1, s1, $0xb8;
	[tilespmem:$0x1E800] =	vst v63  }
0x33f: {  	s29 =	simm.s32 $0x1A000;
	p0 =	por $0x0, $0x0;
	s7 =	simm.s32 $0x0  }
0x340: {  	[tilespmem:s29], [sflag:$0x2] =	stream.linear.gather [hbm4b:s23+s26], $0x4000, $0x38;
	[tilespmem:$0x1E800] =	vst v63  }
.LBB2_10:
0x341: {  	s9 =	simm.s32 $0x1;
	s8 =	sand.u32 $0x1, s7  }
0x342: {  	s10 =	simm.s32 $0x1;
	s9 =	simm.s32 @!p0 $0x0;
	p1 =	seq.s32 s8, $0x0  }
0x343: {  	s9 =	sshll.u32 s9, $0xE;
	s10 =	simm.s32 @!p1 $0x2  }
0x344: {  	s11 =	sadd.s32 $0x6400, s9;
	_ =	swait.ge [sflag:s10], $0x4000  }
0x345: {  	s9 =	sadd.s32 $0x16400, s9;
	[sflag:s10] =	ssyncset.done $0x0;
	v5 =	vmov s11  }
0x346: {  	v4 =	vmov s9;
	[sflag:s10] =	ssyncadd.s32 $0xFFFFC000  }
0x347: {  	_ =	swait.ge [sflag:s10], $0x4000  }
0x348: {  	[sflag:s10] =	ssyncset.done $0x0  }
0x349: {  	s12 =	simm.s32 $0x0;
	[sflag:s10] =	ssyncadd.s32 $0xFFFFC000  }
0x34a: {  	v0 =	vld.idx.msk [tilespmem:v5+s12+$0x3B0 ss:$0x1], $0xffff  }
0x34b: {  	v1 =	vld.idx.msk [tilespmem:v4+s12+$0x3B0 ss:$0x1], $0xffff  }
0x34c: {  	v10 =	vld.idx.msk [tilespmem:v5+s12+$0x330 ss:$0x1], $0xffff  }
0x34d: {  	v9 =	vld.idx.msk [tilespmem:v4+s12+$0x330 ss:$0x1], $0xffff  }
0x34e: {  	v8 =	vld.idx.msk [tilespmem:v5+s12+$0x3A0 ss:$0x1], $0xffff  }
0x34f: {  	v12 =	vld.idx.msk [tilespmem:v4+s12+$0x3A0 ss:$0x1], $0xffff  }
0x350: {  	v14 =	vld.idx.msk [tilespmem:v5+s12+$0x2B0 ss:$0x1], $0xffff  }
0x351: {  	v15 =	vld.idx.msk [tilespmem:v4+s12+$0x2B0 ss:$0x1], $0xffff  }
0x352: {  	v16 =	vld.idx.msk [tilespmem:v5+s12+$0x320 ss:$0x1], $0xffff  }
0x353: {  	v17 =	vld.idx.msk [tilespmem:v4+s12+$0x320 ss:$0x1], $0xffff  }
0x354: {  	v18 =	vld.idx.msk [tilespmem:v5+s12+$0x380 ss:$0x1], $0xffff  }
0x355: {  	v19 =	vld.idx.msk [tilespmem:v4+s12+$0x380 ss:$0x1], $0xffff  }
0x356: {  	v20 =	vld.idx.msk [tilespmem:v5+s12+$0x390 ss:$0x1], $0xffff  }
0x357: {  	v21 =	vld.idx.msk [tilespmem:v4+s12+$0x390 ss:$0x1], $0xffff  }
0x358: {  	v47 =	vld.idx.msk [tilespmem:v5+s12+$0x230 ss:$0x1], $0xffff  }
0x359: {  	v41 =	vld.idx.msk [tilespmem:v4+s12+$0x230 ss:$0x1], $0xffff  }
0x35a: {  	v24 =	vld.idx.msk [tilespmem:v5+s12+$0x2A0 ss:$0x1], $0xffff  }
0x35b: {  	v2 =	vld.idx.msk [tilespmem:v4+s12+$0x2A0 ss:$0x1], $0xffff  }
0x35c: {  	v26 =	vld.idx.msk [tilespmem:v5+s12+$0x300 ss:$0x1], $0xffff  }
0x35d: {  	v27 =	vld.idx.msk [tilespmem:v4+s12+$0x300 ss:$0x1], $0xffff  }
0x35e: {  	v28 =	vld.idx.msk [tilespmem:v5+s12+$0x310 ss:$0x1], $0xffff  }
0x35f: {  	v29 =	vld.idx.msk [tilespmem:v4+s12+$0x310 ss:$0x1], $0xffff  }
0x360: {  	v3 =	vld.idx.msk [tilespmem:v5+s12+$0x1B0 ss:$0x1], $0xffff  }
0x361: {  	v56 =	vld.idx.msk [tilespmem:v4+s12+$0x1B0 ss:$0x1], $0xffff  }
0x362: {  	v33 =	vld.idx.msk [tilespmem:v4+s12+$0x220 ss:$0x1], $0xffff  }
0x363: {  	v34 =	vld.idx.msk [tilespmem:v5+s12+$0x280 ss:$0x1], $0xffff  }
0x364: {  	v35 =	vld.idx.msk [tilespmem:v4+s12+$0x280 ss:$0x1], $0xffff  }
0x365: {  	v36 =	vld.idx.msk [tilespmem:v5+s12+$0x290 ss:$0x1], $0xffff  }
0x366: {  	v37 =	vld.idx.msk [tilespmem:v4+s12+$0x290 ss:$0x1], $0xffff  }
0x367: {  	v6 =	vld.idx.msk [tilespmem:v5+s12+$0x130 ss:$0x1], $0xffff  }
0x368: {  	v42 =	vld.idx.msk [tilespmem:v5+s12+$0x200 ss:$0x1], $0xffff  }
0x369: {  	v43 =	vld.idx.msk [tilespmem:v4+s12+$0x200 ss:$0x1], $0xffff  }
0x36a: {  	v44 =	vld.idx.msk [tilespmem:v5+s12+$0x210 ss:$0x1], $0xffff  }
0x36b: {  	v45 =	vld.idx.msk [tilespmem:v4+s12+$0x210 ss:$0x1], $0xffff  }
0x36c: {  	v49 =	vld.idx.msk [tilespmem:v4+s12+$0x120 ss:$0x1], $0xffff  }
0x36d: {  	v50 =	vld.idx.msk [tilespmem:v5+s12+$0x180 ss:$0x1], $0xffff  }
0x36e: {  	v51 =	vld.idx.msk [tilespmem:v4+s12+$0x180 ss:$0x1], $0xffff  }
0x36f: {  	[tilespmem:$0x1F8F0] =	vst v6;
	v6 =	vld.idx.msk [tilespmem:v4+s12+$0x130 ss:$0x1], $0xffff  }
0x370: {  	v52 =	vld.idx.msk [tilespmem:v5+s12+$0x190 ss:$0x1], $0xffff  }
0x371: {  	v53 =	vld.idx.msk [tilespmem:v4+s12+$0x190 ss:$0x1], $0xffff  }
0x372: {  	v54 =	vld.idx.msk [tilespmem:v5+s12+$0x30 ss:$0x1], $0xffff  }
0x373: {  	v55 =	vld.idx.msk [tilespmem:v4+s12+$0x30 ss:$0x1], $0xffff  }
0x374: {  	[tilespmem:$0x1F900] =	vst v6;
	v6 =	vld.idx.msk [tilespmem:v5+s12+$0x1A0 ss:$0x1], $0xffff  }
0x375: {  	v57 =	vld.idx.msk [tilespmem:v4+s12+$0xA0 ss:$0x1], $0xffff  }
0x376: {  	v58 =	vld.idx.msk [tilespmem:v5+s12+$0x100 ss:$0x1], $0xffff  }
0x377: {  	v59 =	vld.idx.msk [tilespmem:v4+s12+$0x100 ss:$0x1], $0xffff  }
0x378: {  	v60 =	vld.idx.msk [tilespmem:v5+s12+$0x110 ss:$0x1], $0xffff  }
0x379: {  	[tilespmem:$0x1F910] =	vst v6;
	v6 =	vld.idx.msk [tilespmem:v4+s12+$0x1A0 ss:$0x1], $0xffff  }
0x37a: {  	v61 =	vld.idx.msk [tilespmem:v4+s12+$0x110 ss:$0x1], $0xffff  }
0x37b: {  	v62 =	vld.idx.msk [tilespmem:v5+s12+$0x20 ss:$0x1], $0xffff  }
0x37c: {  	v63 =	vld.idx.msk [tilespmem:v4+s12+$0x20 ss:$0x1], $0xffff  }
0x37d: {  	v46 =	vld.idx.msk [tilespmem:v5+s12+$0x80 ss:$0x1], $0xffff  }
0x37e: {  	[tilespmem:$0x1F920] =	vst v6;
	v6 =	vld.idx.msk [tilespmem:v5+s12+$0xB0 ss:$0x1], $0xffff  }
0x37f: {  	v38 =	vld.idx.msk [tilespmem:v4+s12+$0x80 ss:$0x1], $0xffff  }
0x380: {  	v31 =	vld.idx.msk [tilespmem:v5+s12+$0x90 ss:$0x1], $0xffff  }
0x381: {  	v30 =	vld.idx.msk [tilespmem:v4+s12+$0x90 ss:$0x1], $0xffff  }
0x382: {  	v40 =	vld.idx.msk [tilespmem:v5+s12+$0x0 ss:$0x1], $0xffff  }
0x383: {  	[tilespmem:$0x1F940] =	vst v6;
	v6 =	vld.idx.msk [tilespmem:v4+s12+$0xB0 ss:$0x1], $0xffff  }
0x384: {  	v22 =	vld.idx.msk [tilespmem:v4+s12+$0x0 ss:$0x1], $0xffff  }
0x385: {  	v13 =	vld.idx.msk [tilespmem:v5+s12+$0x10 ss:$0x1], $0xffff  }
0x386: {  	v11 =	vld.idx.msk [tilespmem:v4+s12+$0x10 ss:$0x1], $0xffff  }
0x387: {  	v39 =	vld.idx.msk [tilespmem:v5+s12+$0xFFFFFF80 ss:$0x1], $0xffff  }
0x388: {  	[tilespmem:$0x1F950] =	vst v6;
	v6 =	vld.idx.msk [tilespmem:v5+s12+$0x120 ss:$0x1], $0xffff  }
0x389: {  	v23 =	vld.idx.msk [tilespmem:v5+s12+$0xFFFFFF90 ss:$0x1], $0xffff  }
0x38a: {  	v7 =	vld.idx.msk [tilespmem:v4+s12+$0xFFFFFF90 ss:$0x1], $0xffff  }
0x38b: {  	v48 =	vld.idx.msk [tilespmem:v5+s12+$0xFFFFFE30 ss:$0x1], $0xffff  }
0x38c: {  	[tilespmem:$0x1F8E0] =	vst v3;
	v3 =	vld.idx.msk [tilespmem:v5+s12+$0x220 ss:$0x1], $0xffff  }
0x38d: {  	[tilespmem:$0x1F930] =	vst v6;
	v6 =	vld.idx.msk [tilespmem:v5+s12+$0xA0 ss:$0x1], $0xffff  }
0x38e: {  	v8 =	vmul.f32 v12, v8;
	v12 =	vld.idx.msk [tilespmem:v4+s12+$0xFFFFFE30 ss:$0x1], $0xffff  }
0x38f: {  	v18 =	vmul.f32 v19, v18;
	v19 =	vmul.f32 v21, v20;
	v20 =	vld.idx.msk [tilespmem:v5+s12+$0xFFFFFF00 ss:$0x1], $0xffff  }
0x390: {  	v21 =	vmul.f32 v27, v26;
	v27 =	vld.idx.msk [tilespmem:v4+s12+$0xFFFFFF00 ss:$0x1], $0xffff  }
0x391: {  	v16 =	vmul.f32 v17, v16;
	v17 =	vld.idx.msk [tilespmem:v4+s12+$0xFFFFFF10 ss:$0x1], $0xffff  }
0x392: {  	[tilespmem:$0x1F960] =	vst v6;
	v6 =	vld.idx.msk [tilespmem:v5+s12+$0xFFFFFFB0 ss:$0x1], $0xffff  }
0x393: {  	v24 =	vmul.f32 v2, v24;
	v2 =	vld.idx.msk [tilespmem:v5+s12+$0xFFFFFE90 ss:$0x1], $0xffff  }
0x394: {  	v9 =	vmul.f32 v9, v10;
	v10 =	vmul.f32 v15, v14;
	v15 =	vld [tilespmem:$0x1FFC0]  }
0x395: {  	v14 =	vmul.f32 v45, v44;
	v44 =	vld.idx.msk [tilespmem:v5+s12+$0xFFFFFDA0 ss:$0x1], $0xffff  }
0x396: {  	v26 =	vmul.f32 v29, v28;
	v28 =	vmul.f32 v35, v34;
	v34 =	vld.idx.msk [tilespmem:v4+s12+$0xFFFFFDA0 ss:$0x1], $0xffff  }
0x397: {  	[tilespmem:$0x1F9B0] =	vst v6;
	v6 =	vld.idx.msk [tilespmem:v4+s12+$0xFFFFFFB0 ss:$0x1], $0xffff  }
0x398: {  	v29 =	vmul.f32 v37, v36;
	v37 =	vld.idx.msk [tilespmem:v4+s12+$0xFFFFFD80 ss:$0x1], $0xffff  }
0x399: {  	v11 =	vmul.f32 v11, v13;
	v13 =	vld.idx.msk [tilespmem:v4+s12+$0xFFFFFC30 ss:$0x1], $0xffff  }
0x39a: {  	v51 =	vmul.f32 v51, v50;
	v50 =	vld [tilespmem:$0x1FFD0]  }
0x39b: {  	v53 =	vmul.f32 v53, v52;
	v52 =	vld [tilespmem:$0x1FFD0]  }
0x39c: {  	[tilespmem:$0x1F9C0] =	vst v6;
	v6 =	vld.idx.msk [tilespmem:v5+s12+$0xFFFFFF30 ss:$0x1], $0xffff  }
0x39d: {  	v18 =	vadd.f32 v19, v18;
	v19 =	vld.idx.msk [tilespmem:v5+s12+$0xFFFFFF10 ss:$0x1], $0xffff  }
0x39e: {  	v21 =	vadd.f32 v26, v21;
	v26 =	vld.idx.msk [tilespmem:v4+s12+$0xFFFFFE90 ss:$0x1], $0xffff  }
0x39f: {  	v0 =	vmul.f32 v1, v0;
	v1 =	vadd.f32 v29, v28;
	v28 =	vld.idx.msk [tilespmem:v5+s12+$0xFFFFFD30 ss:$0x1], $0xffff  }
0x3a0: {  	v29 =	vld.idx.msk [tilespmem:v4+s12+$0xFFFFFD30 ss:$0x1], $0xffff  }
0x3a1: {  	[tilespmem:$0x1F9D0] =	vst v6;
	v6 =	vld.idx.msk [tilespmem:v4+s12+$0xFFFFFF30 ss:$0x1], $0xffff  }
0x3a2: {  	v36 =	vadd.f32 v53, v51;
	v53 =	vld [tilespmem:$0x1FFD0]  }
0x3a3: {  	v51 =	vld [tilespmem:$0x1FFD0];
	v1 =	vadd.f32 v24, v1  }
0x3a4: {  	v8 =	vadd.f32 v8, v18;
	v18 =	vld.idx.msk [tilespmem:v5+s12+$0xFFFFFDB0 ss:$0x1], $0xffff  }
0x3a5: {  	v1 =	vadd.f32 v10, v1;
	v10 =	vld [tilespmem:$0x1FFC0]  }
0x3a6: {  	[tilespmem:$0x1F9E0] =	vst v6;
	v6 =	vld.idx.msk [tilespmem:v5+s12+$0xFFFFFFA0 ss:$0x1], $0xffff  }
0x3a7: {  	v16 =	vadd.f32 v16, v21;
	v21 =	vld.idx.msk [tilespmem:v4+s12+$0xFFFFFDB0 ss:$0x1], $0xffff  }
0x3a8: {  	v24 =	vld.idx.msk [tilespmem:v5+s12+$0xFFFFFE80 ss:$0x1], $0xffff  }
0x3a9: {  	[tilespmem:$0x1FA20] =	vst v2;
	v2 =	vld [tilespmem:$0x1F8E0];
	v0 =	vadd.f32 v0, v8  }
0x3aa: {  	v8 =	vmul.f32 v43, v42;
	v9 =	vadd.f32 v9, v16;
	v16 =	vld.idx.msk [tilespmem:v4+s12+$0xFFFFFE80 ss:$0x1], $0xffff  }
0x3ab: {  	v10 =	vperm.xlane v0, v10;
	[tilespmem:$0x1F970] =	vst v6;
	v6 =	vld.idx.msk [tilespmem:v4+s12+$0xFFFFFFA0 ss:$0x1], $0xffff  }
0x3ac: {  	v8 =	vadd.f32 v14, v8;
	v14 =	vmul.f32 v33, v3;
	v3 =	vld [tilespmem:$0x1F900]  }
0x3ad: {  	v0 =	vadd.f32 v0, v10;
	v10 =	vld [tilespmem:$0x1FFC0]  }
0x3ae: {  	v35 =	vmul.f32 v56, v2;
	v2 =	vld [tilespmem:$0x1F8F0]  }
0x3af: {  	v43 =	vld.idx.msk [tilespmem:v4+s12+$0xFFFFFCB0 ss:$0x1], $0xffff;
	v8 =	vadd.f32 v14, v8;
	v14 =	vmul.f32 v41, v47  }
0x3b0: {  	[tilespmem:$0x1F980] =	vst v6;
	v6 =	vld.idx.msk [tilespmem:v5+s12+$0xFFFFFEB0 ss:$0x1], $0xffff  }
0x3b1: {  	[tilespmem:$0x1FA10] =	vst v48;
	v48 =	vadd.f32 v14, v8;
	v14 =	vld [tilespmem:$0x1FFD0]  }
0x3b2: {  	v17 =	vmul.f32 v17, v19;
	v19 =	vld.idx.msk [tilespmem:v5+s12+$0xFFFFFD00 ss:$0x1], $0xffff;
	v10 =	vperm.xlane v1, v10  }
0x3b3: {  	v42 =	vmul.f32 v3, v2;
	v2 =	vld [tilespmem:$0x1F910]  }
0x3b4: {  	v15 =	vperm.xlane v9, v15;
	v3 =	vld [tilespmem:$0x1F920];
	v10 =	vadd.f32 v1, v10  }
0x3b5: {  	[tilespmem:$0x1F9F0] =	vst v6;
	v6 =	vld.idx.msk [tilespmem:v4+s12+$0xFFFFFEB0 ss:$0x1], $0xffff  }
0x3b6: {  	v33 =	vld.idx.msk [tilespmem:v5+s12+$0xFFFFFCB0 ss:$0x1], $0xffff;
	v9 =	vadd.f32 v9, v15;
	v15 =	vperm.xlane v10, v14  }
0x3b7: {  	v16 =	vmul.f32 v16, v24;
	v24 =	vmul.f32 v29, v28;
	v28 =	vld [tilespmem:$0x1FA20]  }
0x3b8: {  	v8 =	vld [tilespmem:$0x1FFD0];
	v15 =	vadd.f32 v10, v15;
	v10 =	vmul.f32 v59, v58  }
0x3b9: {  	v58 =	vmul.f32 v61, v60;
	v60 =	vmul.f32 v3, v2;
	v2 =	vld [tilespmem:$0x1F930]  }
0x3ba: {  	[tilespmem:$0x1FA00] =	vst v6;
	v6 =	vld.idx.msk [tilespmem:v5+s12+$0xFFFFFF20 ss:$0x1], $0xffff  }
0x3bb: {  	v18 =	vmul.f32 v21, v18;
	v21 =	vld.idx.msk [tilespmem:v4+s12+$0xFFFFFD10 ss:$0x1], $0xffff  }
0x3bc: {  	v38 =	vmul.f32 v38, v46;
	v46 =	vmul.f32 v26, v28;
	v26 =	vld.idx.msk [tilespmem:v4+s12+$0xFFFFFCA0 ss:$0x1], $0xffff  }
0x3bd: {  	v3 =	vld [tilespmem:$0x1F950]  }
0x3be: {  	v41 =	vmul.f32 v49, v2;
	v2 =	vld [tilespmem:$0x1F940]  }
0x3bf: {  	v8 =	vperm.xlane v9, v8;
	[tilespmem:$0x1F990] =	vst v6;
	v6 =	vld.idx.msk [tilespmem:v4+s12+$0xFFFFFF20 ss:$0x1], $0xffff  }
0x3c0: {  	v1 =	vld [tilespmem:$0x1FFD0]  }
0x3c1: {  	v14 =	vadd.f32 v9, v8;
	v9 =	vld [tilespmem:$0x1FFC0]  }
0x3c2: {  	v59 =	vld [tilespmem:$0x1FFC0]  }
0x3c3: {  	v47 =	vmul.f32 v3, v2;
	v2 =	vld [tilespmem:$0x1F960]  }
0x3c4: {  	[tilespmem:$0x1F9A0] =	vst v6;
	v6 =	vld.idx.msk [tilespmem:v4+s12+$0xFFFFFF80 ss:$0x1], $0xffff  }
0x3c5: {  	v61 =	vmul.f32 v55, v54;
	v54 =	vld.idx.msk [tilespmem:v5+s12+$0xFFFFFD80 ss:$0x1], $0xffff;
	v36 =	vadd.f32 v60, v36  }
0x3c6: {  	v22 =	vmul.f32 v22, v40;
	v10 =	vadd.f32 v58, v10;
	v58 =	vld.idx.msk [tilespmem:v5+s12+$0xFFFFFD20 ss:$0x1], $0xffff  }
0x3c7: {  	v30 =	vmul.f32 v30, v31;
	v20 =	vmul.f32 v27, v20;
	v31 =	vadd.f32 v35, v36;
	v35 =	vld.idx.msk [tilespmem:v5+s12+$0xFFFFFC30 ss:$0x1], $0xffff  }
0x3c8: {  	v11 =	vadd.f32 v11, v22;
	v60 =	vmul.f32 v57, v2;
	v22 =	vld [tilespmem:$0x1F980]  }
0x3c9: {  	v17 =	vadd.f32 v17, v20;
	v2 =	vmul.f32 v7, v23;
	v20 =	vld [tilespmem:$0x1F990];
	v6 =	vmul.f32 v6, v39  }
0x3ca: {  	v9 =	vperm.xlane v48, v9;
	v23 =	vld [tilespmem:$0x1F9A0]  }
0x3cb: {  	v2 =	vadd.f32 v2, v6;
	v6 =	vld [tilespmem:$0x1F970]  }
0x3cc: {  	v9 =	vadd.f32 v48, v9;
	v48 =	vld [tilespmem:$0x1FFD0];
	v10 =	vadd.f32 v41, v10  }
0x3cd: {  	v41 =	vld.idx.msk [tilespmem:v5+s12+$0xFFFFFD90 ss:$0x1], $0xffff  }
0x3ce: {  	v10 =	vadd.f32 v42, v10;
	v42 =	vld.idx.msk [tilespmem:v4+s12+$0xFFFFFC80 ss:$0x1], $0xffff  }
0x3cf: {  	v27 =	vld [tilespmem:$0x1F9C0];
	v20 =	vmul.f32 v23, v20  }
0x3d0: {  	v3 =	vadd.f32 v30, v38;
	v30 =	vld [tilespmem:$0x1F9E0];
	v6 =	vmul.f32 v22, v6  }
0x3d1: {  	v17 =	vadd.f32 v20, v17;
	v20 =	vld [tilespmem:$0x1F9D0]  }
0x3d2: {  	v55 =	vmul.f32 v63, v62;
	v2 =	vadd.f32 v6, v2;
	v6 =	vld [tilespmem:$0x1F9B0]  }
0x3d3: {  	v38 =	vld.idx.msk [tilespmem:v5+s12+$0xFFFFFC80 ss:$0x1], $0xffff  }
0x3d4: {  	v11 =	vadd.f32 v55, v11;
	v7 =	vld.idx.msk [tilespmem:v5+s12+$0xFFFFFCA0 ss:$0x1], $0xffff  }
0x3d5: {  	v57 =	vld [tilespmem:$0x1FFD0];
	v3 =	vadd.f32 v60, v3  }
0x3d6: {  	v11 =	vadd.f32 v61, v11;
	v60 =	vld.idx.msk [tilespmem:v5+s12+$0xFFFFFC90 ss:$0x1], $0xffff;
	v20 =	vmul.f32 v30, v20  }
0x3d7: {  	v3 =	vadd.f32 v47, v3;
	v47 =	vld.idx.msk [tilespmem:v5+s12+$0xFFFFFC10 ss:$0x1], $0xffff;
	v6 =	vmul.f32 v27, v6  }
0x3d8: {  	v49 =	vperm.xlane v9, v53;
	v53 =	vld [tilespmem:$0x1F9F0];
	v17 =	vadd.f32 v20, v17;
	v20 =	vperm.xlane v11, v59  }
0x3d9: {  	v36 =	vperm.xlane v31, v59;
	v23 =	vld.idx.msk [tilespmem:v5+s12+$0xFFFFFD10 ss:$0x1], $0xffff;
	v2 =	vadd.f32 v6, v2;
	v6 =	vperm.xlane v10, v59  }
0x3da: {  	v22 =	vld.idx.msk [tilespmem:v4+s12+$0xFFFFFD00 ss:$0x1], $0xffff;
	v11 =	vadd.f32 v11, v20  }
0x3db: {  	v61 =	vperm.xlane v3, v59;
	v20 =	vld.idx.msk [tilespmem:v5+s12+$0xFFFFFC00 ss:$0x1], $0xffff;
	v6 =	vadd.f32 v10, v6;
	v10 =	vadd.f32 v31, v36  }
0x3dc: {  	v31 =	vld.idx.msk [tilespmem:v4+s12+$0xFFFFFC00 ss:$0x1], $0xffff  }
0x3dd: {  	v3 =	vadd.f32 v3, v61;
	v45 =	vperm.xlane v10, v50;
	v50 =	vld.idx.msk [tilespmem:v4+s12+$0xFFFFFC10 ss:$0x1], $0xffff  }
0x3de: {  	v29 =	vmul.f32 v34, v44;
	v1 =	vperm.xlane v0, v1;
	v30 =	vld.idx.msk [tilespmem:v4+s12+$0xFFFFFC20 ss:$0x1], $0xffff  }
0x3df: {  	v27 =	vld.idx.msk [tilespmem:v5+s12+$0xFFFFFC20 ss:$0x1], $0xffff;
	v39 =	vperm.xlane v6, v48;
	v48 =	vperm.xlane v3, v52  }
0x3e0: {  	v13 =	vmul.f32 v13, v35;
	v55 =	vld [tilespmem:$0x1FA00];
	v62 =	vperm.xlane v2, v59  }
0x3e1: {  	v7 =	vmul.f32 v26, v7;
	v63 =	vperm.xlane v17, v59;
	v3 =	vadd.f32 v3, v48;
	v48 =	vld.idx.msk [tilespmem:v4+s12+$0xFFFFFD90 ss:$0x1], $0xffff  }
0x3e2: {  	v2 =	vadd.f32 v2, v62;
	v62 =	vld [tilespmem:$0x1FFD0];
	v20 =	vmul.f32 v31, v20;
	v31 =	vmul.f32 v50, v47  }
0x3e3: {  	v0 =	vadd.f32 v0, v1;
	v21 =	vmul.f32 v21, v23;
	v19 =	vmul.f32 v22, v19;
	v50 =	vld.idx.msk [tilespmem:v4+s12+$0xFFFFFD20 ss:$0x1], $0xffff  }
0x3e4: {  	v17 =	vadd.f32 v17, v63;
	v63 =	vld.idx.msk [tilespmem:v4+s12+$0xFFFFFC90 ss:$0x1], $0xffff;
	v27 =	vmul.f32 v30, v27;
	v20 =	vadd.f32 v31, v20  }
0x3e5: {  	v56 =	vld.idx.msk [tilespmem:v5+s12+$0xFFFFFE10 ss:$0x1], $0xffff;
	v19 =	vadd.f32 v21, v19;
	v21 =	vmul.f32 v37, v54;
	v52 =	vperm.xlane v2, v57  }
0x3e6: {  	v8 =	vld.idx.msk [tilespmem:v4+s12+$0xFFFFFE00 ss:$0x1], $0xffff;
	v36 =	vperm.xlane v11, v51;
	v26 =	vmul.f32 v48, v41;
	v20 =	vadd.f32 v27, v20  }
0x3e7: {  	v1 =	vld.idx.msk [tilespmem:v5+s12+$0xFFFFFE00 ss:$0x1], $0xffff;
	v51 =	vmul.f32 v55, v53;
	v2 =	vadd.f32 v2, v52;
	v53 =	vperm.xlane v17, v62  }
0x3e8: {  	v30 =	vld.idx.msk [tilespmem:v4+s12+$0xFFFFFE10 ss:$0x1], $0xffff;
	v21 =	vadd.f32 v26, v21;
	v13 =	vadd.f32 v13, v20;
	v20 =	vmul.f32 v50, v58  }
0x3e9: {  	v22 =	vld.idx.msk [tilespmem:v4+s12+$0xFFFFFE20 ss:$0x1], $0xffff;
	v52 =	vmul.f32 v63, v60;
	v17 =	vadd.f32 v17, v53;
	v31 =	vmul.f32 v42, v38  }
0x3ea: {  	v53 =	vld.idx.msk [tilespmem:v5+s12+$0xFFFFFE20 ss:$0x1], $0xffff;
	v19 =	vadd.f32 v20, v19;
	v20 =	vadd.f32 v29, v21  }
0x3eb: {  	v61 =	vld [tilespmem:$0x1FA10];
	v23 =	vadd.f32 v52, v31  }
0x3ec: {  	v1 =	vmul.f32 v8, v1;
	v18 =	vadd.f32 v18, v20;
	v20 =	vld [tilespmem:$0x1FFD0]  }
0x3ed: {  	v8 =	vmul.f32 v30, v56;
	v7 =	vadd.f32 v7, v23;
	v23 =	vperm.xlane v13, v59;
	_ =	sdelay $0x1  }
0x3ee: {  	v1 =	vadd.f32 v8, v1;
	v8 =	vmul.f32 v22, v53;
	v13 =	vadd.f32 v13, v23  }
0x3ef: {  	v28 =	vmul.f32 v43, v33  }
0x3f0: {  	v12 =	vmul.f32 v12, v61;
	v31 =	vld.idx.msk [tilespmem:v5+s12+$0xFFFFFEA0 ss:$0x1], $0xffff;
	v1 =	vadd.f32 v8, v1;
	v20 =	vperm.xlane v13, v20  }
0x3f1: {  	v27 =	vld.idx.msk [tilespmem:v4+s12+$0xFFFFFEA0 ss:$0x1], $0xffff;
	v7 =	vadd.f32 v28, v7  }
0x3f2: {  	v1 =	vadd.f32 v12, v1;
	v12 =	vadd.f32 v13, v20;
	v13 =	vld [tilespmem:$0x1FFD0]  }
0x3f3: {  	v21 =	vperm.xlane v7, v59  }
0x3f4: {  	v19 =	vadd.f32 v24, v19  }
0x3f5: {  	v7 =	vadd.f32 v7, v21  }
0x3f6: {  	v16 =	vadd.f32 v46, v16;
	v8 =	vmul.f32 v27, v31;
	v21 =	vperm.xlane v19, v59  }
0x3f7: {  	v13 =	vperm.xlane v7, v13  }
0x3f8: {  	v8 =	vadd.f32 v8, v16;
	v16 =	vadd.f32 v19, v21;
	v21 =	vld [tilespmem:$0x1FFD0]  }
0x3f9: {  	v7 =	vadd.f32 v7, v13;
	v13 =	vld [tilespmem:$0x1FFD0]  }
0x3fa: {  	v22 =	vperm.xlane v18, v59;
	_ =	sdelay $0x1  }
0x3fb: {  	v18 =	vadd.f32 v18, v22;
	_ =	sdelay $0x1  }
0x3fc: {  	v21 =	vperm.xlane v18, v21;
	v13 =	vperm.xlane v16, v13;
	_ =	sdelay $0x1  }
0x3fd: {  	v13 =	vadd.f32 v16, v13;
	v16 =	vadd.f32 v18, v21;
	v18 =	vld [tilespmem:$0x1FFD0]  }
0x3fe: {  	v19 =	vperm.xlane v1, v59;
	_ =	sdelay $0x1  }
0x3ff: {  	v1 =	vadd.f32 v1, v19;
	_ =	sdelay $0x1  }
0x400: {  	v18 =	vperm.xlane v1, v18  }
0x401: {  	v8 =	vadd.f32 v51, v8;
	v20 =	vperm.xlane v12, v25  }
0x402: {  	v1 =	vadd.f32 v1, v18;
	v18 =	vld [tilespmem:$0x1FFD0]  }
0x403: {  	v19 =	vperm.xlane v8, v59;
	v12 =	vadd.f32 v12, v20;
	v20 =	vperm.xlane v7, v25  }
0x404: {  	v9 =	vadd.f32 v9, v49  }
0x405: {  	v8 =	vadd.f32 v8, v19;
	v19 =	vperm.xlane v12, v32;
	v7 =	vadd.f32 v7, v20  }
0x406: {  	v11 =	vadd.f32 v11, v36;
	v10 =	vadd.f32 v10, v45;
	v20 =	vperm.xlane v13, v25  }
0x407: {  	v12 =	vadd.f32 v12, v19;
	v19 =	vperm.xlane v7, v32;
	v18 =	vperm.xlane v8, v18  }
0x408: {  	v6 =	vadd.f32 v6, v39;
	v21 =	vperm.xlane v16, v25;
	v13 =	vadd.f32 v13, v20  }
0x409: {  	v12 =	vnsel vm0, $0x0, v12;
	v7 =	vadd.f32 v7, v19;
	v8 =	vadd.f32 v8, v18  }
0x40a: {  	v16 =	vadd.f32 v16, v21;
	v20 =	vperm.xlane v1, v25;
	v18 =	vperm.xlane v13, v32  }
0x40b: {  	v12 =	vadd.f32 $0.0e+00, v12;
	v7 =	vsel vm1, $0x0, v7;
	v19 =	vperm.xlane v8, v25  }
0x40c: {  	v1 =	vadd.f32 v1, v20;
	v13 =	vadd.f32 v13, v18;
	v18 =	vperm.xlane v16, v32  }
0x40d: {  	v7 =	vadd.f32 v7, v12;
	v12 =	vperm.xlane v17, v25;
	v8 =	vadd.f32 v8, v19  }
0x40e: {  	v13 =	vsel vm2, $0x0, v13;
	v16 =	vadd.f32 v16, v18;
	v18 =	vperm.xlane v1, v32  }
0x40f: {  	v12 =	vadd.f32 v17, v12;
	v7 =	vadd.f32 v13, v7;
	v13 =	vperm.xlane v2, v25  }
0x410: {  	v16 =	vsel vm3, $0x0, v16;
	v1 =	vadd.f32 v1, v18;
	v17 =	vperm.xlane v8, v32  }
0x411: {  	v7 =	vadd.f32 v16, v7;
	v2 =	vadd.f32 v2, v13;
	v13 =	vperm.xlane v11, v25  }
0x412: {  	v16 =	vperm.xlane v12, v32;
	v1 =	vsel vm4, $0x0, v1;
	v8 =	vadd.f32 v8, v17  }
0x413: {  	v1 =	vadd.f32 v1, v7;
	v7 =	vadd.f32 v11, v13;
	v11 =	vperm.xlane v3, v25  }
0x414: {  	v12 =	vadd.f32 v12, v16;
	v13 =	vperm.xlane v2, v32;
	v8 =	vsel vm5, $0x0, v8  }
0x415: {  	v1 =	vadd.f32 v8, v1;
	v3 =	vadd.f32 v3, v11;
	v8 =	vperm.xlane v6, v25  }
0x416: {  	v11 =	vsel vm6, $0x0, v12;
	v2 =	vadd.f32 v2, v13;
	v12 =	vperm.xlane v7, v32  }
0x417: {  	v1 =	vadd.f32 v11, v1;
	v6 =	vadd.f32 v6, v8;
	v8 =	vperm.xlane v10, v25  }
0x418: {  	v2 =	vsel vm7, $0x0, v2;
	v7 =	vadd.f32 v7, v12;
	v11 =	vperm.xlane v3, v32  }
0x419: {  	v1 =	vadd.f32 v2, v1;
	v2 =	vadd.f32 v10, v8;
	v8 =	vperm.xlane v9, v25  }
0x41a: {  	v7 =	vsel vm8, $0x0, v7;
	v3 =	vadd.f32 v3, v11;
	v10 =	vperm.xlane v6, v32  }
0x41b: {  	v1 =	vadd.f32 v7, v1;
	v7 =	vadd.f32 v9, v8;
	v8 =	vperm.xlane v15, v25  }
0x41c: {  	v3 =	vsel vm9, $0x0, v3;
	v6 =	vadd.f32 v6, v10;
	v9 =	vperm.xlane v2, v32  }
0x41d: {  	v1 =	vadd.f32 v3, v1;
	v3 =	vadd.f32 v15, v8;
	v8 =	vperm.xlane v14, v25  }
0x41e: {  	v6 =	vsel vm10, $0x0, v6;
	v2 =	vadd.f32 v2, v9;
	v9 =	vperm.xlane v7, v32  }
0x41f: {  	v1 =	vadd.f32 v6, v1;
	v6 =	vadd.f32 v14, v8;
	v8 =	vperm.xlane v0, v25  }
0x420: {  	v2 =	vsel vm11, $0x0, v2;
	v7 =	vadd.f32 v7, v9;
	v9 =	vperm.xlane v3, v32  }
0x421: {  	v1 =	vadd.f32 v2, v1;
	v0 =	vadd.f32 v0, v8  }
0x422: {  	v2 =	vsel vm12, $0x0, v7;
	v3 =	vadd.f32 v3, v9;
	v7 =	vperm.xlane v6, v32  }
0x423: {  	v1 =	vadd.f32 v2, v1  }
0x424: {  	v2 =	vsel vm13, $0x0, v3;
	v3 =	vadd.f32 v6, v7;
	v6 =	vperm.xlane v0, v32  }
0x425: {  	v1 =	vadd.f32 v2, v1  }
0x426: {  	v2 =	vsel vm14, $0x0, v3;
	v0 =	vadd.f32 v0, v6  }
0x427: {  	v1 =	vadd.f32 v2, v1  }
0x428: {  	s13 =	sand.u32 $0xF, s26;
	v0 =	vsel vm15, $0x0, v0  }
0x429: {  	s9 =	sshll.u32 s13, $0x7;
	v0 =	vadd.f32 v0, v1  }
0x42a: {  	s9 =	sor.u32 $0x1E000, s9  }
0x42b: {  	s10 =	simm.s32 $0x800;
	[tilespmem:s9+$0x0] =	vst v0  }
0x42c: {  	v1 =	vld.idx.msk [tilespmem:v4+s10+$0x230 ss:$0x1], $0xffff;
	_ =	sdelay $0x3  }
0x42d: {  	v3 =	vld.idx.msk [tilespmem:v5+s10+$0x3B0 ss:$0x1], $0xffff  }
0x42e: {  	[tilespmem:$0x1FA70] =	vst v1;
	v1 =	vld.idx.msk [tilespmem:v5+s10+$0x1B0 ss:$0x1], $0xffff  }
0x42f: {  	v0 =	vld.idx.msk [tilespmem:v4+s10+$0x3B0 ss:$0x1], $0xffff  }
0x430: {  	v26 =	vld.idx.msk [tilespmem:v5+s10+$0x330 ss:$0x1], $0xffff  }
0x431: {  	v23 =	vld.idx.msk [tilespmem:v4+s10+$0x330 ss:$0x1], $0xffff  }
0x432: {  	v13 =	vld.idx.msk [tilespmem:v5+s10+$0x3A0 ss:$0x1], $0xffff  }
0x433: {  	[tilespmem:$0x1FA80] =	vst v1;
	v1 =	vld.idx.msk [tilespmem:v5+s10+$0x130 ss:$0x1], $0xffff  }
0x434: {  	v14 =	vld.idx.msk [tilespmem:v4+s10+$0x3A0 ss:$0x1], $0xffff  }
0x435: {  	v15 =	vld.idx.msk [tilespmem:v5+s10+$0x2B0 ss:$0x1], $0xffff  }
0x436: {  	v16 =	vld.idx.msk [tilespmem:v4+s10+$0x2B0 ss:$0x1], $0xffff  }
0x437: {  	v17 =	vld.idx.msk [tilespmem:v5+s10+$0x320 ss:$0x1], $0xffff  }
0x438: {  	[tilespmem:$0x1FAA0] =	vst v1;
	v1 =	vld.idx.msk [tilespmem:v4+s10+$0x130 ss:$0x1], $0xffff  }
0x439: {  	v18 =	vld.idx.msk [tilespmem:v4+s10+$0x320 ss:$0x1], $0xffff  }
0x43a: {  	v19 =	vld.idx.msk [tilespmem:v5+s10+$0x380 ss:$0x1], $0xffff  }
0x43b: {  	v20 =	vld.idx.msk [tilespmem:v4+s10+$0x380 ss:$0x1], $0xffff  }
0x43c: {  	v21 =	vld.idx.msk [tilespmem:v5+s10+$0x390 ss:$0x1], $0xffff  }
0x43d: {  	[tilespmem:$0x1FAB0] =	vst v1;
	v1 =	vld.idx.msk [tilespmem:v5+s10+$0x1A0 ss:$0x1], $0xffff  }
0x43e: {  	v22 =	vld.idx.msk [tilespmem:v4+s10+$0x390 ss:$0x1], $0xffff  }
0x43f: {  	v58 =	vld.idx.msk [tilespmem:v5+s10+$0x230 ss:$0x1], $0xffff  }
0x440: {  	v24 =	vld.idx.msk [tilespmem:v5+s10+$0x2A0 ss:$0x1], $0xffff  }
0x441: {  	v25 =	vld.idx.msk [tilespmem:v4+s10+$0x2A0 ss:$0x1], $0xffff  }
0x442: {  	[tilespmem:$0x1FAC0] =	vst v1;
	v1 =	vld.idx.msk [tilespmem:v4+s10+$0x1A0 ss:$0x1], $0xffff  }
0x443: {  	v27 =	vld.idx.msk [tilespmem:v5+s10+$0x300 ss:$0x1], $0xffff  }
0x444: {  	v28 =	vld.idx.msk [tilespmem:v4+s10+$0x300 ss:$0x1], $0xffff  }
0x445: {  	v29 =	vld.idx.msk [tilespmem:v5+s10+$0x310 ss:$0x1], $0xffff  }
0x446: {  	v30 =	vld.idx.msk [tilespmem:v4+s10+$0x310 ss:$0x1], $0xffff  }
0x447: {  	[tilespmem:$0x1FAD0] =	vst v1;
	v1 =	vld.idx.msk [tilespmem:v5+s10+$0xB0 ss:$0x1], $0xffff  }
0x448: {  	v31 =	vld.idx.msk [tilespmem:v4+s10+$0x1B0 ss:$0x1], $0xffff  }
0x449: {  	v34 =	vld.idx.msk [tilespmem:v5+s10+$0x220 ss:$0x1], $0xffff  }
0x44a: {  	v35 =	vld.idx.msk [tilespmem:v4+s10+$0x220 ss:$0x1], $0xffff  }
0x44b: {  	v36 =	vld.idx.msk [tilespmem:v5+s10+$0x280 ss:$0x1], $0xffff  }
0x44c: {  	[tilespmem:$0x1FB10] =	vst v1;
	v1 =	vld.idx.msk [tilespmem:v4+s10+$0xB0 ss:$0x1], $0xffff  }
0x44d: {  	v37 =	vld.idx.msk [tilespmem:v4+s10+$0x280 ss:$0x1], $0xffff  }
0x44e: {  	v38 =	vld.idx.msk [tilespmem:v5+s10+$0x290 ss:$0x1], $0xffff  }
0x44f: {  	v39 =	vld.idx.msk [tilespmem:v4+s10+$0x290 ss:$0x1], $0xffff  }
0x450: {  	v44 =	vld.idx.msk [tilespmem:v5+s10+$0x200 ss:$0x1], $0xffff  }
0x451: {  	[tilespmem:$0x1FB20] =	vst v1;
	v1 =	vld.idx.msk [tilespmem:v5+s10+$0x120 ss:$0x1], $0xffff  }
0x452: {  	v45 =	vld.idx.msk [tilespmem:v4+s10+$0x200 ss:$0x1], $0xffff  }
0x453: {  	v46 =	vld.idx.msk [tilespmem:v5+s10+$0x210 ss:$0x1], $0xffff  }
0x454: {  	v47 =	vld.idx.msk [tilespmem:v4+s10+$0x210 ss:$0x1], $0xffff  }
0x455: {  	v50 =	vld.idx.msk [tilespmem:v5+s10+$0x180 ss:$0x1], $0xffff  }
0x456: {  	[tilespmem:$0x1FAE0] =	vst v1;
	v1 =	vld.idx.msk [tilespmem:v4+s10+$0x120 ss:$0x1], $0xffff  }
0x457: {  	v53 =	vld.idx.msk [tilespmem:v4+s10+$0x180 ss:$0x1], $0xffff  }
0x458: {  	v61 =	vld.idx.msk [tilespmem:v5+s10+$0x190 ss:$0x1], $0xffff  }
0x459: {  	v55 =	vld.idx.msk [tilespmem:v4+s10+$0x190 ss:$0x1], $0xffff  }
0x45a: {  	v7 =	vld.idx.msk [tilespmem:v4+s10+$0x30 ss:$0x1], $0xffff;
	v13 =	vmul.f32 v14, v13  }
0x45b: {  	v14 =	vmul.f32 v20, v19;
	v19 =	vmul.f32 v22, v21;
	[tilespmem:$0x1FAF0] =	vst v1;
	v1 =	vld.idx.msk [tilespmem:v5+s10+$0x30 ss:$0x1], $0xffff  }
0x45c: {  	v60 =	vld.idx.msk [tilespmem:v5+s10+$0x100 ss:$0x1], $0xffff;
	v20 =	vmul.f32 v28, v27  }
0x45d: {  	v54 =	vld.idx.msk [tilespmem:v4+s10+$0x100 ss:$0x1], $0xffff;
	v22 =	vmul.f32 v37, v36;
	v27 =	vmul.f32 v39, v38;
	v19 =	vadd.f32 v19, v14  }
0x45e: {  	v62 =	vld.idx.msk [tilespmem:v5+s10+$0x110 ss:$0x1], $0xffff;
	v0 =	vmul.f32 v0, v3  }
0x45f: {  	v63 =	vld.idx.msk [tilespmem:v4+s10+$0x110 ss:$0x1], $0xffff;
	v3 =	vadd.f32 v27, v22;
	v22 =	vmul.f32 v25, v24;
	v14 =	vadd.f32 v13, v19  }
0x460: {  	[tilespmem:$0x1FB00] =	vst v1;
	v1 =	vld.idx.msk [tilespmem:v5+s10+$0xA0 ss:$0x1], $0xffff  }
0x461: {  	v51 =	vld.idx.msk [tilespmem:v5+s10+$0x20 ss:$0x1], $0xffff;
	v15 =	vmul.f32 v16, v15;
	v3 =	vadd.f32 v22, v3;
	v0 =	vadd.f32 v0, v14  }
0x462: {  	v49 =	vld.idx.msk [tilespmem:v4+s10+$0x20 ss:$0x1], $0xffff;
	v16 =	vmul.f32 v47, v46;
	v14 =	vmul.f32 v45, v44  }
0x463: {  	v10 =	vld.idx.msk [tilespmem:v5+s10+$0x80 ss:$0x1], $0xffff;
	v3 =	vadd.f32 v15, v3;
	v15 =	vperm.xlane v0, v59  }
0x464: {  	v57 =	vld.idx.msk [tilespmem:v4+s10+$0x80 ss:$0x1], $0xffff;
	v14 =	vadd.f32 v16, v14;
	v16 =	vmul.f32 v35, v34  }
0x465: {  	v0 =	vadd.f32 v0, v15;
	v15 =	vperm.xlane v3, v59;
	[tilespmem:$0x1FB30] =	vst v1;
	v1 =	vld.idx.msk [tilespmem:v4+s10+$0xA0 ss:$0x1], $0xffff  }
0x466: {  	v21 =	vmul.f32 v30, v29;
	v14 =	vadd.f32 v16, v14;
	v16 =	vld [tilespmem:$0x1FA70]  }
0x467: {  	v28 =	vadd.f32 v3, v15;
	v3 =	vld [tilespmem:$0x1FA80]  }
0x468: {  	v56 =	vld.idx.msk [tilespmem:v5+s10+$0x90 ss:$0x1], $0xffff;
	v20 =	vadd.f32 v21, v20;
	v21 =	vmul.f32 v18, v17  }
0x469: {  	v52 =	vld.idx.msk [tilespmem:v4+s10+$0x90 ss:$0x1], $0xffff  }
0x46a: {  	v23 =	vmul.f32 v23, v26;
	v21 =	vadd.f32 v21, v20;
	[tilespmem:$0x1FB40] =	vst v1;
	v1 =	vld.idx.msk [tilespmem:v5+s10+$0xFFFFFFB0 ss:$0x1], $0xffff  }
0x46b: {  	v48 =	vld.idx.msk [tilespmem:v5+s10+$0x0 ss:$0x1], $0xffff;
	v27 =	vmul.f32 v16, v58  }
0x46c: {  	v23 =	vadd.f32 v23, v21;
	v34 =	vmul.f32 v31, v3;
	v3 =	vld [tilespmem:$0x1FFD0]  }
0x46d: {  	v27 =	vadd.f32 v27, v14;
	v14 =	vld [tilespmem:$0x1FFD0]  }
0x46e: {  	v42 =	vld.idx.msk [tilespmem:v4+s10+$0x0 ss:$0x1], $0xffff;
	v26 =	vperm.xlane v23, v59  }
0x46f: {  	[tilespmem:$0x1FB90] =	vst v1;
	v1 =	vld.idx.msk [tilespmem:v4+s10+$0xFFFFFFB0 ss:$0x1], $0xffff  }
0x470: {  	v43 =	vld.idx.msk [tilespmem:v5+s10+$0x10 ss:$0x1], $0xffff;
	v23 =	vadd.f32 v23, v26  }
0x471: {  	v41 =	vld.idx.msk [tilespmem:v4+s10+$0x10 ss:$0x1], $0xffff;
	v3 =	vperm.xlane v0, v3  }
0x472: {  	v30 =	vperm.xlane v23, v14;
	v14 =	vld [tilespmem:$0x1FAB0]  }
0x473: {  	v0 =	vadd.f32 v0, v3;
	v3 =	vld [tilespmem:$0x1FAA0]  }
0x474: {  	[tilespmem:$0x1FBA0] =	vst v1;
	v1 =	vld.idx.msk [tilespmem:v5+s10+$0xFFFFFF30 ss:$0x1], $0xffff  }
0x475: {  	v40 =	vld.idx.msk [tilespmem:v5+s10+$0xFFFFFF80 ss:$0x1], $0xffff  }
0x476: {  	v32 =	vld.idx.msk [tilespmem:v4+s10+$0xFFFFFF80 ss:$0x1], $0xffff  }
0x477: {  	v9 =	vld.idx.msk [tilespmem:v5+s10+$0xFFFFFF90 ss:$0x1], $0xffff  }
0x478: {  	v37 =	vmul.f32 v14, v3;
	v3 =	vld [tilespmem:$0x1FAC0]  }
0x479: {  	[tilespmem:$0x1FBB0] =	vst v1;
	v1 =	vld.idx.msk [tilespmem:v4+s10+$0xFFFFFF30 ss:$0x1], $0xffff  }
0x47a: {  	v14 =	vld [tilespmem:$0x1FAD0]  }
0x47b: {  	v8 =	vld.idx.msk [tilespmem:v4+s10+$0xFFFFFF90 ss:$0x1], $0xffff  }
0x47c: {  	v33 =	vld.idx.msk [tilespmem:v5+s10+$0xFFFFFF00 ss:$0x1], $0xffff  }
0x47d: {  	v6 =	vld.idx.msk [tilespmem:v4+s10+$0xFFFFFF00 ss:$0x1], $0xffff  }
0x47e: {  	[tilespmem:$0x1FBC0] =	vst v1;
	v1 =	vld.idx.msk [tilespmem:v5+s10+$0xFFFFFFA0 ss:$0x1], $0xffff  }
0x47f: {  	v29 =	vmul.f32 v53, v50;
	v53 =	vmul.f32 v14, v3;
	v3 =	vld [tilespmem:$0x1FAE0]  }
0x480: {  	v14 =	vld [tilespmem:$0x1FAF0]  }
0x481: {  	v2 =	vld.idx.msk [tilespmem:v5+s10+$0xFFFFFF10 ss:$0x1], $0xffff  }
0x482: {  	v11 =	vld.idx.msk [tilespmem:v5+s10+$0xFFFFFDB0 ss:$0x1], $0xffff  }
0x483: {  	[tilespmem:$0x1FB50] =	vst v1;
	v1 =	vld.idx.msk [tilespmem:v4+s10+$0xFFFFFFA0 ss:$0x1], $0xffff  }
0x484: {  	v12 =	vld.idx.msk [tilespmem:v4+s10+$0xFFFFFDB0 ss:$0x1], $0xffff  }
0x485: {  	v44 =	vmul.f32 v14, v3;
	v3 =	vld [tilespmem:$0x1FB00]  }
0x486: {  	v55 =	vmul.f32 v55, v61;
	v61 =	vld.idx.msk [tilespmem:v5+s10+$0xFFFFFE10 ss:$0x1], $0xffff  }
0x487: {  	v36 =	vld.idx.msk [tilespmem:v4+s10+$0xFFFFFC30 ss:$0x1], $0xffff  }
0x488: {  	[tilespmem:$0x1FB60] =	vst v1;
	v1 =	vld.idx.msk [tilespmem:v5+s10+$0xFFFFFEB0 ss:$0x1], $0xffff  }
0x489: {  	v42 =	vmul.f32 v42, v48;
	v48 =	vmul.f32 v32, v40;
	v32 =	vld.idx.msk [tilespmem:v5+s10+$0xFFFFFCA0 ss:$0x1], $0xffff  }
0x48a: {  	v45 =	vmul.f32 v7, v3;
	v3 =	vld [tilespmem:$0x1FB10]  }
0x48b: {  	v7 =	vld [tilespmem:$0x1FB20]  }
0x48c: {  	v40 =	vld.idx.msk [tilespmem:v5+s10+$0xFFFFFD00 ss:$0x1], $0xffff  }
0x48d: {  	[tilespmem:$0x1FA30] =	vst v1;
	v1 =	vld.idx.msk [tilespmem:v4+s10+$0xFFFFFEB0 ss:$0x1], $0xffff  }
0x48e: {  	v25 =	vld.idx.msk [tilespmem:v4+s10+$0xFFFFFD30 ss:$0x1], $0xffff  }
0x48f: {  	v24 =	vld.idx.msk [tilespmem:v5+s10+$0xFFFFFDA0 ss:$0x1], $0xffff  }
0x490: {  	v46 =	vmul.f32 v7, v3;
	v3 =	vld [tilespmem:$0x1FB30]  }
0x491: {  	v7 =	vld [tilespmem:$0x1FB40]  }
0x492: {  	[tilespmem:$0x1FA40] =	vst v1;
	v1 =	vld.idx.msk [tilespmem:v5+s10+$0xFFFFFF20 ss:$0x1], $0xffff  }
0x493: {  	v13 =	vld.idx.msk [tilespmem:v5+s10+$0xFFFFFE80 ss:$0x1], $0xffff  }
0x494: {  	v19 =	vld.idx.msk [tilespmem:v4+s10+$0xFFFFFE80 ss:$0x1], $0xffff  }
0x495: {  	v20 =	vld.idx.msk [tilespmem:v5+s10+$0xFFFFFE90 ss:$0x1], $0xffff  }
0x496: {  	v29 =	vadd.f32 v55, v29;
	v55 =	vmul.f32 v7, v3;
	v3 =	vld [tilespmem:$0x1FB50]  }
0x497: {  	[tilespmem:$0x1FB70] =	vst v1;
	v1 =	vld.idx.msk [tilespmem:v4+s10+$0xFFFFFF20 ss:$0x1], $0xffff  }
0x498: {  	v33 =	vmul.f32 v6, v33;
	v6 =	vld [tilespmem:$0x1FB60]  }
0x499: {  	[tilespmem:$0x1FA90] =	vst v0;
	v0 =	vld [tilespmem:$0x1FFD0]  }
0x49a: {  	v22 =	vld.idx.msk [tilespmem:v5+s10+$0xFFFFFD30 ss:$0x1], $0xffff  }
0x49b: {  	v21 =	vld.idx.msk [tilespmem:v4+s10+$0xFFFFFE90 ss:$0x1], $0xffff  }
0x49c: {  	v60 =	vmul.f32 v54, v60;
	[tilespmem:$0x1FB80] =	vst v1;
	v1 =	vld.idx.msk [tilespmem:v5+s10+$0xFFFFFE30 ss:$0x1], $0xffff  }
0x49d: {  	v54 =	vmul.f32 v49, v51;
	v51 =	vmul.f32 v6, v3;
	v3 =	vld [tilespmem:$0x1FFD0]  }
0x49e: {  	v26 =	vld.idx.msk [tilespmem:v4+s10+$0xFFFFFDA0 ss:$0x1], $0xffff;
	v31 =	vperm.xlane v28, v0;
	v0 =	vadd.f32 v23, v30;
	v23 =	vperm.xlane v27, v59  }
0x49f: {  	v16 =	vld.idx.msk [tilespmem:v5+s10+$0xFFFFFE00 ss:$0x1], $0xffff  }
0x4a0: {  	v58 =	vld.idx.msk [tilespmem:v4+s10+$0xFFFFFE00 ss:$0x1], $0xffff;
	v38 =	vadd.f32 v27, v23  }
0x4a1: {  	[tilespmem:$0x1FA50] =	vst v1;
	v1 =	vld.idx.msk [tilespmem:v4+s10+$0xFFFFFE30 ss:$0x1], $0xffff  }
0x4a2: {  	v6 =	vperm.xlane v38, v3;
	v3 =	vld [tilespmem:$0x1FB70]  }
0x4a3: {  	v7 =	vld [tilespmem:$0x1FB80]  }
0x4a4: {  	v30 =	vld.idx.msk [tilespmem:v5+s10+$0xFFFFFCB0 ss:$0x1], $0xffff  }
0x4a5: {  	v50 =	vadd.f32 v28, v31;
	v31 =	vld.idx.msk [tilespmem:v4+s10+$0xFFFFFCB0 ss:$0x1], $0xffff  }
0x4a6: {  	[tilespmem:$0x1FA60] =	vst v1;
	v1 =	vld.idx.msk [tilespmem:v4+s10+$0xFFFFFF10 ss:$0x1], $0xffff  }
0x4a7: {  	v28 =	vmul.f32 v63, v62;
	v23 =	vld.idx.msk [tilespmem:v5+s10+$0xFFFFFD20 ss:$0x1], $0xffff  }
0x4a8: {  	v63 =	vmul.f32 v52, v56;
	v52 =	vmul.f32 v7, v3;
	v3 =	vld [tilespmem:$0x1FB90]  }
0x4a9: {  	v62 =	vmul.f32 v57, v10;
	v7 =	vld [tilespmem:$0x1FBA0]  }
0x4aa: {  	v41 =	vmul.f32 v41, v43;
	v27 =	vld.idx.msk [tilespmem:v5+s10+$0xFFFFFD80 ss:$0x1], $0xffff;
	v35 =	vadd.f32 v28, v60;
	v60 =	vadd.f32 v53, v29  }
0x4ab: {  	v8 =	vmul.f32 v8, v9;
	v28 =	vld.idx.msk [tilespmem:v4+s10+$0xFFFFFD80 ss:$0x1], $0xffff;
	v9 =	vadd.f32 v63, v62;
	v1 =	vmul.f32 v1, v2  }
0x4ac: {  	v29 =	vld.idx.msk [tilespmem:v5+s10+$0xFFFFFD90 ss:$0x1], $0xffff;
	v43 =	vadd.f32 v34, v60;
	v2 =	vadd.f32 v41, v42  }
0x4ad: {  	v34 =	vld.idx.msk [tilespmem:v4+s10+$0xFFFFFC20 ss:$0x1], $0xffff;
	v9 =	vadd.f32 v55, v9;
	v1 =	vadd.f32 v1, v33  }
0x4ae: {  	v44 =	vadd.f32 v44, v35;
	v53 =	vadd.f32 v54, v2;
	v54 =	vmul.f32 v7, v3;
	v3 =	vld [tilespmem:$0x1FBC0]  }
0x4af: {  	v46 =	vadd.f32 v46, v9;
	v9 =	vadd.f32 v52, v1;
	v1 =	vld [tilespmem:$0x1FBB0]  }
0x4b0: {  	v35 =	vld.idx.msk [tilespmem:v5+s10+$0xFFFFFC30 ss:$0x1], $0xffff  }
0x4b1: {  	v8 =	vadd.f32 v8, v48;
	v37 =	vadd.f32 v37, v44;
	v44 =	vld.idx.msk [tilespmem:v5+s10+$0xFFFFFC10 ss:$0x1], $0xffff  }
0x4b2: {  	v41 =	vld.idx.msk [tilespmem:v4+s10+$0xFFFFFD00 ss:$0x1], $0xffff  }
0x4b3: {  	v8 =	vadd.f32 v51, v8;
	v42 =	vld.idx.msk [tilespmem:v5+s10+$0xFFFFFD10 ss:$0x1], $0xffff  }
0x4b4: {  	v39 =	vadd.f32 v45, v53;
	v55 =	vmul.f32 v3, v1;
	v3 =	vld [tilespmem:$0x1FFD0]  }
0x4b5: {  	v57 =	vperm.xlane v43, v59;
	v56 =	vperm.xlane v37, v59;
	v2 =	vld.idx.msk [tilespmem:v5+s10+$0xFFFFFC20 ss:$0x1], $0xffff;
	v48 =	vadd.f32 v54, v8  }
0x4b6: {  	v62 =	vperm.xlane v46, v59;
	v33 =	vld.idx.msk [tilespmem:v4+s10+$0xFFFFFC00 ss:$0x1], $0xffff;
	v60 =	vperm.xlane v39, v59;
	v9 =	vadd.f32 v55, v9  }
0x4b7: {  	v47 =	vadd.f32 v43, v57;
	v8 =	vld.idx.msk [tilespmem:v4+s10+$0xFFFFFC80 ss:$0x1], $0xffff;
	v45 =	vadd.f32 v37, v56;
	v63 =	vperm.xlane v48, v59  }
0x4b8: {  	v46 =	vadd.f32 v46, v62;
	v37 =	vld.idx.msk [tilespmem:v5+s10+$0xFFFFFC00 ss:$0x1], $0xffff;
	v43 =	vadd.f32 v39, v60;
	v51 =	vperm.xlane v9, v59  }
0x4b9: {  	s29 =	sand.u32 $0xF, s7;
	s11 =	simm.s32 $0x4000;
	v39 =	vadd.f32 v48, v63;
	v1 =	vld.idx.msk [tilespmem:v5+s10+$0xFFFFFC80 ss:$0x1], $0xffff;
	v48 =	vperm.xlane v45, v3;
	v49 =	vperm.xlane v47, v3  }
.LBB2_11:
0x4ba: {  	v3 =	vld [tilespmem:$0x1FFD0];
	_ =	sdelay $0x4  }
0x4bb: {  	v53 =	vperm.xlane v43, v3;
	v3 =	vld [tilespmem:$0x1FFD0];
	_ =	sdelay $0x3  }
0x4bc: {  	v7 =	vld [tilespmem:$0x1FA40]  }
0x4bd: {  	v54 =	vperm.xlane v46, v3;
	v3 =	vld [tilespmem:$0x1FA30];
	_ =	sdelay $0x4  }
0x4be: {  	v7 =	vmul.f32 v7, v3;
	v3 =	vld [tilespmem:$0x1FFD0]  }
0x4bf: {  	v52 =	vld.idx.msk [tilespmem:v4+s10+$0xFFFFFC10 ss:$0x1], $0xffff  }
0x4c0: {  	v55 =	vld.idx.msk [tilespmem:v5+s10+$0xFFFFFC90 ss:$0x1], $0xffff  }
0x4c1: {  	v10 =	vld [tilespmem:$0x1FA60];
	v51 =	vadd.f32 v9, v51  }
0x4c2: {  	v9 =	vadd.f32 v38, v6;
	v6 =	vld.idx.msk [tilespmem:v4+s10+$0xFFFFFC90 ss:$0x1], $0xffff;
	v17 =	vmul.f32 v12, v11;
	v18 =	vmul.f32 v19, v13  }
0x4c3: {  	v22 =	vmul.f32 v25, v22;
	v56 =	vperm.xlane v39, v3;
	v3 =	vld [tilespmem:$0x1FA50]  }
0x4c4: {  	v63 =	vld.idx.msk [tilespmem:v4+s10+$0xFFFFFD10 ss:$0x1], $0xffff;
	v20 =	vmul.f32 v21, v20;
	v21 =	vmul.f32 v31, v30  }
0x4c5: {  	v19 =	vld.idx.msk [tilespmem:v4+s10+$0xFFFFFCA0 ss:$0x1], $0xffff;
	v24 =	vmul.f32 v26, v24;
	v26 =	vmul.f32 v33, v37  }
0x4c6: {  	v25 =	vld.idx.msk [tilespmem:v4+s10+$0xFFFFFD90 ss:$0x1], $0xffff;
	v2 =	vmul.f32 v34, v2;
	v30 =	vmul.f32 v52, v44  }
0x4c7: {  	v11 =	vadd.f32 v45, v48;
	v31 =	vld.idx.msk [tilespmem:v4+s10+$0xFFFFFD20 ss:$0x1], $0xffff;
	v1 =	vmul.f32 v8, v1;
	v6 =	vmul.f32 v6, v55  }
0x4c8: {  	v18 =	vadd.f32 v20, v18;
	v26 =	vadd.f32 v30, v26;
	v62 =	vmul.f32 v10, v3;
	v3 =	vld [tilespmem:$0x1FFD0]  }
0x4c9: {  	v14 =	vadd.f32 v43, v53;
	v30 =	vmul.f32 v41, v40;
	v53 =	vmul.f32 v63, v42  }
0x4ca: {  	v48 =	vmul.f32 v36, v35;
	v1 =	vadd.f32 v6, v1;
	v2 =	vadd.f32 v2, v26  }
0x4cb: {  	v6 =	vmul.f32 v19, v32;
	v20 =	vadd.f32 v53, v30;
	v26 =	vmul.f32 v28, v27  }
0x4cc: {  	v25 =	vmul.f32 v25, v29;
	v2 =	vadd.f32 v48, v2;
	v10 =	vadd.f32 v47, v49;
	v49 =	vld.idx.msk [tilespmem:v4+s10+$0xFFFFFE10 ss:$0x1], $0xffff  }
0x4cd: {  	v1 =	vadd.f32 v6, v1;
	v6 =	vmul.f32 v31, v23;
	v57 =	vperm.xlane v51, v3;
	v3 =	vld [tilespmem:$0x1FFD0]  }
0x4ce: {  	v13 =	vmul.f32 v58, v16;
	v23 =	vadd.f32 v25, v26;
	v16 =	vperm.xlane v2, v59  }
0x4cf: {  	v6 =	vadd.f32 v6, v20  }
0x4d0: {  	v20 =	vadd.f32 v24, v23;
	v2 =	vadd.f32 v2, v16  }
0x4d1: {  	v1 =	vadd.f32 v21, v1;
	v15 =	vmul.f32 v49, v61  }
0x4d2: {  	v16 =	vadd.f32 v17, v20;
	v17 =	vperm.xlane v2, v3;
	v3 =	vld [tilespmem:$0x1FFD0]  }
0x4d3: {  	v13 =	vadd.f32 v15, v13;
	v15 =	vperm.xlane v1, v59  }
0x4d4: {  	v8 =	vld.idx.msk [tilespmem:v5+s10+$0xFFFFFE20 ss:$0x1], $0xffff  }
0x4d5: {  	v19 =	vld.idx.msk [tilespmem:v5+s10+$0xFFFFFEA0 ss:$0x1], $0xffff;
	v1 =	vadd.f32 v1, v15  }
0x4d6: {  	v12 =	vadd.f32 v46, v54;
	v54 =	vld.idx.msk [tilespmem:v4+s10+$0xFFFFFE20 ss:$0x1], $0xffff;
	v6 =	vadd.f32 v22, v6  }
0x4d7: {  	v2 =	vadd.f32 v2, v17;
	v17 =	vperm.xlane v1, v3;
	v3 =	vld [tilespmem:$0x1FFD0]  }
0x4d8: {  	v27 =	vld.idx.msk [tilespmem:v4+s10+$0xFFFFFEA0 ss:$0x1], $0xffff;
	v15 =	vperm.xlane v6, v59;
	_ =	sdelay $0x1  }
0x4d9: {  	v6 =	vadd.f32 v6, v15  }
0x4da: {  	v8 =	vmul.f32 v54, v8  }
0x4db: {  	v1 =	vadd.f32 v1, v17;
	v17 =	vperm.xlane v6, v3;
	v3 =	vld [tilespmem:$0x1FFD0]  }
0x4dc: {  	v8 =	vadd.f32 v8, v13;
	v13 =	vmul.f32 v27, v19;
	v19 =	vperm.xlane v16, v59;
	_ =	sdelay $0x1  }
0x4dd: {  	v15 =	vadd.f32 v16, v19  }
0x4de: {  	v8 =	vadd.f32 v62, v8;
	v19 =	vld [tilespmem:$0x1FFE0]  }
0x4df: {  	v13 =	vadd.f32 v13, v18;
	v18 =	vperm.xlane v15, v3;
	v3 =	vld [tilespmem:$0x1FFD0]  }
0x4e0: {  	v16 =	vperm.xlane v8, v59;
	_ =	sdelay $0x1  }
0x4e1: {  	v8 =	vadd.f32 v8, v16  }
0x4e2: {  	v20 =	vld [tilespmem:$0x1FFF0];
	v7 =	vadd.f32 v7, v13  }
0x4e3: {  	v13 =	vperm.xlane v2, v19;
	v6 =	vadd.f32 v6, v17;
	v17 =	vperm.xlane v8, v3;
	v3 =	vld [tilespmem:$0x1FFD0]  }
0x4e4: {  	v46 =	vadd.f32 v39, v56;
	v16 =	vperm.xlane v7, v59  }
0x4e5: {  	v52 =	vadd.f32 v51, v57;
	v2 =	vadd.f32 v2, v13;
	v13 =	vperm.xlane v1, v19  }
0x4e6: {  	v7 =	vadd.f32 v7, v16;
	v15 =	vadd.f32 v15, v18  }
0x4e7: {  	v16 =	vperm.xlane v2, v20;
	v1 =	vadd.f32 v1, v13;
	v13 =	vperm.xlane v6, v19  }
0x4e8: {  	v18 =	vperm.xlane v15, v19;
	v8 =	vadd.f32 v8, v17;
	v17 =	vperm.xlane v7, v3  }
0x4e9: {  	v2 =	vadd.f32 v2, v16;
	v16 =	vperm.xlane v1, v20;
	v6 =	vadd.f32 v6, v13  }
0x4ea: {  	v13 =	vadd.f32 v15, v18;
	v15 =	vperm.xlane v8, v19;
	v7 =	vadd.f32 v7, v17  }
0x4eb: {  	v2 =	vnsel vm0, $0x0, v2;
	v1 =	vadd.f32 v1, v16;
	v16 =	vperm.xlane v6, v20  }
0x4ec: {  	v2 =	vadd.f32 $0.0e+00, v2;
	v8 =	vadd.f32 v8, v15;
	v15 =	vperm.xlane v7, v19  }
0x4ed: {  	v1 =	vsel vm1, $0x0, v1;
	v6 =	vadd.f32 v6, v16;
	v16 =	vperm.xlane v13, v20  }
0x4ee: {  	v1 =	vadd.f32 v1, v2;
	v2 =	vadd.f32 v7, v15;
	v7 =	vperm.xlane v52, v19  }
0x4ef: {  	v6 =	vsel vm2, $0x0, v6;
	v13 =	vadd.f32 v13, v16;
	v15 =	vperm.xlane v8, v20  }
0x4f0: {  	v1 =	vadd.f32 v6, v1;
	v6 =	vadd.f32 v52, v7;
	v7 =	vperm.xlane v46, v19  }
0x4f1: {  	v13 =	vsel vm3, $0x0, v13;
	v8 =	vadd.f32 v8, v15;
	v15 =	vperm.xlane v2, v20  }
0x4f2: {  	v1 =	vadd.f32 v13, v1;
	v13 =	vperm.xlane v14, v19;
	v7 =	vadd.f32 v46, v7  }
0x4f3: {  	v8 =	vsel vm4, $0x0, v8;
	v2 =	vadd.f32 v2, v15;
	v15 =	vperm.xlane v6, v20  }
0x4f4: {  	v1 =	vadd.f32 v8, v1;
	v8 =	vadd.f32 v14, v13;
	v13 =	vperm.xlane v12, v19  }
0x4f5: {  	v2 =	vsel vm5, $0x0, v2;
	v6 =	vadd.f32 v6, v15;
	v14 =	vperm.xlane v7, v20  }
0x4f6: {  	v1 =	vadd.f32 v2, v1;
	v2 =	vadd.f32 v12, v13;
	v12 =	vperm.xlane v11, v19  }
0x4f7: {  	v13 =	vperm.xlane v8, v20;
	v6 =	vsel vm6, $0x0, v6;
	v7 =	vadd.f32 v7, v14  }
0x4f8: {  	v1 =	vadd.f32 v6, v1;
	v6 =	vadd.f32 v11, v12;
	v11 =	vperm.xlane v10, v19  }
0x4f9: {  	v8 =	vadd.f32 v8, v13;
	v12 =	vperm.xlane v2, v20;
	v7 =	vsel vm7, $0x0, v7  }
0x4fa: {  	v1 =	vadd.f32 v7, v1;
	v7 =	vadd.f32 v10, v11;
	v10 =	vperm.xlane v9, v19  }
0x4fb: {  	v8 =	vsel vm8, $0x0, v8;
	v2 =	vadd.f32 v2, v12  }
0x4fc: {  	v1 =	vadd.f32 v8, v1;
	v8 =	vadd.f32 v9, v10;
	v9 =	vperm.xlane v50, v19  }
0x4fd: {  	v2 =	vsel vm9, $0x0, v2  }
0x4fe: {  	v1 =	vadd.f32 v2, v1;
	v2 =	vadd.f32 v50, v9;
	v9 =	vperm.xlane v0, v19  }
0x4ff: {  	v11 =	vperm.xlane v6, v20  }
0x500: {  	v3 =	vadd.f32 v0, v9;
	v0 =	vld [tilespmem:$0x1FA90]  }
0x501: {  	v6 =	vadd.f32 v6, v11;
	v10 =	vperm.xlane v7, v20;
	_ =	sdelay $0x1  }
0x502: {  	v6 =	vsel vm10, $0x0, v6;
	v7 =	vadd.f32 v7, v10;
	v10 =	vperm.xlane v8, v20  }
0x503: {  	v1 =	vadd.f32 v6, v1;
	v9 =	vperm.xlane v2, v20  }
0x504: {  	v7 =	vsel vm11, $0x0, v7;
	v8 =	vadd.f32 v8, v10;
	v6 =	vperm.xlane v0, v19  }
0x505: {  	v1 =	vadd.f32 v7, v1;
	v2 =	vadd.f32 v2, v9  }
0x506: {  	v7 =	vperm.xlane v3, v20;
	v0 =	vadd.f32 v0, v6;
	v6 =	vsel vm12, $0x0, v8  }
0x507: {  	v1 =	vadd.f32 v6, v1  }
0x508: {  	v2 =	vsel vm13, $0x0, v2;
	v3 =	vadd.f32 v3, v7;
	v6 =	vperm.xlane v0, v20  }
0x509: {  	v1 =	vadd.f32 v2, v1  }
0x50a: {  	v2 =	vsel vm14, $0x0, v3;
	v0 =	vadd.f32 v0, v6  }
0x50b: {  	v1 =	vadd.f32 v2, v1  }
0x50c: {  	v0 =	vsel vm15, $0x0, v0  }
0x50d: {  	v0 =	vadd.f32 v0, v1  }
0x50e: {  	s9 =	sadd.s32 $0x10, s9  }
0x50f: {  	s10 =	sshra.s32 s11, $0x2;
	[tilespmem:s9+$0x0] =	vst v0  }
0x510: {  	v35 =	vld.idx.msk [tilespmem:v5+s10+$0x3B0 ss:$0x1], $0xffff  }
0x511: {  	v29 =	vld.idx.msk [tilespmem:v4+s10+$0x3B0 ss:$0x1], $0xffff  }
0x512: {  	v0 =	vld.idx.msk [tilespmem:v5+s10+$0x330 ss:$0x1], $0xffff  }
0x513: {  	v20 =	vld.idx.msk [tilespmem:v5+s10+$0x3A0 ss:$0x1], $0xffff  }
0x514: {  	v1 =	vld.idx.msk [tilespmem:v4+s10+$0x3A0 ss:$0x1], $0xffff  }
0x515: {  	v32 =	vld.idx.msk [tilespmem:v4+s10+$0x2B0 ss:$0x1], $0xffff  }
0x516: {  	v21 =	vld.idx.msk [tilespmem:v5+s10+$0x320 ss:$0x1], $0xffff  }
0x517: {  	v22 =	vld.idx.msk [tilespmem:v4+s10+$0x320 ss:$0x1], $0xffff  }
0x518: {  	v58 =	vld.idx.msk [tilespmem:v5+s10+$0x380 ss:$0x1], $0xffff  }
0x519: {  	v59 =	vld.idx.msk [tilespmem:v4+s10+$0x380 ss:$0x1], $0xffff  }
0x51a: {  	v61 =	vld.idx.msk [tilespmem:v5+s10+$0x390 ss:$0x1], $0xffff  }
0x51b: {  	v19 =	vld.idx.msk [tilespmem:v4+s10+$0x390 ss:$0x1], $0xffff  }
0x51c: {  	v25 =	vld.idx.msk [tilespmem:v5+s10+$0x2A0 ss:$0x1], $0xffff  }
0x51d: {  	v30 =	vld.idx.msk [tilespmem:v4+s10+$0x2A0 ss:$0x1], $0xffff  }
0x51e: {  	v17 =	vld.idx.msk [tilespmem:v5+s10+$0x300 ss:$0x1], $0xffff  }
0x51f: {  	v16 =	vld.idx.msk [tilespmem:v4+s10+$0x300 ss:$0x1], $0xffff  }
0x520: {  	v33 =	vld.idx.msk [tilespmem:v5+s10+$0x310 ss:$0x1], $0xffff  }
0x521: {  	v13 =	vld.idx.msk [tilespmem:v4+s10+$0x310 ss:$0x1], $0xffff  }
0x522: {  	v28 =	vld.idx.msk [tilespmem:v5+s10+$0x220 ss:$0x1], $0xffff  }
0x523: {  	v24 =	vld.idx.msk [tilespmem:v4+s10+$0x220 ss:$0x1], $0xffff  }
0x524: {  	v10 =	vld.idx.msk [tilespmem:v5+s10+$0x280 ss:$0x1], $0xffff  }
0x525: {  	v11 =	vld.idx.msk [tilespmem:v4+s10+$0x280 ss:$0x1], $0xffff  }
0x526: {  	v12 =	vld.idx.msk [tilespmem:v5+s10+$0x290 ss:$0x1], $0xffff  }
0x527: {  	v2 =	vld.idx.msk [tilespmem:v5+s10+$0x130 ss:$0x1], $0xffff  }
0x528: {  	v14 =	vld.idx.msk [tilespmem:v5+s10+$0x200 ss:$0x1], $0xffff  }
0x529: {  	v26 =	vld.idx.msk [tilespmem:v4+s10+$0x200 ss:$0x1], $0xffff  }
0x52a: {  	v6 =	vld.idx.msk [tilespmem:v5+s10+$0x210 ss:$0x1], $0xffff  }
0x52b: {  	v3 =	vld.idx.msk [tilespmem:v4+s10+$0x210 ss:$0x1], $0xffff  }
0x52c: {  	v36 =	vld.idx.msk [tilespmem:v4+s10+$0xB0 ss:$0x1], $0xffff  }
0x52d: {  	v40 =	vld.idx.msk [tilespmem:v5+s10+$0x120 ss:$0x1], $0xffff  }
0x52e: {  	v41 =	vld.idx.msk [tilespmem:v4+s10+$0x120 ss:$0x1], $0xffff  }
0x52f: {  	v31 =	vld.idx.msk [tilespmem:v5+s10+$0x180 ss:$0x1], $0xffff  }
0x530: {  	v38 =	vld.idx.msk [tilespmem:v4+s10+$0x180 ss:$0x1], $0xffff  }
0x531: {  	v50 =	vld.idx.msk [tilespmem:v5+s10+$0x190 ss:$0x1], $0xffff  }
0x532: {  	v55 =	vld.idx.msk [tilespmem:v4+s10+$0x190 ss:$0x1], $0xffff  }
0x533: {  	v43 =	vld.idx.msk [tilespmem:v5+s10+$0x30 ss:$0x1], $0xffff  }
0x534: {  	v45 =	vld.idx.msk [tilespmem:v4+s10+$0x30 ss:$0x1], $0xffff  }
0x535: {  	v42 =	vld.idx.msk [tilespmem:v5+s10+$0xA0 ss:$0x1], $0xffff  }
0x536: {  	v44 =	vld.idx.msk [tilespmem:v4+s10+$0xA0 ss:$0x1], $0xffff  }
0x537: {  	v60 =	vld.idx.msk [tilespmem:v5+s10+$0x100 ss:$0x1], $0xffff  }
0x538: {  	v63 =	vld.idx.msk [tilespmem:v4+s10+$0x100 ss:$0x1], $0xffff  }
0x539: {  	v27 =	vld.idx.msk [tilespmem:v5+s10+$0x110 ss:$0x1], $0xffff  }
0x53a: {  	v23 =	vld.idx.msk [tilespmem:v4+s10+$0x110 ss:$0x1], $0xffff  }
0x53b: {  	v49 =	vld.idx.msk [tilespmem:v5+s10+$0x20 ss:$0x1], $0xffff  }
0x53c: {  	v53 =	vld.idx.msk [tilespmem:v4+s10+$0x20 ss:$0x1], $0xffff  }
0x53d: {  	[tilespmem:$0x1F7F0] =	vst v0;
	v0 =	vld.idx.msk [tilespmem:v4+s10+$0x330 ss:$0x1], $0xffff  }
0x53e: {  	v48 =	vld.idx.msk [tilespmem:v5+s10+$0x80 ss:$0x1], $0xffff  }
0x53f: {  	v52 =	vld.idx.msk [tilespmem:v4+s10+$0x80 ss:$0x1], $0xffff  }
0x540: {  	v54 =	vld.idx.msk [tilespmem:v5+s10+$0x90 ss:$0x1], $0xffff  }
0x541: {  	v57 =	vld.idx.msk [tilespmem:v4+s10+$0x90 ss:$0x1], $0xffff  }
0x542: {  	[tilespmem:$0x1F800] =	vst v0;
	v0 =	vld.idx.msk [tilespmem:v5+s10+$0x2B0 ss:$0x1], $0xffff  }
0x543: {  	v37 =	vld.idx.msk [tilespmem:v4+s10+$0xFFFFFF30 ss:$0x1], $0xffff  }
0x544: {  	v46 =	vld.idx.msk [tilespmem:v5+s10+$0xFFFFFFA0 ss:$0x1], $0xffff  }
0x545: {  	v47 =	vld.idx.msk [tilespmem:v4+s10+$0xFFFFFFA0 ss:$0x1], $0xffff  }
0x546: {  	v62 =	vld.idx.msk [tilespmem:v5+s10+$0x0 ss:$0x1], $0xffff  }
0x547: {  	[tilespmem:$0x1F810] =	vst v0;
	v0 =	vld.idx.msk [tilespmem:v5+s10+$0x230 ss:$0x1], $0xffff  }
0x548: {  	v34 =	vld.idx.msk [tilespmem:v4+s10+$0x0 ss:$0x1], $0xffff  }
0x549: {  	[tilespmem:$0x1F860] =	vst v2;
	v2 =	vld.idx.msk [tilespmem:v4+s10+$0x130 ss:$0x1], $0xffff  }
0x54a: {  	v39 =	vld.idx.msk [tilespmem:v5+s10+$0x10 ss:$0x1], $0xffff  }
0x54b: {  	v18 =	vld.idx.msk [tilespmem:v4+s10+$0x10 ss:$0x1], $0xffff  }
0x54c: {  	[tilespmem:$0x1F820] =	vst v0;
	v0 =	vld.idx.msk [tilespmem:v4+s10+$0x230 ss:$0x1], $0xffff  }
0x54d: {  	v51 =	vld.idx.msk [tilespmem:v5+s10+$0xFFFFFF20 ss:$0x1], $0xffff  }
0x54e: {  	[tilespmem:$0x1F870] =	vst v2;
	v2 =	vld.idx.msk [tilespmem:v5+s10+$0x1A0 ss:$0x1], $0xffff  }
0x54f: {  	v56 =	vld.idx.msk [tilespmem:v4+s10+$0xFFFFFF20 ss:$0x1], $0xffff  }
0x550: {  	v15 =	vld.idx.msk [tilespmem:v5+s10+$0xFFFFFF80 ss:$0x1], $0xffff  }
0x551: {  	[tilespmem:$0x1F830] =	vst v0;
	v0 =	vld.idx.msk [tilespmem:v5+s10+$0x1B0 ss:$0x1], $0xffff  }
0x552: {  	v9 =	vld.idx.msk [tilespmem:v4+s10+$0xFFFFFF80 ss:$0x1], $0xffff  }
0x553: {  	[tilespmem:$0x1F880] =	vst v2;
	v2 =	vld.idx.msk [tilespmem:v4+s10+$0x1A0 ss:$0x1], $0xffff  }
0x554: {  	v8 =	vld.idx.msk [tilespmem:v5+s10+$0xFFFFFF90 ss:$0x1], $0xffff  }
0x555: {  	v7 =	vld.idx.msk [tilespmem:v4+s10+$0xFFFFFF90 ss:$0x1], $0xffff  }
0x556: {  	[tilespmem:$0x1F840] =	vst v0;
	v0 =	vld.idx.msk [tilespmem:v4+s10+$0x1B0 ss:$0x1], $0xffff  }
0x557: {  	v20 =	vmul.f32 v1, v20;
	v1 =	vld.idx.msk [tilespmem:v4+s10+$0xFFFFFF00 ss:$0x1], $0xffff  }
0x558: {  	[tilespmem:$0x1F890] =	vst v2;
	v2 =	vld.idx.msk [tilespmem:v5+s10+$0xB0 ss:$0x1], $0xffff  }
0x559: {  	v58 =	vmul.f32 v59, v58;
	v59 =	vld.idx.msk [tilespmem:v5+s10+$0xFFFFFF10 ss:$0x1], $0xffff  }
0x55a: {  	v16 =	vmul.f32 v16, v17;
	v17 =	vld.idx.msk [tilespmem:v4+s10+$0xFFFFFF10 ss:$0x1], $0xffff  }
0x55b: {  	[tilespmem:$0x1F850] =	vst v0;
	v0 =	vld.idx.msk [tilespmem:v4+s10+$0x290 ss:$0x1], $0xffff  }
0x55c: {  	v10 =	vmul.f32 v11, v10;
	v11 =	vld.idx.msk [tilespmem:v5+s10+$0xFFFFFDB0 ss:$0x1], $0xffff  }
0x55d: {  	[tilespmem:$0x1F8A0] =	vst v2;
	v2 =	vld.idx.msk [tilespmem:v5+s10+$0xFFFFFFB0 ss:$0x1], $0xffff  }
0x55e: {  	v19 =	vmul.f32 v19, v61;
	v13 =	vmul.f32 v13, v33;
	v61 =	vld.idx.msk [tilespmem:v5+s10+$0xFFFFFE10 ss:$0x1], $0xffff  }
0x55f: {  	v21 =	vmul.f32 v22, v21;
	v49 =	vmul.f32 v53, v49;
	v53 =	vld [tilespmem:$0x1FFD0]  }
0x560: {  	v22 =	vmul.f32 v29, v35;
	v35 =	vld.idx.msk [tilespmem:v5+s10+$0xFFFFFC30 ss:$0x1], $0xffff;
	v0 =	vmul.f32 v0, v12  }
0x561: {  	v14 =	vmul.f32 v26, v14;
	v3 =	vmul.f32 v3, v6;
	v16 =	vadd.f32 v13, v16;
	v13 =	vld.idx.msk [tilespmem:v5+s10+$0xFFFFFE80 ss:$0x1], $0xffff  }
0x562: {  	[tilespmem:$0x1F8B0] =	vst v2;
	v2 =	vld.idx.msk [tilespmem:v4+s10+$0xFFFFFFB0 ss:$0x1], $0xffff;
	v0 =	vadd.f32 v0, v10;
	v10 =	vmul.f32 v30, v25  }
0x563: {  	v19 =	vadd.f32 v19, v58;
	v3 =	vadd.f32 v3, v14;
	v14 =	vmul.f32 v24, v28;
	v24 =	vld [tilespmem:$0x1FFC0]  }
0x564: {  	v0 =	vadd.f32 v10, v0;
	v10 =	vld [tilespmem:$0x1F810]  }
0x565: {  	v20 =	vadd.f32 v20, v19;
	v19 =	vld [tilespmem:$0x1F7F0]  }
0x566: {  	v16 =	vadd.f32 v21, v16;
	v21 =	vld [tilespmem:$0x1F800]  }
0x567: {  	[tilespmem:$0x1F8C0] =	vst v2;
	v2 =	vld.idx.msk [tilespmem:v5+s10+$0xFFFFFF30 ss:$0x1], $0xffff  }
0x568: {  	v58 =	vld.idx.msk [tilespmem:v4+s10+$0xFFFFFE00 ss:$0x1], $0xffff  }
0x569: {  	v29 =	vadd.f32 v22, v20;
	v20 =	vld.idx.msk [tilespmem:v5+s10+$0xFFFFFE90 ss:$0x1], $0xffff;
	v10 =	vmul.f32 v32, v10  }
0x56a: {  	v22 =	vld.idx.msk [tilespmem:v5+s10+$0xFFFFFD30 ss:$0x1], $0xffff  }
0x56b: {  	v21 =	vmul.f32 v21, v19;
	v0 =	vadd.f32 v10, v0;
	v10 =	vld [tilespmem:$0x1FFC0]  }
0x56c: {  	[tilespmem:$0x1F8D0] =	vst v2;
	v2 =	vld.idx.msk [tilespmem:v5+s10+$0xFFFFFEB0 ss:$0x1], $0xffff  }
0x56d: {  	v6 =	vadd.f32 v21, v16;
	v16 =	vld [tilespmem:$0x1FFC0];
	v28 =	vperm.xlane v0, v24  }
0x56e: {  	v3 =	vadd.f32 v14, v3;
	v14 =	vld [tilespmem:$0x1F820]  }
0x56f: {  	v28 =	vadd.f32 v0, v28;
	v0 =	vld [tilespmem:$0x1FFD0]  }
0x570: {  	v26 =	vld [tilespmem:$0x1F830];
	v10 =	vperm.xlane v29, v10  }
0x571: {  	[tilespmem:$0x1FA30] =	vst v2;
	v2 =	vld.idx.msk [tilespmem:v4+s10+$0xFFFFFEB0 ss:$0x1], $0xffff  }
0x572: {  	v19 =	vld.idx.msk [tilespmem:v4+s10+$0xFFFFFE80 ss:$0x1], $0xffff;
	v16 =	vperm.xlane v6, v16;
	v10 =	vadd.f32 v29, v10  }
0x573: {  	v21 =	vld.idx.msk [tilespmem:v4+s10+$0xFFFFFE90 ss:$0x1], $0xffff  }
0x574: {  	v9 =	vmul.f32 v9, v15;
	v6 =	vadd.f32 v6, v16;
	v16 =	vld.idx.msk [tilespmem:v5+s10+$0xFFFFFE00 ss:$0x1], $0xffff;
	v0 =	vperm.xlane v10, v0  }
0x575: {  	v7 =	vmul.f32 v7, v8;
	v14 =	vmul.f32 v26, v14;
	v26 =	vld.idx.msk [tilespmem:v4+s10+$0xFFFFFDA0 ss:$0x1], $0xffff  }
0x576: {  	[tilespmem:$0x1FA40] =	vst v2;
	v2 =	vld.idx.msk [tilespmem:v5+s10+$0xFFFFFE30 ss:$0x1], $0xffff;
	v0 =	vadd.f32 v10, v0  }
0x577: {  	v7 =	vadd.f32 v7, v9;
	v9 =	vmul.f32 v47, v46;
	v10 =	vld [tilespmem:$0x1F850]  }
0x578: {  	[tilespmem:$0x1FA90] =	vst v0;
	v0 =	vld [tilespmem:$0x1F840]  }
0x579: {  	v7 =	vadd.f32 v9, v7;
	v9 =	vld [tilespmem:$0x1F8B0]  }
0x57a: {  	v3 =	vadd.f32 v14, v3;
	v14 =	vld [tilespmem:$0x1FFD0]  }
0x57b: {  	[tilespmem:$0x1FA50] =	vst v2;
	v2 =	vld.idx.msk [tilespmem:v4+s10+$0xFFFFFE30 ss:$0x1], $0xffff  }
0x57c: {  	v29 =	vld [tilespmem:$0x1FFD0]  }
0x57d: {  	v10 =	vmul.f32 v10, v0;
	v0 =	vld [tilespmem:$0x1FFC0]  }
0x57e: {  	v12 =	vld.idx.msk [tilespmem:v4+s10+$0xFFFFFDB0 ss:$0x1], $0xffff  }
0x57f: {  	v25 =	vld.idx.msk [tilespmem:v4+s10+$0xFFFFFD30 ss:$0x1], $0xffff  }
0x580: {  	v14 =	vperm.xlane v6, v14;
	[tilespmem:$0x1FA60] =	vst v2;
	v2 =	vld.idx.msk [tilespmem:v5+s10+$0xFFFFFF00 ss:$0x1], $0xffff  }
0x581: {  	v30 =	vld.idx.msk [tilespmem:v5+s10+$0xFFFFFCB0 ss:$0x1], $0xffff;
	v29 =	vperm.xlane v28, v29  }
0x582: {  	v24 =	vld.idx.msk [tilespmem:v5+s10+$0xFFFFFDA0 ss:$0x1], $0xffff;
	v32 =	vperm.xlane v3, v0;
	v0 =	vadd.f32 v6, v14  }
0x583: {  	v14 =	vmul.f32 v55, v50;
	v50 =	vadd.f32 v28, v29;
	v29 =	vmul.f32 v23, v27;
	v27 =	vld [tilespmem:$0x1F870]  }
0x584: {  	v6 =	vmul.f32 v38, v31;
	v38 =	vadd.f32 v3, v32;
	v3 =	vld [tilespmem:$0x1F860]  }
0x585: {  	v1 =	vmul.f32 v1, v2;
	v2 =	vmul.f32 v17, v59;
	v59 =	vld [tilespmem:$0x1FFC0]  }
0x586: {  	v17 =	vld [tilespmem:$0x1F8C0]  }
0x587: {  	v1 =	vadd.f32 v2, v1;
	v2 =	vld.idx.msk [tilespmem:v5+s10+$0xFFFFFC20 ss:$0x1], $0xffff  }
0x588: {  	v15 =	vmul.f32 v56, v51;
	v14 =	vadd.f32 v14, v6;
	v6 =	vld [tilespmem:$0x1F880]  }
0x589: {  	v3 =	vmul.f32 v27, v3;
	v27 =	vld [tilespmem:$0x1F890]  }
0x58a: {  	v15 =	vadd.f32 v15, v1;
	v1 =	vld [tilespmem:$0x1F8D0]  }
0x58b: {  	v31 =	vld.idx.msk [tilespmem:v4+s10+$0xFFFFFCB0 ss:$0x1], $0xffff  }
0x58c: {  	v28 =	vmul.f32 v63, v60;
	v23 =	vld.idx.msk [tilespmem:v5+s10+$0xFFFFFD20 ss:$0x1], $0xffff  }
0x58d: {  	v60 =	vmul.f32 v41, v40;
	v40 =	vld.idx.msk [tilespmem:v5+s10+$0xFFFFFD00 ss:$0x1], $0xffff  }
0x58e: {  	v33 =	vadd.f32 v29, v28;
	v29 =	vld [tilespmem:$0x1F8A0];
	v55 =	vmul.f32 v27, v6  }
0x58f: {  	v41 =	vld.idx.msk [tilespmem:v4+s10+$0xFFFFFD00 ss:$0x1], $0xffff  }
0x590: {  	v42 =	vmul.f32 v44, v42;
	v28 =	vld.idx.msk [tilespmem:v4+s10+$0xFFFFFD80 ss:$0x1], $0xffff;
	v14 =	vadd.f32 v55, v14  }
0x591: {  	v57 =	vmul.f32 v57, v54;
	v18 =	vmul.f32 v18, v39;
	v32 =	vld.idx.msk [tilespmem:v5+s10+$0xFFFFFCA0 ss:$0x1], $0xffff;
	v44 =	vadd.f32 v60, v33  }
0x592: {  	v33 =	vld.idx.msk [tilespmem:v4+s10+$0xFFFFFC00 ss:$0x1], $0xffff;
	v55 =	vmul.f32 v52, v48;
	v10 =	vadd.f32 v10, v14;
	v14 =	vmul.f32 v34, v62  }
0x593: {  	v63 =	vmul.f32 v36, v29;
	v29 =	vld.idx.msk [tilespmem:v5+s10+$0xFFFFFD90 ss:$0x1], $0xffff;
	v3 =	vadd.f32 v3, v44  }
0x594: {  	v36 =	vld.idx.msk [tilespmem:v4+s10+$0xFFFFFC30 ss:$0x1], $0xffff;
	v8 =	vadd.f32 v57, v55;
	v14 =	vadd.f32 v18, v14  }
0x595: {  	v9 =	vmul.f32 v17, v9;
	v44 =	vld.idx.msk [tilespmem:v5+s10+$0xFFFFFC10 ss:$0x1], $0xffff;
	v60 =	vperm.xlane v3, v59  }
0x596: {  	v43 =	vmul.f32 v45, v43;
	v6 =	vld [tilespmem:$0x1FFD0];
	v8 =	vadd.f32 v42, v8;
	v14 =	vadd.f32 v49, v14  }
0x597: {  	p1 =	sne.s32 s11, $0xE000;
	v7 =	vadd.f32 v9, v7;
	v27 =	vld.idx.msk [tilespmem:v5+s10+$0xFFFFFD80 ss:$0x1], $0xffff;
	v45 =	vadd.f32 v3, v60;
	v18 =	vmul.f32 v37, v1  }
.Ltmp4:
0x598: {  	v34 =	vld.idx.msk [tilespmem:v4+s10+$0xFFFFFC20 ss:$0x1], $0xffff;
	v62 =	vperm.xlane v10, v59;
	v17 =	vadd.f32 v63, v8;
	v14 =	vadd.f32 v43, v14;
	(pc) =	sbr.rel @p1 .LBB2_11-.Ltmp4, $4  }
0x599: {  	v48 =	vperm.xlane v45, v53;
	v42 =	vld.idx.msk [tilespmem:v5+s10+$0xFFFFFD10 ss:$0x1], $0xffff;
	v9 =	vadd.f32 v18, v15;
	v63 =	vperm.xlane v7, v59  }
0x59a: {  	v1 =	vld.idx.msk [tilespmem:v5+s10+$0xFFFFFC80 ss:$0x1], $0xffff;
	v47 =	vadd.f32 v10, v62;
	v18 =	vperm.xlane v17, v59;
	v15 =	vperm.xlane v14, v59  }
0x59b: {  	v6 =	vperm.xlane v38, v6;
	v37 =	vld.idx.msk [tilespmem:v5+s10+$0xFFFFFC00 ss:$0x1], $0xffff;
	v51 =	vperm.xlane v9, v59;
	v39 =	vadd.f32 v7, v63  }
0x59c: {  	s11 =	sadd.s32 $0x2000, s11;
	v8 =	vld.idx.msk [tilespmem:v4+s10+$0xFFFFFC80 ss:$0x1], $0xffff;
	v49 =	vperm.xlane v47, v53;
	v46 =	vadd.f32 v17, v18;
	v43 =	vadd.f32 v14, v15  }
0x59d: {  	_ =	sdelay $0x3  }
0x59e: {  	v14 =	vld.idx.msk [tilespmem:v4+s10+$0xFFFFFC10 ss:$0x1], $0xffff  }
0x59f: {  	v56 =	vld [tilespmem:$0x1FA30]  }
0x5a0: {  	v15 =	vld [tilespmem:$0x1FA40]  }
0x5a1: {  	v17 =	vperm.xlane v39, v53;
	v18 =	vld.idx.msk [tilespmem:v5+s10+$0xFFFFFC90 ss:$0x1], $0xffff  }
0x5a2: {  	v57 =	vld [tilespmem:$0x1FA50];
	v11 =	vmul.f32 v12, v11;
	v63 =	vmul.f32 v19, v13  }
0x5a3: {  	v3 =	vadd.f32 v9, v51;
	v60 =	vld [tilespmem:$0x1FA60];
	v22 =	vmul.f32 v25, v22;
	v20 =	vmul.f32 v21, v20  }
0x5a4: {  	v9 =	vadd.f32 v38, v6;
	v62 =	vld.idx.msk [tilespmem:v4+s10+$0xFFFFFC90 ss:$0x1], $0xffff;
	v24 =	vmul.f32 v26, v24;
	v2 =	vmul.f32 v34, v2  }
0x5a5: {  	v13 =	vadd.f32 v45, v48;
	v48 =	vld.idx.msk [tilespmem:v4+s10+$0xFFFFFD10 ss:$0x1], $0xffff;
	v55 =	vmul.f32 v36, v35;
	v7 =	vperm.xlane v43, v53  }
0x5a6: {  	v26 =	vld.idx.msk [tilespmem:v4+s10+$0xFFFFFD90 ss:$0x1], $0xffff;
	v10 =	vperm.xlane v46, v53;
	v6 =	vadd.f32 v47, v49;
	v51 =	vperm.xlane v3, v53  }
0x5a7: {  	v49 =	vld.idx.msk [tilespmem:v4+s10+$0xFFFFFCA0 ss:$0x1], $0xffff;
	v17 =	vadd.f32 v39, v17;
	v12 =	vadd.f32 v20, v63;
	v39 =	vmul.f32 v28, v27  }
0x5a8: {  	v54 =	vld.idx.msk [tilespmem:v4+s10+$0xFFFFFD20 ss:$0x1], $0xffff;
	v10 =	vadd.f32 v46, v10;
	v52 =	vmul.f32 v33, v37;
	v14 =	vmul.f32 v14, v44  }
0x5a9: {  	v7 =	vadd.f32 v43, v7;
	v1 =	vmul.f32 v8, v1;
	v15 =	vmul.f32 v15, v56  }
0x5aa: {  	v63 =	vld.idx.msk [tilespmem:v4+s10+$0xFFFFFE20 ss:$0x1], $0xffff;
	v38 =	vmul.f32 v60, v57;
	v57 =	vmul.f32 v62, v18;
	v14 =	vadd.f32 v14, v52  }
0x5ab: {  	v3 =	vadd.f32 v3, v51;
	v56 =	vld.idx.msk [tilespmem:v4+s10+$0xFFFFFE10 ss:$0x1], $0xffff;
	v62 =	vmul.f32 v41, v40;
	v19 =	vmul.f32 v48, v42  }
0x5ac: {  	v60 =	vld.idx.msk [tilespmem:v5+s10+$0xFFFFFE20 ss:$0x1], $0xffff;
	v35 =	vmul.f32 v49, v32;
	v1 =	vadd.f32 v57, v1;
	v2 =	vadd.f32 v2, v14  }
0x5ad: {  	v36 =	vld.idx.msk [tilespmem:v5+s10+$0xFFFFFEA0 ss:$0x1], $0xffff;
	v40 =	vmul.f32 v26, v29;
	v42 =	vmul.f32 v54, v23;
	v37 =	vadd.f32 v19, v62  }
0x5ae: {  	v25 =	vmul.f32 v31, v30;
	v41 =	vld.idx.msk [tilespmem:v4+s10+$0xFFFFFEA0 ss:$0x1], $0xffff;
	v1 =	vadd.f32 v35, v1;
	v2 =	vadd.f32 v55, v2  }
0x5af: {  	v16 =	vmul.f32 v58, v16;
	v19 =	vadd.f32 v40, v39;
	v8 =	vadd.f32 v42, v37  }
0x5b0: {  	v43 =	vmul.f32 v56, v61;
	v1 =	vadd.f32 v25, v1;
	v44 =	vperm.xlane v2, v59  }
0x5b1: {  	v45 =	vadd.f32 v24, v19;
	v18 =	vmul.f32 v63, v60;
	v8 =	vadd.f32 v22, v8  }
0x5b2: {  	v16 =	vadd.f32 v43, v16;
	v46 =	vperm.xlane v1, v59;
	v2 =	vadd.f32 v2, v44  }
0x5b3: {  	v4 =	vmul.f32 v41, v36;
	v11 =	vadd.f32 v11, v45;
	v25 =	vld [tilespmem:$0x1FFE0];
	v49 =	vperm.xlane v8, v59  }
0x5b4: {  	v47 =	vadd.f32 v18, v16;
	v1 =	vadd.f32 v1, v46;
	v48 =	vperm.xlane v2, v53  }
0x5b5: {  	v4 =	vadd.f32 v4, v12;
	v51 =	vperm.xlane v11, v59;
	v8 =	vadd.f32 v8, v49  }
0x5b6: {  	v14 =	vadd.f32 v38, v47;
	v52 =	vperm.xlane v1, v53;
	v2 =	vadd.f32 v2, v48  }
0x5b7: {  	v32 =	vld [tilespmem:$0x1FFF0];
	v4 =	vadd.f32 v15, v4;
	v11 =	vadd.f32 v11, v51;
	v56 =	vperm.xlane v8, v53  }
0x5b8: {  	v54 =	vperm.xlane v14, v59;
	v1 =	vadd.f32 v1, v52;
	v55 =	vperm.xlane v2, v25  }
0x5b9: {  	v58 =	vperm.xlane v4, v59;
	v57 =	vperm.xlane v11, v53;
	v5 =	vadd.f32 v8, v56  }
0x5ba: {  	v12 =	vadd.f32 v14, v54;
	v59 =	vperm.xlane v1, v25;
	v2 =	vadd.f32 v2, v55  }
0x5bb: {  	v4 =	vadd.f32 v4, v58;
	v60 =	vadd.f32 v11, v57;
	v63 =	vperm.xlane v5, v25  }
0x5bc: {  	v61 =	vperm.xlane v12, v53;
	v1 =	vadd.f32 v1, v59;
	v62 =	vperm.xlane v2, v32  }
0x5bd: {  	v18 =	vperm.xlane v4, v53;
	v16 =	vperm.xlane v60, v25;
	v5 =	vadd.f32 v5, v63  }
0x5be: {  	v11 =	vadd.f32 v12, v61;
	v19 =	vperm.xlane v1, v32;
	v2 =	vadd.f32 v2, v62  }
0x5bf: {  	v4 =	vadd.f32 v4, v18;
	v8 =	vadd.f32 v60, v16;
	v21 =	vperm.xlane v5, v32  }
0x5c0: {  	v20 =	vperm.xlane v11, v25;
	v1 =	vadd.f32 v1, v19;
	v2 =	vnsel vm0, $0x0, v2  }
0x5c1: {  	v22 =	vperm.xlane v4, v25;
	v23 =	vperm.xlane v8, v32;
	v2 =	vadd.f32 $0.0e+00, v2  }
0x5c2: {  	v5 =	vadd.f32 v5, v21;
	v11 =	vadd.f32 v11, v20;
	v1 =	vsel vm1, $0x0, v1  }
0x5c3: {  	v29 =	vperm.xlane v3, v25;
	v28 =	vadd.f32 v4, v22;
	v1 =	vadd.f32 v1, v2  }
0x5c4: {  	v8 =	vadd.f32 v8, v23;
	v5 =	vsel vm2, $0x0, v5;
	v30 =	vperm.xlane v11, v32  }
0x5c5: {  	v31 =	vperm.xlane v17, v25;
	v3 =	vadd.f32 v3, v29;
	v1 =	vadd.f32 v5, v1  }
0x5c6: {  	v35 =	vperm.xlane v28, v32;
	v33 =	vsel vm3, $0x0, v8;
	v34 =	vadd.f32 v11, v30  }
0x5c7: {  	v36 =	vperm.xlane v7, v25;
	v37 =	vperm.xlane v3, v32;
	v1 =	vadd.f32 v33, v1  }
0x5c8: {  	v4 =	vadd.f32 v17, v31;
	v2 =	vadd.f32 v28, v35;
	v8 =	vsel vm4, $0x0, v34  }
0x5c9: {  	v38 =	vperm.xlane v10, v25;
	v3 =	vadd.f32 v3, v37;
	v1 =	vadd.f32 v8, v1  }
0x5ca: {  	v39 =	vperm.xlane v4, v32;
	v5 =	vadd.f32 v7, v36;
	v2 =	vsel vm5, $0x0, v2  }
0x5cb: {  	v41 =	vperm.xlane v13, v25;
	v40 =	vadd.f32 v10, v38;
	v1 =	vadd.f32 v2, v1  }
0x5cc: {  	v3 =	vsel vm6, $0x0, v3;
	v4 =	vadd.f32 v4, v39;
	v42 =	vperm.xlane v5, v32  }
0x5cd: {  	v44 =	vperm.xlane v6, v25;
	v43 =	vadd.f32 v13, v41;
	v1 =	vadd.f32 v3, v1  }
0x5ce: {  	v45 =	vperm.xlane v40, v32;
	v4 =	vsel vm7, $0x0, v4;
	v5 =	vadd.f32 v5, v42  }
0x5cf: {  	v47 =	vperm.xlane v9, v25;
	v46 =	vadd.f32 v6, v44;
	v1 =	vadd.f32 v4, v1  }
0x5d0: {  	v56 =	vld [tilespmem:$0x1FA90];
	v48 =	vperm.xlane v43, v32;
	v5 =	vsel vm8, $0x0, v5;
	v2 =	vadd.f32 v40, v45  }
0x5d1: {  	v51 =	vperm.xlane v50, v25;
	v49 =	vadd.f32 v9, v47;
	v1 =	vadd.f32 v5, v1  }
0x5d2: {  	v52 =	vperm.xlane v46, v32;
	v2 =	vsel vm9, $0x0, v2;
	v3 =	vadd.f32 v43, v48  }
0x5d3: {  	v54 =	vperm.xlane v0, v25;
	v53 =	vadd.f32 v50, v51;
	v1 =	vadd.f32 v2, v1  }
0x5d4: {  	v55 =	vperm.xlane v49, v32;
	v3 =	vsel vm10, $0x0, v3;
	v4 =	vadd.f32 v46, v52  }
0x5d5: {  	v0 =	vadd.f32 v0, v54;
	v57 =	vperm.xlane v56, v25;
	v1 =	vadd.f32 v3, v1  }
0x5d6: {  	v58 =	vperm.xlane v53, v32;
	v4 =	vsel vm11, $0x0, v4;
	v5 =	vadd.f32 v49, v55  }
0x5d7: {  	v60 =	vperm.xlane v0, v32;
	v1 =	vadd.f32 v4, v1  }
0x5d8: {  	v59 =	vsel vm12, $0x0, v5;
	v2 =	vadd.f32 v53, v58;
	v3 =	vadd.f32 v56, v57  }
0x5d9: {  	v1 =	vadd.f32 v59, v1  }
0x5da: {  	v0 =	vadd.f32 v0, v60;
	v2 =	vsel vm13, $0x0, v2;
	v61 =	vperm.xlane v3, v32  }
0x5db: {  	v1 =	vadd.f32 v2, v1  }
0x5dc: {  	v0 =	vsel vm14, $0x0, v0;
	v62 =	vadd.f32 v3, v61  }
0x5dd: {  	p1 =	sgt.u32 s7, $0x2D;
	v0 =	vadd.f32 v0, v1  }
0x5de: {  	p2 =	sne.s32 @!p1 s8, $0x0;
	v63 =	vsel vm15, $0x0, v62  }
0x5df: {  	s9 =	sadd.s32 $0x10, s9;
	p3 =	por !p2, p1;
	s10 =	sadd.s32 @!p1 $0x2, s7;
	v0 =	vadd.f32 v63, v0  }
0x5e0: {  	s12 =	simm.s32 @!p3 $0xA000;
	s8 =	sshll.u32 @!p1 s10, $0x7;
	s11 =	sshll.u32 @!p1 s10, $0xB  }
0x5e1: {  	s8 =	sand.u32 @!p1 $0x3FFFFF80, s8;
	[tilespmem:s9+$0x0] =	vst v0;
	s9 =	sshll.u32 @!p1 s10, $0x10;
	s10 =	simm.s32 @!p3 $0x80  }
0x5e2: {  	[tilespmem:s12], [sflag:$0x2] =	stream.indirect.gather @!p3 [hbm4b:s5+s10], $0x80, s8, s10, $0xb8;
	[tilespmem:$0x1E800] =	vst v63  }
0x5e3: {  	s9 =	sand.u32 @!p1 $0x700000, s9;
	s10 =	sand.u32 @!p3 $0x7800, s11  }
0x5e4: {  	s13 =	simm.s32 @!p3 $0x1A000;
	s10 =	sor.u32 @!p3 s10, s9  }
0x5e5: {  	s12 =	simm.s32 @!p3 $0x0;
	p1 =	por p2, p1;
	s10 =	sadd.s32 @!p3 s10, s22  }
0x5e6: {  	[tilespmem:s13], [sflag:$0x2] =	stream.linear.gather @!p3 [hbm4b:s10+s12], $0x4000, $0x38;
	[tilespmem:$0x1E800] =	vst v63  }
0x5e7: {  	s10 =	simm.s32 @!p1 $0x80;
	s12 =	simm.s32 @!p1 $0x6000  }
0x5e8: {  	[tilespmem:s12], [sflag:$0x1] =	stream.indirect.gather @!p1 [hbm4b:s5+s10], $0x80, s8, s10, $0xb8;
	[tilespmem:$0x1E800] =	vst v63  }
0x5e9: {  	s8 =	sand.u32 @!p1 $0x7000, s11  }
0x5ea: {  	s8 =	sor.u32 @!p1 s8, s9  }
0x5eb: {  	s10 =	simm.s32 @!p1 $0x16000;
	s9 =	simm.s32 @!p1 $0x0;
	s8 =	sadd.s32 @!p1 s8, s22  }
0x5ec: {  	[tilespmem:s10], [sflag:$0x1] =	stream.linear.gather @!p1 [hbm4b:s8+s9], $0x4000, $0x38;
	[tilespmem:$0x1E800] =	vst v63  }
0x5ed: {  	p1 =	sne.s32 s29, $0xF  }
0x5ee: {  	s8 =	sshll.u32 @!p1 s7, $0xC  }
0x5ef: {  	s8 =	sand.u32 @!p1 $0x30000, s8  }
0x5f0: {  	s8 =	sor.u32 @!p1 s4, s8  }
0x5f1: {  	s9 =	simm.s32 @!p1 $0x0;
	s7 =	sadd.s32 $0x1, s7;
	s8 =	sshrl.u32 @!p1 s8, $0x3  }
0x5f2: {  	s10 =	simm.s32 @!p1 $0x1E000;
	p2 =	sne.s32 s7, $0x30;
	s8 =	sadd.s32 @!p1 s2, s8  }
0x5f3: {  	[hbm4b:s8+s9] =	stream.linear.scatter @!p1 [tilespmem:s10], [sflag:$0x3], $0x800, $0x38;
	[tilespmem:$0x1E800] =	vst v63  }
.Ltmp5:
0x5f4: {  	_ = 	snop;
	(pc) =	sbr.rel @p2 .LBB2_10-.Ltmp5, $4  }
0x5f5: {  	s8 =	simm.s32 @!p1 $0x3  }
0x5f6: {  	_ =	swait.ge @!p1 [sflag:s8], $0x800  }
0x5f7: {  	[sflag:s8] =	ssyncset.done @!p1 $0x0  }
0x5f8: {  	s26 =	sadd.s32 $0x1, s26;
	p0 =	por !p0, !p0;
	[sflag:s8] =	ssyncadd.s32 @!p1 $0xFFFFF800  }
0x5f9: {  	s30 =	sadd.s32 $0x1, s30  }
0x5fa: {  	p0 =	sne.s32 s30, s24  }
.Ltmp6:
0x5fb: {  	_ = 	snop;
	(pc) =	sbr.rel @p0 .LBB2_1-.Ltmp6, $2  }
0x5fc: {  	_ =	sdelay $0x2  }
0x5fd: {  	s12 =	simm.s32 $0x800;
	s13 =	simm.s32 $0x1000  }
0x5fe: {  	_ =	sfence.sel $0x180000  }
0x5ff: {  	[bflag:$0x0] =	sbarrier.arrive $0xFFFF  }
0x600: {  	_ =	strace $0x90000047  }
0x601: {  	s0 =	stileid.u32;
	[bflag:$0x2] =	sbarrier.arrive $0xFFFF  }
0x602: {  	p0 =	sne.s32 s0, $0x0;
	s0 =	rddreg [dreg:$0x3]  }
0x603: {  	s0 =	sadd.s32 @!p0 $0x100000, s0  }
0x604: {  	[sflag:s0] =	ssyncadd.tile.s32 @!p0 $0x1;
	_ =	shalt  }
.Lfunc_end2:
_tile_overlayer_lowered:
.L_overlay_start_2:
0x605: {  	(tag) =	ssettag $0x2  }
0x606: {  	s0 =	rddreg [dreg:$0x0];
	s2 =	stileid.u32  }
0x607: {  	s1 =	rddreg [dreg:$0x1];
	p0 =	sne.s32 s2, $0x0  }
0x608: {  	s3 =	rddreg [dreg:$0x2];
	[bflag:$0x3] =	sbarrier.arrive $0xFFFF;
	s2 =	simm.s32 @!p0 $0x1C03  }
0x609: {  	[timem:s3], [sflag:s2] =	dma.local @!p0 [hbm:s0], s1  }
0x60a: {  	s0 =	simm.s32 @!p0 $0x3  }
0x60b: {  	_ =	swait.ge @!p0 [sflag:s0], s1  }
0x60c: {  	s1 =	ssub.s32 @!p0 $0x0, s1;
	[sflag:s0] =	ssyncset.done @!p0 $0x0  }
0x60d: {  	[sflag:s0] =	ssyncadd.s32 @!p0 s1  }
0x60e: {  	[bflag:$0x3] =	sbarrier.arrive $0xFFFF  }
0x60f: {  	_ =	shalt  }

</sc_bundles>
